<compile_context>
chip_gen: v7x
topology: tpu7x:2x2x1
jax: 0.10.2.dev20260603
libtpu: 0.0.44.dev20260713+nightly
codegen_flags: <defaults>
</compile_context>

<pallas_src>
import functools

import jax
import jax.numpy as jnp
from jax import lax
from jax.experimental import pallas as pl
from jax.experimental.pallas import tpu as pltpu
from jax.experimental.pallas import tpu_sc as plsc

_B = 32
_C = 256
_H = 56
_LANES = 16
_GROUPS = _C // _LANES
_ROWW = 7 * 2 * 8 * 128
_R = 2
_NCHUNKS = _H // _R
_WORDS = _R * _ROWW

_mesh = plsc.VectorSubcoreMesh(core_axis_name="c", subcore_axis_name="s")


@functools.partial(
    pl.kernel,
    out_type=jax.ShapeDtypeStruct((_B * _H * _ROWW,), jnp.float32),
    mesh=_mesh,
    scratch_types=[
        pltpu.VMEM((_C,), jnp.float32),
        pltpu.VMEM((_C,), jnp.int32),
        pltpu.VMEM((_C,), jnp.int32),
        pltpu.VMEM((_WORDS,), jnp.float32),
        pltpu.VMEM((_WORDS,), jnp.float32),
        pltpu.VMEM((_WORDS,), jnp.float32),
        pltpu.VMEM((_WORDS,), jnp.float32),
        pltpu.SemaphoreType.DMA,
        pltpu.SemaphoreType.DMA,
        pltpu.SemaphoreType.DMA,
        pltpu.SemaphoreType.DMA,
    ],
    compiler_params=pltpu.CompilerParams(
        use_tc_tiling_on_sc=False,
        needs_layout_passes=False,
    ),
)
def _channel_perm(in_hbm, idxs_hbm, out_hbm, idxs_v, sel_v, soff_v,
                  ibuf0, ibuf1, obuf0, obuf1, is0, is1, os0, os1):
    wid = lax.axis_index("c") * 16 + lax.axis_index("s")
    base = wid * (_H * _ROWW)

    ibufs = (ibuf0, ibuf1)
    obufs = (obuf0, obuf1)
    isems = (is0, is1)
    osems = (os0, os1)

    def in_slice(c):
        return in_hbm.at[pl.ds(base + c * _WORDS, _WORDS)]

    def out_slice(c):
        return out_hbm.at[pl.ds(base + c * _WORDS, _WORDS)]

    pltpu.async_copy(in_slice(0), ibufs[0], isems[0])
    pltpu.async_copy(in_slice(1), ibufs[1], isems[1])

    pltpu.sync_copy(idxs_hbm, idxs_v)

    for j in range(_GROUPS):
        sel_v[pl.ds(j * _LANES, _LANES)] = jnp.full(
            (_LANES,), _C - 1, jnp.int32)

    lane = lax.iota(jnp.int32, _LANES)

    def scan_body(i, cnt):
        v = idxs_v[pl.ds(i * _LANES, _LANES)]
        m = v != 0.0
        mi = jnp.where(m, jnp.int32(1), jnp.int32(0))
        csum = plsc.cumsum(mi)
        ranks = csum - 1 + cnt
        plsc.store_scatter(sel_v, [ranks], lane + i * _LANES, mask=m)
        return cnt + csum[15]

    count = lax.fori_loop(0, _GROUPS, scan_body, jnp.int32(0))
    countv = jnp.full((_LANES,), count, jnp.int32)
    nanv = jnp.full((_LANES,), jnp.nan, jnp.float32)

    def soff_body(j, carry):
        s16 = sel_v[pl.ds(j * _LANES, _LANES)]
        soff_v[pl.ds(j * _LANES, _LANES)] = (
            s16 + lax.shift_right_logical(s16, 7) * 896)
        return carry

    lax.fori_loop(0, _GROUPS, soff_body, jnp.int32(0))

    soffs = [soff_v[pl.ds(j * _LANES, _LANES)] for j in range(_GROUPS)]

    def compute_chunk(ib, ob):
        for r in range(_R):
            rbase = r * _ROWW

            @plsc.parallel_loop(0, 7 * 8, unroll=2)
            def spot_body(s):
                pw = rbase + s * 128 + lax.shift_right_logical(s, 3) * 1024
                for j in range(_GROUPS):
                    vals = plsc.load_gather(ib, [soffs[j] + pw])
                    koff = j * _LANES + (j // 8) * 896
                    ob[pl.ds(pw + koff, _LANES)] = vals

    def nan_fix_chunk(ob):
        for r in range(_R):
            rbase = r * _ROWW

            @plsc.parallel_loop(0, 7 * 8, unroll=1)
            def spot_body(s):
                pw = rbase + s * 128 + lax.shift_right_logical(s, 3) * 1024
                for j in range(_GROUPS):
                    @pl.when(count < (j + 1) * _LANES)
                    def _():
                        koff = j * _LANES + (j // 8) * 896
                        cur = ob[pl.ds(pw + koff, _LANES)]
                        k16 = lane + j * _LANES
                        ob[pl.ds(pw + koff, _LANES)] = jnp.where(
                            k16 < countv, cur, nanv)

    @pl.when(count == _C)
    def _identity_copy():
        slots = (ibuf0, ibuf1, obuf0, obuf1)
        sems = (is0, is1, os0, os1)

        def ring_body(i, carry):
            for b in range(4):
                c = 4 * i + b
                pltpu.make_async_copy(in_slice(c), slots[b], sems[b]).wait()
                pltpu.async_copy(slots[b], out_slice(c), sems[b])
                b2 = (b + 2) % 4
                can_prefetch = c + 2 < _NCHUNKS

                @pl.when(jnp.logical_and(can_prefetch, c >= 2))
                def _():
                    pltpu.make_async_copy(
                        slots[b2], out_slice(c - 2), sems[b2]).wait()

                @pl.when(can_prefetch)
                def _():
                    pltpu.async_copy(in_slice(c + 2), slots[b2], sems[b2])
            return carry

        lax.fori_loop(0, _NCHUNKS // 4, ring_body, jnp.int32(0))

        for b in range(4):
            pltpu.make_async_copy(
                slots[b], out_slice(_NCHUNKS - 4 + b), sems[b]).wait()

    @pl.when(count < _C)
    def _general_path():
        def pair_body(i, carry):
            for b in range(2):
                c = 2 * i + b
                pltpu.make_async_copy(in_slice(c), ibufs[b], isems[b]).wait()

                @pl.when(c >= 2)
                def _():
                    pltpu.make_async_copy(
                        obufs[b], out_slice(c), osems[b]).wait()

                compute_chunk(ibufs[b], obufs[b])
                nan_fix_chunk(obufs[b])
                pltpu.async_copy(obufs[b], out_slice(c), osems[b])

                @pl.when(c + 2 < _NCHUNKS)
                def _():
                    pltpu.async_copy(in_slice(c + 2), ibufs[b], isems[b])
            return carry

        lax.fori_loop(0, _NCHUNKS // 2, pair_body, jnp.int32(0))

        pltpu.make_async_copy(obufs[0], out_slice(0), osems[0]).wait()
        pltpu.make_async_copy(obufs[1], out_slice(1), osems[1]).wait()


def kernel(input_tensor, indexes):
    b, c, h, w = input_tensor.shape
    six = input_tensor.reshape(b, 2, 128, h, 7, 8).transpose(0, 3, 4, 1, 5, 2)
    flat = six.reshape(-1)
    out = _channel_perm(flat, indexes)
    out6 = out.reshape(b, h, 7, 2, 8, 128)
    return out6.transpose(0, 3, 5, 1, 2, 4).reshape(b, c, h, w)

# --- scband reference (transcript-rebuilt; emitter-appended) ---
"""Pipeline reference for scband-channel-selection-55027120996993 (READ-ONLY COPY).

The authoritative reference and input builder live on the scoring server;
editing this copy changes nothing except your own understanding.
"""

import jax, jax.numpy as jnp
import numpy as np

NUM_CHANNELS = 256

def setup_inputs(seed: int = 0) -> dict:
    key = jax.random.key(seed)
    k1, _ = jax.random.split(key)
    input_tensor = jax.random.normal(k1, (32, NUM_CHANNELS, 56, 56), dtype=jnp.float32)
    # learned parameter: channel selection mask, initialized to ones (as in the torch module)
    indexes = jnp.ones((NUM_CHANNELS,), dtype=jnp.float32)
    return {"input_tensor": input_tensor, "indexes": indexes}

def reference(input_tensor, indexes):
    # Faithful translation: select channels whose mask entry is nonzero.
    n = indexes.shape[0]
    mask = indexes != 0
    idx = jnp.where(mask, jnp.arange(n, dtype=jnp.int32), jnp.int32(n))
    sel = jnp.sort(idx)
    output = jnp.take(input_tensor, sel, axis=1)
    return output

if __name__ == "__main__":
    import jax
    _d = setup_inputs()
    print(jax.jit(kernel)(*tuple(_d.values())))

</pallas_src>

<mosaic_0001>
#map = affine_map<(d0, d1) -> (0)>
module attributes {stable_mosaic.version = 14 : i64} {
  func.func @_channel_perm(%arg0: i32, %arg1: i32, %arg2: memref<25690112xf32, #tpu.memory_space<hbm>>, %arg3: memref<256xf32, #tpu.memory_space<hbm>>, %arg4: memref<25690112xf32, #tpu.memory_space<hbm>>, %arg5: memref<256xf32, #tpu.memory_space<vmem>>, %arg6: memref<256xi32, #tpu.memory_space<vmem>>, %arg7: memref<256xi32, #tpu.memory_space<vmem>>, %arg8: memref<28672xf32, #tpu.memory_space<vmem>>, %arg9: memref<28672xf32, #tpu.memory_space<vmem>>, %arg10: memref<28672xf32, #tpu.memory_space<vmem>>, %arg11: memref<28672xf32, #tpu.memory_space<vmem>>, %arg12: memref<!tpu.dma_semaphore, #tpu.memory_space<semaphore_mem>>, %arg13: memref<!tpu.dma_semaphore, #tpu.memory_space<semaphore_mem>>, %arg14: memref<!tpu.dma_semaphore, #tpu.memory_space<semaphore_mem>>, %arg15: memref<!tpu.dma_semaphore, #tpu.memory_space<semaphore_mem>>) attributes {dimension_semantics = [#tpu.dimension_semantics<core_parallel>, #tpu.dimension_semantics<subcore_parallel>], iteration_bounds = array<i64: 2, 16>, scalar_prefetch = 0 : i64, scratch_operands = 11 : i64, tpu.core_type = #tpu.core_type<sc_vector_subcore>, window_params = [{transform_indices = #map}, {transform_indices = #map}, {transform_indices = #map}]} {
    %mul3A = arith.constant 16 : i32
    %mul3A_0 = arith.muli %arg0, %mul3A : i32
    %add3A = arith.addi %mul3A_0, %arg1 : i32
    %mul3A_1 = arith.constant 802816 : i32
    %mul3A_2 = arith.muli %add3A, %mul3A_1 : i32
    %add3A_3 = arith.constant 0 : i32
    %add3A_4 = arith.addi %mul3A_2, %add3A_3 : i32
    %dma_start3A = tpu.memref_slice %arg2[%add3A_4] : memref<25690112xf32, #tpu.memory_space<hbm>> -> memref<28672xf32, #tpu.memory_space<hbm>>
    %dma_start3A_5 = tpu.memref_slice %arg2[%add3A_4] : memref<25690112xf32, #tpu.memory_space<hbm>> -> memref<28672xf32, #tpu.memory_space<hbm>>
    tpu.enqueue_dma source(%dma_start3A_5 : memref<28672xf32, #tpu.memory_space<hbm>>) target(%arg8 : memref<28672xf32, #tpu.memory_space<vmem>>) target_semaphore(%arg12 : memref<!tpu.dma_semaphore, #tpu.memory_space<semaphore_mem>>)
    %add3A_6 = arith.constant 28672 : i32
    %add3A_7 = arith.addi %mul3A_2, %add3A_6 : i32
    %dma_start3A_8 = tpu.memref_slice %arg2[%add3A_7] : memref<25690112xf32, #tpu.memory_space<hbm>> -> memref<28672xf32, #tpu.memory_space<hbm>>
    %dma_start3A_9 = tpu.memref_slice %arg2[%add3A_7] : memref<25690112xf32, #tpu.memory_space<hbm>> -> memref<28672xf32, #tpu.memory_space<hbm>>
    tpu.enqueue_dma source(%dma_start3A_9 : memref<28672xf32, #tpu.memory_space<hbm>>) target(%arg9 : memref<28672xf32, #tpu.memory_space<vmem>>) target_semaphore(%arg13 : memref<!tpu.dma_semaphore, #tpu.memory_space<semaphore_mem>>)
    "tpu.region"() ({
      %run_scoped3A = tpu.sem_alloc : memref<!tpu.dma_semaphore, #tpu.memory_space<semaphore_mem>>
      tpu.enqueue_dma source(%arg3 : memref<256xf32, #tpu.memory_space<hbm>>) target(%arg5 : memref<256xf32, #tpu.memory_space<vmem>>) target_semaphore(%run_scoped3A : memref<!tpu.dma_semaphore, #tpu.memory_space<semaphore_mem>>)
      tpu.wait_dma2 semaphore(%run_scoped3A : memref<!tpu.dma_semaphore, #tpu.memory_space<semaphore_mem>>) src(%arg3 : memref<256xf32, #tpu.memory_space<hbm>>) dst(%arg5 : memref<256xf32, #tpu.memory_space<vmem>>)
      tpu.yield
    }) : () -> ()
    %broadcast_in_dim3A = arith.constant 255 : i32
    %broadcast_in_dim3A_10 = vector.broadcast %broadcast_in_dim3A : i32 to vector<16xi32>
    %swap3A = arith.constant 0 : index
    %swap3A_11 = tpu.vector_load %arg6[%swap3A] {strides = array<i32>} : memref<256xi32, #tpu.memory_space<vmem>>, vector<16xi32>,
    tpu.vector_store %arg6[%swap3A], %broadcast_in_dim3A_10 {strides = array<i32>} : memref<256xi32, #tpu.memory_space<vmem>>, vector<16xi32>,
    %broadcast_in_dim3A_12 = arith.constant 255 : i32
    %broadcast_in_dim3A_13 = vector.broadcast %broadcast_in_dim3A_12 : i32 to vector<16xi32>
    %swap3A_14 = arith.constant 16 : index
    %swap3A_15 = tpu.vector_load %arg6[%swap3A_14] {strides = array<i32>} : memref<256xi32, #tpu.memory_space<vmem>>, vector<16xi32>,
    tpu.vector_store %arg6[%swap3A_14], %broadcast_in_dim3A_13 {strides = array<i32>} : memref<256xi32, #tpu.memory_space<vmem>>, vector<16xi32>,
    %broadcast_in_dim3A_16 = arith.constant 255 : i32
    %broadcast_in_dim3A_17 = vector.broadcast %broadcast_in_dim3A_16 : i32 to vector<16xi32>
    %swap3A_18 = arith.constant 32 : index
    %swap3A_19 = tpu.vector_load %arg6[%swap3A_18] {strides = array<i32>} : memref<256xi32, #tpu.memory_space<vmem>>, vector<16xi32>,
    tpu.vector_store %arg6[%swap3A_18], %broadcast_in_dim3A_17 {strides = array<i32>} : memref<256xi32, #tpu.memory_space<vmem>>, vector<16xi32>,
    %broadcast_in_dim3A_20 = arith.constant 255 : i32
    %broadcast_in_dim3A_21 = vector.broadcast %broadcast_in_dim3A_20 : i32 to vector<16xi32>
    %swap3A_22 = arith.constant 48 : index
    %swap3A_23 = tpu.vector_load %arg6[%swap3A_22] {strides = array<i32>} : memref<256xi32, #tpu.memory_space<vmem>>, vector<16xi32>,
    tpu.vector_store %arg6[%swap3A_22], %broadcast_in_dim3A_21 {strides = array<i32>} : memref<256xi32, #tpu.memory_space<vmem>>, vector<16xi32>,
    %broadcast_in_dim3A_24 = arith.constant 255 : i32
    %broadcast_in_dim3A_25 = vector.broadcast %broadcast_in_dim3A_24 : i32 to vector<16xi32>
    %swap3A_26 = arith.constant 64 : index
    %swap3A_27 = tpu.vector_load %arg6[%swap3A_26] {strides = array<i32>} : memref<256xi32, #tpu.memory_space<vmem>>, vector<16xi32>,
    tpu.vector_store %arg6[%swap3A_26], %broadcast_in_dim3A_25 {strides = array<i32>} : memref<256xi32, #tpu.memory_space<vmem>>, vector<16xi32>,
    %broadcast_in_dim3A_28 = arith.constant 255 : i32
    %broadcast_in_dim3A_29 = vector.broadcast %broadcast_in_dim3A_28 : i32 to vector<16xi32>
    %swap3A_30 = arith.constant 80 : index
    %swap3A_31 = tpu.vector_load %arg6[%swap3A_30] {strides = array<i32>} : memref<256xi32, #tpu.memory_space<vmem>>, vector<16xi32>,
    tpu.vector_store %arg6[%swap3A_30], %broadcast_in_dim3A_29 {strides = array<i32>} : memref<256xi32, #tpu.memory_space<vmem>>, vector<16xi32>,
    %broadcast_in_dim3A_32 = arith.constant 255 : i32
    %broadcast_in_dim3A_33 = vector.broadcast %broadcast_in_dim3A_32 : i32 to vector<16xi32>
    %swap3A_34 = arith.constant 96 : index
    %swap3A_35 = tpu.vector_load %arg6[%swap3A_34] {strides = array<i32>} : memref<256xi32, #tpu.memory_space<vmem>>, vector<16xi32>,
    tpu.vector_store %arg6[%swap3A_34], %broadcast_in_dim3A_33 {strides = array<i32>} : memref<256xi32, #tpu.memory_space<vmem>>, vector<16xi32>,
    %broadcast_in_dim3A_36 = arith.constant 255 : i32
    %broadcast_in_dim3A_37 = vector.broadcast %broadcast_in_dim3A_36 : i32 to vector<16xi32>
    %swap3A_38 = arith.constant 112 : index
    %swap3A_39 = tpu.vector_load %arg6[%swap3A_38] {strides = array<i32>} : memref<256xi32, #tpu.memory_space<vmem>>, vector<16xi32>,
    tpu.vector_store %arg6[%swap3A_38], %broadcast_in_dim3A_37 {strides = array<i32>} : memref<256xi32, #tpu.memory_space<vmem>>, vector<16xi32>,
    %broadcast_in_dim3A_40 = arith.constant 255 : i32
    %broadcast_in_dim3A_41 = vector.broadcast %broadcast_in_dim3A_40 : i32 to vector<16xi32>
    %swap3A_42 = arith.constant 128 : index
    %swap3A_43 = tpu.vector_load %arg6[%swap3A_42] {strides = array<i32>} : memref<256xi32, #tpu.memory_space<vmem>>, vector<16xi32>,
    tpu.vector_store %arg6[%swap3A_42], %broadcast_in_dim3A_41 {strides = array<i32>} : memref<256xi32, #tpu.memory_space<vmem>>, vector<16xi32>,
    %broadcast_in_dim3A_44 = arith.constant 255 : i32
    %broadcast_in_dim3A_45 = vector.broadcast %broadcast_in_dim3A_44 : i32 to vector<16xi32>
    %swap3A_46 = arith.constant 144 : index
    %swap3A_47 = tpu.vector_load %arg6[%swap3A_46] {strides = array<i32>} : memref<256xi32, #tpu.memory_space<vmem>>, vector<16xi32>,
    tpu.vector_store %arg6[%swap3A_46], %broadcast_in_dim3A_45 {strides = array<i32>} : memref<256xi32, #tpu.memory_space<vmem>>, vector<16xi32>,
    %broadcast_in_dim3A_48 = arith.constant 255 : i32
    %broadcast_in_dim3A_49 = vector.broadcast %broadcast_in_dim3A_48 : i32 to vector<16xi32>
    %swap3A_50 = arith.constant 160 : index
    %swap3A_51 = tpu.vector_load %arg6[%swap3A_50] {strides = array<i32>} : memref<256xi32, #tpu.memory_space<vmem>>, vector<16xi32>,
    tpu.vector_store %arg6[%swap3A_50], %broadcast_in_dim3A_49 {strides = array<i32>} : memref<256xi32, #tpu.memory_space<vmem>>, vector<16xi32>,
    %broadcast_in_dim3A_52 = arith.constant 255 : i32
    %broadcast_in_dim3A_53 = vector.broadcast %broadcast_in_dim3A_52 : i32 to vector<16xi32>
    %swap3A_54 = arith.constant 176 : index
    %swap3A_55 = tpu.vector_load %arg6[%swap3A_54] {strides = array<i32>} : memref<256xi32, #tpu.memory_space<vmem>>, vector<16xi32>,
    tpu.vector_store %arg6[%swap3A_54], %broadcast_in_dim3A_53 {strides = array<i32>} : memref<256xi32, #tpu.memory_space<vmem>>, vector<16xi32>,
    %broadcast_in_dim3A_56 = arith.constant 255 : i32
    %broadcast_in_dim3A_57 = vector.broadcast %broadcast_in_dim3A_56 : i32 to vector<16xi32>
    %swap3A_58 = arith.constant 192 : index
    %swap3A_59 = tpu.vector_load %arg6[%swap3A_58] {strides = array<i32>} : memref<256xi32, #tpu.memory_space<vmem>>, vector<16xi32>,
    tpu.vector_store %arg6[%swap3A_58], %broadcast_in_dim3A_57 {strides = array<i32>} : memref<256xi32, #tpu.memory_space<vmem>>, vector<16xi32>,
    %broadcast_in_dim3A_60 = arith.constant 255 : i32
    %broadcast_in_dim3A_61 = vector.broadcast %broadcast_in_dim3A_60 : i32 to vector<16xi32>
    %swap3A_62 = arith.constant 208 : index
    %swap3A_63 = tpu.vector_load %arg6[%swap3A_62] {strides = array<i32>} : memref<256xi32, #tpu.memory_space<vmem>>, vector<16xi32>,
    tpu.vector_store %arg6[%swap3A_62], %broadcast_in_dim3A_61 {strides = array<i32>} : memref<256xi32, #tpu.memory_space<vmem>>, vector<16xi32>,
    %broadcast_in_dim3A_64 = arith.constant 255 : i32
    %broadcast_in_dim3A_65 = vector.broadcast %broadcast_in_dim3A_64 : i32 to vector<16xi32>
    %swap3A_66 = arith.constant 224 : index
    %swap3A_67 = tpu.vector_load %arg6[%swap3A_66] {strides = array<i32>} : memref<256xi32, #tpu.memory_space<vmem>>, vector<16xi32>,
    tpu.vector_store %arg6[%swap3A_66], %broadcast_in_dim3A_65 {strides = array<i32>} : memref<256xi32, #tpu.memory_space<vmem>>, vector<16xi32>,
    %broadcast_in_dim3A_68 = arith.constant 255 : i32
    %broadcast_in_dim3A_69 = vector.broadcast %broadcast_in_dim3A_68 : i32 to vector<16xi32>
    %swap3A_70 = arith.constant 240 : index
    %swap3A_71 = tpu.vector_load %arg6[%swap3A_70] {strides = array<i32>} : memref<256xi32, #tpu.memory_space<vmem>>, vector<16xi32>,
    tpu.vector_store %arg6[%swap3A_70], %broadcast_in_dim3A_69 {strides = array<i32>} : memref<256xi32, #tpu.memory_space<vmem>>, vector<16xi32>,
    %iota3A = tpu.iota {dimensions = array<i32: 0>} : vector<16xi32>
    %scan3A = arith.constant 0 : i32
    %scan3A_72 = arith.constant 0 : i32
    %scan3A_73 = arith.constant 16 : i32
    %scan3A_74 = arith.addi %scan3A_72, %scan3A_73 : i32
    %scan3A_75 = arith.constant 1 : i32
    %scan3A_76 = scf.for %scan3A_124 = %scan3A_72 to %scan3A_74 step %scan3A_75 iter_args(%scan3A_125 = %scan3A) -> (i32)  : i32 {
      %mul3A_126 = arith.constant 16 : i32
      %mul3A_127 = arith.muli %scan3A_124, %mul3A_126 : i32
      %get3A_128 = arith.index_cast %mul3A_127 : i32 to index
      %get3A_129 = tpu.vector_load %arg5[%get3A_128] {strides = array<i32>} : memref<256xf32, #tpu.memory_space<vmem>>, vector<16xf32>,
      %ne3A = arith.constant 0.000000e+00 : f32
      %ne3A_130 = vector.broadcast %ne3A : f32 to vector<16xf32>
      %ne3A_131 = arith.cmpf one, %get3A_129, %ne3A_130 : vector<16xf32>
      %jit3A = arith.constant 1 : i32
      %jit3A_132 = arith.constant 0 : i32
      %broadcast_in_dim3A_133 = vector.broadcast %jit3A : i32 to vector<16xi32>
      %broadcast_in_dim3A_134 = vector.broadcast %jit3A_132 : i32 to vector<16xi32>
      %select_n3A = arith.select %ne3A_131, %broadcast_in_dim3A_133, %broadcast_in_dim3A_134 : vector<16xi1>, vector<16xi32>
      %broadcast_in_dim3A_135 = arith.constant true
      %broadcast_in_dim3A_136 = vector.broadcast %broadcast_in_dim3A_135 : i1 to vector<16xi1>
      %masked_cumsum3A = tpu.scan <sum>, %select_n3A masked %broadcast_in_dim3A_136 : vector<16xi32>, vector<16xi1> -> vector<16xi32>
      %sub3A = arith.constant 1 : i32
      %sub3A_137 = vector.broadcast %sub3A : i32 to vector<16xi32>
      %sub3A_138 = arith.subi %masked_cumsum3A, %sub3A_137 : vector<16xi32>
      %add3A_139 = vector.broadcast %scan3A_125 : i32 to vector<16xi32>
      %add3A_140 = arith.addi %sub3A_138, %add3A_139 : vector<16xi32>
      %mul3A_141 = arith.constant 16 : i32
      %mul3A_142 = arith.muli %scan3A_124, %mul3A_141 : i32
      %add3A_143 = vector.broadcast %mul3A_142 : i32 to vector<16xi32>
      %add3A_144 = arith.addi %iota3A, %add3A_143 : vector<16xi32>
      tpu.vector_store_idx %arg6[%add3A_140], %add3A_144 masked %ne3A_131 : memref<256xi32, #tpu.memory_space<vmem>>[vector<16xi32>], vector<16xi32>, vector<16xi1>
      %slice3A = vector.extract_strided_slice %masked_cumsum3A {offsets = [15], sizes = [1], strides = [1]} : vector<16xi32> to vector<1xi32>
      %squeeze3A = vector.extract %slice3A[0] : i32 from vector<1xi32>
      %add3A_145 = arith.addi %scan3A_125, %squeeze3A : i32
      scf.yield %add3A_145 : i32
    }
    %scan3A_77 = arith.constant 16 : i32
    %broadcast_in_dim3A_78 = vector.broadcast %scan3A_76 : i32 to vector<16xi32>
    %broadcast_in_dim3A_79 = arith.constant 0x7FC00000 : f32
    %broadcast_in_dim3A_80 = vector.broadcast %broadcast_in_dim3A_79 : f32 to vector<16xf32>
    %scan3A_81 = arith.constant 0 : i32
    %scan3A_82 = arith.constant 0 : i32
    %scan3A_83 = arith.constant 16 : i32
    %scan3A_84 = arith.addi %scan3A_82, %scan3A_83 : i32
    %scan3A_85 = arith.constant 1 : i32
    scf.for %scan3A_124 = %scan3A_82 to %scan3A_84 step %scan3A_85  : i32 {
      %mul3A_125 = arith.constant 16 : i32
      %mul3A_126 = arith.muli %scan3A_124, %mul3A_125 : i32
      %get3A_127 = arith.index_cast %mul3A_126 : i32 to index
      %get3A_128 = tpu.vector_load %arg6[%get3A_127] {strides = array<i32>} : memref<256xi32, #tpu.memory_space<vmem>>, vector<16xi32>,
      %shift_right_logical3A = arith.constant 7 : i32
      %shift_right_logical3A_129 = vector.broadcast %shift_right_logical3A : i32 to vector<16xi32>
      %shift_right_logical3A_130 = arith.shrui %get3A_128, %shift_right_logical3A_129 : vector<16xi32>
      %mul3A_131 = arith.constant 896 : i32
      %mul3A_132 = vector.broadcast %mul3A_131 : i32 to vector<16xi32>
      %mul3A_133 = arith.muli %shift_right_logical3A_130, %mul3A_132 : vector<16xi32>
      %add3A_134 = arith.addi %get3A_128, %mul3A_133 : vector<16xi32>
      %mul3A_135 = arith.constant 16 : i32
      %mul3A_136 = arith.muli %scan3A_124, %mul3A_135 : i32
      %swap3A_137 = arith.index_cast %mul3A_136 : i32 to index
      %swap3A_138 = tpu.vector_load %arg7[%swap3A_137] {strides = array<i32>} : memref<256xi32, #tpu.memory_space<vmem>>, vector<16xi32>,
      tpu.vector_store %arg7[%swap3A_137], %add3A_134 {strides = array<i32>} : memref<256xi32, #tpu.memory_space<vmem>>, vector<16xi32>,
    }
    %scan3A_86 = arith.constant 16 : i32
    %get3A = arith.constant 0 : index
    %get3A_87 = tpu.vector_load %arg7[%get3A] {strides = array<i32>} : memref<256xi32, #tpu.memory_space<vmem>>, vector<16xi32>,
    %get3A_88 = arith.constant 16 : index
    %get3A_89 = tpu.vector_load %arg7[%get3A_88] {strides = array<i32>} : memref<256xi32, #tpu.memory_space<vmem>>, vector<16xi32>,
    %get3A_90 = arith.constant 32 : index
    %get3A_91 = tpu.vector_load %arg7[%get3A_90] {strides = array<i32>} : memref<256xi32, #tpu.memory_space<vmem>>, vector<16xi32>,
    %get3A_92 = arith.constant 48 : index
    %get3A_93 = tpu.vector_load %arg7[%get3A_92] {strides = array<i32>} : memref<256xi32, #tpu.memory_space<vmem>>, vector<16xi32>,
    %get3A_94 = arith.constant 64 : index
    %get3A_95 = tpu.vector_load %arg7[%get3A_94] {strides = array<i32>} : memref<256xi32, #tpu.memory_space<vmem>>, vector<16xi32>,
    %get3A_96 = arith.constant 80 : index
    %get3A_97 = tpu.vector_load %arg7[%get3A_96] {strides = array<i32>} : memref<256xi32, #tpu.memory_space<vmem>>, vector<16xi32>,
    %get3A_98 = arith.constant 96 : index
    %get3A_99 = tpu.vector_load %arg7[%get3A_98] {strides = array<i32>} : memref<256xi32, #tpu.memory_space<vmem>>, vector<16xi32>,
    %get3A_100 = arith.constant 112 : index
    %get3A_101 = tpu.vector_load %arg7[%get3A_100] {strides = array<i32>} : memref<256xi32, #tpu.memory_space<vmem>>, vector<16xi32>,
    %get3A_102 = arith.constant 128 : index
    %get3A_103 = tpu.vector_load %arg7[%get3A_102] {strides = array<i32>} : memref<256xi32, #tpu.memory_space<vmem>>, vector<16xi32>,
    %get3A_104 = arith.constant 144 : index
    %get3A_105 = tpu.vector_load %arg7[%get3A_104] {strides = array<i32>} : memref<256xi32, #tpu.memory_space<vmem>>, vector<16xi32>,
    %get3A_106 = arith.constant 160 : index
    %get3A_107 = tpu.vector_load %arg7[%get3A_106] {strides = array<i32>} : memref<256xi32, #tpu.memory_space<vmem>>, vector<16xi32>,
    %get3A_108 = arith.constant 176 : index
    %get3A_109 = tpu.vector_load %arg7[%get3A_108] {strides = array<i32>} : memref<256xi32, #tpu.memory_space<vmem>>, vector<16xi32>,
    %get3A_110 = arith.constant 192 : index
    %get3A_111 = tpu.vector_load %arg7[%get3A_110] {strides = array<i32>} : memref<256xi32, #tpu.memory_space<vmem>>, vector<16xi32>,
    %get3A_112 = arith.constant 208 : index
    %get3A_113 = tpu.vector_load %arg7[%get3A_112] {strides = array<i32>} : memref<256xi32, #tpu.memory_space<vmem>>, vector<16xi32>,
    %get3A_114 = arith.constant 224 : index
    %get3A_115 = tpu.vector_load %arg7[%get3A_114] {strides = array<i32>} : memref<256xi32, #tpu.memory_space<vmem>>, vector<16xi32>,
    %get3A_116 = arith.constant 240 : index
    %get3A_117 = tpu.vector_load %arg7[%get3A_116] {strides = array<i32>} : memref<256xi32, #tpu.memory_space<vmem>>, vector<16xi32>,
    %eq3A = arith.constant 256 : i32
    %eq3A_118 = arith.cmpi eq, %scan3A_76, %eq3A : i32
    %convert_element_type3A = arith.extui %eq3A_118 : i1 to i32
    %cond3A = arith.constant 0 : i32
    %cond3A_119 = arith.cmpi ne, %convert_element_type3A, %cond3A : i32
    scf.if %cond3A_119 {
      %scan3A_124 = arith.constant 0 : i32
      %scan3A_125 = arith.constant 0 : i32
      %scan3A_126 = arith.constant 7 : i32
      %scan3A_127 = arith.addi %scan3A_125, %scan3A_126 : i32
      %scan3A_128 = arith.constant 1 : i32
      scf.for %scan3A_145 = %scan3A_125 to %scan3A_127 step %scan3A_128  : i32 {
        %mul3A_146 = arith.constant 4 : i32
        %mul3A_147 = arith.muli %mul3A_146, %scan3A_145 : i32
        %add3A_148 = arith.constant 0 : i32
        %add3A_149 = arith.addi %mul3A_147, %add3A_148 : i32
        %mul3A_150 = arith.constant 28672 : i32
        %mul3A_151 = arith.muli %add3A_149, %mul3A_150 : i32
        %add3A_152 = arith.addi %mul3A_2, %mul3A_151 : i32
        %dma_wait3A_153 = tpu.memref_slice %arg2[%add3A_152] : memref<25690112xf32, #tpu.memory_space<hbm>> -> memref<28672xf32, #tpu.memory_space<hbm>>
        %dma_wait3A_154 = tpu.memref_slice %arg2[%add3A_152] : memref<25690112xf32, #tpu.memory_space<hbm>> -> memref<28672xf32, #tpu.memory_space<hbm>>
        tpu.wait_dma2 semaphore(%arg12 : memref<!tpu.dma_semaphore, #tpu.memory_space<semaphore_mem>>) src(%dma_wait3A_154 : memref<28672xf32, #tpu.memory_space<hbm>>) dst(%arg8 : memref<28672xf32, #tpu.memory_space<vmem>>)
        %mul3A_155 = arith.constant 28672 : i32
        %mul3A_156 = arith.muli %add3A_149, %mul3A_155 : i32
        %add3A_157 = arith.addi %mul3A_2, %mul3A_156 : i32
        %dma_start3A_158 = tpu.memref_slice %arg4[%add3A_157] : memref<25690112xf32, #tpu.memory_space<hbm>> -> memref<28672xf32, #tpu.memory_space<hbm>>
        %dma_start3A_159 = tpu.memref_slice %arg4[%add3A_157] : memref<25690112xf32, #tpu.memory_space<hbm>> -> memref<28672xf32, #tpu.memory_space<hbm>>
        tpu.enqueue_dma source(%arg8 : memref<28672xf32, #tpu.memory_space<vmem>>) target(%dma_start3A_159 : memref<28672xf32, #tpu.memory_space<hbm>>) target_semaphore(%arg12 : memref<!tpu.dma_semaphore, #tpu.memory_space<semaphore_mem>>)
        %add3A_160 = arith.constant 2 : i32
        %add3A_161 = arith.addi %add3A_149, %add3A_160 : i32
        %lt3A_162 = arith.constant 28 : i32
        %lt3A_163 = arith.cmpi slt, %add3A_161, %lt3A_162 : i32
        %ge3A = arith.constant 2 : i32
        %ge3A_164 = arith.cmpi sge, %add3A_149, %ge3A : i32
        %and3A = arith.andi %lt3A_163, %ge3A_164 : i1
        %convert_element_type3A_165 = arith.extui %and3A : i1 to i32
        %cond3A_166 = arith.constant 0 : i32
        %cond3A_167 = arith.cmpi ne, %convert_element_type3A_165, %cond3A_166 : i32
        scf.if %cond3A_167 {
          %sub3A = arith.constant 2 : i32
          %sub3A_252 = arith.subi %add3A_149, %sub3A : i32
          %mul3A_253 = arith.constant 28672 : i32
          %mul3A_254 = arith.muli %sub3A_252, %mul3A_253 : i32
          %add3A_255 = arith.addi %mul3A_2, %mul3A_254 : i32
          %dma_wait3A_256 = tpu.memref_slice %arg4[%add3A_255] : memref<25690112xf32, #tpu.memory_space<hbm>> -> memref<28672xf32, #tpu.memory_space<hbm>>
          %dma_wait3A_257 = tpu.memref_slice %arg4[%add3A_255] : memref<25690112xf32, #tpu.memory_space<hbm>> -> memref<28672xf32, #tpu.memory_space<hbm>>
          tpu.wait_dma2 semaphore(%arg14 : memref<!tpu.dma_semaphore, #tpu.memory_space<semaphore_mem>>) src(%arg10 : memref<28672xf32, #tpu.memory_space<vmem>>) dst(%dma_wait3A_257 : memref<28672xf32, #tpu.memory_space<hbm>>)
        } else {
        }
        %convert_element_type3A_168 = arith.extui %lt3A_163 : i1 to i32
        %cond3A_169 = arith.constant 0 : i32
        %cond3A_170 = arith.cmpi ne, %convert_element_type3A_168, %cond3A_169 : i32
        scf.if %cond3A_170 {
          %add3A_252 = arith.constant 2 : i32
          %add3A_253 = arith.addi %add3A_149, %add3A_252 : i32
          %mul3A_254 = arith.constant 28672 : i32
          %mul3A_255 = arith.muli %add3A_253, %mul3A_254 : i32
          %add3A_256 = arith.addi %mul3A_2, %mul3A_255 : i32
          %dma_start3A_257 = tpu.memref_slice %arg2[%add3A_256] : memref<25690112xf32, #tpu.memory_space<hbm>> -> memref<28672xf32, #tpu.memory_space<hbm>>
          %dma_start3A_258 = tpu.memref_slice %arg2[%add3A_256] : memref<25690112xf32, #tpu.memory_space<hbm>> -> memref<28672xf32, #tpu.memory_space<hbm>>
          tpu.enqueue_dma source(%dma_start3A_258 : memref<28672xf32, #tpu.memory_space<hbm>>) target(%arg10 : memref<28672xf32, #tpu.memory_space<vmem>>) target_semaphore(%arg14 : memref<!tpu.dma_semaphore, #tpu.memory_space<semaphore_mem>>)
        } else {
        }
        %mul3A_171 = arith.constant 4 : i32
        %mul3A_172 = arith.muli %mul3A_171, %scan3A_145 : i32
        %add3A_173 = arith.constant 1 : i32
        %add3A_174 = arith.addi %mul3A_172, %add3A_173 : i32
        %mul3A_175 = arith.constant 28672 : i32
        %mul3A_176 = arith.muli %add3A_174, %mul3A_175 : i32
        %add3A_177 = arith.addi %mul3A_2, %mul3A_176 : i32
        %dma_wait3A_178 = tpu.memref_slice %arg2[%add3A_177] : memref<25690112xf32, #tpu.memory_space<hbm>> -> memref<28672xf32, #tpu.memory_space<hbm>>
        %dma_wait3A_179 = tpu.memref_slice %arg2[%add3A_177] : memref<25690112xf32, #tpu.memory_space<hbm>> -> memref<28672xf32, #tpu.memory_space<hbm>>
        tpu.wait_dma2 semaphore(%arg13 : memref<!tpu.dma_semaphore, #tpu.memory_space<semaphore_mem>>) src(%dma_wait3A_179 : memref<28672xf32, #tpu.memory_space<hbm>>) dst(%arg9 : memref<28672xf32, #tpu.memory_space<vmem>>)
        %mul3A_180 = arith.constant 28672 : i32
        %mul3A_181 = arith.muli %add3A_174, %mul3A_180 : i32
        %add3A_182 = arith.addi %mul3A_2, %mul3A_181 : i32
        %dma_start3A_183 = tpu.memref_slice %arg4[%add3A_182] : memref<25690112xf32, #tpu.memory_space<hbm>> -> memref<28672xf32, #tpu.memory_space<hbm>>
        %dma_start3A_184 = tpu.memref_slice %arg4[%add3A_182] : memref<25690112xf32, #tpu.memory_space<hbm>> -> memref<28672xf32, #tpu.memory_space<hbm>>
        tpu.enqueue_dma source(%arg9 : memref<28672xf32, #tpu.memory_space<vmem>>) target(%dma_start3A_184 : memref<28672xf32, #tpu.memory_space<hbm>>) target_semaphore(%arg13 : memref<!tpu.dma_semaphore, #tpu.memory_space<semaphore_mem>>)
        %add3A_185 = arith.constant 2 : i32
        %add3A_186 = arith.addi %add3A_174, %add3A_185 : i32
        %lt3A_187 = arith.constant 28 : i32
        %lt3A_188 = arith.cmpi slt, %add3A_186, %lt3A_187 : i32
        %ge3A_189 = arith.constant 2 : i32
        %ge3A_190 = arith.cmpi sge, %add3A_174, %ge3A_189 : i32
        %and3A_191 = arith.andi %lt3A_188, %ge3A_190 : i1
        %convert_element_type3A_192 = arith.extui %and3A_191 : i1 to i32
        %cond3A_193 = arith.constant 0 : i32
        %cond3A_194 = arith.cmpi ne, %convert_element_type3A_192, %cond3A_193 : i32
        scf.if %cond3A_194 {
          %sub3A = arith.constant 2 : i32
          %sub3A_252 = arith.subi %add3A_174, %sub3A : i32
          %mul3A_253 = arith.constant 28672 : i32
          %mul3A_254 = arith.muli %sub3A_252, %mul3A_253 : i32
          %add3A_255 = arith.addi %mul3A_2, %mul3A_254 : i32
          %dma_wait3A_256 = tpu.memref_slice %arg4[%add3A_255] : memref<25690112xf32, #tpu.memory_space<hbm>> -> memref<28672xf32, #tpu.memory_space<hbm>>
          %dma_wait3A_257 = tpu.memref_slice %arg4[%add3A_255] : memref<25690112xf32, #tpu.memory_space<hbm>> -> memref<28672xf32, #tpu.memory_space<hbm>>
          tpu.wait_dma2 semaphore(%arg15 : memref<!tpu.dma_semaphore, #tpu.memory_space<semaphore_mem>>) src(%arg11 : memref<28672xf32, #tpu.memory_space<vmem>>) dst(%dma_wait3A_257 : memref<28672xf32, #tpu.memory_space<hbm>>)
        } else {
        }
        %convert_element_type3A_195 = arith.extui %lt3A_188 : i1 to i32
        %cond3A_196 = arith.constant 0 : i32
        %cond3A_197 = arith.cmpi ne, %convert_element_type3A_195, %cond3A_196 : i32
        scf.if %cond3A_197 {
          %add3A_252 = arith.constant 2 : i32
          %add3A_253 = arith.addi %add3A_174, %add3A_252 : i32
          %mul3A_254 = arith.constant 28672 : i32
          %mul3A_255 = arith.muli %add3A_253, %mul3A_254 : i32
          %add3A_256 = arith.addi %mul3A_2, %mul3A_255 : i32
          %dma_start3A_257 = tpu.memref_slice %arg2[%add3A_256] : memref<25690112xf32, #tpu.memory_space<hbm>> -> memref<28672xf32, #tpu.memory_space<hbm>>
          %dma_start3A_258 = tpu.memref_slice %arg2[%add3A_256] : memref<25690112xf32, #tpu.memory_space<hbm>> -> memref<28672xf32, #tpu.memory_space<hbm>>
          tpu.enqueue_dma source(%dma_start3A_258 : memref<28672xf32, #tpu.memory_space<hbm>>) target(%arg11 : memref<28672xf32, #tpu.memory_space<vmem>>) target_semaphore(%arg15 : memref<!tpu.dma_semaphore, #tpu.memory_space<semaphore_mem>>)
        } else {
        }
        %mul3A_198 = arith.constant 4 : i32
        %mul3A_199 = arith.muli %mul3A_198, %scan3A_145 : i32
        %add3A_200 = arith.constant 2 : i32
        %add3A_201 = arith.addi %mul3A_199, %add3A_200 : i32
        %mul3A_202 = arith.constant 28672 : i32
        %mul3A_203 = arith.muli %add3A_201, %mul3A_202 : i32
        %add3A_204 = arith.addi %mul3A_2, %mul3A_203 : i32
        %dma_wait3A_205 = tpu.memref_slice %arg2[%add3A_204] : memref<25690112xf32, #tpu.memory_space<hbm>> -> memref<28672xf32, #tpu.memory_space<hbm>>
        %dma_wait3A_206 = tpu.memref_slice %arg2[%add3A_204] : memref<25690112xf32, #tpu.memory_space<hbm>> -> memref<28672xf32, #tpu.memory_space<hbm>>
        tpu.wait_dma2 semaphore(%arg14 : memref<!tpu.dma_semaphore, #tpu.memory_space<semaphore_mem>>) src(%dma_wait3A_206 : memref<28672xf32, #tpu.memory_space<hbm>>) dst(%arg10 : memref<28672xf32, #tpu.memory_space<vmem>>)
        %mul3A_207 = arith.constant 28672 : i32
        %mul3A_208 = arith.muli %add3A_201, %mul3A_207 : i32
        %add3A_209 = arith.addi %mul3A_2, %mul3A_208 : i32
        %dma_start3A_210 = tpu.memref_slice %arg4[%add3A_209] : memref<25690112xf32, #tpu.memory_space<hbm>> -> memref<28672xf32, #tpu.memory_space<hbm>>
        %dma_start3A_211 = tpu.memref_slice %arg4[%add3A_209] : memref<25690112xf32, #tpu.memory_space<hbm>> -> memref<28672xf32, #tpu.memory_space<hbm>>
        tpu.enqueue_dma source(%arg10 : memref<28672xf32, #tpu.memory_space<vmem>>) target(%dma_start3A_211 : memref<28672xf32, #tpu.memory_space<hbm>>) target_semaphore(%arg14 : memref<!tpu.dma_semaphore, #tpu.memory_space<semaphore_mem>>)
        %add3A_212 = arith.constant 2 : i32
        %add3A_213 = arith.addi %add3A_201, %add3A_212 : i32
        %lt3A_214 = arith.constant 28 : i32
        %lt3A_215 = arith.cmpi slt, %add3A_213, %lt3A_214 : i32
        %ge3A_216 = arith.constant 2 : i32
        %ge3A_217 = arith.cmpi sge, %add3A_201, %ge3A_216 : i32
        %and3A_218 = arith.andi %lt3A_215, %ge3A_217 : i1
        %convert_element_type3A_219 = arith.extui %and3A_218 : i1 to i32
        %cond3A_220 = arith.constant 0 : i32
        %cond3A_221 = arith.cmpi ne, %convert_element_type3A_219, %cond3A_220 : i32
        scf.if %cond3A_221 {
          %sub3A = arith.constant 2 : i32
          %sub3A_252 = arith.subi %add3A_201, %sub3A : i32
          %mul3A_253 = arith.constant 28672 : i32
          %mul3A_254 = arith.muli %sub3A_252, %mul3A_253 : i32
          %add3A_255 = arith.addi %mul3A_2, %mul3A_254 : i32
          %dma_wait3A_256 = tpu.memref_slice %arg4[%add3A_255] : memref<25690112xf32, #tpu.memory_space<hbm>> -> memref<28672xf32, #tpu.memory_space<hbm>>
          %dma_wait3A_257 = tpu.memref_slice %arg4[%add3A_255] : memref<25690112xf32, #tpu.memory_space<hbm>> -> memref<28672xf32, #tpu.memory_space<hbm>>
          tpu.wait_dma2 semaphore(%arg12 : memref<!tpu.dma_semaphore, #tpu.memory_space<semaphore_mem>>) src(%arg8 : memref<28672xf32, #tpu.memory_space<vmem>>) dst(%dma_wait3A_257 : memref<28672xf32, #tpu.memory_space<hbm>>)
        } else {
        }
        %convert_element_type3A_222 = arith.extui %lt3A_215 : i1 to i32
        %cond3A_223 = arith.constant 0 : i32
        %cond3A_224 = arith.cmpi ne, %convert_element_type3A_222, %cond3A_223 : i32
        scf.if %cond3A_224 {
          %add3A_252 = arith.constant 2 : i32
          %add3A_253 = arith.addi %add3A_201, %add3A_252 : i32
          %mul3A_254 = arith.constant 28672 : i32
          %mul3A_255 = arith.muli %add3A_253, %mul3A_254 : i32
          %add3A_256 = arith.addi %mul3A_2, %mul3A_255 : i32
          %dma_start3A_257 = tpu.memref_slice %arg2[%add3A_256] : memref<25690112xf32, #tpu.memory_space<hbm>> -> memref<28672xf32, #tpu.memory_space<hbm>>
          %dma_start3A_258 = tpu.memref_slice %arg2[%add3A_256] : memref<25690112xf32, #tpu.memory_space<hbm>> -> memref<28672xf32, #tpu.memory_space<hbm>>
          tpu.enqueue_dma source(%dma_start3A_258 : memref<28672xf32, #tpu.memory_space<hbm>>) target(%arg8 : memref<28672xf32, #tpu.memory_space<vmem>>) target_semaphore(%arg12 : memref<!tpu.dma_semaphore, #tpu.memory_space<semaphore_mem>>)
        } else {
        }
        %mul3A_225 = arith.constant 4 : i32
        %mul3A_226 = arith.muli %mul3A_225, %scan3A_145 : i32
        %add3A_227 = arith.constant 3 : i32
        %add3A_228 = arith.addi %mul3A_226, %add3A_227 : i32
        %mul3A_229 = arith.constant 28672 : i32
        %mul3A_230 = arith.muli %add3A_228, %mul3A_229 : i32
        %add3A_231 = arith.addi %mul3A_2, %mul3A_230 : i32
        %dma_wait3A_232 = tpu.memref_slice %arg2[%add3A_231] : memref<25690112xf32, #tpu.memory_space<hbm>> -> memref<28672xf32, #tpu.memory_space<hbm>>
        %dma_wait3A_233 = tpu.memref_slice %arg2[%add3A_231] : memref<25690112xf32, #tpu.memory_space<hbm>> -> memref<28672xf32, #tpu.memory_space<hbm>>
        tpu.wait_dma2 semaphore(%arg15 : memref<!tpu.dma_semaphore, #tpu.memory_space<semaphore_mem>>) src(%dma_wait3A_233 : memref<28672xf32, #tpu.memory_space<hbm>>) dst(%arg11 : memref<28672xf32, #tpu.memory_space<vmem>>)
        %mul3A_234 = arith.constant 28672 : i32
        %mul3A_235 = arith.muli %add3A_228, %mul3A_234 : i32
        %add3A_236 = arith.addi %mul3A_2, %mul3A_235 : i32
        %dma_start3A_237 = tpu.memref_slice %arg4[%add3A_236] : memref<25690112xf32, #tpu.memory_space<hbm>> -> memref<28672xf32, #tpu.memory_space<hbm>>
        %dma_start3A_238 = tpu.memref_slice %arg4[%add3A_236] : memref<25690112xf32, #tpu.memory_space<hbm>> -> memref<28672xf32, #tpu.memory_space<hbm>>
        tpu.enqueue_dma source(%arg11 : memref<28672xf32, #tpu.memory_space<vmem>>) target(%dma_start3A_238 : memref<28672xf32, #tpu.memory_space<hbm>>) target_semaphore(%arg15 : memref<!tpu.dma_semaphore, #tpu.memory_space<semaphore_mem>>)
        %add3A_239 = arith.constant 2 : i32
        %add3A_240 = arith.addi %add3A_228, %add3A_239 : i32
        %lt3A_241 = arith.constant 28 : i32
        %lt3A_242 = arith.cmpi slt, %add3A_240, %lt3A_241 : i32
        %ge3A_243 = arith.constant 2 : i32
        %ge3A_244 = arith.cmpi sge, %add3A_228, %ge3A_243 : i32
        %and3A_245 = arith.andi %lt3A_242, %ge3A_244 : i1
        %convert_element_type3A_246 = arith.extui %and3A_245 : i1 to i32
        %cond3A_247 = arith.constant 0 : i32
        %cond3A_248 = arith.cmpi ne, %convert_element_type3A_246, %cond3A_247 : i32
        scf.if %cond3A_248 {
          %sub3A = arith.constant 2 : i32
          %sub3A_252 = arith.subi %add3A_228, %sub3A : i32
          %mul3A_253 = arith.constant 28672 : i32
          %mul3A_254 = arith.muli %sub3A_252, %mul3A_253 : i32
          %add3A_255 = arith.addi %mul3A_2, %mul3A_254 : i32
          %dma_wait3A_256 = tpu.memref_slice %arg4[%add3A_255] : memref<25690112xf32, #tpu.memory_space<hbm>> -> memref<28672xf32, #tpu.memory_space<hbm>>
          %dma_wait3A_257 = tpu.memref_slice %arg4[%add3A_255] : memref<25690112xf32, #tpu.memory_space<hbm>> -> memref<28672xf32, #tpu.memory_space<hbm>>
          tpu.wait_dma2 semaphore(%arg13 : memref<!tpu.dma_semaphore, #tpu.memory_space<semaphore_mem>>) src(%arg9 : memref<28672xf32, #tpu.memory_space<vmem>>) dst(%dma_wait3A_257 : memref<28672xf32, #tpu.memory_space<hbm>>)
        } else {
        }
        %convert_element_type3A_249 = arith.extui %lt3A_242 : i1 to i32
        %cond3A_250 = arith.constant 0 : i32
        %cond3A_251 = arith.cmpi ne, %convert_element_type3A_249, %cond3A_250 : i32
        scf.if %cond3A_251 {
          %add3A_252 = arith.constant 2 : i32
          %add3A_253 = arith.addi %add3A_228, %add3A_252 : i32
          %mul3A_254 = arith.constant 28672 : i32
          %mul3A_255 = arith.muli %add3A_253, %mul3A_254 : i32
          %add3A_256 = arith.addi %mul3A_2, %mul3A_255 : i32
          %dma_start3A_257 = tpu.memref_slice %arg2[%add3A_256] : memref<25690112xf32, #tpu.memory_space<hbm>> -> memref<28672xf32, #tpu.memory_space<hbm>>
          %dma_start3A_258 = tpu.memref_slice %arg2[%add3A_256] : memref<25690112xf32, #tpu.memory_space<hbm>> -> memref<28672xf32, #tpu.memory_space<hbm>>
          tpu.enqueue_dma source(%dma_start3A_258 : memref<28672xf32, #tpu.memory_space<hbm>>) target(%arg9 : memref<28672xf32, #tpu.memory_space<vmem>>) target_semaphore(%arg13 : memref<!tpu.dma_semaphore, #tpu.memory_space<semaphore_mem>>)
        } else {
        }
      }
      %scan3A_129 = arith.constant 7 : i32
      %add3A_130 = arith.constant 688128 : i32
      %add3A_131 = arith.addi %mul3A_2, %add3A_130 : i32
      %dma_wait3A = tpu.memref_slice %arg4[%add3A_131] : memref<25690112xf32, #tpu.memory_space<hbm>> -> memref<28672xf32, #tpu.memory_space<hbm>>
      %dma_wait3A_132 = tpu.memref_slice %arg4[%add3A_131] : memref<25690112xf32, #tpu.memory_space<hbm>> -> memref<28672xf32, #tpu.memory_space<hbm>>
      tpu.wait_dma2 semaphore(%arg12 : memref<!tpu.dma_semaphore, #tpu.memory_space<semaphore_mem>>) src(%arg8 : memref<28672xf32, #tpu.memory_space<vmem>>) dst(%dma_wait3A_132 : memref<28672xf32, #tpu.memory_space<hbm>>)
      %add3A_133 = arith.constant 716800 : i32
      %add3A_134 = arith.addi %mul3A_2, %add3A_133 : i32
      %dma_wait3A_135 = tpu.memref_slice %arg4[%add3A_134] : memref<25690112xf32, #tpu.memory_space<hbm>> -> memref<28672xf32, #tpu.memory_space<hbm>>
      %dma_wait3A_136 = tpu.memref_slice %arg4[%add3A_134] : memref<25690112xf32, #tpu.memory_space<hbm>> -> memref<28672xf32, #tpu.memory_space<hbm>>
      tpu.wait_dma2 semaphore(%arg13 : memref<!tpu.dma_semaphore, #tpu.memory_space<semaphore_mem>>) src(%arg9 : memref<28672xf32, #tpu.memory_space<vmem>>) dst(%dma_wait3A_136 : memref<28672xf32, #tpu.memory_space<hbm>>)
      %add3A_137 = arith.constant 745472 : i32
      %add3A_138 = arith.addi %mul3A_2, %add3A_137 : i32
      %dma_wait3A_139 = tpu.memref_slice %arg4[%add3A_138] : memref<25690112xf32, #tpu.memory_space<hbm>> -> memref<28672xf32, #tpu.memory_space<hbm>>
      %dma_wait3A_140 = tpu.memref_slice %arg4[%add3A_138] : memref<25690112xf32, #tpu.memory_space<hbm>> -> memref<28672xf32, #tpu.memory_space<hbm>>
      tpu.wait_dma2 semaphore(%arg14 : memref<!tpu.dma_semaphore, #tpu.memory_space<semaphore_mem>>) src(%arg10 : memref<28672xf32, #tpu.memory_space<vmem>>) dst(%dma_wait3A_140 : memref<28672xf32, #tpu.memory_space<hbm>>)
      %add3A_141 = arith.constant 774144 : i32
      %add3A_142 = arith.addi %mul3A_2, %add3A_141 : i32
      %dma_wait3A_143 = tpu.memref_slice %arg4[%add3A_142] : memref<25690112xf32, #tpu.memory_space<hbm>> -> memref<28672xf32, #tpu.memory_space<hbm>>
      %dma_wait3A_144 = tpu.memref_slice %arg4[%add3A_142] : memref<25690112xf32, #tpu.memory_space<hbm>> -> memref<28672xf32, #tpu.memory_space<hbm>>
      tpu.wait_dma2 semaphore(%arg15 : memref<!tpu.dma_semaphore, #tpu.memory_space<semaphore_mem>>) src(%arg11 : memref<28672xf32, #tpu.memory_space<vmem>>) dst(%dma_wait3A_144 : memref<28672xf32, #tpu.memory_space<hbm>>)
    } else {
    }
    %lt3A = arith.constant 256 : i32
    %lt3A_120 = arith.cmpi slt, %scan3A_76, %lt3A : i32
    %convert_element_type3A_121 = arith.extui %lt3A_120 : i1 to i32
    %cond3A_122 = arith.constant 0 : i32
    %cond3A_123 = arith.cmpi ne, %convert_element_type3A_121, %cond3A_122 : i32
    scf.if %cond3A_123 {
      %scan3A_124 = arith.constant 0 : i32
      %scan3A_125 = arith.constant 0 : i32
      %scan3A_126 = arith.constant 14 : i32
      %scan3A_127 = arith.addi %scan3A_125, %scan3A_126 : i32
      %scan3A_128 = arith.constant 1 : i32
      scf.for %scan3A_137 = %scan3A_125 to %scan3A_127 step %scan3A_128  : i32 {
        %mul3A_138 = arith.constant 2 : i32
        %mul3A_139 = arith.muli %mul3A_138, %scan3A_137 : i32
        %add3A_140 = arith.constant 0 : i32
        %add3A_141 = arith.addi %mul3A_139, %add3A_140 : i32
        %mul3A_142 = arith.constant 28672 : i32
        %mul3A_143 = arith.muli %add3A_141, %mul3A_142 : i32
        %add3A_144 = arith.addi %mul3A_2, %mul3A_143 : i32
        %dma_wait3A_145 = tpu.memref_slice %arg2[%add3A_144] : memref<25690112xf32, #tpu.memory_space<hbm>> -> memref<28672xf32, #tpu.memory_space<hbm>>
        %dma_wait3A_146 = tpu.memref_slice %arg2[%add3A_144] : memref<25690112xf32, #tpu.memory_space<hbm>> -> memref<28672xf32, #tpu.memory_space<hbm>>
        tpu.wait_dma2 semaphore(%arg12 : memref<!tpu.dma_semaphore, #tpu.memory_space<semaphore_mem>>) src(%dma_wait3A_146 : memref<28672xf32, #tpu.memory_space<hbm>>) dst(%arg8 : memref<28672xf32, #tpu.memory_space<vmem>>)
        %ge3A = arith.constant 2 : i32
        %ge3A_147 = arith.cmpi sge, %add3A_141, %ge3A : i32
        %convert_element_type3A_148 = arith.extui %ge3A_147 : i1 to i32
        %cond3A_149 = arith.constant 0 : i32
        %cond3A_150 = arith.cmpi ne, %convert_element_type3A_148, %cond3A_149 : i32
        scf.if %cond3A_150 {
          %mul3A_212 = arith.constant 28672 : i32
          %mul3A_213 = arith.muli %add3A_141, %mul3A_212 : i32
          %add3A_214 = arith.addi %mul3A_2, %mul3A_213 : i32
          %dma_wait3A_215 = tpu.memref_slice %arg4[%add3A_214] : memref<25690112xf32, #tpu.memory_space<hbm>> -> memref<28672xf32, #tpu.memory_space<hbm>>
          %dma_wait3A_216 = tpu.memref_slice %arg4[%add3A_214] : memref<25690112xf32, #tpu.memory_space<hbm>> -> memref<28672xf32, #tpu.memory_space<hbm>>
          tpu.wait_dma2 semaphore(%arg14 : memref<!tpu.dma_semaphore, #tpu.memory_space<semaphore_mem>>) src(%arg10 : memref<28672xf32, #tpu.memory_space<vmem>>) dst(%dma_wait3A_216 : memref<28672xf32, #tpu.memory_space<hbm>>)
        } else {
        }
        %parallel_loop3A = arith.constant 0 : i32
        %parallel_loop3A_151 = arith.constant 56 : i32
        %parallel_loop3A_152 = arith.constant 1 : i32
        scf.for %parallel_loop3A_212 = %parallel_loop3A to %parallel_loop3A_151 step %parallel_loop3A_152  : i32 {
          %parallel_loop3A_213 = arith.constant 128 : i32
          %parallel_loop3A_214 = arith.muli %parallel_loop3A_212, %parallel_loop3A_213 : i32
          %parallel_loop3A_215 = arith.constant 0 : i32
          %parallel_loop3A_216 = arith.addi %parallel_loop3A_215, %parallel_loop3A_214 : i32
          %parallel_loop3A_217 = arith.constant 3 : i32
          %parallel_loop3A_218 = arith.shrui %parallel_loop3A_212, %parallel_loop3A_217 : i32
          %parallel_loop3A_219 = arith.constant 1024 : i32
          %parallel_loop3A_220 = arith.muli %parallel_loop3A_218, %parallel_loop3A_219 : i32
          %parallel_loop3A_221 = arith.addi %parallel_loop3A_216, %parallel_loop3A_220 : i32
          %parallel_loop3A_222 = vector.broadcast %parallel_loop3A_221 : i32 to vector<16xi32>
          %parallel_loop3A_223 = arith.addi %get3A_87, %parallel_loop3A_222 : vector<16xi32>
          %parallel_loop3A_224 = tpu.vector_load_idx %arg8[%parallel_loop3A_223] : memref<28672xf32, #tpu.memory_space<vmem>>[vector<16xi32>], vector<16xf32>,
          %parallel_loop3A_225 = arith.constant 0 : i32
          %parallel_loop3A_226 = arith.addi %parallel_loop3A_221, %parallel_loop3A_225 : i32
          %parallel_loop3A_227 = arith.index_cast %parallel_loop3A_226 : i32 to index
          %parallel_loop3A_228 = tpu.vector_load %arg10[%parallel_loop3A_227] {strides = array<i32>} : memref<28672xf32, #tpu.memory_space<vmem>>, vector<16xf32>,
          tpu.vector_store %arg10[%parallel_loop3A_227], %parallel_loop3A_224 {strides = array<i32>} : memref<28672xf32, #tpu.memory_space<vmem>>, vector<16xf32>,
          %parallel_loop3A_229 = vector.broadcast %parallel_loop3A_221 : i32 to vector<16xi32>
          %parallel_loop3A_230 = arith.addi %get3A_89, %parallel_loop3A_229 : vector<16xi32>
          %parallel_loop3A_231 = tpu.vector_load_idx %arg8[%parallel_loop3A_230] : memref<28672xf32, #tpu.memory_space<vmem>>[vector<16xi32>], vector<16xf32>,
          %parallel_loop3A_232 = arith.constant 16 : i32
          %parallel_loop3A_233 = arith.addi %parallel_loop3A_221, %parallel_loop3A_232 : i32
          %parallel_loop3A_234 = arith.index_cast %parallel_loop3A_233 : i32 to index
          %parallel_loop3A_235 = tpu.vector_load %arg10[%parallel_loop3A_234] {strides = array<i32>} : memref<28672xf32, #tpu.memory_space<vmem>>, vector<16xf32>,
          tpu.vector_store %arg10[%parallel_loop3A_234], %parallel_loop3A_231 {strides = array<i32>} : memref<28672xf32, #tpu.memory_space<vmem>>, vector<16xf32>,
          %parallel_loop3A_236 = vector.broadcast %parallel_loop3A_221 : i32 to vector<16xi32>
          %parallel_loop3A_237 = arith.addi %get3A_91, %parallel_loop3A_236 : vector<16xi32>
          %parallel_loop3A_238 = tpu.vector_load_idx %arg8[%parallel_loop3A_237] : memref<28672xf32, #tpu.memory_space<vmem>>[vector<16xi32>], vector<16xf32>,
          %parallel_loop3A_239 = arith.constant 32 : i32
          %parallel_loop3A_240 = arith.addi %parallel_loop3A_221, %parallel_loop3A_239 : i32
          %parallel_loop3A_241 = arith.index_cast %parallel_loop3A_240 : i32 to index
          %parallel_loop3A_242 = tpu.vector_load %arg10[%parallel_loop3A_241] {strides = array<i32>} : memref<28672xf32, #tpu.memory_space<vmem>>, vector<16xf32>,
          tpu.vector_store %arg10[%parallel_loop3A_241], %parallel_loop3A_238 {strides = array<i32>} : memref<28672xf32, #tpu.memory_space<vmem>>, vector<16xf32>,
          %parallel_loop3A_243 = vector.broadcast %parallel_loop3A_221 : i32 to vector<16xi32>
          %parallel_loop3A_244 = arith.addi %get3A_93, %parallel_loop3A_243 : vector<16xi32>
          %parallel_loop3A_245 = tpu.vector_load_idx %arg8[%parallel_loop3A_244] : memref<28672xf32, #tpu.memory_space<vmem>>[vector<16xi32>], vector<16xf32>,
          %parallel_loop3A_246 = arith.constant 48 : i32
          %parallel_loop3A_247 = arith.addi %parallel_loop3A_221, %parallel_loop3A_246 : i32
          %parallel_loop3A_248 = arith.index_cast %parallel_loop3A_247 : i32 to index
          %parallel_loop3A_249 = tpu.vector_load %arg10[%parallel_loop3A_248] {strides = array<i32>} : memref<28672xf32, #tpu.memory_space<vmem>>, vector<16xf32>,
          tpu.vector_store %arg10[%parallel_loop3A_248], %parallel_loop3A_245 {strides = array<i32>} : memref<28672xf32, #tpu.memory_space<vmem>>, vector<16xf32>,
          %parallel_loop3A_250 = vector.broadcast %parallel_loop3A_221 : i32 to vector<16xi32>
          %parallel_loop3A_251 = arith.addi %get3A_95, %parallel_loop3A_250 : vector<16xi32>
          %parallel_loop3A_252 = tpu.vector_load_idx %arg8[%parallel_loop3A_251] : memref<28672xf32, #tpu.memory_space<vmem>>[vector<16xi32>], vector<16xf32>,
          %parallel_loop3A_253 = arith.constant 64 : i32
          %parallel_loop3A_254 = arith.addi %parallel_loop3A_221, %parallel_loop3A_253 : i32
          %parallel_loop3A_255 = arith.index_cast %parallel_loop3A_254 : i32 to index
          %parallel_loop3A_256 = tpu.vector_load %arg10[%parallel_loop3A_255] {strides = array<i32>} : memref<28672xf32, #tpu.memory_space<vmem>>, vector<16xf32>,
          tpu.vector_store %arg10[%parallel_loop3A_255], %parallel_loop3A_252 {strides = array<i32>} : memref<28672xf32, #tpu.memory_space<vmem>>, vector<16xf32>,
          %parallel_loop3A_257 = vector.broadcast %parallel_loop3A_221 : i32 to vector<16xi32>
          %parallel_loop3A_258 = arith.addi %get3A_97, %parallel_loop3A_257 : vector<16xi32>
          %parallel_loop3A_259 = tpu.vector_load_idx %arg8[%parallel_loop3A_258] : memref<28672xf32, #tpu.memory_space<vmem>>[vector<16xi32>], vector<16xf32>,
          %parallel_loop3A_260 = arith.constant 80 : i32
          %parallel_loop3A_261 = arith.addi %parallel_loop3A_221, %parallel_loop3A_260 : i32
          %parallel_loop3A_262 = arith.index_cast %parallel_loop3A_261 : i32 to index
          %parallel_loop3A_263 = tpu.vector_load %arg10[%parallel_loop3A_262] {strides = array<i32>} : memref<28672xf32, #tpu.memory_space<vmem>>, vector<16xf32>,
          tpu.vector_store %arg10[%parallel_loop3A_262], %parallel_loop3A_259 {strides = array<i32>} : memref<28672xf32, #tpu.memory_space<vmem>>, vector<16xf32>,
          %parallel_loop3A_264 = vector.broadcast %parallel_loop3A_221 : i32 to vector<16xi32>
          %parallel_loop3A_265 = arith.addi %get3A_99, %parallel_loop3A_264 : vector<16xi32>
          %parallel_loop3A_266 = tpu.vector_load_idx %arg8[%parallel_loop3A_265] : memref<28672xf32, #tpu.memory_space<vmem>>[vector<16xi32>], vector<16xf32>,
          %parallel_loop3A_267 = arith.constant 96 : i32
          %parallel_loop3A_268 = arith.addi %parallel_loop3A_221, %parallel_loop3A_267 : i32
          %parallel_loop3A_269 = arith.index_cast %parallel_loop3A_268 : i32 to index
          %parallel_loop3A_270 = tpu.vector_load %arg10[%parallel_loop3A_269] {strides = array<i32>} : memref<28672xf32, #tpu.memory_space<vmem>>, vector<16xf32>,
          tpu.vector_store %arg10[%parallel_loop3A_269], %parallel_loop3A_266 {strides = array<i32>} : memref<28672xf32, #tpu.memory_space<vmem>>, vector<16xf32>,
          %parallel_loop3A_271 = vector.broadcast %parallel_loop3A_221 : i32 to vector<16xi32>
          %parallel_loop3A_272 = arith.addi %get3A_101, %parallel_loop3A_271 : vector<16xi32>
          %parallel_loop3A_273 = tpu.vector_load_idx %arg8[%parallel_loop3A_272] : memref<28672xf32, #tpu.memory_space<vmem>>[vector<16xi32>], vector<16xf32>,
          %parallel_loop3A_274 = arith.constant 112 : i32
          %parallel_loop3A_275 = arith.addi %parallel_loop3A_221, %parallel_loop3A_274 : i32
          %parallel_loop3A_276 = arith.index_cast %parallel_loop3A_275 : i32 to index
          %parallel_loop3A_277 = tpu.vector_load %arg10[%parallel_loop3A_276] {strides = array<i32>} : memref<28672xf32, #tpu.memory_space<vmem>>, vector<16xf32>,
          tpu.vector_store %arg10[%parallel_loop3A_276], %parallel_loop3A_273 {strides = array<i32>} : memref<28672xf32, #tpu.memory_space<vmem>>, vector<16xf32>,
          %parallel_loop3A_278 = vector.broadcast %parallel_loop3A_221 : i32 to vector<16xi32>
          %parallel_loop3A_279 = arith.addi %get3A_103, %parallel_loop3A_278 : vector<16xi32>
          %parallel_loop3A_280 = tpu.vector_load_idx %arg8[%parallel_loop3A_279] : memref<28672xf32, #tpu.memory_space<vmem>>[vector<16xi32>], vector<16xf32>,
          %parallel_loop3A_281 = arith.constant 1024 : i32
          %parallel_loop3A_282 = arith.addi %parallel_loop3A_221, %parallel_loop3A_281 : i32
          %parallel_loop3A_283 = arith.index_cast %parallel_loop3A_282 : i32 to index
          %parallel_loop3A_284 = tpu.vector_load %arg10[%parallel_loop3A_283] {strides = array<i32>} : memref<28672xf32, #tpu.memory_space<vmem>>, vector<16xf32>,
          tpu.vector_store %arg10[%parallel_loop3A_283], %parallel_loop3A_280 {strides = array<i32>} : memref<28672xf32, #tpu.memory_space<vmem>>, vector<16xf32>,
          %parallel_loop3A_285 = vector.broadcast %parallel_loop3A_221 : i32 to vector<16xi32>
          %parallel_loop3A_286 = arith.addi %get3A_105, %parallel_loop3A_285 : vector<16xi32>
          %parallel_loop3A_287 = tpu.vector_load_idx %arg8[%parallel_loop3A_286] : memref<28672xf32, #tpu.memory_space<vmem>>[vector<16xi32>], vector<16xf32>,
          %parallel_loop3A_288 = arith.constant 1040 : i32
          %parallel_loop3A_289 = arith.addi %parallel_loop3A_221, %parallel_loop3A_288 : i32
          %parallel_loop3A_290 = arith.index_cast %parallel_loop3A_289 : i32 to index
          %parallel_loop3A_291 = tpu.vector_load %arg10[%parallel_loop3A_290] {strides = array<i32>} : memref<28672xf32, #tpu.memory_space<vmem>>, vector<16xf32>,
          tpu.vector_store %arg10[%parallel_loop3A_290], %parallel_loop3A_287 {strides = array<i32>} : memref<28672xf32, #tpu.memory_space<vmem>>, vector<16xf32>,
          %parallel_loop3A_292 = vector.broadcast %parallel_loop3A_221 : i32 to vector<16xi32>
          %parallel_loop3A_293 = arith.addi %get3A_107, %parallel_loop3A_292 : vector<16xi32>
          %parallel_loop3A_294 = tpu.vector_load_idx %arg8[%parallel_loop3A_293] : memref<28672xf32, #tpu.memory_space<vmem>>[vector<16xi32>], vector<16xf32>,
          %parallel_loop3A_295 = arith.constant 1056 : i32
          %parallel_loop3A_296 = arith.addi %parallel_loop3A_221, %parallel_loop3A_295 : i32
          %parallel_loop3A_297 = arith.index_cast %parallel_loop3A_296 : i32 to index
          %parallel_loop3A_298 = tpu.vector_load %arg10[%parallel_loop3A_297] {strides = array<i32>} : memref<28672xf32, #tpu.memory_space<vmem>>, vector<16xf32>,
          tpu.vector_store %arg10[%parallel_loop3A_297], %parallel_loop3A_294 {strides = array<i32>} : memref<28672xf32, #tpu.memory_space<vmem>>, vector<16xf32>,
          %parallel_loop3A_299 = vector.broadcast %parallel_loop3A_221 : i32 to vector<16xi32>
          %parallel_loop3A_300 = arith.addi %get3A_109, %parallel_loop3A_299 : vector<16xi32>
          %parallel_loop3A_301 = tpu.vector_load_idx %arg8[%parallel_loop3A_300] : memref<28672xf32, #tpu.memory_space<vmem>>[vector<16xi32>], vector<16xf32>,
          %parallel_loop3A_302 = arith.constant 1072 : i32
          %parallel_loop3A_303 = arith.addi %parallel_loop3A_221, %parallel_loop3A_302 : i32
          %parallel_loop3A_304 = arith.index_cast %parallel_loop3A_303 : i32 to index
          %parallel_loop3A_305 = tpu.vector_load %arg10[%parallel_loop3A_304] {strides = array<i32>} : memref<28672xf32, #tpu.memory_space<vmem>>, vector<16xf32>,
          tpu.vector_store %arg10[%parallel_loop3A_304], %parallel_loop3A_301 {strides = array<i32>} : memref<28672xf32, #tpu.memory_space<vmem>>, vector<16xf32>,
          %parallel_loop3A_306 = vector.broadcast %parallel_loop3A_221 : i32 to vector<16xi32>
          %parallel_loop3A_307 = arith.addi %get3A_111, %parallel_loop3A_306 : vector<16xi32>
          %parallel_loop3A_308 = tpu.vector_load_idx %arg8[%parallel_loop3A_307] : memref<28672xf32, #tpu.memory_space<vmem>>[vector<16xi32>], vector<16xf32>,
          %parallel_loop3A_309 = arith.constant 1088 : i32
          %parallel_loop3A_310 = arith.addi %parallel_loop3A_221, %parallel_loop3A_309 : i32
          %parallel_loop3A_311 = arith.index_cast %parallel_loop3A_310 : i32 to index
          %parallel_loop3A_312 = tpu.vector_load %arg10[%parallel_loop3A_311] {strides = array<i32>} : memref<28672xf32, #tpu.memory_space<vmem>>, vector<16xf32>,
          tpu.vector_store %arg10[%parallel_loop3A_311], %parallel_loop3A_308 {strides = array<i32>} : memref<28672xf32, #tpu.memory_space<vmem>>, vector<16xf32>,
          %parallel_loop3A_313 = vector.broadcast %parallel_loop3A_221 : i32 to vector<16xi32>
          %parallel_loop3A_314 = arith.addi %get3A_113, %parallel_loop3A_313 : vector<16xi32>
          %parallel_loop3A_315 = tpu.vector_load_idx %arg8[%parallel_loop3A_314] : memref<28672xf32, #tpu.memory_space<vmem>>[vector<16xi32>], vector<16xf32>,
          %parallel_loop3A_316 = arith.constant 1104 : i32
          %parallel_loop3A_317 = arith.addi %parallel_loop3A_221, %parallel_loop3A_316 : i32
          %parallel_loop3A_318 = arith.index_cast %parallel_loop3A_317 : i32 to index
          %parallel_loop3A_319 = tpu.vector_load %arg10[%parallel_loop3A_318] {strides = array<i32>} : memref<28672xf32, #tpu.memory_space<vmem>>, vector<16xf32>,
          tpu.vector_store %arg10[%parallel_loop3A_318], %parallel_loop3A_315 {strides = array<i32>} : memref<28672xf32, #tpu.memory_space<vmem>>, vector<16xf32>,
          %parallel_loop3A_320 = vector.broadcast %parallel_loop3A_221 : i32 to vector<16xi32>
          %parallel_loop3A_321 = arith.addi %get3A_115, %parallel_loop3A_320 : vector<16xi32>
          %parallel_loop3A_322 = tpu.vector_load_idx %arg8[%parallel_loop3A_321] : memref<28672xf32, #tpu.memory_space<vmem>>[vector<16xi32>], vector<16xf32>,
          %parallel_loop3A_323 = arith.constant 1120 : i32
          %parallel_loop3A_324 = arith.addi %parallel_loop3A_221, %parallel_loop3A_323 : i32
          %parallel_loop3A_325 = arith.index_cast %parallel_loop3A_324 : i32 to index
          %parallel_loop3A_326 = tpu.vector_load %arg10[%parallel_loop3A_325] {strides = array<i32>} : memref<28672xf32, #tpu.memory_space<vmem>>, vector<16xf32>,
          tpu.vector_store %arg10[%parallel_loop3A_325], %parallel_loop3A_322 {strides = array<i32>} : memref<28672xf32, #tpu.memory_space<vmem>>, vector<16xf32>,
          %parallel_loop3A_327 = vector.broadcast %parallel_loop3A_221 : i32 to vector<16xi32>
          %parallel_loop3A_328 = arith.addi %get3A_117, %parallel_loop3A_327 : vector<16xi32>
          %parallel_loop3A_329 = tpu.vector_load_idx %arg8[%parallel_loop3A_328] : memref<28672xf32, #tpu.memory_space<vmem>>[vector<16xi32>], vector<16xf32>,
          %parallel_loop3A_330 = arith.constant 1136 : i32
          %parallel_loop3A_331 = arith.addi %parallel_loop3A_221, %parallel_loop3A_330 : i32
          %parallel_loop3A_332 = arith.index_cast %parallel_loop3A_331 : i32 to index
          %parallel_loop3A_333 = tpu.vector_load %arg10[%parallel_loop3A_332] {strides = array<i32>} : memref<28672xf32, #tpu.memory_space<vmem>>, vector<16xf32>,
          tpu.vector_store %arg10[%parallel_loop3A_332], %parallel_loop3A_329 {strides = array<i32>} : memref<28672xf32, #tpu.memory_space<vmem>>, vector<16xf32>,
        } {sc.loop_unroll_factor = 2 : i64, sc.parallel_access}
        %parallel_loop3A_153 = arith.constant 0 : i32
        %parallel_loop3A_154 = arith.constant 56 : i32
        %parallel_loop3A_155 = arith.constant 1 : i32
        scf.for %parallel_loop3A_212 = %parallel_loop3A_153 to %parallel_loop3A_154 step %parallel_loop3A_155  : i32 {
          %parallel_loop3A_213 = arith.constant 128 : i32
          %parallel_loop3A_214 = arith.muli %parallel_loop3A_212, %parallel_loop3A_213 : i32
          %parallel_loop3A_215 = arith.constant 14336 : i32
          %parallel_loop3A_216 = arith.addi %parallel_loop3A_215, %parallel_loop3A_214 : i32
          %parallel_loop3A_217 = arith.constant 3 : i32
          %parallel_loop3A_218 = arith.shrui %parallel_loop3A_212, %parallel_loop3A_217 : i32
          %parallel_loop3A_219 = arith.constant 1024 : i32
          %parallel_loop3A_220 = arith.muli %parallel_loop3A_218, %parallel_loop3A_219 : i32
          %parallel_loop3A_221 = arith.addi %parallel_loop3A_216, %parallel_loop3A_220 : i32
          %parallel_loop3A_222 = vector.broadcast %parallel_loop3A_221 : i32 to vector<16xi32>
          %parallel_loop3A_223 = arith.addi %get3A_87, %parallel_loop3A_222 : vector<16xi32>
          %parallel_loop3A_224 = tpu.vector_load_idx %arg8[%parallel_loop3A_223] : memref<28672xf32, #tpu.memory_space<vmem>>[vector<16xi32>], vector<16xf32>,
          %parallel_loop3A_225 = arith.constant 0 : i32
          %parallel_loop3A_226 = arith.addi %parallel_loop3A_221, %parallel_loop3A_225 : i32
          %parallel_loop3A_227 = arith.index_cast %parallel_loop3A_226 : i32 to index
          %parallel_loop3A_228 = tpu.vector_load %arg10[%parallel_loop3A_227] {strides = array<i32>} : memref<28672xf32, #tpu.memory_space<vmem>>, vector<16xf32>,
          tpu.vector_store %arg10[%parallel_loop3A_227], %parallel_loop3A_224 {strides = array<i32>} : memref<28672xf32, #tpu.memory_space<vmem>>, vector<16xf32>,
          %parallel_loop3A_229 = vector.broadcast %parallel_loop3A_221 : i32 to vector<16xi32>
          %parallel_loop3A_230 = arith.addi %get3A_89, %parallel_loop3A_229 : vector<16xi32>
          %parallel_loop3A_231 = tpu.vector_load_idx %arg8[%parallel_loop3A_230] : memref<28672xf32, #tpu.memory_space<vmem>>[vector<16xi32>], vector<16xf32>,
          %parallel_loop3A_232 = arith.constant 16 : i32
          %parallel_loop3A_233 = arith.addi %parallel_loop3A_221, %parallel_loop3A_232 : i32
          %parallel_loop3A_234 = arith.index_cast %parallel_loop3A_233 : i32 to index
          %parallel_loop3A_235 = tpu.vector_load %arg10[%parallel_loop3A_234] {strides = array<i32>} : memref<28672xf32, #tpu.memory_space<vmem>>, vector<16xf32>,
          tpu.vector_store %arg10[%parallel_loop3A_234], %parallel_loop3A_231 {strides = array<i32>} : memref<28672xf32, #tpu.memory_space<vmem>>, vector<16xf32>,
          %parallel_loop3A_236 = vector.broadcast %parallel_loop3A_221 : i32 to vector<16xi32>
          %parallel_loop3A_237 = arith.addi %get3A_91, %parallel_loop3A_236 : vector<16xi32>
          %parallel_loop3A_238 = tpu.vector_load_idx %arg8[%parallel_loop3A_237] : memref<28672xf32, #tpu.memory_space<vmem>>[vector<16xi32>], vector<16xf32>,
          %parallel_loop3A_239 = arith.constant 32 : i32
          %parallel_loop3A_240 = arith.addi %parallel_loop3A_221, %parallel_loop3A_239 : i32
          %parallel_loop3A_241 = arith.index_cast %parallel_loop3A_240 : i32 to index
          %parallel_loop3A_242 = tpu.vector_load %arg10[%parallel_loop3A_241] {strides = array<i32>} : memref<28672xf32, #tpu.memory_space<vmem>>, vector<16xf32>,
          tpu.vector_store %arg10[%parallel_loop3A_241], %parallel_loop3A_238 {strides = array<i32>} : memref<28672xf32, #tpu.memory_space<vmem>>, vector<16xf32>,
          %parallel_loop3A_243 = vector.broadcast %parallel_loop3A_221 : i32 to vector<16xi32>
          %parallel_loop3A_244 = arith.addi %get3A_93, %parallel_loop3A_243 : vector<16xi32>
          %parallel_loop3A_245 = tpu.vector_load_idx %arg8[%parallel_loop3A_244] : memref<28672xf32, #tpu.memory_space<vmem>>[vector<16xi32>], vector<16xf32>,
          %parallel_loop3A_246 = arith.constant 48 : i32
          %parallel_loop3A_247 = arith.addi %parallel_loop3A_221, %parallel_loop3A_246 : i32
          %parallel_loop3A_248 = arith.index_cast %parallel_loop3A_247 : i32 to index
          %parallel_loop3A_249 = tpu.vector_load %arg10[%parallel_loop3A_248] {strides = array<i32>} : memref<28672xf32, #tpu.memory_space<vmem>>, vector<16xf32>,
          tpu.vector_store %arg10[%parallel_loop3A_248], %parallel_loop3A_245 {strides = array<i32>} : memref<28672xf32, #tpu.memory_space<vmem>>, vector<16xf32>,
          %parallel_loop3A_250 = vector.broadcast %parallel_loop3A_221 : i32 to vector<16xi32>
          %parallel_loop3A_251 = arith.addi %get3A_95, %parallel_loop3A_250 : vector<16xi32>
          %parallel_loop3A_252 = tpu.vector_load_idx %arg8[%parallel_loop3A_251] : memref<28672xf32, #tpu.memory_space<vmem>>[vector<16xi32>], vector<16xf32>,
          %parallel_loop3A_253 = arith.constant 64 : i32
          %parallel_loop3A_254 = arith.addi %parallel_loop3A_221, %parallel_loop3A_253 : i32
          %parallel_loop3A_255 = arith.index_cast %parallel_loop3A_254 : i32 to index
          %parallel_loop3A_256 = tpu.vector_load %arg10[%parallel_loop3A_255] {strides = array<i32>} : memref<28672xf32, #tpu.memory_space<vmem>>, vector<16xf32>,
          tpu.vector_store %arg10[%parallel_loop3A_255], %parallel_loop3A_252 {strides = array<i32>} : memref<28672xf32, #tpu.memory_space<vmem>>, vector<16xf32>,
          %parallel_loop3A_257 = vector.broadcast %parallel_loop3A_221 : i32 to vector<16xi32>
          %parallel_loop3A_258 = arith.addi %get3A_97, %parallel_loop3A_257 : vector<16xi32>
          %parallel_loop3A_259 = tpu.vector_load_idx %arg8[%parallel_loop3A_258] : memref<28672xf32, #tpu.memory_space<vmem>>[vector<16xi32>], vector<16xf32>,
          %parallel_loop3A_260 = arith.constant 80 : i32
          %parallel_loop3A_261 = arith.addi %parallel_loop3A_221, %parallel_loop3A_260 : i32
          %parallel_loop3A_262 = arith.index_cast %parallel_loop3A_261 : i32 to index
          %parallel_loop3A_263 = tpu.vector_load %arg10[%parallel_loop3A_262] {strides = array<i32>} : memref<28672xf32, #tpu.memory_space<vmem>>, vector<16xf32>,
          tpu.vector_store %arg10[%parallel_loop3A_262], %parallel_loop3A_259 {strides = array<i32>} : memref<28672xf32, #tpu.memory_space<vmem>>, vector<16xf32>,
          %parallel_loop3A_264 = vector.broadcast %parallel_loop3A_221 : i32 to vector<16xi32>
          %parallel_loop3A_265 = arith.addi %get3A_99, %parallel_loop3A_264 : vector<16xi32>
          %parallel_loop3A_266 = tpu.vector_load_idx %arg8[%parallel_loop3A_265] : memref<28672xf32, #tpu.memory_space<vmem>>[vector<16xi32>], vector<16xf32>,
          %parallel_loop3A_267 = arith.constant 96 : i32
          %parallel_loop3A_268 = arith.addi %parallel_loop3A_221, %parallel_loop3A_267 : i32
          %parallel_loop3A_269 = arith.index_cast %parallel_loop3A_268 : i32 to index
          %parallel_loop3A_270 = tpu.vector_load %arg10[%parallel_loop3A_269] {strides = array<i32>} : memref<28672xf32, #tpu.memory_space<vmem>>, vector<16xf32>,
          tpu.vector_store %arg10[%parallel_loop3A_269], %parallel_loop3A_266 {strides = array<i32>} : memref<28672xf32, #tpu.memory_space<vmem>>, vector<16xf32>,
          %parallel_loop3A_271 = vector.broadcast %parallel_loop3A_221 : i32 to vector<16xi32>
          %parallel_loop3A_272 = arith.addi %get3A_101, %parallel_loop3A_271 : vector<16xi32>
          %parallel_loop3A_273 = tpu.vector_load_idx %arg8[%parallel_loop3A_272] : memref<28672xf32, #tpu.memory_space<vmem>>[vector<16xi32>], vector<16xf32>,
          %parallel_loop3A_274 = arith.constant 112 : i32
          %parallel_loop3A_275 = arith.addi %parallel_loop3A_221, %parallel_loop3A_274 : i32
          %parallel_loop3A_276 = arith.index_cast %parallel_loop3A_275 : i32 to index
          %parallel_loop3A_277 = tpu.vector_load %arg10[%parallel_loop3A_276] {strides = array<i32>} : memref<28672xf32, #tpu.memory_space<vmem>>, vector<16xf32>,
          tpu.vector_store %arg10[%parallel_loop3A_276], %parallel_loop3A_273 {strides = array<i32>} : memref<28672xf32, #tpu.memory_space<vmem>>, vector<16xf32>,
          %parallel_loop3A_278 = vector.broadcast %parallel_loop3A_221 : i32 to vector<16xi32>
          %parallel_loop3A_279 = arith.addi %get3A_103, %parallel_loop3A_278 : vector<16xi32>
          %parallel_loop3A_280 = tpu.vector_load_idx %arg8[%parallel_loop3A_279] : memref<28672xf32, #tpu.memory_space<vmem>>[vector<16xi32>], vector<16xf32>,
          %parallel_loop3A_281 = arith.constant 1024 : i32
          %parallel_loop3A_282 = arith.addi %parallel_loop3A_221, %parallel_loop3A_281 : i32
          %parallel_loop3A_283 = arith.index_cast %parallel_loop3A_282 : i32 to index
          %parallel_loop3A_284 = tpu.vector_load %arg10[%parallel_loop3A_283] {strides = array<i32>} : memref<28672xf32, #tpu.memory_space<vmem>>, vector<16xf32>,
          tpu.vector_store %arg10[%parallel_loop3A_283], %parallel_loop3A_280 {strides = array<i32>} : memref<28672xf32, #tpu.memory_space<vmem>>, vector<16xf32>,
          %parallel_loop3A_285 = vector.broadcast %parallel_loop3A_221 : i32 to vector<16xi32>
          %parallel_loop3A_286 = arith.addi %get3A_105, %parallel_loop3A_285 : vector<16xi32>
          %parallel_loop3A_287 = tpu.vector_load_idx %arg8[%parallel_loop3A_286] : memref<28672xf32, #tpu.memory_space<vmem>>[vector<16xi32>], vector<16xf32>,
          %parallel_loop3A_288 = arith.constant 1040 : i32
          %parallel_loop3A_289 = arith.addi %parallel_loop3A_221, %parallel_loop3A_288 : i32
          %parallel_loop3A_290 = arith.index_cast %parallel_loop3A_289 : i32 to index
          %parallel_loop3A_291 = tpu.vector_load %arg10[%parallel_loop3A_290] {strides = array<i32>} : memref<28672xf32, #tpu.memory_space<vmem>>, vector<16xf32>,
          tpu.vector_store %arg10[%parallel_loop3A_290], %parallel_loop3A_287 {strides = array<i32>} : memref<28672xf32, #tpu.memory_space<vmem>>, vector<16xf32>,
          %parallel_loop3A_292 = vector.broadcast %parallel_loop3A_221 : i32 to vector<16xi32>
          %parallel_loop3A_293 = arith.addi %get3A_107, %parallel_loop3A_292 : vector<16xi32>
          %parallel_loop3A_294 = tpu.vector_load_idx %arg8[%parallel_loop3A_293] : memref<28672xf32, #tpu.memory_space<vmem>>[vector<16xi32>], vector<16xf32>,
          %parallel_loop3A_295 = arith.constant 1056 : i32
          %parallel_loop3A_296 = arith.addi %parallel_loop3A_221, %parallel_loop3A_295 : i32
          %parallel_loop3A_297 = arith.index_cast %parallel_loop3A_296 : i32 to index
          %parallel_loop3A_298 = tpu.vector_load %arg10[%parallel_loop3A_297] {strides = array<i32>} : memref<28672xf32, #tpu.memory_space<vmem>>, vector<16xf32>,
          tpu.vector_store %arg10[%parallel_loop3A_297], %parallel_loop3A_294 {strides = array<i32>} : memref<28672xf32, #tpu.memory_space<vmem>>, vector<16xf32>,
          %parallel_loop3A_299 = vector.broadcast %parallel_loop3A_221 : i32 to vector<16xi32>
          %parallel_loop3A_300 = arith.addi %get3A_109, %parallel_loop3A_299 : vector<16xi32>
          %parallel_loop3A_301 = tpu.vector_load_idx %arg8[%parallel_loop3A_300] : memref<28672xf32, #tpu.memory_space<vmem>>[vector<16xi32>], vector<16xf32>,
          %parallel_loop3A_302 = arith.constant 1072 : i32
          %parallel_loop3A_303 = arith.addi %parallel_loop3A_221, %parallel_loop3A_302 : i32
          %parallel_loop3A_304 = arith.index_cast %parallel_loop3A_303 : i32 to index
          %parallel_loop3A_305 = tpu.vector_load %arg10[%parallel_loop3A_304] {strides = array<i32>} : memref<28672xf32, #tpu.memory_space<vmem>>, vector<16xf32>,
          tpu.vector_store %arg10[%parallel_loop3A_304], %parallel_loop3A_301 {strides = array<i32>} : memref<28672xf32, #tpu.memory_space<vmem>>, vector<16xf32>,
          %parallel_loop3A_306 = vector.broadcast %parallel_loop3A_221 : i32 to vector<16xi32>
          %parallel_loop3A_307 = arith.addi %get3A_111, %parallel_loop3A_306 : vector<16xi32>
          %parallel_loop3A_308 = tpu.vector_load_idx %arg8[%parallel_loop3A_307] : memref<28672xf32, #tpu.memory_space<vmem>>[vector<16xi32>], vector<16xf32>,
          %parallel_loop3A_309 = arith.constant 1088 : i32
          %parallel_loop3A_310 = arith.addi %parallel_loop3A_221, %parallel_loop3A_309 : i32
          %parallel_loop3A_311 = arith.index_cast %parallel_loop3A_310 : i32 to index
          %parallel_loop3A_312 = tpu.vector_load %arg10[%parallel_loop3A_311] {strides = array<i32>} : memref<28672xf32, #tpu.memory_space<vmem>>, vector<16xf32>,
          tpu.vector_store %arg10[%parallel_loop3A_311], %parallel_loop3A_308 {strides = array<i32>} : memref<28672xf32, #tpu.memory_space<vmem>>, vector<16xf32>,
          %parallel_loop3A_313 = vector.broadcast %parallel_loop3A_221 : i32 to vector<16xi32>
          %parallel_loop3A_314 = arith.addi %get3A_113, %parallel_loop3A_313 : vector<16xi32>
          %parallel_loop3A_315 = tpu.vector_load_idx %arg8[%parallel_loop3A_314] : memref<28672xf32, #tpu.memory_space<vmem>>[vector<16xi32>], vector<16xf32>,
          %parallel_loop3A_316 = arith.constant 1104 : i32
          %parallel_loop3A_317 = arith.addi %parallel_loop3A_221, %parallel_loop3A_316 : i32
          %parallel_loop3A_318 = arith.index_cast %parallel_loop3A_317 : i32 to index
          %parallel_loop3A_319 = tpu.vector_load %arg10[%parallel_loop3A_318] {strides = array<i32>} : memref<28672xf32, #tpu.memory_space<vmem>>, vector<16xf32>,
          tpu.vector_store %arg10[%parallel_loop3A_318], %parallel_loop3A_315 {strides = array<i32>} : memref<28672xf32, #tpu.memory_space<vmem>>, vector<16xf32>,
          %parallel_loop3A_320 = vector.broadcast %parallel_loop3A_221 : i32 to vector<16xi32>
          %parallel_loop3A_321 = arith.addi %get3A_115, %parallel_loop3A_320 : vector<16xi32>
          %parallel_loop3A_322 = tpu.vector_load_idx %arg8[%parallel_loop3A_321] : memref<28672xf32, #tpu.memory_space<vmem>>[vector<16xi32>], vector<16xf32>,
          %parallel_loop3A_323 = arith.constant 1120 : i32
          %parallel_loop3A_324 = arith.addi %parallel_loop3A_221, %parallel_loop3A_323 : i32
          %parallel_loop3A_325 = arith.index_cast %parallel_loop3A_324 : i32 to index
          %parallel_loop3A_326 = tpu.vector_load %arg10[%parallel_loop3A_325] {strides = array<i32>} : memref<28672xf32, #tpu.memory_space<vmem>>, vector<16xf32>,
          tpu.vector_store %arg10[%parallel_loop3A_325], %parallel_loop3A_322 {strides = array<i32>} : memref<28672xf32, #tpu.memory_space<vmem>>, vector<16xf32>,
          %parallel_loop3A_327 = vector.broadcast %parallel_loop3A_221 : i32 to vector<16xi32>
          %parallel_loop3A_328 = arith.addi %get3A_117, %parallel_loop3A_327 : vector<16xi32>
          %parallel_loop3A_329 = tpu.vector_load_idx %arg8[%parallel_loop3A_328] : memref<28672xf32, #tpu.memory_space<vmem>>[vector<16xi32>], vector<16xf32>,
          %parallel_loop3A_330 = arith.constant 1136 : i32
          %parallel_loop3A_331 = arith.addi %parallel_loop3A_221, %parallel_loop3A_330 : i32
          %parallel_loop3A_332 = arith.index_cast %parallel_loop3A_331 : i32 to index
          %parallel_loop3A_333 = tpu.vector_load %arg10[%parallel_loop3A_332] {strides = array<i32>} : memref<28672xf32, #tpu.memory_space<vmem>>, vector<16xf32>,
          tpu.vector_store %arg10[%parallel_loop3A_332], %parallel_loop3A_329 {strides = array<i32>} : memref<28672xf32, #tpu.memory_space<vmem>>, vector<16xf32>,
        } {sc.loop_unroll_factor = 2 : i64, sc.parallel_access}
        %parallel_loop3A_156 = arith.constant 0 : i32
        %parallel_loop3A_157 = arith.constant 56 : i32
        %parallel_loop3A_158 = arith.constant 1 : i32
        scf.for %parallel_loop3A_212 = %parallel_loop3A_156 to %parallel_loop3A_157 step %parallel_loop3A_158  : i32 {
          %parallel_loop3A_213 = arith.constant 128 : i32
          %parallel_loop3A_214 = arith.muli %parallel_loop3A_212, %parallel_loop3A_213 : i32
          %parallel_loop3A_215 = arith.constant 0 : i32
          %parallel_loop3A_216 = arith.addi %parallel_loop3A_215, %parallel_loop3A_214 : i32
          %parallel_loop3A_217 = arith.constant 3 : i32
          %parallel_loop3A_218 = arith.shrui %parallel_loop3A_212, %parallel_loop3A_217 : i32
          %parallel_loop3A_219 = arith.constant 1024 : i32
          %parallel_loop3A_220 = arith.muli %parallel_loop3A_218, %parallel_loop3A_219 : i32
          %parallel_loop3A_221 = arith.addi %parallel_loop3A_216, %parallel_loop3A_220 : i32
          %parallel_loop3A_222 = arith.constant 16 : i32
          %parallel_loop3A_223 = arith.cmpi slt, %scan3A_76, %parallel_loop3A_222 : i32
          %parallel_loop3A_224 = arith.extui %parallel_loop3A_223 : i1 to i32
          %parallel_loop3A_225 = arith.constant 0 : i32
          %parallel_loop3A_226 = arith.cmpi ne, %parallel_loop3A_224, %parallel_loop3A_225 : i32
          scf.if %parallel_loop3A_226 {
            %parallel_loop3A_302 = arith.constant 0 : i32
            %parallel_loop3A_303 = arith.addi %parallel_loop3A_221, %parallel_loop3A_302 : i32
            %parallel_loop3A_304 = arith.index_cast %parallel_loop3A_303 : i32 to index
            %parallel_loop3A_305 = tpu.vector_load %arg10[%parallel_loop3A_304] {strides = array<i32>} : memref<28672xf32, #tpu.memory_space<vmem>>, vector<16xf32>,
            %parallel_loop3A_306 = arith.constant 0 : i32
            %parallel_loop3A_307 = vector.broadcast %parallel_loop3A_306 : i32 to vector<16xi32>
            %parallel_loop3A_308 = arith.addi %iota3A, %parallel_loop3A_307 : vector<16xi32>
            %parallel_loop3A_309 = arith.cmpi slt, %parallel_loop3A_308, %broadcast_in_dim3A_78 : vector<16xi32>
            %parallel_loop3A_310 = arith.select %parallel_loop3A_309, %parallel_loop3A_305, %broadcast_in_dim3A_80 : vector<16xi1>, vector<16xf32>
            %parallel_loop3A_311 = arith.constant 0 : i32
            %parallel_loop3A_312 = arith.addi %parallel_loop3A_221, %parallel_loop3A_311 : i32
            %parallel_loop3A_313 = arith.index_cast %parallel_loop3A_312 : i32 to index
            %parallel_loop3A_314 = tpu.vector_load %arg10[%parallel_loop3A_313] {strides = array<i32>} : memref<28672xf32, #tpu.memory_space<vmem>>, vector<16xf32>,
            tpu.vector_store %arg10[%parallel_loop3A_313], %parallel_loop3A_310 {strides = array<i32>} : memref<28672xf32, #tpu.memory_space<vmem>>, vector<16xf32>,
          } else {
          }
          %parallel_loop3A_227 = arith.constant 32 : i32
          %parallel_loop3A_228 = arith.cmpi slt, %scan3A_76, %parallel_loop3A_227 : i32
          %parallel_loop3A_229 = arith.extui %parallel_loop3A_228 : i1 to i32
          %parallel_loop3A_230 = arith.constant 0 : i32
          %parallel_loop3A_231 = arith.cmpi ne, %parallel_loop3A_229, %parallel_loop3A_230 : i32
          scf.if %parallel_loop3A_231 {
            %parallel_loop3A_302 = arith.constant 16 : i32
            %parallel_loop3A_303 = arith.addi %parallel_loop3A_221, %parallel_loop3A_302 : i32
            %parallel_loop3A_304 = arith.index_cast %parallel_loop3A_303 : i32 to index
            %parallel_loop3A_305 = tpu.vector_load %arg10[%parallel_loop3A_304] {strides = array<i32>} : memref<28672xf32, #tpu.memory_space<vmem>>, vector<16xf32>,
            %parallel_loop3A_306 = arith.constant 16 : i32
            %parallel_loop3A_307 = vector.broadcast %parallel_loop3A_306 : i32 to vector<16xi32>
            %parallel_loop3A_308 = arith.addi %iota3A, %parallel_loop3A_307 : vector<16xi32>
            %parallel_loop3A_309 = arith.cmpi slt, %parallel_loop3A_308, %broadcast_in_dim3A_78 : vector<16xi32>
            %parallel_loop3A_310 = arith.select %parallel_loop3A_309, %parallel_loop3A_305, %broadcast_in_dim3A_80 : vector<16xi1>, vector<16xf32>
            %parallel_loop3A_311 = arith.constant 16 : i32
            %parallel_loop3A_312 = arith.addi %parallel_loop3A_221, %parallel_loop3A_311 : i32
            %parallel_loop3A_313 = arith.index_cast %parallel_loop3A_312 : i32 to index
            %parallel_loop3A_314 = tpu.vector_load %arg10[%parallel_loop3A_313] {strides = array<i32>} : memref<28672xf32, #tpu.memory_space<vmem>>, vector<16xf32>,
            tpu.vector_store %arg10[%parallel_loop3A_313], %parallel_loop3A_310 {strides = array<i32>} : memref<28672xf32, #tpu.memory_space<vmem>>, vector<16xf32>,
          } else {
          }
          %parallel_loop3A_232 = arith.constant 48 : i32
          %parallel_loop3A_233 = arith.cmpi slt, %scan3A_76, %parallel_loop3A_232 : i32
          %parallel_loop3A_234 = arith.extui %parallel_loop3A_233 : i1 to i32
          %parallel_loop3A_235 = arith.constant 0 : i32
          %parallel_loop3A_236 = arith.cmpi ne, %parallel_loop3A_234, %parallel_loop3A_235 : i32
          scf.if %parallel_loop3A_236 {
            %parallel_loop3A_302 = arith.constant 32 : i32
            %parallel_loop3A_303 = arith.addi %parallel_loop3A_221, %parallel_loop3A_302 : i32
            %parallel_loop3A_304 = arith.index_cast %parallel_loop3A_303 : i32 to index
            %parallel_loop3A_305 = tpu.vector_load %arg10[%parallel_loop3A_304] {strides = array<i32>} : memref<28672xf32, #tpu.memory_space<vmem>>, vector<16xf32>,
            %parallel_loop3A_306 = arith.constant 32 : i32
            %parallel_loop3A_307 = vector.broadcast %parallel_loop3A_306 : i32 to vector<16xi32>
            %parallel_loop3A_308 = arith.addi %iota3A, %parallel_loop3A_307 : vector<16xi32>
            %parallel_loop3A_309 = arith.cmpi slt, %parallel_loop3A_308, %broadcast_in_dim3A_78 : vector<16xi32>
            %parallel_loop3A_310 = arith.select %parallel_loop3A_309, %parallel_loop3A_305, %broadcast_in_dim3A_80 : vector<16xi1>, vector<16xf32>
            %parallel_loop3A_311 = arith.constant 32 : i32
            %parallel_loop3A_312 = arith.addi %parallel_loop3A_221, %parallel_loop3A_311 : i32
            %parallel_loop3A_313 = arith.index_cast %parallel_loop3A_312 : i32 to index
            %parallel_loop3A_314 = tpu.vector_load %arg10[%parallel_loop3A_313] {strides = array<i32>} : memref<28672xf32, #tpu.memory_space<vmem>>, vector<16xf32>,
            tpu.vector_store %arg10[%parallel_loop3A_313], %parallel_loop3A_310 {strides = array<i32>} : memref<28672xf32, #tpu.memory_space<vmem>>, vector<16xf32>,
          } else {
          }
          %parallel_loop3A_237 = arith.constant 64 : i32
          %parallel_loop3A_238 = arith.cmpi slt, %scan3A_76, %parallel_loop3A_237 : i32
          %parallel_loop3A_239 = arith.extui %parallel_loop3A_238 : i1 to i32
          %parallel_loop3A_240 = arith.constant 0 : i32
          %parallel_loop3A_241 = arith.cmpi ne, %parallel_loop3A_239, %parallel_loop3A_240 : i32
          scf.if %parallel_loop3A_241 {
            %parallel_loop3A_302 = arith.constant 48 : i32
            %parallel_loop3A_303 = arith.addi %parallel_loop3A_221, %parallel_loop3A_302 : i32
            %parallel_loop3A_304 = arith.index_cast %parallel_loop3A_303 : i32 to index
            %parallel_loop3A_305 = tpu.vector_load %arg10[%parallel_loop3A_304] {strides = array<i32>} : memref<28672xf32, #tpu.memory_space<vmem>>, vector<16xf32>,
            %parallel_loop3A_306 = arith.constant 48 : i32
            %parallel_loop3A_307 = vector.broadcast %parallel_loop3A_306 : i32 to vector<16xi32>
            %parallel_loop3A_308 = arith.addi %iota3A, %parallel_loop3A_307 : vector<16xi32>
            %parallel_loop3A_309 = arith.cmpi slt, %parallel_loop3A_308, %broadcast_in_dim3A_78 : vector<16xi32>
            %parallel_loop3A_310 = arith.select %parallel_loop3A_309, %parallel_loop3A_305, %broadcast_in_dim3A_80 : vector<16xi1>, vector<16xf32>
            %parallel_loop3A_311 = arith.constant 48 : i32
            %parallel_loop3A_312 = arith.addi %parallel_loop3A_221, %parallel_loop3A_311 : i32
            %parallel_loop3A_313 = arith.index_cast %parallel_loop3A_312 : i32 to index
            %parallel_loop3A_314 = tpu.vector_load %arg10[%parallel_loop3A_313] {strides = array<i32>} : memref<28672xf32, #tpu.memory_space<vmem>>, vector<16xf32>,
            tpu.vector_store %arg10[%parallel_loop3A_313], %parallel_loop3A_310 {strides = array<i32>} : memref<28672xf32, #tpu.memory_space<vmem>>, vector<16xf32>,
          } else {
          }
          %parallel_loop3A_242 = arith.constant 80 : i32
          %parallel_loop3A_243 = arith.cmpi slt, %scan3A_76, %parallel_loop3A_242 : i32
          %parallel_loop3A_244 = arith.extui %parallel_loop3A_243 : i1 to i32
          %parallel_loop3A_245 = arith.constant 0 : i32
          %parallel_loop3A_246 = arith.cmpi ne, %parallel_loop3A_244, %parallel_loop3A_245 : i32
          scf.if %parallel_loop3A_246 {
            %parallel_loop3A_302 = arith.constant 64 : i32
            %parallel_loop3A_303 = arith.addi %parallel_loop3A_221, %parallel_loop3A_302 : i32
            %parallel_loop3A_304 = arith.index_cast %parallel_loop3A_303 : i32 to index
            %parallel_loop3A_305 = tpu.vector_load %arg10[%parallel_loop3A_304] {strides = array<i32>} : memref<28672xf32, #tpu.memory_space<vmem>>, vector<16xf32>,
            %parallel_loop3A_306 = arith.constant 64 : i32
            %parallel_loop3A_307 = vector.broadcast %parallel_loop3A_306 : i32 to vector<16xi32>
            %parallel_loop3A_308 = arith.addi %iota3A, %parallel_loop3A_307 : vector<16xi32>
            %parallel_loop3A_309 = arith.cmpi slt, %parallel_loop3A_308, %broadcast_in_dim3A_78 : vector<16xi32>
            %parallel_loop3A_310 = arith.select %parallel_loop3A_309, %parallel_loop3A_305, %broadcast_in_dim3A_80 : vector<16xi1>, vector<16xf32>
            %parallel_loop3A_311 = arith.constant 64 : i32
            %parallel_loop3A_312 = arith.addi %parallel_loop3A_221, %parallel_loop3A_311 : i32
            %parallel_loop3A_313 = arith.index_cast %parallel_loop3A_312 : i32 to index
            %parallel_loop3A_314 = tpu.vector_load %arg10[%parallel_loop3A_313] {strides = array<i32>} : memref<28672xf32, #tpu.memory_space<vmem>>, vector<16xf32>,
            tpu.vector_store %arg10[%parallel_loop3A_313], %parallel_loop3A_310 {strides = array<i32>} : memref<28672xf32, #tpu.memory_space<vmem>>, vector<16xf32>,
          } else {
          }
          %parallel_loop3A_247 = arith.constant 96 : i32
          %parallel_loop3A_248 = arith.cmpi slt, %scan3A_76, %parallel_loop3A_247 : i32
          %parallel_loop3A_249 = arith.extui %parallel_loop3A_248 : i1 to i32
          %parallel_loop3A_250 = arith.constant 0 : i32
          %parallel_loop3A_251 = arith.cmpi ne, %parallel_loop3A_249, %parallel_loop3A_250 : i32
          scf.if %parallel_loop3A_251 {
            %parallel_loop3A_302 = arith.constant 80 : i32
            %parallel_loop3A_303 = arith.addi %parallel_loop3A_221, %parallel_loop3A_302 : i32
            %parallel_loop3A_304 = arith.index_cast %parallel_loop3A_303 : i32 to index
            %parallel_loop3A_305 = tpu.vector_load %arg10[%parallel_loop3A_304] {strides = array<i32>} : memref<28672xf32, #tpu.memory_space<vmem>>, vector<16xf32>,
            %parallel_loop3A_306 = arith.constant 80 : i32
            %parallel_loop3A_307 = vector.broadcast %parallel_loop3A_306 : i32 to vector<16xi32>
            %parallel_loop3A_308 = arith.addi %iota3A, %parallel_loop3A_307 : vector<16xi32>
            %parallel_loop3A_309 = arith.cmpi slt, %parallel_loop3A_308, %broadcast_in_dim3A_78 : vector<16xi32>
            %parallel_loop3A_310 = arith.select %parallel_loop3A_309, %parallel_loop3A_305, %broadcast_in_dim3A_80 : vector<16xi1>, vector<16xf32>
            %parallel_loop3A_311 = arith.constant 80 : i32
            %parallel_loop3A_312 = arith.addi %parallel_loop3A_221, %parallel_loop3A_311 : i32
            %parallel_loop3A_313 = arith.index_cast %parallel_loop3A_312 : i32 to index
            %parallel_loop3A_314 = tpu.vector_load %arg10[%parallel_loop3A_313] {strides = array<i32>} : memref<28672xf32, #tpu.memory_space<vmem>>, vector<16xf32>,
            tpu.vector_store %arg10[%parallel_loop3A_313], %parallel_loop3A_310 {strides = array<i32>} : memref<28672xf32, #tpu.memory_space<vmem>>, vector<16xf32>,
          } else {
          }
          %parallel_loop3A_252 = arith.constant 112 : i32
          %parallel_loop3A_253 = arith.cmpi slt, %scan3A_76, %parallel_loop3A_252 : i32
          %parallel_loop3A_254 = arith.extui %parallel_loop3A_253 : i1 to i32
          %parallel_loop3A_255 = arith.constant 0 : i32
          %parallel_loop3A_256 = arith.cmpi ne, %parallel_loop3A_254, %parallel_loop3A_255 : i32
          scf.if %parallel_loop3A_256 {
            %parallel_loop3A_302 = arith.constant 96 : i32
            %parallel_loop3A_303 = arith.addi %parallel_loop3A_221, %parallel_loop3A_302 : i32
            %parallel_loop3A_304 = arith.index_cast %parallel_loop3A_303 : i32 to index
            %parallel_loop3A_305 = tpu.vector_load %arg10[%parallel_loop3A_304] {strides = array<i32>} : memref<28672xf32, #tpu.memory_space<vmem>>, vector<16xf32>,
            %parallel_loop3A_306 = arith.constant 96 : i32
            %parallel_loop3A_307 = vector.broadcast %parallel_loop3A_306 : i32 to vector<16xi32>
            %parallel_loop3A_308 = arith.addi %iota3A, %parallel_loop3A_307 : vector<16xi32>
            %parallel_loop3A_309 = arith.cmpi slt, %parallel_loop3A_308, %broadcast_in_dim3A_78 : vector<16xi32>
            %parallel_loop3A_310 = arith.select %parallel_loop3A_309, %parallel_loop3A_305, %broadcast_in_dim3A_80 : vector<16xi1>, vector<16xf32>
            %parallel_loop3A_311 = arith.constant 96 : i32
            %parallel_loop3A_312 = arith.addi %parallel_loop3A_221, %parallel_loop3A_311 : i32
            %parallel_loop3A_313 = arith.index_cast %parallel_loop3A_312 : i32 to index
            %parallel_loop3A_314 = tpu.vector_load %arg10[%parallel_loop3A_313] {strides = array<i32>} : memref<28672xf32, #tpu.memory_space<vmem>>, vector<16xf32>,
            tpu.vector_store %arg10[%parallel_loop3A_313], %parallel_loop3A_310 {strides = array<i32>} : memref<28672xf32, #tpu.memory_space<vmem>>, vector<16xf32>,
          } else {
          }
          %parallel_loop3A_257 = arith.constant 128 : i32
          %parallel_loop3A_258 = arith.cmpi slt, %scan3A_76, %parallel_loop3A_257 : i32
          %parallel_loop3A_259 = arith.extui %parallel_loop3A_258 : i1 to i32
          %parallel_loop3A_260 = arith.constant 0 : i32
          %parallel_loop3A_261 = arith.cmpi ne, %parallel_loop3A_259, %parallel_loop3A_260 : i32
          scf.if %parallel_loop3A_261 {
            %parallel_loop3A_302 = arith.constant 112 : i32
            %parallel_loop3A_303 = arith.addi %parallel_loop3A_221, %parallel_loop3A_302 : i32
            %parallel_loop3A_304 = arith.index_cast %parallel_loop3A_303 : i32 to index
            %parallel_loop3A_305 = tpu.vector_load %arg10[%parallel_loop3A_304] {strides = array<i32>} : memref<28672xf32, #tpu.memory_space<vmem>>, vector<16xf32>,
            %parallel_loop3A_306 = arith.constant 112 : i32
            %parallel_loop3A_307 = vector.broadcast %parallel_loop3A_306 : i32 to vector<16xi32>
            %parallel_loop3A_308 = arith.addi %iota3A, %parallel_loop3A_307 : vector<16xi32>
            %parallel_loop3A_309 = arith.cmpi slt, %parallel_loop3A_308, %broadcast_in_dim3A_78 : vector<16xi32>
            %parallel_loop3A_310 = arith.select %parallel_loop3A_309, %parallel_loop3A_305, %broadcast_in_dim3A_80 : vector<16xi1>, vector<16xf32>
            %parallel_loop3A_311 = arith.constant 112 : i32
            %parallel_loop3A_312 = arith.addi %parallel_loop3A_221, %parallel_loop3A_311 : i32
            %parallel_loop3A_313 = arith.index_cast %parallel_loop3A_312 : i32 to index
            %parallel_loop3A_314 = tpu.vector_load %arg10[%parallel_loop3A_313] {strides = array<i32>} : memref<28672xf32, #tpu.memory_space<vmem>>, vector<16xf32>,
            tpu.vector_store %arg10[%parallel_loop3A_313], %parallel_loop3A_310 {strides = array<i32>} : memref<28672xf32, #tpu.memory_space<vmem>>, vector<16xf32>,
          } else {
          }
          %parallel_loop3A_262 = arith.constant 144 : i32
          %parallel_loop3A_263 = arith.cmpi slt, %scan3A_76, %parallel_loop3A_262 : i32
          %parallel_loop3A_264 = arith.extui %parallel_loop3A_263 : i1 to i32
          %parallel_loop3A_265 = arith.constant 0 : i32
          %parallel_loop3A_266 = arith.cmpi ne, %parallel_loop3A_264, %parallel_loop3A_265 : i32
          scf.if %parallel_loop3A_266 {
            %parallel_loop3A_302 = arith.constant 1024 : i32
            %parallel_loop3A_303 = arith.addi %parallel_loop3A_221, %parallel_loop3A_302 : i32
            %parallel_loop3A_304 = arith.index_cast %parallel_loop3A_303 : i32 to index
            %parallel_loop3A_305 = tpu.vector_load %arg10[%parallel_loop3A_304] {strides = array<i32>} : memref<28672xf32, #tpu.memory_space<vmem>>, vector<16xf32>,
            %parallel_loop3A_306 = arith.constant 128 : i32
            %parallel_loop3A_307 = vector.broadcast %parallel_loop3A_306 : i32 to vector<16xi32>
            %parallel_loop3A_308 = arith.addi %iota3A, %parallel_loop3A_307 : vector<16xi32>
            %parallel_loop3A_309 = arith.cmpi slt, %parallel_loop3A_308, %broadcast_in_dim3A_78 : vector<16xi32>
            %parallel_loop3A_310 = arith.select %parallel_loop3A_309, %parallel_loop3A_305, %broadcast_in_dim3A_80 : vector<16xi1>, vector<16xf32>
            %parallel_loop3A_311 = arith.constant 1024 : i32
            %parallel_loop3A_312 = arith.addi %parallel_loop3A_221, %parallel_loop3A_311 : i32
            %parallel_loop3A_313 = arith.index_cast %parallel_loop3A_312 : i32 to index
            %parallel_loop3A_314 = tpu.vector_load %arg10[%parallel_loop3A_313] {strides = array<i32>} : memref<28672xf32, #tpu.memory_space<vmem>>, vector<16xf32>,
            tpu.vector_store %arg10[%parallel_loop3A_313], %parallel_loop3A_310 {strides = array<i32>} : memref<28672xf32, #tpu.memory_space<vmem>>, vector<16xf32>,
          } else {
          }
          %parallel_loop3A_267 = arith.constant 160 : i32
          %parallel_loop3A_268 = arith.cmpi slt, %scan3A_76, %parallel_loop3A_267 : i32
          %parallel_loop3A_269 = arith.extui %parallel_loop3A_268 : i1 to i32
          %parallel_loop3A_270 = arith.constant 0 : i32
          %parallel_loop3A_271 = arith.cmpi ne, %parallel_loop3A_269, %parallel_loop3A_270 : i32
          scf.if %parallel_loop3A_271 {
            %parallel_loop3A_302 = arith.constant 1040 : i32
            %parallel_loop3A_303 = arith.addi %parallel_loop3A_221, %parallel_loop3A_302 : i32
            %parallel_loop3A_304 = arith.index_cast %parallel_loop3A_303 : i32 to index
            %parallel_loop3A_305 = tpu.vector_load %arg10[%parallel_loop3A_304] {strides = array<i32>} : memref<28672xf32, #tpu.memory_space<vmem>>, vector<16xf32>,
            %parallel_loop3A_306 = arith.constant 144 : i32
            %parallel_loop3A_307 = vector.broadcast %parallel_loop3A_306 : i32 to vector<16xi32>
            %parallel_loop3A_308 = arith.addi %iota3A, %parallel_loop3A_307 : vector<16xi32>
            %parallel_loop3A_309 = arith.cmpi slt, %parallel_loop3A_308, %broadcast_in_dim3A_78 : vector<16xi32>
            %parallel_loop3A_310 = arith.select %parallel_loop3A_309, %parallel_loop3A_305, %broadcast_in_dim3A_80 : vector<16xi1>, vector<16xf32>
            %parallel_loop3A_311 = arith.constant 1040 : i32
            %parallel_loop3A_312 = arith.addi %parallel_loop3A_221, %parallel_loop3A_311 : i32
            %parallel_loop3A_313 = arith.index_cast %parallel_loop3A_312 : i32 to index
            %parallel_loop3A_314 = tpu.vector_load %arg10[%parallel_loop3A_313] {strides = array<i32>} : memref<28672xf32, #tpu.memory_space<vmem>>, vector<16xf32>,
            tpu.vector_store %arg10[%parallel_loop3A_313], %parallel_loop3A_310 {strides = array<i32>} : memref<28672xf32, #tpu.memory_space<vmem>>, vector<16xf32>,
          } else {
          }
          %parallel_loop3A_272 = arith.constant 176 : i32
          %parallel_loop3A_273 = arith.cmpi slt, %scan3A_76, %parallel_loop3A_272 : i32
          %parallel_loop3A_274 = arith.extui %parallel_loop3A_273 : i1 to i32
          %parallel_loop3A_275 = arith.constant 0 : i32
          %parallel_loop3A_276 = arith.cmpi ne, %parallel_loop3A_274, %parallel_loop3A_275 : i32
          scf.if %parallel_loop3A_276 {
            %parallel_loop3A_302 = arith.constant 1056 : i32
            %parallel_loop3A_303 = arith.addi %parallel_loop3A_221, %parallel_loop3A_302 : i32
            %parallel_loop3A_304 = arith.index_cast %parallel_loop3A_303 : i32 to index
            %parallel_loop3A_305 = tpu.vector_load %arg10[%parallel_loop3A_304] {strides = array<i32>} : memref<28672xf32, #tpu.memory_space<vmem>>, vector<16xf32>,
            %parallel_loop3A_306 = arith.constant 160 : i32
            %parallel_loop3A_307 = vector.broadcast %parallel_loop3A_306 : i32 to vector<16xi32>
            %parallel_loop3A_308 = arith.addi %iota3A, %parallel_loop3A_307 : vector<16xi32>
            %parallel_loop3A_309 = arith.cmpi slt, %parallel_loop3A_308, %broadcast_in_dim3A_78 : vector<16xi32>
            %parallel_loop3A_310 = arith.select %parallel_loop3A_309, %parallel_loop3A_305, %broadcast_in_dim3A_80 : vector<16xi1>, vector<16xf32>
            %parallel_loop3A_311 = arith.constant 1056 : i32
            %parallel_loop3A_312 = arith.addi %parallel_loop3A_221, %parallel_loop3A_311 : i32
            %parallel_loop3A_313 = arith.index_cast %parallel_loop3A_312 : i32 to index
            %parallel_loop3A_314 = tpu.vector_load %arg10[%parallel_loop3A_313] {strides = array<i32>} : memref<28672xf32, #tpu.memory_space<vmem>>, vector<16xf32>,
            tpu.vector_store %arg10[%parallel_loop3A_313], %parallel_loop3A_310 {strides = array<i32>} : memref<28672xf32, #tpu.memory_space<vmem>>, vector<16xf32>,
          } else {
          }
          %parallel_loop3A_277 = arith.constant 192 : i32
          %parallel_loop3A_278 = arith.cmpi slt, %scan3A_76, %parallel_loop3A_277 : i32
          %parallel_loop3A_279 = arith.extui %parallel_loop3A_278 : i1 to i32
          %parallel_loop3A_280 = arith.constant 0 : i32
          %parallel_loop3A_281 = arith.cmpi ne, %parallel_loop3A_279, %parallel_loop3A_280 : i32
          scf.if %parallel_loop3A_281 {
            %parallel_loop3A_302 = arith.constant 1072 : i32
            %parallel_loop3A_303 = arith.addi %parallel_loop3A_221, %parallel_loop3A_302 : i32
            %parallel_loop3A_304 = arith.index_cast %parallel_loop3A_303 : i32 to index
            %parallel_loop3A_305 = tpu.vector_load %arg10[%parallel_loop3A_304] {strides = array<i32>} : memref<28672xf32, #tpu.memory_space<vmem>>, vector<16xf32>,
            %parallel_loop3A_306 = arith.constant 176 : i32
            %parallel_loop3A_307 = vector.broadcast %parallel_loop3A_306 : i32 to vector<16xi32>
            %parallel_loop3A_308 = arith.addi %iota3A, %parallel_loop3A_307 : vector<16xi32>
            %parallel_loop3A_309 = arith.cmpi slt, %parallel_loop3A_308, %broadcast_in_dim3A_78 : vector<16xi32>
            %parallel_loop3A_310 = arith.select %parallel_loop3A_309, %parallel_loop3A_305, %broadcast_in_dim3A_80 : vector<16xi1>, vector<16xf32>
            %parallel_loop3A_311 = arith.constant 1072 : i32
            %parallel_loop3A_312 = arith.addi %parallel_loop3A_221, %parallel_loop3A_311 : i32
            %parallel_loop3A_313 = arith.index_cast %parallel_loop3A_312 : i32 to index
            %parallel_loop3A_314 = tpu.vector_load %arg10[%parallel_loop3A_313] {strides = array<i32>} : memref<28672xf32, #tpu.memory_space<vmem>>, vector<16xf32>,
            tpu.vector_store %arg10[%parallel_loop3A_313], %parallel_loop3A_310 {strides = array<i32>} : memref<28672xf32, #tpu.memory_space<vmem>>, vector<16xf32>,
          } else {
          }
          %parallel_loop3A_282 = arith.constant 208 : i32
          %parallel_loop3A_283 = arith.cmpi slt, %scan3A_76, %parallel_loop3A_282 : i32
          %parallel_loop3A_284 = arith.extui %parallel_loop3A_283 : i1 to i32
          %parallel_loop3A_285 = arith.constant 0 : i32
          %parallel_loop3A_286 = arith.cmpi ne, %parallel_loop3A_284, %parallel_loop3A_285 : i32
          scf.if %parallel_loop3A_286 {
            %parallel_loop3A_302 = arith.constant 1088 : i32
            %parallel_loop3A_303 = arith.addi %parallel_loop3A_221, %parallel_loop3A_302 : i32
            %parallel_loop3A_304 = arith.index_cast %parallel_loop3A_303 : i32 to index
            %parallel_loop3A_305 = tpu.vector_load %arg10[%parallel_loop3A_304] {strides = array<i32>} : memref<28672xf32, #tpu.memory_space<vmem>>, vector<16xf32>,
            %parallel_loop3A_306 = arith.constant 192 : i32
            %parallel_loop3A_307 = vector.broadcast %parallel_loop3A_306 : i32 to vector<16xi32>
            %parallel_loop3A_308 = arith.addi %iota3A, %parallel_loop3A_307 : vector<16xi32>
            %parallel_loop3A_309 = arith.cmpi slt, %parallel_loop3A_308, %broadcast_in_dim3A_78 : vector<16xi32>
            %parallel_loop3A_310 = arith.select %parallel_loop3A_309, %parallel_loop3A_305, %broadcast_in_dim3A_80 : vector<16xi1>, vector<16xf32>
            %parallel_loop3A_311 = arith.constant 1088 : i32
            %parallel_loop3A_312 = arith.addi %parallel_loop3A_221, %parallel_loop3A_311 : i32
            %parallel_loop3A_313 = arith.index_cast %parallel_loop3A_312 : i32 to index
            %parallel_loop3A_314 = tpu.vector_load %arg10[%parallel_loop3A_313] {strides = array<i32>} : memref<28672xf32, #tpu.memory_space<vmem>>, vector<16xf32>,
            tpu.vector_store %arg10[%parallel_loop3A_313], %parallel_loop3A_310 {strides = array<i32>} : memref<28672xf32, #tpu.memory_space<vmem>>, vector<16xf32>,
          } else {
          }
          %parallel_loop3A_287 = arith.constant 224 : i32
          %parallel_loop3A_288 = arith.cmpi slt, %scan3A_76, %parallel_loop3A_287 : i32
          %parallel_loop3A_289 = arith.extui %parallel_loop3A_288 : i1 to i32
          %parallel_loop3A_290 = arith.constant 0 : i32
          %parallel_loop3A_291 = arith.cmpi ne, %parallel_loop3A_289, %parallel_loop3A_290 : i32
          scf.if %parallel_loop3A_291 {
            %parallel_loop3A_302 = arith.constant 1104 : i32
            %parallel_loop3A_303 = arith.addi %parallel_loop3A_221, %parallel_loop3A_302 : i32
            %parallel_loop3A_304 = arith.index_cast %parallel_loop3A_303 : i32 to index
            %parallel_loop3A_305 = tpu.vector_load %arg10[%parallel_loop3A_304] {strides = array<i32>} : memref<28672xf32, #tpu.memory_space<vmem>>, vector<16xf32>,
            %parallel_loop3A_306 = arith.constant 208 : i32
            %parallel_loop3A_307 = vector.broadcast %parallel_loop3A_306 : i32 to vector<16xi32>
            %parallel_loop3A_308 = arith.addi %iota3A, %parallel_loop3A_307 : vector<16xi32>
            %parallel_loop3A_309 = arith.cmpi slt, %parallel_loop3A_308, %broadcast_in_dim3A_78 : vector<16xi32>
            %parallel_loop3A_310 = arith.select %parallel_loop3A_309, %parallel_loop3A_305, %broadcast_in_dim3A_80 : vector<16xi1>, vector<16xf32>
            %parallel_loop3A_311 = arith.constant 1104 : i32
            %parallel_loop3A_312 = arith.addi %parallel_loop3A_221, %parallel_loop3A_311 : i32
            %parallel_loop3A_313 = arith.index_cast %parallel_loop3A_312 : i32 to index
            %parallel_loop3A_314 = tpu.vector_load %arg10[%parallel_loop3A_313] {strides = array<i32>} : memref<28672xf32, #tpu.memory_space<vmem>>, vector<16xf32>,
            tpu.vector_store %arg10[%parallel_loop3A_313], %parallel_loop3A_310 {strides = array<i32>} : memref<28672xf32, #tpu.memory_space<vmem>>, vector<16xf32>,
          } else {
          }
          %parallel_loop3A_292 = arith.constant 240 : i32
          %parallel_loop3A_293 = arith.cmpi slt, %scan3A_76, %parallel_loop3A_292 : i32
          %parallel_loop3A_294 = arith.extui %parallel_loop3A_293 : i1 to i32
          %parallel_loop3A_295 = arith.constant 0 : i32
          %parallel_loop3A_296 = arith.cmpi ne, %parallel_loop3A_294, %parallel_loop3A_295 : i32
          scf.if %parallel_loop3A_296 {
            %parallel_loop3A_302 = arith.constant 1120 : i32
            %parallel_loop3A_303 = arith.addi %parallel_loop3A_221, %parallel_loop3A_302 : i32
            %parallel_loop3A_304 = arith.index_cast %parallel_loop3A_303 : i32 to index
            %parallel_loop3A_305 = tpu.vector_load %arg10[%parallel_loop3A_304] {strides = array<i32>} : memref<28672xf32, #tpu.memory_space<vmem>>, vector<16xf32>,
            %parallel_loop3A_306 = arith.constant 224 : i32
            %parallel_loop3A_307 = vector.broadcast %parallel_loop3A_306 : i32 to vector<16xi32>
            %parallel_loop3A_308 = arith.addi %iota3A, %parallel_loop3A_307 : vector<16xi32>
            %parallel_loop3A_309 = arith.cmpi slt, %parallel_loop3A_308, %broadcast_in_dim3A_78 : vector<16xi32>
            %parallel_loop3A_310 = arith.select %parallel_loop3A_309, %parallel_loop3A_305, %broadcast_in_dim3A_80 : vector<16xi1>, vector<16xf32>
            %parallel_loop3A_311 = arith.constant 1120 : i32
            %parallel_loop3A_312 = arith.addi %parallel_loop3A_221, %parallel_loop3A_311 : i32
            %parallel_loop3A_313 = arith.index_cast %parallel_loop3A_312 : i32 to index
            %parallel_loop3A_314 = tpu.vector_load %arg10[%parallel_loop3A_313] {strides = array<i32>} : memref<28672xf32, #tpu.memory_space<vmem>>, vector<16xf32>,
            tpu.vector_store %arg10[%parallel_loop3A_313], %parallel_loop3A_310 {strides = array<i32>} : memref<28672xf32, #tpu.memory_space<vmem>>, vector<16xf32>,
          } else {
          }
          %parallel_loop3A_297 = arith.constant 256 : i32
          %parallel_loop3A_298 = arith.cmpi slt, %scan3A_76, %parallel_loop3A_297 : i32
          %parallel_loop3A_299 = arith.extui %parallel_loop3A_298 : i1 to i32
          %parallel_loop3A_300 = arith.constant 0 : i32
          %parallel_loop3A_301 = arith.cmpi ne, %parallel_loop3A_299, %parallel_loop3A_300 : i32
          scf.if %parallel_loop3A_301 {
            %parallel_loop3A_302 = arith.constant 1136 : i32
            %parallel_loop3A_303 = arith.addi %parallel_loop3A_221, %parallel_loop3A_302 : i32
            %parallel_loop3A_304 = arith.index_cast %parallel_loop3A_303 : i32 to index
            %parallel_loop3A_305 = tpu.vector_load %arg10[%parallel_loop3A_304] {strides = array<i32>} : memref<28672xf32, #tpu.memory_space<vmem>>, vector<16xf32>,
            %parallel_loop3A_306 = arith.constant 240 : i32
            %parallel_loop3A_307 = vector.broadcast %parallel_loop3A_306 : i32 to vector<16xi32>
            %parallel_loop3A_308 = arith.addi %iota3A, %parallel_loop3A_307 : vector<16xi32>
            %parallel_loop3A_309 = arith.cmpi slt, %parallel_loop3A_308, %broadcast_in_dim3A_78 : vector<16xi32>
            %parallel_loop3A_310 = arith.select %parallel_loop3A_309, %parallel_loop3A_305, %broadcast_in_dim3A_80 : vector<16xi1>, vector<16xf32>
            %parallel_loop3A_311 = arith.constant 1136 : i32
            %parallel_loop3A_312 = arith.addi %parallel_loop3A_221, %parallel_loop3A_311 : i32
            %parallel_loop3A_313 = arith.index_cast %parallel_loop3A_312 : i32 to index
            %parallel_loop3A_314 = tpu.vector_load %arg10[%parallel_loop3A_313] {strides = array<i32>} : memref<28672xf32, #tpu.memory_space<vmem>>, vector<16xf32>,
            tpu.vector_store %arg10[%parallel_loop3A_313], %parallel_loop3A_310 {strides = array<i32>} : memref<28672xf32, #tpu.memory_space<vmem>>, vector<16xf32>,
          } else {
          }
        } {sc.loop_unroll_factor = 1 : i64, sc.parallel_access}
        %parallel_loop3A_159 = arith.constant 0 : i32
        %parallel_loop3A_160 = arith.constant 56 : i32
        %parallel_loop3A_161 = arith.constant 1 : i32
        scf.for %parallel_loop3A_212 = %parallel_loop3A_159 to %parallel_loop3A_160 step %parallel_loop3A_161  : i32 {
          %parallel_loop3A_213 = arith.constant 128 : i32
          %parallel_loop3A_214 = arith.muli %parallel_loop3A_212, %parallel_loop3A_213 : i32
          %parallel_loop3A_215 = arith.constant 14336 : i32
          %parallel_loop3A_216 = arith.addi %parallel_loop3A_215, %parallel_loop3A_214 : i32
          %parallel_loop3A_217 = arith.constant 3 : i32
          %parallel_loop3A_218 = arith.shrui %parallel_loop3A_212, %parallel_loop3A_217 : i32
          %parallel_loop3A_219 = arith.constant 1024 : i32
          %parallel_loop3A_220 = arith.muli %parallel_loop3A_218, %parallel_loop3A_219 : i32
          %parallel_loop3A_221 = arith.addi %parallel_loop3A_216, %parallel_loop3A_220 : i32
          %parallel_loop3A_222 = arith.constant 16 : i32
          %parallel_loop3A_223 = arith.cmpi slt, %scan3A_76, %parallel_loop3A_222 : i32
          %parallel_loop3A_224 = arith.extui %parallel_loop3A_223 : i1 to i32
          %parallel_loop3A_225 = arith.constant 0 : i32
          %parallel_loop3A_226 = arith.cmpi ne, %parallel_loop3A_224, %parallel_loop3A_225 : i32
          scf.if %parallel_loop3A_226 {
            %parallel_loop3A_302 = arith.constant 0 : i32
            %parallel_loop3A_303 = arith.addi %parallel_loop3A_221, %parallel_loop3A_302 : i32
            %parallel_loop3A_304 = arith.index_cast %parallel_loop3A_303 : i32 to index
            %parallel_loop3A_305 = tpu.vector_load %arg10[%parallel_loop3A_304] {strides = array<i32>} : memref<28672xf32, #tpu.memory_space<vmem>>, vector<16xf32>,
            %parallel_loop3A_306 = arith.constant 0 : i32
            %parallel_loop3A_307 = vector.broadcast %parallel_loop3A_306 : i32 to vector<16xi32>
            %parallel_loop3A_308 = arith.addi %iota3A, %parallel_loop3A_307 : vector<16xi32>
            %parallel_loop3A_309 = arith.cmpi slt, %parallel_loop3A_308, %broadcast_in_dim3A_78 : vector<16xi32>
            %parallel_loop3A_310 = arith.select %parallel_loop3A_309, %parallel_loop3A_305, %broadcast_in_dim3A_80 : vector<16xi1>, vector<16xf32>
            %parallel_loop3A_311 = arith.constant 0 : i32
            %parallel_loop3A_312 = arith.addi %parallel_loop3A_221, %parallel_loop3A_311 : i32
            %parallel_loop3A_313 = arith.index_cast %parallel_loop3A_312 : i32 to index
            %parallel_loop3A_314 = tpu.vector_load %arg10[%parallel_loop3A_313] {strides = array<i32>} : memref<28672xf32, #tpu.memory_space<vmem>>, vector<16xf32>,
            tpu.vector_store %arg10[%parallel_loop3A_313], %parallel_loop3A_310 {strides = array<i32>} : memref<28672xf32, #tpu.memory_space<vmem>>, vector<16xf32>,
          } else {
          }
          %parallel_loop3A_227 = arith.constant 32 : i32
          %parallel_loop3A_228 = arith.cmpi slt, %scan3A_76, %parallel_loop3A_227 : i32
          %parallel_loop3A_229 = arith.extui %parallel_loop3A_228 : i1 to i32
          %parallel_loop3A_230 = arith.constant 0 : i32
          %parallel_loop3A_231 = arith.cmpi ne, %parallel_loop3A_229, %parallel_loop3A_230 : i32
          scf.if %parallel_loop3A_231 {
            %parallel_loop3A_302 = arith.constant 16 : i32
            %parallel_loop3A_303 = arith.addi %parallel_loop3A_221, %parallel_loop3A_302 : i32
            %parallel_loop3A_304 = arith.index_cast %parallel_loop3A_303 : i32 to index
            %parallel_loop3A_305 = tpu.vector_load %arg10[%parallel_loop3A_304] {strides = array<i32>} : memref<28672xf32, #tpu.memory_space<vmem>>, vector<16xf32>,
            %parallel_loop3A_306 = arith.constant 16 : i32
            %parallel_loop3A_307 = vector.broadcast %parallel_loop3A_306 : i32 to vector<16xi32>
            %parallel_loop3A_308 = arith.addi %iota3A, %parallel_loop3A_307 : vector<16xi32>
            %parallel_loop3A_309 = arith.cmpi slt, %parallel_loop3A_308, %broadcast_in_dim3A_78 : vector<16xi32>
            %parallel_loop3A_310 = arith.select %parallel_loop3A_309, %parallel_loop3A_305, %broadcast_in_dim3A_80 : vector<16xi1>, vector<16xf32>
            %parallel_loop3A_311 = arith.constant 16 : i32
            %parallel_loop3A_312 = arith.addi %parallel_loop3A_221, %parallel_loop3A_311 : i32
            %parallel_loop3A_313 = arith.index_cast %parallel_loop3A_312 : i32 to index
            %parallel_loop3A_314 = tpu.vector_load %arg10[%parallel_loop3A_313] {strides = array<i32>} : memref<28672xf32, #tpu.memory_space<vmem>>, vector<16xf32>,
            tpu.vector_store %arg10[%parallel_loop3A_313], %parallel_loop3A_310 {strides = array<i32>} : memref<28672xf32, #tpu.memory_space<vmem>>, vector<16xf32>,
          } else {
          }
          %parallel_loop3A_232 = arith.constant 48 : i32
          %parallel_loop3A_233 = arith.cmpi slt, %scan3A_76, %parallel_loop3A_232 : i32
          %parallel_loop3A_234 = arith.extui %parallel_loop3A_233 : i1 to i32
          %parallel_loop3A_235 = arith.constant 0 : i32
          %parallel_loop3A_236 = arith.cmpi ne, %parallel_loop3A_234, %parallel_loop3A_235 : i32
          scf.if %parallel_loop3A_236 {
            %parallel_loop3A_302 = arith.constant 32 : i32
            %parallel_loop3A_303 = arith.addi %parallel_loop3A_221, %parallel_loop3A_302 : i32
            %parallel_loop3A_304 = arith.index_cast %parallel_loop3A_303 : i32 to index
            %parallel_loop3A_305 = tpu.vector_load %arg10[%parallel_loop3A_304] {strides = array<i32>} : memref<28672xf32, #tpu.memory_space<vmem>>, vector<16xf32>,
            %parallel_loop3A_306 = arith.constant 32 : i32
            %parallel_loop3A_307 = vector.broadcast %parallel_loop3A_306 : i32 to vector<16xi32>
            %parallel_loop3A_308 = arith.addi %iota3A, %parallel_loop3A_307 : vector<16xi32>
            %parallel_loop3A_309 = arith.cmpi slt, %parallel_loop3A_308, %broadcast_in_dim3A_78 : vector<16xi32>
            %parallel_loop3A_310 = arith.select %parallel_loop3A_309, %parallel_loop3A_305, %broadcast_in_dim3A_80 : vector<16xi1>, vector<16xf32>
            %parallel_loop3A_311 = arith.constant 32 : i32
            %parallel_loop3A_312 = arith.addi %parallel_loop3A_221, %parallel_loop3A_311 : i32
            %parallel_loop3A_313 = arith.index_cast %parallel_loop3A_312 : i32 to index
            %parallel_loop3A_314 = tpu.vector_load %arg10[%parallel_loop3A_313] {strides = array<i32>} : memref<28672xf32, #tpu.memory_space<vmem>>, vector<16xf32>,
            tpu.vector_store %arg10[%parallel_loop3A_313], %parallel_loop3A_310 {strides = array<i32>} : memref<28672xf32, #tpu.memory_space<vmem>>, vector<16xf32>,
          } else {
          }
          %parallel_loop3A_237 = arith.constant 64 : i32
          %parallel_loop3A_238 = arith.cmpi slt, %scan3A_76, %parallel_loop3A_237 : i32
          %parallel_loop3A_239 = arith.extui %parallel_loop3A_238 : i1 to i32
          %parallel_loop3A_240 = arith.constant 0 : i32
          %parallel_loop3A_241 = arith.cmpi ne, %parallel_loop3A_239, %parallel_loop3A_240 : i32
          scf.if %parallel_loop3A_241 {
            %parallel_loop3A_302 = arith.constant 48 : i32
            %parallel_loop3A_303 = arith.addi %parallel_loop3A_221, %parallel_loop3A_302 : i32
            %parallel_loop3A_304 = arith.index_cast %parallel_loop3A_303 : i32 to index
            %parallel_loop3A_305 = tpu.vector_load %arg10[%parallel_loop3A_304] {strides = array<i32>} : memref<28672xf32, #tpu.memory_space<vmem>>, vector<16xf32>,
            %parallel_loop3A_306 = arith.constant 48 : i32
            %parallel_loop3A_307 = vector.broadcast %parallel_loop3A_306 : i32 to vector<16xi32>
            %parallel_loop3A_308 = arith.addi %iota3A, %parallel_loop3A_307 : vector<16xi32>
            %parallel_loop3A_309 = arith.cmpi slt, %parallel_loop3A_308, %broadcast_in_dim3A_78 : vector<16xi32>
            %parallel_loop3A_310 = arith.select %parallel_loop3A_309, %parallel_loop3A_305, %broadcast_in_dim3A_80 : vector<16xi1>, vector<16xf32>
            %parallel_loop3A_311 = arith.constant 48 : i32
            %parallel_loop3A_312 = arith.addi %parallel_loop3A_221, %parallel_loop3A_311 : i32
            %parallel_loop3A_313 = arith.index_cast %parallel_loop3A_312 : i32 to index
            %parallel_loop3A_314 = tpu.vector_load %arg10[%parallel_loop3A_313] {strides = array<i32>} : memref<28672xf32, #tpu.memory_space<vmem>>, vector<16xf32>,
            tpu.vector_store %arg10[%parallel_loop3A_313], %parallel_loop3A_310 {strides = array<i32>} : memref<28672xf32, #tpu.memory_space<vmem>>, vector<16xf32>,
          } else {
          }
          %parallel_loop3A_242 = arith.constant 80 : i32
          %parallel_loop3A_243 = arith.cmpi slt, %scan3A_76, %parallel_loop3A_242 : i32
          %parallel_loop3A_244 = arith.extui %parallel_loop3A_243 : i1 to i32
          %parallel_loop3A_245 = arith.constant 0 : i32
          %parallel_loop3A_246 = arith.cmpi ne, %parallel_loop3A_244, %parallel_loop3A_245 : i32
          scf.if %parallel_loop3A_246 {
            %parallel_loop3A_302 = arith.constant 64 : i32
            %parallel_loop3A_303 = arith.addi %parallel_loop3A_221, %parallel_loop3A_302 : i32
            %parallel_loop3A_304 = arith.index_cast %parallel_loop3A_303 : i32 to index
            %parallel_loop3A_305 = tpu.vector_load %arg10[%parallel_loop3A_304] {strides = array<i32>} : memref<28672xf32, #tpu.memory_space<vmem>>, vector<16xf32>,
            %parallel_loop3A_306 = arith.constant 64 : i32
            %parallel_loop3A_307 = vector.broadcast %parallel_loop3A_306 : i32 to vector<16xi32>
            %parallel_loop3A_308 = arith.addi %iota3A, %parallel_loop3A_307 : vector<16xi32>
            %parallel_loop3A_309 = arith.cmpi slt, %parallel_loop3A_308, %broadcast_in_dim3A_78 : vector<16xi32>
            %parallel_loop3A_310 = arith.select %parallel_loop3A_309, %parallel_loop3A_305, %broadcast_in_dim3A_80 : vector<16xi1>, vector<16xf32>
            %parallel_loop3A_311 = arith.constant 64 : i32
            %parallel_loop3A_312 = arith.addi %parallel_loop3A_221, %parallel_loop3A_311 : i32
            %parallel_loop3A_313 = arith.index_cast %parallel_loop3A_312 : i32 to index
            %parallel_loop3A_314 = tpu.vector_load %arg10[%parallel_loop3A_313] {strides = array<i32>} : memref<28672xf32, #tpu.memory_space<vmem>>, vector<16xf32>,
            tpu.vector_store %arg10[%parallel_loop3A_313], %parallel_loop3A_310 {strides = array<i32>} : memref<28672xf32, #tpu.memory_space<vmem>>, vector<16xf32>,
          } else {
          }
          %parallel_loop3A_247 = arith.constant 96 : i32
          %parallel_loop3A_248 = arith.cmpi slt, %scan3A_76, %parallel_loop3A_247 : i32
          %parallel_loop3A_249 = arith.extui %parallel_loop3A_248 : i1 to i32
          %parallel_loop3A_250 = arith.constant 0 : i32
          %parallel_loop3A_251 = arith.cmpi ne, %parallel_loop3A_249, %parallel_loop3A_250 : i32
          scf.if %parallel_loop3A_251 {
            %parallel_loop3A_302 = arith.constant 80 : i32
            %parallel_loop3A_303 = arith.addi %parallel_loop3A_221, %parallel_loop3A_302 : i32
            %parallel_loop3A_304 = arith.index_cast %parallel_loop3A_303 : i32 to index
            %parallel_loop3A_305 = tpu.vector_load %arg10[%parallel_loop3A_304] {strides = array<i32>} : memref<28672xf32, #tpu.memory_space<vmem>>, vector<16xf32>,
            %parallel_loop3A_306 = arith.constant 80 : i32
            %parallel_loop3A_307 = vector.broadcast %parallel_loop3A_306 : i32 to vector<16xi32>
            %parallel_loop3A_308 = arith.addi %iota3A, %parallel_loop3A_307 : vector<16xi32>
            %parallel_loop3A_309 = arith.cmpi slt, %parallel_loop3A_308, %broadcast_in_dim3A_78 : vector<16xi32>
            %parallel_loop3A_310 = arith.select %parallel_loop3A_309, %parallel_loop3A_305, %broadcast_in_dim3A_80 : vector<16xi1>, vector<16xf32>
            %parallel_loop3A_311 = arith.constant 80 : i32
            %parallel_loop3A_312 = arith.addi %parallel_loop3A_221, %parallel_loop3A_311 : i32
            %parallel_loop3A_313 = arith.index_cast %parallel_loop3A_312 : i32 to index
            %parallel_loop3A_314 = tpu.vector_load %arg10[%parallel_loop3A_313] {strides = array<i32>} : memref<28672xf32, #tpu.memory_space<vmem>>, vector<16xf32>,
            tpu.vector_store %arg10[%parallel_loop3A_313], %parallel_loop3A_310 {strides = array<i32>} : memref<28672xf32, #tpu.memory_space<vmem>>, vector<16xf32>,
          } else {
          }
          %parallel_loop3A_252 = arith.constant 112 : i32
          %parallel_loop3A_253 = arith.cmpi slt, %scan3A_76, %parallel_loop3A_252 : i32
          %parallel_loop3A_254 = arith.extui %parallel_loop3A_253 : i1 to i32
          %parallel_loop3A_255 = arith.constant 0 : i32
          %parallel_loop3A_256 = arith.cmpi ne, %parallel_loop3A_254, %parallel_loop3A_255 : i32
          scf.if %parallel_loop3A_256 {
            %parallel_loop3A_302 = arith.constant 96 : i32
            %parallel_loop3A_303 = arith.addi %parallel_loop3A_221, %parallel_loop3A_302 : i32
            %parallel_loop3A_304 = arith.index_cast %parallel_loop3A_303 : i32 to index
            %parallel_loop3A_305 = tpu.vector_load %arg10[%parallel_loop3A_304] {strides = array<i32>} : memref<28672xf32, #tpu.memory_space<vmem>>, vector<16xf32>,
            %parallel_loop3A_306 = arith.constant 96 : i32
            %parallel_loop3A_307 = vector.broadcast %parallel_loop3A_306 : i32 to vector<16xi32>
            %parallel_loop3A_308 = arith.addi %iota3A, %parallel_loop3A_307 : vector<16xi32>
            %parallel_loop3A_309 = arith.cmpi slt, %parallel_loop3A_308, %broadcast_in_dim3A_78 : vector<16xi32>
            %parallel_loop3A_310 = arith.select %parallel_loop3A_309, %parallel_loop3A_305, %broadcast_in_dim3A_80 : vector<16xi1>, vector<16xf32>
            %parallel_loop3A_311 = arith.constant 96 : i32
            %parallel_loop3A_312 = arith.addi %parallel_loop3A_221, %parallel_loop3A_311 : i32
            %parallel_loop3A_313 = arith.index_cast %parallel_loop3A_312 : i32 to index
            %parallel_loop3A_314 = tpu.vector_load %arg10[%parallel_loop3A_313] {strides = array<i32>} : memref<28672xf32, #tpu.memory_space<vmem>>, vector<16xf32>,
            tpu.vector_store %arg10[%parallel_loop3A_313], %parallel_loop3A_310 {strides = array<i32>} : memref<28672xf32, #tpu.memory_space<vmem>>, vector<16xf32>,
          } else {
          }
          %parallel_loop3A_257 = arith.constant 128 : i32
          %parallel_loop3A_258 = arith.cmpi slt, %scan3A_76, %parallel_loop3A_257 : i32
          %parallel_loop3A_259 = arith.extui %parallel_loop3A_258 : i1 to i32
          %parallel_loop3A_260 = arith.constant 0 : i32
          %parallel_loop3A_261 = arith.cmpi ne, %parallel_loop3A_259, %parallel_loop3A_260 : i32
          scf.if %parallel_loop3A_261 {
            %parallel_loop3A_302 = arith.constant 112 : i32
            %parallel_loop3A_303 = arith.addi %parallel_loop3A_221, %parallel_loop3A_302 : i32
            %parallel_loop3A_304 = arith.index_cast %parallel_loop3A_303 : i32 to index
            %parallel_loop3A_305 = tpu.vector_load %arg10[%parallel_loop3A_304] {strides = array<i32>} : memref<28672xf32, #tpu.memory_space<vmem>>, vector<16xf32>,
            %parallel_loop3A_306 = arith.constant 112 : i32
            %parallel_loop3A_307 = vector.broadcast %parallel_loop3A_306 : i32 to vector<16xi32>
            %parallel_loop3A_308 = arith.addi %iota3A, %parallel_loop3A_307 : vector<16xi32>
            %parallel_loop3A_309 = arith.cmpi slt, %parallel_loop3A_308, %broadcast_in_dim3A_78 : vector<16xi32>
            %parallel_loop3A_310 = arith.select %parallel_loop3A_309, %parallel_loop3A_305, %broadcast_in_dim3A_80 : vector<16xi1>, vector<16xf32>
            %parallel_loop3A_311 = arith.constant 112 : i32
            %parallel_loop3A_312 = arith.addi %parallel_loop3A_221, %parallel_loop3A_311 : i32
            %parallel_loop3A_313 = arith.index_cast %parallel_loop3A_312 : i32 to index
            %parallel_loop3A_314 = tpu.vector_load %arg10[%parallel_loop3A_313] {strides = array<i32>} : memref<28672xf32, #tpu.memory_space<vmem>>, vector<16xf32>,
            tpu.vector_store %arg10[%parallel_loop3A_313], %parallel_loop3A_310 {strides = array<i32>} : memref<28672xf32, #tpu.memory_space<vmem>>, vector<16xf32>,
          } else {
          }
          %parallel_loop3A_262 = arith.constant 144 : i32
          %parallel_loop3A_263 = arith.cmpi slt, %scan3A_76, %parallel_loop3A_262 : i32
          %parallel_loop3A_264 = arith.extui %parallel_loop3A_263 : i1 to i32
          %parallel_loop3A_265 = arith.constant 0 : i32
          %parallel_loop3A_266 = arith.cmpi ne, %parallel_loop3A_264, %parallel_loop3A_265 : i32
          scf.if %parallel_loop3A_266 {
            %parallel_loop3A_302 = arith.constant 1024 : i32
            %parallel_loop3A_303 = arith.addi %parallel_loop3A_221, %parallel_loop3A_302 : i32
            %parallel_loop3A_304 = arith.index_cast %parallel_loop3A_303 : i32 to index
            %parallel_loop3A_305 = tpu.vector_load %arg10[%parallel_loop3A_304] {strides = array<i32>} : memref<28672xf32, #tpu.memory_space<vmem>>, vector<16xf32>,
            %parallel_loop3A_306 = arith.constant 128 : i32
            %parallel_loop3A_307 = vector.broadcast %parallel_loop3A_306 : i32 to vector<16xi32>
            %parallel_loop3A_308 = arith.addi %iota3A, %parallel_loop3A_307 : vector<16xi32>
            %parallel_loop3A_309 = arith.cmpi slt, %parallel_loop3A_308, %broadcast_in_dim3A_78 : vector<16xi32>
            %parallel_loop3A_310 = arith.select %parallel_loop3A_309, %parallel_loop3A_305, %broadcast_in_dim3A_80 : vector<16xi1>, vector<16xf32>
            %parallel_loop3A_311 = arith.constant 1024 : i32
            %parallel_loop3A_312 = arith.addi %parallel_loop3A_221, %parallel_loop3A_311 : i32
            %parallel_loop3A_313 = arith.index_cast %parallel_loop3A_312 : i32 to index
            %parallel_loop3A_314 = tpu.vector_load %arg10[%parallel_loop3A_313] {strides = array<i32>} : memref<28672xf32, #tpu.memory_space<vmem>>, vector<16xf32>,
            tpu.vector_store %arg10[%parallel_loop3A_313], %parallel_loop3A_310 {strides = array<i32>} : memref<28672xf32, #tpu.memory_space<vmem>>, vector<16xf32>,
          } else {
          }
          %parallel_loop3A_267 = arith.constant 160 : i32
          %parallel_loop3A_268 = arith.cmpi slt, %scan3A_76, %parallel_loop3A_267 : i32
          %parallel_loop3A_269 = arith.extui %parallel_loop3A_268 : i1 to i32
          %parallel_loop3A_270 = arith.constant 0 : i32
          %parallel_loop3A_271 = arith.cmpi ne, %parallel_loop3A_269, %parallel_loop3A_270 : i32
          scf.if %parallel_loop3A_271 {
            %parallel_loop3A_302 = arith.constant 1040 : i32
            %parallel_loop3A_303 = arith.addi %parallel_loop3A_221, %parallel_loop3A_302 : i32
            %parallel_loop3A_304 = arith.index_cast %parallel_loop3A_303 : i32 to index
            %parallel_loop3A_305 = tpu.vector_load %arg10[%parallel_loop3A_304] {strides = array<i32>} : memref<28672xf32, #tpu.memory_space<vmem>>, vector<16xf32>,
            %parallel_loop3A_306 = arith.constant 144 : i32
            %parallel_loop3A_307 = vector.broadcast %parallel_loop3A_306 : i32 to vector<16xi32>
            %parallel_loop3A_308 = arith.addi %iota3A, %parallel_loop3A_307 : vector<16xi32>
            %parallel_loop3A_309 = arith.cmpi slt, %parallel_loop3A_308, %broadcast_in_dim3A_78 : vector<16xi32>
            %parallel_loop3A_310 = arith.select %parallel_loop3A_309, %parallel_loop3A_305, %broadcast_in_dim3A_80 : vector<16xi1>, vector<16xf32>
            %parallel_loop3A_311 = arith.constant 1040 : i32
            %parallel_loop3A_312 = arith.addi %parallel_loop3A_221, %parallel_loop3A_311 : i32
            %parallel_loop3A_313 = arith.index_cast %parallel_loop3A_312 : i32 to index
            %parallel_loop3A_314 = tpu.vector_load %arg10[%parallel_loop3A_313] {strides = array<i32>} : memref<28672xf32, #tpu.memory_space<vmem>>, vector<16xf32>,
            tpu.vector_store %arg10[%parallel_loop3A_313], %parallel_loop3A_310 {strides = array<i32>} : memref<28672xf32, #tpu.memory_space<vmem>>, vector<16xf32>,
          } else {
          }
          %parallel_loop3A_272 = arith.constant 176 : i32
          %parallel_loop3A_273 = arith.cmpi slt, %scan3A_76, %parallel_loop3A_272 : i32
          %parallel_loop3A_274 = arith.extui %parallel_loop3A_273 : i1 to i32
          %parallel_loop3A_275 = arith.constant 0 : i32
          %parallel_loop3A_276 = arith.cmpi ne, %parallel_loop3A_274, %parallel_loop3A_275 : i32
          scf.if %parallel_loop3A_276 {
            %parallel_loop3A_302 = arith.constant 1056 : i32
            %parallel_loop3A_303 = arith.addi %parallel_loop3A_221, %parallel_loop3A_302 : i32
            %parallel_loop3A_304 = arith.index_cast %parallel_loop3A_303 : i32 to index
            %parallel_loop3A_305 = tpu.vector_load %arg10[%parallel_loop3A_304] {strides = array<i32>} : memref<28672xf32, #tpu.memory_space<vmem>>, vector<16xf32>,
            %parallel_loop3A_306 = arith.constant 160 : i32
            %parallel_loop3A_307 = vector.broadcast %parallel_loop3A_306 : i32 to vector<16xi32>
            %parallel_loop3A_308 = arith.addi %iota3A, %parallel_loop3A_307 : vector<16xi32>
            %parallel_loop3A_309 = arith.cmpi slt, %parallel_loop3A_308, %broadcast_in_dim3A_78 : vector<16xi32>
            %parallel_loop3A_310 = arith.select %parallel_loop3A_309, %parallel_loop3A_305, %broadcast_in_dim3A_80 : vector<16xi1>, vector<16xf32>
            %parallel_loop3A_311 = arith.constant 1056 : i32
            %parallel_loop3A_312 = arith.addi %parallel_loop3A_221, %parallel_loop3A_311 : i32
            %parallel_loop3A_313 = arith.index_cast %parallel_loop3A_312 : i32 to index
            %parallel_loop3A_314 = tpu.vector_load %arg10[%parallel_loop3A_313] {strides = array<i32>} : memref<28672xf32, #tpu.memory_space<vmem>>, vector<16xf32>,
            tpu.vector_store %arg10[%parallel_loop3A_313], %parallel_loop3A_310 {strides = array<i32>} : memref<28672xf32, #tpu.memory_space<vmem>>, vector<16xf32>,
          } else {
          }
          %parallel_loop3A_277 = arith.constant 192 : i32
          %parallel_loop3A_278 = arith.cmpi slt, %scan3A_76, %parallel_loop3A_277 : i32
          %parallel_loop3A_279 = arith.extui %parallel_loop3A_278 : i1 to i32
          %parallel_loop3A_280 = arith.constant 0 : i32
          %parallel_loop3A_281 = arith.cmpi ne, %parallel_loop3A_279, %parallel_loop3A_280 : i32
          scf.if %parallel_loop3A_281 {
            %parallel_loop3A_302 = arith.constant 1072 : i32
            %parallel_loop3A_303 = arith.addi %parallel_loop3A_221, %parallel_loop3A_302 : i32
            %parallel_loop3A_304 = arith.index_cast %parallel_loop3A_303 : i32 to index
            %parallel_loop3A_305 = tpu.vector_load %arg10[%parallel_loop3A_304] {strides = array<i32>} : memref<28672xf32, #tpu.memory_space<vmem>>, vector<16xf32>,
            %parallel_loop3A_306 = arith.constant 176 : i32
            %parallel_loop3A_307 = vector.broadcast %parallel_loop3A_306 : i32 to vector<16xi32>
            %parallel_loop3A_308 = arith.addi %iota3A, %parallel_loop3A_307 : vector<16xi32>
            %parallel_loop3A_309 = arith.cmpi slt, %parallel_loop3A_308, %broadcast_in_dim3A_78 : vector<16xi32>
            %parallel_loop3A_310 = arith.select %parallel_loop3A_309, %parallel_loop3A_305, %broadcast_in_dim3A_80 : vector<16xi1>, vector<16xf32>
            %parallel_loop3A_311 = arith.constant 1072 : i32
            %parallel_loop3A_312 = arith.addi %parallel_loop3A_221, %parallel_loop3A_311 : i32
            %parallel_loop3A_313 = arith.index_cast %parallel_loop3A_312 : i32 to index
            %parallel_loop3A_314 = tpu.vector_load %arg10[%parallel_loop3A_313] {strides = array<i32>} : memref<28672xf32, #tpu.memory_space<vmem>>, vector<16xf32>,
            tpu.vector_store %arg10[%parallel_loop3A_313], %parallel_loop3A_310 {strides = array<i32>} : memref<28672xf32, #tpu.memory_space<vmem>>, vector<16xf32>,
          } else {
          }
          %parallel_loop3A_282 = arith.constant 208 : i32
          %parallel_loop3A_283 = arith.cmpi slt, %scan3A_76, %parallel_loop3A_282 : i32
          %parallel_loop3A_284 = arith.extui %parallel_loop3A_283 : i1 to i32
          %parallel_loop3A_285 = arith.constant 0 : i32
          %parallel_loop3A_286 = arith.cmpi ne, %parallel_loop3A_284, %parallel_loop3A_285 : i32
          scf.if %parallel_loop3A_286 {
            %parallel_loop3A_302 = arith.constant 1088 : i32
            %parallel_loop3A_303 = arith.addi %parallel_loop3A_221, %parallel_loop3A_302 : i32
            %parallel_loop3A_304 = arith.index_cast %parallel_loop3A_303 : i32 to index
            %parallel_loop3A_305 = tpu.vector_load %arg10[%parallel_loop3A_304] {strides = array<i32>} : memref<28672xf32, #tpu.memory_space<vmem>>, vector<16xf32>,
            %parallel_loop3A_306 = arith.constant 192 : i32
            %parallel_loop3A_307 = vector.broadcast %parallel_loop3A_306 : i32 to vector<16xi32>
            %parallel_loop3A_308 = arith.addi %iota3A, %parallel_loop3A_307 : vector<16xi32>
            %parallel_loop3A_309 = arith.cmpi slt, %parallel_loop3A_308, %broadcast_in_dim3A_78 : vector<16xi32>
            %parallel_loop3A_310 = arith.select %parallel_loop3A_309, %parallel_loop3A_305, %broadcast_in_dim3A_80 : vector<16xi1>, vector<16xf32>
            %parallel_loop3A_311 = arith.constant 1088 : i32
            %parallel_loop3A_312 = arith.addi %parallel_loop3A_221, %parallel_loop3A_311 : i32
            %parallel_loop3A_313 = arith.index_cast %parallel_loop3A_312 : i32 to index
            %parallel_loop3A_314 = tpu.vector_load %arg10[%parallel_loop3A_313] {strides = array<i32>} : memref<28672xf32, #tpu.memory_space<vmem>>, vector<16xf32>,
            tpu.vector_store %arg10[%parallel_loop3A_313], %parallel_loop3A_310 {strides = array<i32>} : memref<28672xf32, #tpu.memory_space<vmem>>, vector<16xf32>,
          } else {
          }
          %parallel_loop3A_287 = arith.constant 224 : i32
          %parallel_loop3A_288 = arith.cmpi slt, %scan3A_76, %parallel_loop3A_287 : i32
          %parallel_loop3A_289 = arith.extui %parallel_loop3A_288 : i1 to i32
          %parallel_loop3A_290 = arith.constant 0 : i32
          %parallel_loop3A_291 = arith.cmpi ne, %parallel_loop3A_289, %parallel_loop3A_290 : i32
          scf.if %parallel_loop3A_291 {
            %parallel_loop3A_302 = arith.constant 1104 : i32
            %parallel_loop3A_303 = arith.addi %parallel_loop3A_221, %parallel_loop3A_302 : i32
            %parallel_loop3A_304 = arith.index_cast %parallel_loop3A_303 : i32 to index
            %parallel_loop3A_305 = tpu.vector_load %arg10[%parallel_loop3A_304] {strides = array<i32>} : memref<28672xf32, #tpu.memory_space<vmem>>, vector<16xf32>,
            %parallel_loop3A_306 = arith.constant 208 : i32
            %parallel_loop3A_307 = vector.broadcast %parallel_loop3A_306 : i32 to vector<16xi32>
            %parallel_loop3A_308 = arith.addi %iota3A, %parallel_loop3A_307 : vector<16xi32>
            %parallel_loop3A_309 = arith.cmpi slt, %parallel_loop3A_308, %broadcast_in_dim3A_78 : vector<16xi32>
            %parallel_loop3A_310 = arith.select %parallel_loop3A_309, %parallel_loop3A_305, %broadcast_in_dim3A_80 : vector<16xi1>, vector<16xf32>
            %parallel_loop3A_311 = arith.constant 1104 : i32
            %parallel_loop3A_312 = arith.addi %parallel_loop3A_221, %parallel_loop3A_311 : i32
            %parallel_loop3A_313 = arith.index_cast %parallel_loop3A_312 : i32 to index
            %parallel_loop3A_314 = tpu.vector_load %arg10[%parallel_loop3A_313] {strides = array<i32>} : memref<28672xf32, #tpu.memory_space<vmem>>, vector<16xf32>,
            tpu.vector_store %arg10[%parallel_loop3A_313], %parallel_loop3A_310 {strides = array<i32>} : memref<28672xf32, #tpu.memory_space<vmem>>, vector<16xf32>,
          } else {
          }
          %parallel_loop3A_292 = arith.constant 240 : i32
          %parallel_loop3A_293 = arith.cmpi slt, %scan3A_76, %parallel_loop3A_292 : i32
          %parallel_loop3A_294 = arith.extui %parallel_loop3A_293 : i1 to i32
          %parallel_loop3A_295 = arith.constant 0 : i32
          %parallel_loop3A_296 = arith.cmpi ne, %parallel_loop3A_294, %parallel_loop3A_295 : i32
          scf.if %parallel_loop3A_296 {
            %parallel_loop3A_302 = arith.constant 1120 : i32
            %parallel_loop3A_303 = arith.addi %parallel_loop3A_221, %parallel_loop3A_302 : i32
            %parallel_loop3A_304 = arith.index_cast %parallel_loop3A_303 : i32 to index
            %parallel_loop3A_305 = tpu.vector_load %arg10[%parallel_loop3A_304] {strides = array<i32>} : memref<28672xf32, #tpu.memory_space<vmem>>, vector<16xf32>,
            %parallel_loop3A_306 = arith.constant 224 : i32
            %parallel_loop3A_307 = vector.broadcast %parallel_loop3A_306 : i32 to vector<16xi32>
            %parallel_loop3A_308 = arith.addi %iota3A, %parallel_loop3A_307 : vector<16xi32>
            %parallel_loop3A_309 = arith.cmpi slt, %parallel_loop3A_308, %broadcast_in_dim3A_78 : vector<16xi32>
            %parallel_loop3A_310 = arith.select %parallel_loop3A_309, %parallel_loop3A_305, %broadcast_in_dim3A_80 : vector<16xi1>, vector<16xf32>
            %parallel_loop3A_311 = arith.constant 1120 : i32
            %parallel_loop3A_312 = arith.addi %parallel_loop3A_221, %parallel_loop3A_311 : i32
            %parallel_loop3A_313 = arith.index_cast %parallel_loop3A_312 : i32 to index
            %parallel_loop3A_314 = tpu.vector_load %arg10[%parallel_loop3A_313] {strides = array<i32>} : memref<28672xf32, #tpu.memory_space<vmem>>, vector<16xf32>,
            tpu.vector_store %arg10[%parallel_loop3A_313], %parallel_loop3A_310 {strides = array<i32>} : memref<28672xf32, #tpu.memory_space<vmem>>, vector<16xf32>,
          } else {
          }
          %parallel_loop3A_297 = arith.constant 256 : i32
          %parallel_loop3A_298 = arith.cmpi slt, %scan3A_76, %parallel_loop3A_297 : i32
          %parallel_loop3A_299 = arith.extui %parallel_loop3A_298 : i1 to i32
          %parallel_loop3A_300 = arith.constant 0 : i32
          %parallel_loop3A_301 = arith.cmpi ne, %parallel_loop3A_299, %parallel_loop3A_300 : i32
          scf.if %parallel_loop3A_301 {
            %parallel_loop3A_302 = arith.constant 1136 : i32
            %parallel_loop3A_303 = arith.addi %parallel_loop3A_221, %parallel_loop3A_302 : i32
            %parallel_loop3A_304 = arith.index_cast %parallel_loop3A_303 : i32 to index
            %parallel_loop3A_305 = tpu.vector_load %arg10[%parallel_loop3A_304] {strides = array<i32>} : memref<28672xf32, #tpu.memory_space<vmem>>, vector<16xf32>,
            %parallel_loop3A_306 = arith.constant 240 : i32
            %parallel_loop3A_307 = vector.broadcast %parallel_loop3A_306 : i32 to vector<16xi32>
            %parallel_loop3A_308 = arith.addi %iota3A, %parallel_loop3A_307 : vector<16xi32>
            %parallel_loop3A_309 = arith.cmpi slt, %parallel_loop3A_308, %broadcast_in_dim3A_78 : vector<16xi32>
            %parallel_loop3A_310 = arith.select %parallel_loop3A_309, %parallel_loop3A_305, %broadcast_in_dim3A_80 : vector<16xi1>, vector<16xf32>
            %parallel_loop3A_311 = arith.constant 1136 : i32
            %parallel_loop3A_312 = arith.addi %parallel_loop3A_221, %parallel_loop3A_311 : i32
            %parallel_loop3A_313 = arith.index_cast %parallel_loop3A_312 : i32 to index
            %parallel_loop3A_314 = tpu.vector_load %arg10[%parallel_loop3A_313] {strides = array<i32>} : memref<28672xf32, #tpu.memory_space<vmem>>, vector<16xf32>,
            tpu.vector_store %arg10[%parallel_loop3A_313], %parallel_loop3A_310 {strides = array<i32>} : memref<28672xf32, #tpu.memory_space<vmem>>, vector<16xf32>,
          } else {
          }
        } {sc.loop_unroll_factor = 1 : i64, sc.parallel_access}
        %mul3A_162 = arith.constant 28672 : i32
        %mul3A_163 = arith.muli %add3A_141, %mul3A_162 : i32
        %add3A_164 = arith.addi %mul3A_2, %mul3A_163 : i32
        %dma_start3A_165 = tpu.memref_slice %arg4[%add3A_164] : memref<25690112xf32, #tpu.memory_space<hbm>> -> memref<28672xf32, #tpu.memory_space<hbm>>
        %dma_start3A_166 = tpu.memref_slice %arg4[%add3A_164] : memref<25690112xf32, #tpu.memory_space<hbm>> -> memref<28672xf32, #tpu.memory_space<hbm>>
        tpu.enqueue_dma source(%arg10 : memref<28672xf32, #tpu.memory_space<vmem>>) target(%dma_start3A_166 : memref<28672xf32, #tpu.memory_space<hbm>>) target_semaphore(%arg14 : memref<!tpu.dma_semaphore, #tpu.memory_space<semaphore_mem>>)
        %add3A_167 = arith.constant 2 : i32
        %add3A_168 = arith.addi %add3A_141, %add3A_167 : i32
        %lt3A_169 = arith.constant 28 : i32
        %lt3A_170 = arith.cmpi slt, %add3A_168, %lt3A_169 : i32
        %convert_element_type3A_171 = arith.extui %lt3A_170 : i1 to i32
        %cond3A_172 = arith.constant 0 : i32
        %cond3A_173 = arith.cmpi ne, %convert_element_type3A_171, %cond3A_172 : i32
        scf.if %cond3A_173 {
          %add3A_212 = arith.constant 2 : i32
          %add3A_213 = arith.addi %add3A_141, %add3A_212 : i32
          %mul3A_214 = arith.constant 28672 : i32
          %mul3A_215 = arith.muli %add3A_213, %mul3A_214 : i32
          %add3A_216 = arith.addi %mul3A_2, %mul3A_215 : i32
          %dma_start3A_217 = tpu.memref_slice %arg2[%add3A_216] : memref<25690112xf32, #tpu.memory_space<hbm>> -> memref<28672xf32, #tpu.memory_space<hbm>>
          %dma_start3A_218 = tpu.memref_slice %arg2[%add3A_216] : memref<25690112xf32, #tpu.memory_space<hbm>> -> memref<28672xf32, #tpu.memory_space<hbm>>
          tpu.enqueue_dma source(%dma_start3A_218 : memref<28672xf32, #tpu.memory_space<hbm>>) target(%arg8 : memref<28672xf32, #tpu.memory_space<vmem>>) target_semaphore(%arg12 : memref<!tpu.dma_semaphore, #tpu.memory_space<semaphore_mem>>)
        } else {
        }
        %mul3A_174 = arith.constant 2 : i32
        %mul3A_175 = arith.muli %mul3A_174, %scan3A_137 : i32
        %add3A_176 = arith.constant 1 : i32
        %add3A_177 = arith.addi %mul3A_175, %add3A_176 : i32
        %mul3A_178 = arith.constant 28672 : i32
        %mul3A_179 = arith.muli %add3A_177, %mul3A_178 : i32
        %add3A_180 = arith.addi %mul3A_2, %mul3A_179 : i32
        %dma_wait3A_181 = tpu.memref_slice %arg2[%add3A_180] : memref<25690112xf32, #tpu.memory_space<hbm>> -> memref<28672xf32, #tpu.memory_space<hbm>>
        %dma_wait3A_182 = tpu.memref_slice %arg2[%add3A_180] : memref<25690112xf32, #tpu.memory_space<hbm>> -> memref<28672xf32, #tpu.memory_space<hbm>>
        tpu.wait_dma2 semaphore(%arg13 : memref<!tpu.dma_semaphore, #tpu.memory_space<semaphore_mem>>) src(%dma_wait3A_182 : memref<28672xf32, #tpu.memory_space<hbm>>) dst(%arg9 : memref<28672xf32, #tpu.memory_space<vmem>>)
        %ge3A_183 = arith.constant 2 : i32
        %ge3A_184 = arith.cmpi sge, %add3A_177, %ge3A_183 : i32
        %convert_element_type3A_185 = arith.extui %ge3A_184 : i1 to i32
        %cond3A_186 = arith.constant 0 : i32
        %cond3A_187 = arith.cmpi ne, %convert_element_type3A_185, %cond3A_186 : i32
        scf.if %cond3A_187 {
          %mul3A_212 = arith.constant 28672 : i32
          %mul3A_213 = arith.muli %add3A_177, %mul3A_212 : i32
          %add3A_214 = arith.addi %mul3A_2, %mul3A_213 : i32
          %dma_wait3A_215 = tpu.memref_slice %arg4[%add3A_214] : memref<25690112xf32, #tpu.memory_space<hbm>> -> memref<28672xf32, #tpu.memory_space<hbm>>
          %dma_wait3A_216 = tpu.memref_slice %arg4[%add3A_214] : memref<25690112xf32, #tpu.memory_space<hbm>> -> memref<28672xf32, #tpu.memory_space<hbm>>
          tpu.wait_dma2 semaphore(%arg15 : memref<!tpu.dma_semaphore, #tpu.memory_space<semaphore_mem>>) src(%arg11 : memref<28672xf32, #tpu.memory_space<vmem>>) dst(%dma_wait3A_216 : memref<28672xf32, #tpu.memory_space<hbm>>)
        } else {
        }
        %parallel_loop3A_188 = arith.constant 0 : i32
        %parallel_loop3A_189 = arith.constant 56 : i32
        %parallel_loop3A_190 = arith.constant 1 : i32
        scf.for %parallel_loop3A_212 = %parallel_loop3A_188 to %parallel_loop3A_189 step %parallel_loop3A_190  : i32 {
          %parallel_loop3A_213 = arith.constant 128 : i32
          %parallel_loop3A_214 = arith.muli %parallel_loop3A_212, %parallel_loop3A_213 : i32
          %parallel_loop3A_215 = arith.constant 0 : i32
          %parallel_loop3A_216 = arith.addi %parallel_loop3A_215, %parallel_loop3A_214 : i32
          %parallel_loop3A_217 = arith.constant 3 : i32
          %parallel_loop3A_218 = arith.shrui %parallel_loop3A_212, %parallel_loop3A_217 : i32
          %parallel_loop3A_219 = arith.constant 1024 : i32
          %parallel_loop3A_220 = arith.muli %parallel_loop3A_218, %parallel_loop3A_219 : i32
          %parallel_loop3A_221 = arith.addi %parallel_loop3A_216, %parallel_loop3A_220 : i32
          %parallel_loop3A_222 = vector.broadcast %parallel_loop3A_221 : i32 to vector<16xi32>
          %parallel_loop3A_223 = arith.addi %get3A_87, %parallel_loop3A_222 : vector<16xi32>
          %parallel_loop3A_224 = tpu.vector_load_idx %arg9[%parallel_loop3A_223] : memref<28672xf32, #tpu.memory_space<vmem>>[vector<16xi32>], vector<16xf32>,
          %parallel_loop3A_225 = arith.constant 0 : i32
          %parallel_loop3A_226 = arith.addi %parallel_loop3A_221, %parallel_loop3A_225 : i32
          %parallel_loop3A_227 = arith.index_cast %parallel_loop3A_226 : i32 to index
          %parallel_loop3A_228 = tpu.vector_load %arg11[%parallel_loop3A_227] {strides = array<i32>} : memref<28672xf32, #tpu.memory_space<vmem>>, vector<16xf32>,
          tpu.vector_store %arg11[%parallel_loop3A_227], %parallel_loop3A_224 {strides = array<i32>} : memref<28672xf32, #tpu.memory_space<vmem>>, vector<16xf32>,
          %parallel_loop3A_229 = vector.broadcast %parallel_loop3A_221 : i32 to vector<16xi32>
          %parallel_loop3A_230 = arith.addi %get3A_89, %parallel_loop3A_229 : vector<16xi32>
          %parallel_loop3A_231 = tpu.vector_load_idx %arg9[%parallel_loop3A_230] : memref<28672xf32, #tpu.memory_space<vmem>>[vector<16xi32>], vector<16xf32>,
          %parallel_loop3A_232 = arith.constant 16 : i32
          %parallel_loop3A_233 = arith.addi %parallel_loop3A_221, %parallel_loop3A_232 : i32
          %parallel_loop3A_234 = arith.index_cast %parallel_loop3A_233 : i32 to index
          %parallel_loop3A_235 = tpu.vector_load %arg11[%parallel_loop3A_234] {strides = array<i32>} : memref<28672xf32, #tpu.memory_space<vmem>>, vector<16xf32>,
          tpu.vector_store %arg11[%parallel_loop3A_234], %parallel_loop3A_231 {strides = array<i32>} : memref<28672xf32, #tpu.memory_space<vmem>>, vector<16xf32>,
          %parallel_loop3A_236 = vector.broadcast %parallel_loop3A_221 : i32 to vector<16xi32>
          %parallel_loop3A_237 = arith.addi %get3A_91, %parallel_loop3A_236 : vector<16xi32>
          %parallel_loop3A_238 = tpu.vector_load_idx %arg9[%parallel_loop3A_237] : memref<28672xf32, #tpu.memory_space<vmem>>[vector<16xi32>], vector<16xf32>,
          %parallel_loop3A_239 = arith.constant 32 : i32
          %parallel_loop3A_240 = arith.addi %parallel_loop3A_221, %parallel_loop3A_239 : i32
          %parallel_loop3A_241 = arith.index_cast %parallel_loop3A_240 : i32 to index
          %parallel_loop3A_242 = tpu.vector_load %arg11[%parallel_loop3A_241] {strides = array<i32>} : memref<28672xf32, #tpu.memory_space<vmem>>, vector<16xf32>,
          tpu.vector_store %arg11[%parallel_loop3A_241], %parallel_loop3A_238 {strides = array<i32>} : memref<28672xf32, #tpu.memory_space<vmem>>, vector<16xf32>,
          %parallel_loop3A_243 = vector.broadcast %parallel_loop3A_221 : i32 to vector<16xi32>
          %parallel_loop3A_244 = arith.addi %get3A_93, %parallel_loop3A_243 : vector<16xi32>
          %parallel_loop3A_245 = tpu.vector_load_idx %arg9[%parallel_loop3A_244] : memref<28672xf32, #tpu.memory_space<vmem>>[vector<16xi32>], vector<16xf32>,
          %parallel_loop3A_246 = arith.constant 48 : i32
          %parallel_loop3A_247 = arith.addi %parallel_loop3A_221, %parallel_loop3A_246 : i32
          %parallel_loop3A_248 = arith.index_cast %parallel_loop3A_247 : i32 to index
          %parallel_loop3A_249 = tpu.vector_load %arg11[%parallel_loop3A_248] {strides = array<i32>} : memref<28672xf32, #tpu.memory_space<vmem>>, vector<16xf32>,
          tpu.vector_store %arg11[%parallel_loop3A_248], %parallel_loop3A_245 {strides = array<i32>} : memref<28672xf32, #tpu.memory_space<vmem>>, vector<16xf32>,
          %parallel_loop3A_250 = vector.broadcast %parallel_loop3A_221 : i32 to vector<16xi32>
          %parallel_loop3A_251 = arith.addi %get3A_95, %parallel_loop3A_250 : vector<16xi32>
          %parallel_loop3A_252 = tpu.vector_load_idx %arg9[%parallel_loop3A_251] : memref<28672xf32, #tpu.memory_space<vmem>>[vector<16xi32>], vector<16xf32>,
          %parallel_loop3A_253 = arith.constant 64 : i32
          %parallel_loop3A_254 = arith.addi %parallel_loop3A_221, %parallel_loop3A_253 : i32
          %parallel_loop3A_255 = arith.index_cast %parallel_loop3A_254 : i32 to index
          %parallel_loop3A_256 = tpu.vector_load %arg11[%parallel_loop3A_255] {strides = array<i32>} : memref<28672xf32, #tpu.memory_space<vmem>>, vector<16xf32>,
          tpu.vector_store %arg11[%parallel_loop3A_255], %parallel_loop3A_252 {strides = array<i32>} : memref<28672xf32, #tpu.memory_space<vmem>>, vector<16xf32>,
          %parallel_loop3A_257 = vector.broadcast %parallel_loop3A_221 : i32 to vector<16xi32>
          %parallel_loop3A_258 = arith.addi %get3A_97, %parallel_loop3A_257 : vector<16xi32>
          %parallel_loop3A_259 = tpu.vector_load_idx %arg9[%parallel_loop3A_258] : memref<28672xf32, #tpu.memory_space<vmem>>[vector<16xi32>], vector<16xf32>,
          %parallel_loop3A_260 = arith.constant 80 : i32
          %parallel_loop3A_261 = arith.addi %parallel_loop3A_221, %parallel_loop3A_260 : i32
          %parallel_loop3A_262 = arith.index_cast %parallel_loop3A_261 : i32 to index
          %parallel_loop3A_263 = tpu.vector_load %arg11[%parallel_loop3A_262] {strides = array<i32>} : memref<28672xf32, #tpu.memory_space<vmem>>, vector<16xf32>,
          tpu.vector_store %arg11[%parallel_loop3A_262], %parallel_loop3A_259 {strides = array<i32>} : memref<28672xf32, #tpu.memory_space<vmem>>, vector<16xf32>,
          %parallel_loop3A_264 = vector.broadcast %parallel_loop3A_221 : i32 to vector<16xi32>
          %parallel_loop3A_265 = arith.addi %get3A_99, %parallel_loop3A_264 : vector<16xi32>
          %parallel_loop3A_266 = tpu.vector_load_idx %arg9[%parallel_loop3A_265] : memref<28672xf32, #tpu.memory_space<vmem>>[vector<16xi32>], vector<16xf32>,
          %parallel_loop3A_267 = arith.constant 96 : i32
          %parallel_loop3A_268 = arith.addi %parallel_loop3A_221, %parallel_loop3A_267 : i32
          %parallel_loop3A_269 = arith.index_cast %parallel_loop3A_268 : i32 to index
          %parallel_loop3A_270 = tpu.vector_load %arg11[%parallel_loop3A_269] {strides = array<i32>} : memref<28672xf32, #tpu.memory_space<vmem>>, vector<16xf32>,
          tpu.vector_store %arg11[%parallel_loop3A_269], %parallel_loop3A_266 {strides = array<i32>} : memref<28672xf32, #tpu.memory_space<vmem>>, vector<16xf32>,
          %parallel_loop3A_271 = vector.broadcast %parallel_loop3A_221 : i32 to vector<16xi32>
          %parallel_loop3A_272 = arith.addi %get3A_101, %parallel_loop3A_271 : vector<16xi32>
          %parallel_loop3A_273 = tpu.vector_load_idx %arg9[%parallel_loop3A_272] : memref<28672xf32, #tpu.memory_space<vmem>>[vector<16xi32>], vector<16xf32>,
          %parallel_loop3A_274 = arith.constant 112 : i32
          %parallel_loop3A_275 = arith.addi %parallel_loop3A_221, %parallel_loop3A_274 : i32
          %parallel_loop3A_276 = arith.index_cast %parallel_loop3A_275 : i32 to index
          %parallel_loop3A_277 = tpu.vector_load %arg11[%parallel_loop3A_276] {strides = array<i32>} : memref<28672xf32, #tpu.memory_space<vmem>>, vector<16xf32>,
          tpu.vector_store %arg11[%parallel_loop3A_276], %parallel_loop3A_273 {strides = array<i32>} : memref<28672xf32, #tpu.memory_space<vmem>>, vector<16xf32>,
          %parallel_loop3A_278 = vector.broadcast %parallel_loop3A_221 : i32 to vector<16xi32>
          %parallel_loop3A_279 = arith.addi %get3A_103, %parallel_loop3A_278 : vector<16xi32>
          %parallel_loop3A_280 = tpu.vector_load_idx %arg9[%parallel_loop3A_279] : memref<28672xf32, #tpu.memory_space<vmem>>[vector<16xi32>], vector<16xf32>,
          %parallel_loop3A_281 = arith.constant 1024 : i32
          %parallel_loop3A_282 = arith.addi %parallel_loop3A_221, %parallel_loop3A_281 : i32
          %parallel_loop3A_283 = arith.index_cast %parallel_loop3A_282 : i32 to index
          %parallel_loop3A_284 = tpu.vector_load %arg11[%parallel_loop3A_283] {strides = array<i32>} : memref<28672xf32, #tpu.memory_space<vmem>>, vector<16xf32>,
          tpu.vector_store %arg11[%parallel_loop3A_283], %parallel_loop3A_280 {strides = array<i32>} : memref<28672xf32, #tpu.memory_space<vmem>>, vector<16xf32>,
          %parallel_loop3A_285 = vector.broadcast %parallel_loop3A_221 : i32 to vector<16xi32>
          %parallel_loop3A_286 = arith.addi %get3A_105, %parallel_loop3A_285 : vector<16xi32>
          %parallel_loop3A_287 = tpu.vector_load_idx %arg9[%parallel_loop3A_286] : memref<28672xf32, #tpu.memory_space<vmem>>[vector<16xi32>], vector<16xf32>,
          %parallel_loop3A_288 = arith.constant 1040 : i32
          %parallel_loop3A_289 = arith.addi %parallel_loop3A_221, %parallel_loop3A_288 : i32
          %parallel_loop3A_290 = arith.index_cast %parallel_loop3A_289 : i32 to index
          %parallel_loop3A_291 = tpu.vector_load %arg11[%parallel_loop3A_290] {strides = array<i32>} : memref<28672xf32, #tpu.memory_space<vmem>>, vector<16xf32>,
          tpu.vector_store %arg11[%parallel_loop3A_290], %parallel_loop3A_287 {strides = array<i32>} : memref<28672xf32, #tpu.memory_space<vmem>>, vector<16xf32>,
          %parallel_loop3A_292 = vector.broadcast %parallel_loop3A_221 : i32 to vector<16xi32>
          %parallel_loop3A_293 = arith.addi %get3A_107, %parallel_loop3A_292 : vector<16xi32>
          %parallel_loop3A_294 = tpu.vector_load_idx %arg9[%parallel_loop3A_293] : memref<28672xf32, #tpu.memory_space<vmem>>[vector<16xi32>], vector<16xf32>,
          %parallel_loop3A_295 = arith.constant 1056 : i32
          %parallel_loop3A_296 = arith.addi %parallel_loop3A_221, %parallel_loop3A_295 : i32
          %parallel_loop3A_297 = arith.index_cast %parallel_loop3A_296 : i32 to index
          %parallel_loop3A_298 = tpu.vector_load %arg11[%parallel_loop3A_297] {strides = array<i32>} : memref<28672xf32, #tpu.memory_space<vmem>>, vector<16xf32>,
          tpu.vector_store %arg11[%parallel_loop3A_297], %parallel_loop3A_294 {strides = array<i32>} : memref<28672xf32, #tpu.memory_space<vmem>>, vector<16xf32>,
          %parallel_loop3A_299 = vector.broadcast %parallel_loop3A_221 : i32 to vector<16xi32>
          %parallel_loop3A_300 = arith.addi %get3A_109, %parallel_loop3A_299 : vector<16xi32>
          %parallel_loop3A_301 = tpu.vector_load_idx %arg9[%parallel_loop3A_300] : memref<28672xf32, #tpu.memory_space<vmem>>[vector<16xi32>], vector<16xf32>,
          %parallel_loop3A_302 = arith.constant 1072 : i32
          %parallel_loop3A_303 = arith.addi %parallel_loop3A_221, %parallel_loop3A_302 : i32
          %parallel_loop3A_304 = arith.index_cast %parallel_loop3A_303 : i32 to index
          %parallel_loop3A_305 = tpu.vector_load %arg11[%parallel_loop3A_304] {strides = array<i32>} : memref<28672xf32, #tpu.memory_space<vmem>>, vector<16xf32>,
          tpu.vector_store %arg11[%parallel_loop3A_304], %parallel_loop3A_301 {strides = array<i32>} : memref<28672xf32, #tpu.memory_space<vmem>>, vector<16xf32>,
          %parallel_loop3A_306 = vector.broadcast %parallel_loop3A_221 : i32 to vector<16xi32>
          %parallel_loop3A_307 = arith.addi %get3A_111, %parallel_loop3A_306 : vector<16xi32>
          %parallel_loop3A_308 = tpu.vector_load_idx %arg9[%parallel_loop3A_307] : memref<28672xf32, #tpu.memory_space<vmem>>[vector<16xi32>], vector<16xf32>,
          %parallel_loop3A_309 = arith.constant 1088 : i32
          %parallel_loop3A_310 = arith.addi %parallel_loop3A_221, %parallel_loop3A_309 : i32
          %parallel_loop3A_311 = arith.index_cast %parallel_loop3A_310 : i32 to index
          %parallel_loop3A_312 = tpu.vector_load %arg11[%parallel_loop3A_311] {strides = array<i32>} : memref<28672xf32, #tpu.memory_space<vmem>>, vector<16xf32>,
          tpu.vector_store %arg11[%parallel_loop3A_311], %parallel_loop3A_308 {strides = array<i32>} : memref<28672xf32, #tpu.memory_space<vmem>>, vector<16xf32>,
          %parallel_loop3A_313 = vector.broadcast %parallel_loop3A_221 : i32 to vector<16xi32>
          %parallel_loop3A_314 = arith.addi %get3A_113, %parallel_loop3A_313 : vector<16xi32>
          %parallel_loop3A_315 = tpu.vector_load_idx %arg9[%parallel_loop3A_314] : memref<28672xf32, #tpu.memory_space<vmem>>[vector<16xi32>], vector<16xf32>,
          %parallel_loop3A_316 = arith.constant 1104 : i32
          %parallel_loop3A_317 = arith.addi %parallel_loop3A_221, %parallel_loop3A_316 : i32
          %parallel_loop3A_318 = arith.index_cast %parallel_loop3A_317 : i32 to index
          %parallel_loop3A_319 = tpu.vector_load %arg11[%parallel_loop3A_318] {strides = array<i32>} : memref<28672xf32, #tpu.memory_space<vmem>>, vector<16xf32>,
          tpu.vector_store %arg11[%parallel_loop3A_318], %parallel_loop3A_315 {strides = array<i32>} : memref<28672xf32, #tpu.memory_space<vmem>>, vector<16xf32>,
          %parallel_loop3A_320 = vector.broadcast %parallel_loop3A_221 : i32 to vector<16xi32>
          %parallel_loop3A_321 = arith.addi %get3A_115, %parallel_loop3A_320 : vector<16xi32>
          %parallel_loop3A_322 = tpu.vector_load_idx %arg9[%parallel_loop3A_321] : memref<28672xf32, #tpu.memory_space<vmem>>[vector<16xi32>], vector<16xf32>,
          %parallel_loop3A_323 = arith.constant 1120 : i32
          %parallel_loop3A_324 = arith.addi %parallel_loop3A_221, %parallel_loop3A_323 : i32
          %parallel_loop3A_325 = arith.index_cast %parallel_loop3A_324 : i32 to index
          %parallel_loop3A_326 = tpu.vector_load %arg11[%parallel_loop3A_325] {strides = array<i32>} : memref<28672xf32, #tpu.memory_space<vmem>>, vector<16xf32>,
          tpu.vector_store %arg11[%parallel_loop3A_325], %parallel_loop3A_322 {strides = array<i32>} : memref<28672xf32, #tpu.memory_space<vmem>>, vector<16xf32>,
          %parallel_loop3A_327 = vector.broadcast %parallel_loop3A_221 : i32 to vector<16xi32>
          %parallel_loop3A_328 = arith.addi %get3A_117, %parallel_loop3A_327 : vector<16xi32>
          %parallel_loop3A_329 = tpu.vector_load_idx %arg9[%parallel_loop3A_328] : memref<28672xf32, #tpu.memory_space<vmem>>[vector<16xi32>], vector<16xf32>,
          %parallel_loop3A_330 = arith.constant 1136 : i32
          %parallel_loop3A_331 = arith.addi %parallel_loop3A_221, %parallel_loop3A_330 : i32
          %parallel_loop3A_332 = arith.index_cast %parallel_loop3A_331 : i32 to index
          %parallel_loop3A_333 = tpu.vector_load %arg11[%parallel_loop3A_332] {strides = array<i32>} : memref<28672xf32, #tpu.memory_space<vmem>>, vector<16xf32>,
          tpu.vector_store %arg11[%parallel_loop3A_332], %parallel_loop3A_329 {strides = array<i32>} : memref<28672xf32, #tpu.memory_space<vmem>>, vector<16xf32>,
        } {sc.loop_unroll_factor = 2 : i64, sc.parallel_access}
        %parallel_loop3A_191 = arith.constant 0 : i32
        %parallel_loop3A_192 = arith.constant 56 : i32
        %parallel_loop3A_193 = arith.constant 1 : i32
        scf.for %parallel_loop3A_212 = %parallel_loop3A_191 to %parallel_loop3A_192 step %parallel_loop3A_193  : i32 {
          %parallel_loop3A_213 = arith.constant 128 : i32
          %parallel_loop3A_214 = arith.muli %parallel_loop3A_212, %parallel_loop3A_213 : i32
          %parallel_loop3A_215 = arith.constant 14336 : i32
          %parallel_loop3A_216 = arith.addi %parallel_loop3A_215, %parallel_loop3A_214 : i32
          %parallel_loop3A_217 = arith.constant 3 : i32
          %parallel_loop3A_218 = arith.shrui %parallel_loop3A_212, %parallel_loop3A_217 : i32
          %parallel_loop3A_219 = arith.constant 1024 : i32
          %parallel_loop3A_220 = arith.muli %parallel_loop3A_218, %parallel_loop3A_219 : i32
          %parallel_loop3A_221 = arith.addi %parallel_loop3A_216, %parallel_loop3A_220 : i32
          %parallel_loop3A_222 = vector.broadcast %parallel_loop3A_221 : i32 to vector<16xi32>
          %parallel_loop3A_223 = arith.addi %get3A_87, %parallel_loop3A_222 : vector<16xi32>
          %parallel_loop3A_224 = tpu.vector_load_idx %arg9[%parallel_loop3A_223] : memref<28672xf32, #tpu.memory_space<vmem>>[vector<16xi32>], vector<16xf32>,
          %parallel_loop3A_225 = arith.constant 0 : i32
          %parallel_loop3A_226 = arith.addi %parallel_loop3A_221, %parallel_loop3A_225 : i32
          %parallel_loop3A_227 = arith.index_cast %parallel_loop3A_226 : i32 to index
          %parallel_loop3A_228 = tpu.vector_load %arg11[%parallel_loop3A_227] {strides = array<i32>} : memref<28672xf32, #tpu.memory_space<vmem>>, vector<16xf32>,
          tpu.vector_store %arg11[%parallel_loop3A_227], %parallel_loop3A_224 {strides = array<i32>} : memref<28672xf32, #tpu.memory_space<vmem>>, vector<16xf32>,
          %parallel_loop3A_229 = vector.broadcast %parallel_loop3A_221 : i32 to vector<16xi32>
          %parallel_loop3A_230 = arith.addi %get3A_89, %parallel_loop3A_229 : vector<16xi32>
          %parallel_loop3A_231 = tpu.vector_load_idx %arg9[%parallel_loop3A_230] : memref<28672xf32, #tpu.memory_space<vmem>>[vector<16xi32>], vector<16xf32>,
          %parallel_loop3A_232 = arith.constant 16 : i32
          %parallel_loop3A_233 = arith.addi %parallel_loop3A_221, %parallel_loop3A_232 : i32
          %parallel_loop3A_234 = arith.index_cast %parallel_loop3A_233 : i32 to index
          %parallel_loop3A_235 = tpu.vector_load %arg11[%parallel_loop3A_234] {strides = array<i32>} : memref<28672xf32, #tpu.memory_space<vmem>>, vector<16xf32>,
          tpu.vector_store %arg11[%parallel_loop3A_234], %parallel_loop3A_231 {strides = array<i32>} : memref<28672xf32, #tpu.memory_space<vmem>>, vector<16xf32>,
          %parallel_loop3A_236 = vector.broadcast %parallel_loop3A_221 : i32 to vector<16xi32>
          %parallel_loop3A_237 = arith.addi %get3A_91, %parallel_loop3A_236 : vector<16xi32>
          %parallel_loop3A_238 = tpu.vector_load_idx %arg9[%parallel_loop3A_237] : memref<28672xf32, #tpu.memory_space<vmem>>[vector<16xi32>], vector<16xf32>,
          %parallel_loop3A_239 = arith.constant 32 : i32
          %parallel_loop3A_240 = arith.addi %parallel_loop3A_221, %parallel_loop3A_239 : i32
          %parallel_loop3A_241 = arith.index_cast %parallel_loop3A_240 : i32 to index
          %parallel_loop3A_242 = tpu.vector_load %arg11[%parallel_loop3A_241] {strides = array<i32>} : memref<28672xf32, #tpu.memory_space<vmem>>, vector<16xf32>,
          tpu.vector_store %arg11[%parallel_loop3A_241], %parallel_loop3A_238 {strides = array<i32>} : memref<28672xf32, #tpu.memory_space<vmem>>, vector<16xf32>,
          %parallel_loop3A_243 = vector.broadcast %parallel_loop3A_221 : i32 to vector<16xi32>
          %parallel_loop3A_244 = arith.addi %get3A_93, %parallel_loop3A_243 : vector<16xi32>
          %parallel_loop3A_245 = tpu.vector_load_idx %arg9[%parallel_loop3A_244] : memref<28672xf32, #tpu.memory_space<vmem>>[vector<16xi32>], vector<16xf32>,
          %parallel_loop3A_246 = arith.constant 48 : i32
          %parallel_loop3A_247 = arith.addi %parallel_loop3A_221, %parallel_loop3A_246 : i32
          %parallel_loop3A_248 = arith.index_cast %parallel_loop3A_247 : i32 to index
          %parallel_loop3A_249 = tpu.vector_load %arg11[%parallel_loop3A_248] {strides = array<i32>} : memref<28672xf32, #tpu.memory_space<vmem>>, vector<16xf32>,
          tpu.vector_store %arg11[%parallel_loop3A_248], %parallel_loop3A_245 {strides = array<i32>} : memref<28672xf32, #tpu.memory_space<vmem>>, vector<16xf32>,
          %parallel_loop3A_250 = vector.broadcast %parallel_loop3A_221 : i32 to vector<16xi32>
          %parallel_loop3A_251 = arith.addi %get3A_95, %parallel_loop3A_250 : vector<16xi32>
          %parallel_loop3A_252 = tpu.vector_load_idx %arg9[%parallel_loop3A_251] : memref<28672xf32, #tpu.memory_space<vmem>>[vector<16xi32>], vector<16xf32>,
          %parallel_loop3A_253 = arith.constant 64 : i32
          %parallel_loop3A_254 = arith.addi %parallel_loop3A_221, %parallel_loop3A_253 : i32
          %parallel_loop3A_255 = arith.index_cast %parallel_loop3A_254 : i32 to index
          %parallel_loop3A_256 = tpu.vector_load %arg11[%parallel_loop3A_255] {strides = array<i32>} : memref<28672xf32, #tpu.memory_space<vmem>>, vector<16xf32>,
          tpu.vector_store %arg11[%parallel_loop3A_255], %parallel_loop3A_252 {strides = array<i32>} : memref<28672xf32, #tpu.memory_space<vmem>>, vector<16xf32>,
          %parallel_loop3A_257 = vector.broadcast %parallel_loop3A_221 : i32 to vector<16xi32>
          %parallel_loop3A_258 = arith.addi %get3A_97, %parallel_loop3A_257 : vector<16xi32>
          %parallel_loop3A_259 = tpu.vector_load_idx %arg9[%parallel_loop3A_258] : memref<28672xf32, #tpu.memory_space<vmem>>[vector<16xi32>], vector<16xf32>,
          %parallel_loop3A_260 = arith.constant 80 : i32
          %parallel_loop3A_261 = arith.addi %parallel_loop3A_221, %parallel_loop3A_260 : i32
          %parallel_loop3A_262 = arith.index_cast %parallel_loop3A_261 : i32 to index
          %parallel_loop3A_263 = tpu.vector_load %arg11[%parallel_loop3A_262] {strides = array<i32>} : memref<28672xf32, #tpu.memory_space<vmem>>, vector<16xf32>,
          tpu.vector_store %arg11[%parallel_loop3A_262], %parallel_loop3A_259 {strides = array<i32>} : memref<28672xf32, #tpu.memory_space<vmem>>, vector<16xf32>,
          %parallel_loop3A_264 = vector.broadcast %parallel_loop3A_221 : i32 to vector<16xi32>
          %parallel_loop3A_265 = arith.addi %get3A_99, %parallel_loop3A_264 : vector<16xi32>
          %parallel_loop3A_266 = tpu.vector_load_idx %arg9[%parallel_loop3A_265] : memref<28672xf32, #tpu.memory_space<vmem>>[vector<16xi32>], vector<16xf32>,
          %parallel_loop3A_267 = arith.constant 96 : i32
          %parallel_loop3A_268 = arith.addi %parallel_loop3A_221, %parallel_loop3A_267 : i32
          %parallel_loop3A_269 = arith.index_cast %parallel_loop3A_268 : i32 to index
          %parallel_loop3A_270 = tpu.vector_load %arg11[%parallel_loop3A_269] {strides = array<i32>} : memref<28672xf32, #tpu.memory_space<vmem>>, vector<16xf32>,
          tpu.vector_store %arg11[%parallel_loop3A_269], %parallel_loop3A_266 {strides = array<i32>} : memref<28672xf32, #tpu.memory_space<vmem>>, vector<16xf32>,
          %parallel_loop3A_271 = vector.broadcast %parallel_loop3A_221 : i32 to vector<16xi32>
          %parallel_loop3A_272 = arith.addi %get3A_101, %parallel_loop3A_271 : vector<16xi32>
          %parallel_loop3A_273 = tpu.vector_load_idx %arg9[%parallel_loop3A_272] : memref<28672xf32, #tpu.memory_space<vmem>>[vector<16xi32>], vector<16xf32>,
          %parallel_loop3A_274 = arith.constant 112 : i32
          %parallel_loop3A_275 = arith.addi %parallel_loop3A_221, %parallel_loop3A_274 : i32
          %parallel_loop3A_276 = arith.index_cast %parallel_loop3A_275 : i32 to index
          %parallel_loop3A_277 = tpu.vector_load %arg11[%parallel_loop3A_276] {strides = array<i32>} : memref<28672xf32, #tpu.memory_space<vmem>>, vector<16xf32>,
          tpu.vector_store %arg11[%parallel_loop3A_276], %parallel_loop3A_273 {strides = array<i32>} : memref<28672xf32, #tpu.memory_space<vmem>>, vector<16xf32>,
          %parallel_loop3A_278 = vector.broadcast %parallel_loop3A_221 : i32 to vector<16xi32>
          %parallel_loop3A_279 = arith.addi %get3A_103, %parallel_loop3A_278 : vector<16xi32>
          %parallel_loop3A_280 = tpu.vector_load_idx %arg9[%parallel_loop3A_279] : memref<28672xf32, #tpu.memory_space<vmem>>[vector<16xi32>], vector<16xf32>,
          %parallel_loop3A_281 = arith.constant 1024 : i32
          %parallel_loop3A_282 = arith.addi %parallel_loop3A_221, %parallel_loop3A_281 : i32
          %parallel_loop3A_283 = arith.index_cast %parallel_loop3A_282 : i32 to index
          %parallel_loop3A_284 = tpu.vector_load %arg11[%parallel_loop3A_283] {strides = array<i32>} : memref<28672xf32, #tpu.memory_space<vmem>>, vector<16xf32>,
          tpu.vector_store %arg11[%parallel_loop3A_283], %parallel_loop3A_280 {strides = array<i32>} : memref<28672xf32, #tpu.memory_space<vmem>>, vector<16xf32>,
          %parallel_loop3A_285 = vector.broadcast %parallel_loop3A_221 : i32 to vector<16xi32>
          %parallel_loop3A_286 = arith.addi %get3A_105, %parallel_loop3A_285 : vector<16xi32>
          %parallel_loop3A_287 = tpu.vector_load_idx %arg9[%parallel_loop3A_286] : memref<28672xf32, #tpu.memory_space<vmem>>[vector<16xi32>], vector<16xf32>,
          %parallel_loop3A_288 = arith.constant 1040 : i32
          %parallel_loop3A_289 = arith.addi %parallel_loop3A_221, %parallel_loop3A_288 : i32
          %parallel_loop3A_290 = arith.index_cast %parallel_loop3A_289 : i32 to index
          %parallel_loop3A_291 = tpu.vector_load %arg11[%parallel_loop3A_290] {strides = array<i32>} : memref<28672xf32, #tpu.memory_space<vmem>>, vector<16xf32>,
          tpu.vector_store %arg11[%parallel_loop3A_290], %parallel_loop3A_287 {strides = array<i32>} : memref<28672xf32, #tpu.memory_space<vmem>>, vector<16xf32>,
          %parallel_loop3A_292 = vector.broadcast %parallel_loop3A_221 : i32 to vector<16xi32>
          %parallel_loop3A_293 = arith.addi %get3A_107, %parallel_loop3A_292 : vector<16xi32>
          %parallel_loop3A_294 = tpu.vector_load_idx %arg9[%parallel_loop3A_293] : memref<28672xf32, #tpu.memory_space<vmem>>[vector<16xi32>], vector<16xf32>,
          %parallel_loop3A_295 = arith.constant 1056 : i32
          %parallel_loop3A_296 = arith.addi %parallel_loop3A_221, %parallel_loop3A_295 : i32
          %parallel_loop3A_297 = arith.index_cast %parallel_loop3A_296 : i32 to index
          %parallel_loop3A_298 = tpu.vector_load %arg11[%parallel_loop3A_297] {strides = array<i32>} : memref<28672xf32, #tpu.memory_space<vmem>>, vector<16xf32>,
          tpu.vector_store %arg11[%parallel_loop3A_297], %parallel_loop3A_294 {strides = array<i32>} : memref<28672xf32, #tpu.memory_space<vmem>>, vector<16xf32>,
          %parallel_loop3A_299 = vector.broadcast %parallel_loop3A_221 : i32 to vector<16xi32>
          %parallel_loop3A_300 = arith.addi %get3A_109, %parallel_loop3A_299 : vector<16xi32>
          %parallel_loop3A_301 = tpu.vector_load_idx %arg9[%parallel_loop3A_300] : memref<28672xf32, #tpu.memory_space<vmem>>[vector<16xi32>], vector<16xf32>,
          %parallel_loop3A_302 = arith.constant 1072 : i32
          %parallel_loop3A_303 = arith.addi %parallel_loop3A_221, %parallel_loop3A_302 : i32
          %parallel_loop3A_304 = arith.index_cast %parallel_loop3A_303 : i32 to index
          %parallel_loop3A_305 = tpu.vector_load %arg11[%parallel_loop3A_304] {strides = array<i32>} : memref<28672xf32, #tpu.memory_space<vmem>>, vector<16xf32>,
          tpu.vector_store %arg11[%parallel_loop3A_304], %parallel_loop3A_301 {strides = array<i32>} : memref<28672xf32, #tpu.memory_space<vmem>>, vector<16xf32>,
          %parallel_loop3A_306 = vector.broadcast %parallel_loop3A_221 : i32 to vector<16xi32>
          %parallel_loop3A_307 = arith.addi %get3A_111, %parallel_loop3A_306 : vector<16xi32>
          %parallel_loop3A_308 = tpu.vector_load_idx %arg9[%parallel_loop3A_307] : memref<28672xf32, #tpu.memory_space<vmem>>[vector<16xi32>], vector<16xf32>,
          %parallel_loop3A_309 = arith.constant 1088 : i32
          %parallel_loop3A_310 = arith.addi %parallel_loop3A_221, %parallel_loop3A_309 : i32
          %parallel_loop3A_311 = arith.index_cast %parallel_loop3A_310 : i32 to index
          %parallel_loop3A_312 = tpu.vector_load %arg11[%parallel_loop3A_311] {strides = array<i32>} : memref<28672xf32, #tpu.memory_space<vmem>>, vector<16xf32>,
          tpu.vector_store %arg11[%parallel_loop3A_311], %parallel_loop3A_308 {strides = array<i32>} : memref<28672xf32, #tpu.memory_space<vmem>>, vector<16xf32>,
          %parallel_loop3A_313 = vector.broadcast %parallel_loop3A_221 : i32 to vector<16xi32>
          %parallel_loop3A_314 = arith.addi %get3A_113, %parallel_loop3A_313 : vector<16xi32>
          %parallel_loop3A_315 = tpu.vector_load_idx %arg9[%parallel_loop3A_314] : memref<28672xf32, #tpu.memory_space<vmem>>[vector<16xi32>], vector<16xf32>,
          %parallel_loop3A_316 = arith.constant 1104 : i32
          %parallel_loop3A_317 = arith.addi %parallel_loop3A_221, %parallel_loop3A_316 : i32
          %parallel_loop3A_318 = arith.index_cast %parallel_loop3A_317 : i32 to index
          %parallel_loop3A_319 = tpu.vector_load %arg11[%parallel_loop3A_318] {strides = array<i32>} : memref<28672xf32, #tpu.memory_space<vmem>>, vector<16xf32>,
          tpu.vector_store %arg11[%parallel_loop3A_318], %parallel_loop3A_315 {strides = array<i32>} : memref<28672xf32, #tpu.memory_space<vmem>>, vector<16xf32>,
          %parallel_loop3A_320 = vector.broadcast %parallel_loop3A_221 : i32 to vector<16xi32>
          %parallel_loop3A_321 = arith.addi %get3A_115, %parallel_loop3A_320 : vector<16xi32>
          %parallel_loop3A_322 = tpu.vector_load_idx %arg9[%parallel_loop3A_321] : memref<28672xf32, #tpu.memory_space<vmem>>[vector<16xi32>], vector<16xf32>,
          %parallel_loop3A_323 = arith.constant 1120 : i32
          %parallel_loop3A_324 = arith.addi %parallel_loop3A_221, %parallel_loop3A_323 : i32
          %parallel_loop3A_325 = arith.index_cast %parallel_loop3A_324 : i32 to index
          %parallel_loop3A_326 = tpu.vector_load %arg11[%parallel_loop3A_325] {strides = array<i32>} : memref<28672xf32, #tpu.memory_space<vmem>>, vector<16xf32>,
          tpu.vector_store %arg11[%parallel_loop3A_325], %parallel_loop3A_322 {strides = array<i32>} : memref<28672xf32, #tpu.memory_space<vmem>>, vector<16xf32>,
          %parallel_loop3A_327 = vector.broadcast %parallel_loop3A_221 : i32 to vector<16xi32>
          %parallel_loop3A_328 = arith.addi %get3A_117, %parallel_loop3A_327 : vector<16xi32>
          %parallel_loop3A_329 = tpu.vector_load_idx %arg9[%parallel_loop3A_328] : memref<28672xf32, #tpu.memory_space<vmem>>[vector<16xi32>], vector<16xf32>,
          %parallel_loop3A_330 = arith.constant 1136 : i32
          %parallel_loop3A_331 = arith.addi %parallel_loop3A_221, %parallel_loop3A_330 : i32
          %parallel_loop3A_332 = arith.index_cast %parallel_loop3A_331 : i32 to index
          %parallel_loop3A_333 = tpu.vector_load %arg11[%parallel_loop3A_332] {strides = array<i32>} : memref<28672xf32, #tpu.memory_space<vmem>>, vector<16xf32>,
          tpu.vector_store %arg11[%parallel_loop3A_332], %parallel_loop3A_329 {strides = array<i32>} : memref<28672xf32, #tpu.memory_space<vmem>>, vector<16xf32>,
        } {sc.loop_unroll_factor = 2 : i64, sc.parallel_access}
        %parallel_loop3A_194 = arith.constant 0 : i32
        %parallel_loop3A_195 = arith.constant 56 : i32
        %parallel_loop3A_196 = arith.constant 1 : i32
        scf.for %parallel_loop3A_212 = %parallel_loop3A_194 to %parallel_loop3A_195 step %parallel_loop3A_196  : i32 {
          %parallel_loop3A_213 = arith.constant 128 : i32
          %parallel_loop3A_214 = arith.muli %parallel_loop3A_212, %parallel_loop3A_213 : i32
          %parallel_loop3A_215 = arith.constant 0 : i32
          %parallel_loop3A_216 = arith.addi %parallel_loop3A_215, %parallel_loop3A_214 : i32
          %parallel_loop3A_217 = arith.constant 3 : i32
          %parallel_loop3A_218 = arith.shrui %parallel_loop3A_212, %parallel_loop3A_217 : i32
          %parallel_loop3A_219 = arith.constant 1024 : i32
          %parallel_loop3A_220 = arith.muli %parallel_loop3A_218, %parallel_loop3A_219 : i32
          %parallel_loop3A_221 = arith.addi %parallel_loop3A_216, %parallel_loop3A_220 : i32
          %parallel_loop3A_222 = arith.constant 16 : i32
          %parallel_loop3A_223 = arith.cmpi slt, %scan3A_76, %parallel_loop3A_222 : i32
          %parallel_loop3A_224 = arith.extui %parallel_loop3A_223 : i1 to i32
          %parallel_loop3A_225 = arith.constant 0 : i32
          %parallel_loop3A_226 = arith.cmpi ne, %parallel_loop3A_224, %parallel_loop3A_225 : i32
          scf.if %parallel_loop3A_226 {
            %parallel_loop3A_302 = arith.constant 0 : i32
            %parallel_loop3A_303 = arith.addi %parallel_loop3A_221, %parallel_loop3A_302 : i32
            %parallel_loop3A_304 = arith.index_cast %parallel_loop3A_303 : i32 to index
            %parallel_loop3A_305 = tpu.vector_load %arg11[%parallel_loop3A_304] {strides = array<i32>} : memref<28672xf32, #tpu.memory_space<vmem>>, vector<16xf32>,
            %parallel_loop3A_306 = arith.constant 0 : i32
            %parallel_loop3A_307 = vector.broadcast %parallel_loop3A_306 : i32 to vector<16xi32>
            %parallel_loop3A_308 = arith.addi %iota3A, %parallel_loop3A_307 : vector<16xi32>
            %parallel_loop3A_309 = arith.cmpi slt, %parallel_loop3A_308, %broadcast_in_dim3A_78 : vector<16xi32>
            %parallel_loop3A_310 = arith.select %parallel_loop3A_309, %parallel_loop3A_305, %broadcast_in_dim3A_80 : vector<16xi1>, vector<16xf32>
            %parallel_loop3A_311 = arith.constant 0 : i32
            %parallel_loop3A_312 = arith.addi %parallel_loop3A_221, %parallel_loop3A_311 : i32
            %parallel_loop3A_313 = arith.index_cast %parallel_loop3A_312 : i32 to index
            %parallel_loop3A_314 = tpu.vector_load %arg11[%parallel_loop3A_313] {strides = array<i32>} : memref<28672xf32, #tpu.memory_space<vmem>>, vector<16xf32>,
            tpu.vector_store %arg11[%parallel_loop3A_313], %parallel_loop3A_310 {strides = array<i32>} : memref<28672xf32, #tpu.memory_space<vmem>>, vector<16xf32>,
          } else {
          }
          %parallel_loop3A_227 = arith.constant 32 : i32
          %parallel_loop3A_228 = arith.cmpi slt, %scan3A_76, %parallel_loop3A_227 : i32
          %parallel_loop3A_229 = arith.extui %parallel_loop3A_228 : i1 to i32
          %parallel_loop3A_230 = arith.constant 0 : i32
          %parallel_loop3A_231 = arith.cmpi ne, %parallel_loop3A_229, %parallel_loop3A_230 : i32
          scf.if %parallel_loop3A_231 {
            %parallel_loop3A_302 = arith.constant 16 : i32
            %parallel_loop3A_303 = arith.addi %parallel_loop3A_221, %parallel_loop3A_302 : i32
            %parallel_loop3A_304 = arith.index_cast %parallel_loop3A_303 : i32 to index
            %parallel_loop3A_305 = tpu.vector_load %arg11[%parallel_loop3A_304] {strides = array<i32>} : memref<28672xf32, #tpu.memory_space<vmem>>, vector<16xf32>,
            %parallel_loop3A_306 = arith.constant 16 : i32
            %parallel_loop3A_307 = vector.broadcast %parallel_loop3A_306 : i32 to vector<16xi32>
            %parallel_loop3A_308 = arith.addi %iota3A, %parallel_loop3A_307 : vector<16xi32>
            %parallel_loop3A_309 = arith.cmpi slt, %parallel_loop3A_308, %broadcast_in_dim3A_78 : vector<16xi32>
            %parallel_loop3A_310 = arith.select %parallel_loop3A_309, %parallel_loop3A_305, %broadcast_in_dim3A_80 : vector<16xi1>, vector<16xf32>
            %parallel_loop3A_311 = arith.constant 16 : i32
            %parallel_loop3A_312 = arith.addi %parallel_loop3A_221, %parallel_loop3A_311 : i32
            %parallel_loop3A_313 = arith.index_cast %parallel_loop3A_312 : i32 to index
            %parallel_loop3A_314 = tpu.vector_load %arg11[%parallel_loop3A_313] {strides = array<i32>} : memref<28672xf32, #tpu.memory_space<vmem>>, vector<16xf32>,
            tpu.vector_store %arg11[%parallel_loop3A_313], %parallel_loop3A_310 {strides = array<i32>} : memref<28672xf32, #tpu.memory_space<vmem>>, vector<16xf32>,
          } else {
          }
          %parallel_loop3A_232 = arith.constant 48 : i32
          %parallel_loop3A_233 = arith.cmpi slt, %scan3A_76, %parallel_loop3A_232 : i32
          %parallel_loop3A_234 = arith.extui %parallel_loop3A_233 : i1 to i32
          %parallel_loop3A_235 = arith.constant 0 : i32
          %parallel_loop3A_236 = arith.cmpi ne, %parallel_loop3A_234, %parallel_loop3A_235 : i32
          scf.if %parallel_loop3A_236 {
            %parallel_loop3A_302 = arith.constant 32 : i32
            %parallel_loop3A_303 = arith.addi %parallel_loop3A_221, %parallel_loop3A_302 : i32
            %parallel_loop3A_304 = arith.index_cast %parallel_loop3A_303 : i32 to index
            %parallel_loop3A_305 = tpu.vector_load %arg11[%parallel_loop3A_304] {strides = array<i32>} : memref<28672xf32, #tpu.memory_space<vmem>>, vector<16xf32>,
            %parallel_loop3A_306 = arith.constant 32 : i32
            %parallel_loop3A_307 = vector.broadcast %parallel_loop3A_306 : i32 to vector<16xi32>
            %parallel_loop3A_308 = arith.addi %iota3A, %parallel_loop3A_307 : vector<16xi32>
            %parallel_loop3A_309 = arith.cmpi slt, %parallel_loop3A_308, %broadcast_in_dim3A_78 : vector<16xi32>
            %parallel_loop3A_310 = arith.select %parallel_loop3A_309, %parallel_loop3A_305, %broadcast_in_dim3A_80 : vector<16xi1>, vector<16xf32>
            %parallel_loop3A_311 = arith.constant 32 : i32
            %parallel_loop3A_312 = arith.addi %parallel_loop3A_221, %parallel_loop3A_311 : i32
            %parallel_loop3A_313 = arith.index_cast %parallel_loop3A_312 : i32 to index
            %parallel_loop3A_314 = tpu.vector_load %arg11[%parallel_loop3A_313] {strides = array<i32>} : memref<28672xf32, #tpu.memory_space<vmem>>, vector<16xf32>,
            tpu.vector_store %arg11[%parallel_loop3A_313], %parallel_loop3A_310 {strides = array<i32>} : memref<28672xf32, #tpu.memory_space<vmem>>, vector<16xf32>,
          } else {
          }
          %parallel_loop3A_237 = arith.constant 64 : i32
          %parallel_loop3A_238 = arith.cmpi slt, %scan3A_76, %parallel_loop3A_237 : i32
          %parallel_loop3A_239 = arith.extui %parallel_loop3A_238 : i1 to i32
          %parallel_loop3A_240 = arith.constant 0 : i32
          %parallel_loop3A_241 = arith.cmpi ne, %parallel_loop3A_239, %parallel_loop3A_240 : i32
          scf.if %parallel_loop3A_241 {
            %parallel_loop3A_302 = arith.constant 48 : i32
            %parallel_loop3A_303 = arith.addi %parallel_loop3A_221, %parallel_loop3A_302 : i32
            %parallel_loop3A_304 = arith.index_cast %parallel_loop3A_303 : i32 to index
            %parallel_loop3A_305 = tpu.vector_load %arg11[%parallel_loop3A_304] {strides = array<i32>} : memref<28672xf32, #tpu.memory_space<vmem>>, vector<16xf32>,
            %parallel_loop3A_306 = arith.constant 48 : i32
            %parallel_loop3A_307 = vector.broadcast %parallel_loop3A_306 : i32 to vector<16xi32>
            %parallel_loop3A_308 = arith.addi %iota3A, %parallel_loop3A_307 : vector<16xi32>
            %parallel_loop3A_309 = arith.cmpi slt, %parallel_loop3A_308, %broadcast_in_dim3A_78 : vector<16xi32>
            %parallel_loop3A_310 = arith.select %parallel_loop3A_309, %parallel_loop3A_305, %broadcast_in_dim3A_80 : vector<16xi1>, vector<16xf32>
            %parallel_loop3A_311 = arith.constant 48 : i32
            %parallel_loop3A_312 = arith.addi %parallel_loop3A_221, %parallel_loop3A_311 : i32
            %parallel_loop3A_313 = arith.index_cast %parallel_loop3A_312 : i32 to index
            %parallel_loop3A_314 = tpu.vector_load %arg11[%parallel_loop3A_313] {strides = array<i32>} : memref<28672xf32, #tpu.memory_space<vmem>>, vector<16xf32>,
            tpu.vector_store %arg11[%parallel_loop3A_313], %parallel_loop3A_310 {strides = array<i32>} : memref<28672xf32, #tpu.memory_space<vmem>>, vector<16xf32>,
          } else {
          }
          %parallel_loop3A_242 = arith.constant 80 : i32
          %parallel_loop3A_243 = arith.cmpi slt, %scan3A_76, %parallel_loop3A_242 : i32
          %parallel_loop3A_244 = arith.extui %parallel_loop3A_243 : i1 to i32
          %parallel_loop3A_245 = arith.constant 0 : i32
          %parallel_loop3A_246 = arith.cmpi ne, %parallel_loop3A_244, %parallel_loop3A_245 : i32
          scf.if %parallel_loop3A_246 {
            %parallel_loop3A_302 = arith.constant 64 : i32
            %parallel_loop3A_303 = arith.addi %parallel_loop3A_221, %parallel_loop3A_302 : i32
            %parallel_loop3A_304 = arith.index_cast %parallel_loop3A_303 : i32 to index
            %parallel_loop3A_305 = tpu.vector_load %arg11[%parallel_loop3A_304] {strides = array<i32>} : memref<28672xf32, #tpu.memory_space<vmem>>, vector<16xf32>,
            %parallel_loop3A_306 = arith.constant 64 : i32
            %parallel_loop3A_307 = vector.broadcast %parallel_loop3A_306 : i32 to vector<16xi32>
            %parallel_loop3A_308 = arith.addi %iota3A, %parallel_loop3A_307 : vector<16xi32>
            %parallel_loop3A_309 = arith.cmpi slt, %parallel_loop3A_308, %broadcast_in_dim3A_78 : vector<16xi32>
            %parallel_loop3A_310 = arith.select %parallel_loop3A_309, %parallel_loop3A_305, %broadcast_in_dim3A_80 : vector<16xi1>, vector<16xf32>
            %parallel_loop3A_311 = arith.constant 64 : i32
            %parallel_loop3A_312 = arith.addi %parallel_loop3A_221, %parallel_loop3A_311 : i32
            %parallel_loop3A_313 = arith.index_cast %parallel_loop3A_312 : i32 to index
            %parallel_loop3A_314 = tpu.vector_load %arg11[%parallel_loop3A_313] {strides = array<i32>} : memref<28672xf32, #tpu.memory_space<vmem>>, vector<16xf32>,
            tpu.vector_store %arg11[%parallel_loop3A_313], %parallel_loop3A_310 {strides = array<i32>} : memref<28672xf32, #tpu.memory_space<vmem>>, vector<16xf32>,
          } else {
          }
          %parallel_loop3A_247 = arith.constant 96 : i32
          %parallel_loop3A_248 = arith.cmpi slt, %scan3A_76, %parallel_loop3A_247 : i32
          %parallel_loop3A_249 = arith.extui %parallel_loop3A_248 : i1 to i32
          %parallel_loop3A_250 = arith.constant 0 : i32
          %parallel_loop3A_251 = arith.cmpi ne, %parallel_loop3A_249, %parallel_loop3A_250 : i32
          scf.if %parallel_loop3A_251 {
            %parallel_loop3A_302 = arith.constant 80 : i32
            %parallel_loop3A_303 = arith.addi %parallel_loop3A_221, %parallel_loop3A_302 : i32
            %parallel_loop3A_304 = arith.index_cast %parallel_loop3A_303 : i32 to index
            %parallel_loop3A_305 = tpu.vector_load %arg11[%parallel_loop3A_304] {strides = array<i32>} : memref<28672xf32, #tpu.memory_space<vmem>>, vector<16xf32>,
            %parallel_loop3A_306 = arith.constant 80 : i32
            %parallel_loop3A_307 = vector.broadcast %parallel_loop3A_306 : i32 to vector<16xi32>
            %parallel_loop3A_308 = arith.addi %iota3A, %parallel_loop3A_307 : vector<16xi32>
            %parallel_loop3A_309 = arith.cmpi slt, %parallel_loop3A_308, %broadcast_in_dim3A_78 : vector<16xi32>
            %parallel_loop3A_310 = arith.select %parallel_loop3A_309, %parallel_loop3A_305, %broadcast_in_dim3A_80 : vector<16xi1>, vector<16xf32>
            %parallel_loop3A_311 = arith.constant 80 : i32
            %parallel_loop3A_312 = arith.addi %parallel_loop3A_221, %parallel_loop3A_311 : i32
            %parallel_loop3A_313 = arith.index_cast %parallel_loop3A_312 : i32 to index
            %parallel_loop3A_314 = tpu.vector_load %arg11[%parallel_loop3A_313] {strides = array<i32>} : memref<28672xf32, #tpu.memory_space<vmem>>, vector<16xf32>,
            tpu.vector_store %arg11[%parallel_loop3A_313], %parallel_loop3A_310 {strides = array<i32>} : memref<28672xf32, #tpu.memory_space<vmem>>, vector<16xf32>,
          } else {
          }
          %parallel_loop3A_252 = arith.constant 112 : i32
          %parallel_loop3A_253 = arith.cmpi slt, %scan3A_76, %parallel_loop3A_252 : i32
          %parallel_loop3A_254 = arith.extui %parallel_loop3A_253 : i1 to i32
          %parallel_loop3A_255 = arith.constant 0 : i32
          %parallel_loop3A_256 = arith.cmpi ne, %parallel_loop3A_254, %parallel_loop3A_255 : i32
          scf.if %parallel_loop3A_256 {
            %parallel_loop3A_302 = arith.constant 96 : i32
            %parallel_loop3A_303 = arith.addi %parallel_loop3A_221, %parallel_loop3A_302 : i32
            %parallel_loop3A_304 = arith.index_cast %parallel_loop3A_303 : i32 to index
            %parallel_loop3A_305 = tpu.vector_load %arg11[%parallel_loop3A_304] {strides = array<i32>} : memref<28672xf32, #tpu.memory_space<vmem>>, vector<16xf32>,
            %parallel_loop3A_306 = arith.constant 96 : i32
            %parallel_loop3A_307 = vector.broadcast %parallel_loop3A_306 : i32 to vector<16xi32>
            %parallel_loop3A_308 = arith.addi %iota3A, %parallel_loop3A_307 : vector<16xi32>
            %parallel_loop3A_309 = arith.cmpi slt, %parallel_loop3A_308, %broadcast_in_dim3A_78 : vector<16xi32>
            %parallel_loop3A_310 = arith.select %parallel_loop3A_309, %parallel_loop3A_305, %broadcast_in_dim3A_80 : vector<16xi1>, vector<16xf32>
            %parallel_loop3A_311 = arith.constant 96 : i32
            %parallel_loop3A_312 = arith.addi %parallel_loop3A_221, %parallel_loop3A_311 : i32
            %parallel_loop3A_313 = arith.index_cast %parallel_loop3A_312 : i32 to index
            %parallel_loop3A_314 = tpu.vector_load %arg11[%parallel_loop3A_313] {strides = array<i32>} : memref<28672xf32, #tpu.memory_space<vmem>>, vector<16xf32>,
            tpu.vector_store %arg11[%parallel_loop3A_313], %parallel_loop3A_310 {strides = array<i32>} : memref<28672xf32, #tpu.memory_space<vmem>>, vector<16xf32>,
          } else {
          }
          %parallel_loop3A_257 = arith.constant 128 : i32
          %parallel_loop3A_258 = arith.cmpi slt, %scan3A_76, %parallel_loop3A_257 : i32
          %parallel_loop3A_259 = arith.extui %parallel_loop3A_258 : i1 to i32
          %parallel_loop3A_260 = arith.constant 0 : i32
          %parallel_loop3A_261 = arith.cmpi ne, %parallel_loop3A_259, %parallel_loop3A_260 : i32
          scf.if %parallel_loop3A_261 {
            %parallel_loop3A_302 = arith.constant 112 : i32
            %parallel_loop3A_303 = arith.addi %parallel_loop3A_221, %parallel_loop3A_302 : i32
            %parallel_loop3A_304 = arith.index_cast %parallel_loop3A_303 : i32 to index
            %parallel_loop3A_305 = tpu.vector_load %arg11[%parallel_loop3A_304] {strides = array<i32>} : memref<28672xf32, #tpu.memory_space<vmem>>, vector<16xf32>,
            %parallel_loop3A_306 = arith.constant 112 : i32
            %parallel_loop3A_307 = vector.broadcast %parallel_loop3A_306 : i32 to vector<16xi32>
            %parallel_loop3A_308 = arith.addi %iota3A, %parallel_loop3A_307 : vector<16xi32>
            %parallel_loop3A_309 = arith.cmpi slt, %parallel_loop3A_308, %broadcast_in_dim3A_78 : vector<16xi32>
            %parallel_loop3A_310 = arith.select %parallel_loop3A_309, %parallel_loop3A_305, %broadcast_in_dim3A_80 : vector<16xi1>, vector<16xf32>
            %parallel_loop3A_311 = arith.constant 112 : i32
            %parallel_loop3A_312 = arith.addi %parallel_loop3A_221, %parallel_loop3A_311 : i32
            %parallel_loop3A_313 = arith.index_cast %parallel_loop3A_312 : i32 to index
            %parallel_loop3A_314 = tpu.vector_load %arg11[%parallel_loop3A_313] {strides = array<i32>} : memref<28672xf32, #tpu.memory_space<vmem>>, vector<16xf32>,
            tpu.vector_store %arg11[%parallel_loop3A_313], %parallel_loop3A_310 {strides = array<i32>} : memref<28672xf32, #tpu.memory_space<vmem>>, vector<16xf32>,
          } else {
          }
          %parallel_loop3A_262 = arith.constant 144 : i32
          %parallel_loop3A_263 = arith.cmpi slt, %scan3A_76, %parallel_loop3A_262 : i32
          %parallel_loop3A_264 = arith.extui %parallel_loop3A_263 : i1 to i32
          %parallel_loop3A_265 = arith.constant 0 : i32
          %parallel_loop3A_266 = arith.cmpi ne, %parallel_loop3A_264, %parallel_loop3A_265 : i32
          scf.if %parallel_loop3A_266 {
            %parallel_loop3A_302 = arith.constant 1024 : i32
            %parallel_loop3A_303 = arith.addi %parallel_loop3A_221, %parallel_loop3A_302 : i32
            %parallel_loop3A_304 = arith.index_cast %parallel_loop3A_303 : i32 to index
            %parallel_loop3A_305 = tpu.vector_load %arg11[%parallel_loop3A_304] {strides = array<i32>} : memref<28672xf32, #tpu.memory_space<vmem>>, vector<16xf32>,
            %parallel_loop3A_306 = arith.constant 128 : i32
            %parallel_loop3A_307 = vector.broadcast %parallel_loop3A_306 : i32 to vector<16xi32>
            %parallel_loop3A_308 = arith.addi %iota3A, %parallel_loop3A_307 : vector<16xi32>
            %parallel_loop3A_309 = arith.cmpi slt, %parallel_loop3A_308, %broadcast_in_dim3A_78 : vector<16xi32>
            %parallel_loop3A_310 = arith.select %parallel_loop3A_309, %parallel_loop3A_305, %broadcast_in_dim3A_80 : vector<16xi1>, vector<16xf32>
            %parallel_loop3A_311 = arith.constant 1024 : i32
            %parallel_loop3A_312 = arith.addi %parallel_loop3A_221, %parallel_loop3A_311 : i32
            %parallel_loop3A_313 = arith.index_cast %parallel_loop3A_312 : i32 to index
            %parallel_loop3A_314 = tpu.vector_load %arg11[%parallel_loop3A_313] {strides = array<i32>} : memref<28672xf32, #tpu.memory_space<vmem>>, vector<16xf32>,
            tpu.vector_store %arg11[%parallel_loop3A_313], %parallel_loop3A_310 {strides = array<i32>} : memref<28672xf32, #tpu.memory_space<vmem>>, vector<16xf32>,
          } else {
          }
          %parallel_loop3A_267 = arith.constant 160 : i32
          %parallel_loop3A_268 = arith.cmpi slt, %scan3A_76, %parallel_loop3A_267 : i32
          %parallel_loop3A_269 = arith.extui %parallel_loop3A_268 : i1 to i32
          %parallel_loop3A_270 = arith.constant 0 : i32
          %parallel_loop3A_271 = arith.cmpi ne, %parallel_loop3A_269, %parallel_loop3A_270 : i32
          scf.if %parallel_loop3A_271 {
            %parallel_loop3A_302 = arith.constant 1040 : i32
            %parallel_loop3A_303 = arith.addi %parallel_loop3A_221, %parallel_loop3A_302 : i32
            %parallel_loop3A_304 = arith.index_cast %parallel_loop3A_303 : i32 to index
            %parallel_loop3A_305 = tpu.vector_load %arg11[%parallel_loop3A_304] {strides = array<i32>} : memref<28672xf32, #tpu.memory_space<vmem>>, vector<16xf32>,
            %parallel_loop3A_306 = arith.constant 144 : i32
            %parallel_loop3A_307 = vector.broadcast %parallel_loop3A_306 : i32 to vector<16xi32>
            %parallel_loop3A_308 = arith.addi %iota3A, %parallel_loop3A_307 : vector<16xi32>
            %parallel_loop3A_309 = arith.cmpi slt, %parallel_loop3A_308, %broadcast_in_dim3A_78 : vector<16xi32>
            %parallel_loop3A_310 = arith.select %parallel_loop3A_309, %parallel_loop3A_305, %broadcast_in_dim3A_80 : vector<16xi1>, vector<16xf32>
            %parallel_loop3A_311 = arith.constant 1040 : i32
            %parallel_loop3A_312 = arith.addi %parallel_loop3A_221, %parallel_loop3A_311 : i32
            %parallel_loop3A_313 = arith.index_cast %parallel_loop3A_312 : i32 to index
            %parallel_loop3A_314 = tpu.vector_load %arg11[%parallel_loop3A_313] {strides = array<i32>} : memref<28672xf32, #tpu.memory_space<vmem>>, vector<16xf32>,
            tpu.vector_store %arg11[%parallel_loop3A_313], %parallel_loop3A_310 {strides = array<i32>} : memref<28672xf32, #tpu.memory_space<vmem>>, vector<16xf32>,
          } else {
          }
          %parallel_loop3A_272 = arith.constant 176 : i32
          %parallel_loop3A_273 = arith.cmpi slt, %scan3A_76, %parallel_loop3A_272 : i32
          %parallel_loop3A_274 = arith.extui %parallel_loop3A_273 : i1 to i32
          %parallel_loop3A_275 = arith.constant 0 : i32
          %parallel_loop3A_276 = arith.cmpi ne, %parallel_loop3A_274, %parallel_loop3A_275 : i32
          scf.if %parallel_loop3A_276 {
            %parallel_loop3A_302 = arith.constant 1056 : i32
            %parallel_loop3A_303 = arith.addi %parallel_loop3A_221, %parallel_loop3A_302 : i32
            %parallel_loop3A_304 = arith.index_cast %parallel_loop3A_303 : i32 to index
            %parallel_loop3A_305 = tpu.vector_load %arg11[%parallel_loop3A_304] {strides = array<i32>} : memref<28672xf32, #tpu.memory_space<vmem>>, vector<16xf32>,
            %parallel_loop3A_306 = arith.constant 160 : i32
            %parallel_loop3A_307 = vector.broadcast %parallel_loop3A_306 : i32 to vector<16xi32>
            %parallel_loop3A_308 = arith.addi %iota3A, %parallel_loop3A_307 : vector<16xi32>
            %parallel_loop3A_309 = arith.cmpi slt, %parallel_loop3A_308, %broadcast_in_dim3A_78 : vector<16xi32>
            %parallel_loop3A_310 = arith.select %parallel_loop3A_309, %parallel_loop3A_305, %broadcast_in_dim3A_80 : vector<16xi1>, vector<16xf32>
            %parallel_loop3A_311 = arith.constant 1056 : i32
            %parallel_loop3A_312 = arith.addi %parallel_loop3A_221, %parallel_loop3A_311 : i32
            %parallel_loop3A_313 = arith.index_cast %parallel_loop3A_312 : i32 to index
            %parallel_loop3A_314 = tpu.vector_load %arg11[%parallel_loop3A_313] {strides = array<i32>} : memref<28672xf32, #tpu.memory_space<vmem>>, vector<16xf32>,
            tpu.vector_store %arg11[%parallel_loop3A_313], %parallel_loop3A_310 {strides = array<i32>} : memref<28672xf32, #tpu.memory_space<vmem>>, vector<16xf32>,
          } else {
          }
          %parallel_loop3A_277 = arith.constant 192 : i32
          %parallel_loop3A_278 = arith.cmpi slt, %scan3A_76, %parallel_loop3A_277 : i32
          %parallel_loop3A_279 = arith.extui %parallel_loop3A_278 : i1 to i32
          %parallel_loop3A_280 = arith.constant 0 : i32
          %parallel_loop3A_281 = arith.cmpi ne, %parallel_loop3A_279, %parallel_loop3A_280 : i32
          scf.if %parallel_loop3A_281 {
            %parallel_loop3A_302 = arith.constant 1072 : i32
            %parallel_loop3A_303 = arith.addi %parallel_loop3A_221, %parallel_loop3A_302 : i32
            %parallel_loop3A_304 = arith.index_cast %parallel_loop3A_303 : i32 to index
            %parallel_loop3A_305 = tpu.vector_load %arg11[%parallel_loop3A_304] {strides = array<i32>} : memref<28672xf32, #tpu.memory_space<vmem>>, vector<16xf32>,
            %parallel_loop3A_306 = arith.constant 176 : i32
            %parallel_loop3A_307 = vector.broadcast %parallel_loop3A_306 : i32 to vector<16xi32>
            %parallel_loop3A_308 = arith.addi %iota3A, %parallel_loop3A_307 : vector<16xi32>
            %parallel_loop3A_309 = arith.cmpi slt, %parallel_loop3A_308, %broadcast_in_dim3A_78 : vector<16xi32>
            %parallel_loop3A_310 = arith.select %parallel_loop3A_309, %parallel_loop3A_305, %broadcast_in_dim3A_80 : vector<16xi1>, vector<16xf32>
            %parallel_loop3A_311 = arith.constant 1072 : i32
            %parallel_loop3A_312 = arith.addi %parallel_loop3A_221, %parallel_loop3A_311 : i32
            %parallel_loop3A_313 = arith.index_cast %parallel_loop3A_312 : i32 to index
            %parallel_loop3A_314 = tpu.vector_load %arg11[%parallel_loop3A_313] {strides = array<i32>} : memref<28672xf32, #tpu.memory_space<vmem>>, vector<16xf32>,
            tpu.vector_store %arg11[%parallel_loop3A_313], %parallel_loop3A_310 {strides = array<i32>} : memref<28672xf32, #tpu.memory_space<vmem>>, vector<16xf32>,
          } else {
          }
          %parallel_loop3A_282 = arith.constant 208 : i32
          %parallel_loop3A_283 = arith.cmpi slt, %scan3A_76, %parallel_loop3A_282 : i32
          %parallel_loop3A_284 = arith.extui %parallel_loop3A_283 : i1 to i32
          %parallel_loop3A_285 = arith.constant 0 : i32
          %parallel_loop3A_286 = arith.cmpi ne, %parallel_loop3A_284, %parallel_loop3A_285 : i32
          scf.if %parallel_loop3A_286 {
            %parallel_loop3A_302 = arith.constant 1088 : i32
            %parallel_loop3A_303 = arith.addi %parallel_loop3A_221, %parallel_loop3A_302 : i32
            %parallel_loop3A_304 = arith.index_cast %parallel_loop3A_303 : i32 to index
            %parallel_loop3A_305 = tpu.vector_load %arg11[%parallel_loop3A_304] {strides = array<i32>} : memref<28672xf32, #tpu.memory_space<vmem>>, vector<16xf32>,
            %parallel_loop3A_306 = arith.constant 192 : i32
            %parallel_loop3A_307 = vector.broadcast %parallel_loop3A_306 : i32 to vector<16xi32>
            %parallel_loop3A_308 = arith.addi %iota3A, %parallel_loop3A_307 : vector<16xi32>
            %parallel_loop3A_309 = arith.cmpi slt, %parallel_loop3A_308, %broadcast_in_dim3A_78 : vector<16xi32>
            %parallel_loop3A_310 = arith.select %parallel_loop3A_309, %parallel_loop3A_305, %broadcast_in_dim3A_80 : vector<16xi1>, vector<16xf32>
            %parallel_loop3A_311 = arith.constant 1088 : i32
            %parallel_loop3A_312 = arith.addi %parallel_loop3A_221, %parallel_loop3A_311 : i32
            %parallel_loop3A_313 = arith.index_cast %parallel_loop3A_312 : i32 to index
            %parallel_loop3A_314 = tpu.vector_load %arg11[%parallel_loop3A_313] {strides = array<i32>} : memref<28672xf32, #tpu.memory_space<vmem>>, vector<16xf32>,
            tpu.vector_store %arg11[%parallel_loop3A_313], %parallel_loop3A_310 {strides = array<i32>} : memref<28672xf32, #tpu.memory_space<vmem>>, vector<16xf32>,
          } else {
          }
          %parallel_loop3A_287 = arith.constant 224 : i32
          %parallel_loop3A_288 = arith.cmpi slt, %scan3A_76, %parallel_loop3A_287 : i32
          %parallel_loop3A_289 = arith.extui %parallel_loop3A_288 : i1 to i32
          %parallel_loop3A_290 = arith.constant 0 : i32
          %parallel_loop3A_291 = arith.cmpi ne, %parallel_loop3A_289, %parallel_loop3A_290 : i32
          scf.if %parallel_loop3A_291 {
            %parallel_loop3A_302 = arith.constant 1104 : i32
            %parallel_loop3A_303 = arith.addi %parallel_loop3A_221, %parallel_loop3A_302 : i32
            %parallel_loop3A_304 = arith.index_cast %parallel_loop3A_303 : i32 to index
            %parallel_loop3A_305 = tpu.vector_load %arg11[%parallel_loop3A_304] {strides = array<i32>} : memref<28672xf32, #tpu.memory_space<vmem>>, vector<16xf32>,
            %parallel_loop3A_306 = arith.constant 208 : i32
            %parallel_loop3A_307 = vector.broadcast %parallel_loop3A_306 : i32 to vector<16xi32>
            %parallel_loop3A_308 = arith.addi %iota3A, %parallel_loop3A_307 : vector<16xi32>
            %parallel_loop3A_309 = arith.cmpi slt, %parallel_loop3A_308, %broadcast_in_dim3A_78 : vector<16xi32>
            %parallel_loop3A_310 = arith.select %parallel_loop3A_309, %parallel_loop3A_305, %broadcast_in_dim3A_80 : vector<16xi1>, vector<16xf32>
            %parallel_loop3A_311 = arith.constant 1104 : i32
            %parallel_loop3A_312 = arith.addi %parallel_loop3A_221, %parallel_loop3A_311 : i32
            %parallel_loop3A_313 = arith.index_cast %parallel_loop3A_312 : i32 to index
            %parallel_loop3A_314 = tpu.vector_load %arg11[%parallel_loop3A_313] {strides = array<i32>} : memref<28672xf32, #tpu.memory_space<vmem>>, vector<16xf32>,
            tpu.vector_store %arg11[%parallel_loop3A_313], %parallel_loop3A_310 {strides = array<i32>} : memref<28672xf32, #tpu.memory_space<vmem>>, vector<16xf32>,
          } else {
          }
          %parallel_loop3A_292 = arith.constant 240 : i32
          %parallel_loop3A_293 = arith.cmpi slt, %scan3A_76, %parallel_loop3A_292 : i32
          %parallel_loop3A_294 = arith.extui %parallel_loop3A_293 : i1 to i32
          %parallel_loop3A_295 = arith.constant 0 : i32
          %parallel_loop3A_296 = arith.cmpi ne, %parallel_loop3A_294, %parallel_loop3A_295 : i32
          scf.if %parallel_loop3A_296 {
            %parallel_loop3A_302 = arith.constant 1120 : i32
            %parallel_loop3A_303 = arith.addi %parallel_loop3A_221, %parallel_loop3A_302 : i32
            %parallel_loop3A_304 = arith.index_cast %parallel_loop3A_303 : i32 to index
            %parallel_loop3A_305 = tpu.vector_load %arg11[%parallel_loop3A_304] {strides = array<i32>} : memref<28672xf32, #tpu.memory_space<vmem>>, vector<16xf32>,
            %parallel_loop3A_306 = arith.constant 224 : i32
            %parallel_loop3A_307 = vector.broadcast %parallel_loop3A_306 : i32 to vector<16xi32>
            %parallel_loop3A_308 = arith.addi %iota3A, %parallel_loop3A_307 : vector<16xi32>
            %parallel_loop3A_309 = arith.cmpi slt, %parallel_loop3A_308, %broadcast_in_dim3A_78 : vector<16xi32>
            %parallel_loop3A_310 = arith.select %parallel_loop3A_309, %parallel_loop3A_305, %broadcast_in_dim3A_80 : vector<16xi1>, vector<16xf32>
            %parallel_loop3A_311 = arith.constant 1120 : i32
            %parallel_loop3A_312 = arith.addi %parallel_loop3A_221, %parallel_loop3A_311 : i32
            %parallel_loop3A_313 = arith.index_cast %parallel_loop3A_312 : i32 to index
            %parallel_loop3A_314 = tpu.vector_load %arg11[%parallel_loop3A_313] {strides = array<i32>} : memref<28672xf32, #tpu.memory_space<vmem>>, vector<16xf32>,
            tpu.vector_store %arg11[%parallel_loop3A_313], %parallel_loop3A_310 {strides = array<i32>} : memref<28672xf32, #tpu.memory_space<vmem>>, vector<16xf32>,
          } else {
          }
          %parallel_loop3A_297 = arith.constant 256 : i32
          %parallel_loop3A_298 = arith.cmpi slt, %scan3A_76, %parallel_loop3A_297 : i32
          %parallel_loop3A_299 = arith.extui %parallel_loop3A_298 : i1 to i32
          %parallel_loop3A_300 = arith.constant 0 : i32
          %parallel_loop3A_301 = arith.cmpi ne, %parallel_loop3A_299, %parallel_loop3A_300 : i32
          scf.if %parallel_loop3A_301 {
            %parallel_loop3A_302 = arith.constant 1136 : i32
            %parallel_loop3A_303 = arith.addi %parallel_loop3A_221, %parallel_loop3A_302 : i32
            %parallel_loop3A_304 = arith.index_cast %parallel_loop3A_303 : i32 to index
            %parallel_loop3A_305 = tpu.vector_load %arg11[%parallel_loop3A_304] {strides = array<i32>} : memref<28672xf32, #tpu.memory_space<vmem>>, vector<16xf32>,
            %parallel_loop3A_306 = arith.constant 240 : i32
            %parallel_loop3A_307 = vector.broadcast %parallel_loop3A_306 : i32 to vector<16xi32>
            %parallel_loop3A_308 = arith.addi %iota3A, %parallel_loop3A_307 : vector<16xi32>
            %parallel_loop3A_309 = arith.cmpi slt, %parallel_loop3A_308, %broadcast_in_dim3A_78 : vector<16xi32>
            %parallel_loop3A_310 = arith.select %parallel_loop3A_309, %parallel_loop3A_305, %broadcast_in_dim3A_80 : vector<16xi1>, vector<16xf32>
            %parallel_loop3A_311 = arith.constant 1136 : i32
            %parallel_loop3A_312 = arith.addi %parallel_loop3A_221, %parallel_loop3A_311 : i32
            %parallel_loop3A_313 = arith.index_cast %parallel_loop3A_312 : i32 to index
            %parallel_loop3A_314 = tpu.vector_load %arg11[%parallel_loop3A_313] {strides = array<i32>} : memref<28672xf32, #tpu.memory_space<vmem>>, vector<16xf32>,
            tpu.vector_store %arg11[%parallel_loop3A_313], %parallel_loop3A_310 {strides = array<i32>} : memref<28672xf32, #tpu.memory_space<vmem>>, vector<16xf32>,
          } else {
          }
        } {sc.loop_unroll_factor = 1 : i64, sc.parallel_access}
        %parallel_loop3A_197 = arith.constant 0 : i32
        %parallel_loop3A_198 = arith.constant 56 : i32
        %parallel_loop3A_199 = arith.constant 1 : i32
        scf.for %parallel_loop3A_212 = %parallel_loop3A_197 to %parallel_loop3A_198 step %parallel_loop3A_199  : i32 {
          %parallel_loop3A_213 = arith.constant 128 : i32
          %parallel_loop3A_214 = arith.muli %parallel_loop3A_212, %parallel_loop3A_213 : i32
          %parallel_loop3A_215 = arith.constant 14336 : i32
          %parallel_loop3A_216 = arith.addi %parallel_loop3A_215, %parallel_loop3A_214 : i32
          %parallel_loop3A_217 = arith.constant 3 : i32
          %parallel_loop3A_218 = arith.shrui %parallel_loop3A_212, %parallel_loop3A_217 : i32
          %parallel_loop3A_219 = arith.constant 1024 : i32
          %parallel_loop3A_220 = arith.muli %parallel_loop3A_218, %parallel_loop3A_219 : i32
          %parallel_loop3A_221 = arith.addi %parallel_loop3A_216, %parallel_loop3A_220 : i32
          %parallel_loop3A_222 = arith.constant 16 : i32
          %parallel_loop3A_223 = arith.cmpi slt, %scan3A_76, %parallel_loop3A_222 : i32
          %parallel_loop3A_224 = arith.extui %parallel_loop3A_223 : i1 to i32
          %parallel_loop3A_225 = arith.constant 0 : i32
          %parallel_loop3A_226 = arith.cmpi ne, %parallel_loop3A_224, %parallel_loop3A_225 : i32
          scf.if %parallel_loop3A_226 {
            %parallel_loop3A_302 = arith.constant 0 : i32
            %parallel_loop3A_303 = arith.addi %parallel_loop3A_221, %parallel_loop3A_302 : i32
            %parallel_loop3A_304 = arith.index_cast %parallel_loop3A_303 : i32 to index
            %parallel_loop3A_305 = tpu.vector_load %arg11[%parallel_loop3A_304] {strides = array<i32>} : memref<28672xf32, #tpu.memory_space<vmem>>, vector<16xf32>,
            %parallel_loop3A_306 = arith.constant 0 : i32
            %parallel_loop3A_307 = vector.broadcast %parallel_loop3A_306 : i32 to vector<16xi32>
            %parallel_loop3A_308 = arith.addi %iota3A, %parallel_loop3A_307 : vector<16xi32>
            %parallel_loop3A_309 = arith.cmpi slt, %parallel_loop3A_308, %broadcast_in_dim3A_78 : vector<16xi32>
            %parallel_loop3A_310 = arith.select %parallel_loop3A_309, %parallel_loop3A_305, %broadcast_in_dim3A_80 : vector<16xi1>, vector<16xf32>
            %parallel_loop3A_311 = arith.constant 0 : i32
            %parallel_loop3A_312 = arith.addi %parallel_loop3A_221, %parallel_loop3A_311 : i32
            %parallel_loop3A_313 = arith.index_cast %parallel_loop3A_312 : i32 to index
            %parallel_loop3A_314 = tpu.vector_load %arg11[%parallel_loop3A_313] {strides = array<i32>} : memref<28672xf32, #tpu.memory_space<vmem>>, vector<16xf32>,
            tpu.vector_store %arg11[%parallel_loop3A_313], %parallel_loop3A_310 {strides = array<i32>} : memref<28672xf32, #tpu.memory_space<vmem>>, vector<16xf32>,
          } else {
          }
          %parallel_loop3A_227 = arith.constant 32 : i32
          %parallel_loop3A_228 = arith.cmpi slt, %scan3A_76, %parallel_loop3A_227 : i32
          %parallel_loop3A_229 = arith.extui %parallel_loop3A_228 : i1 to i32
          %parallel_loop3A_230 = arith.constant 0 : i32
          %parallel_loop3A_231 = arith.cmpi ne, %parallel_loop3A_229, %parallel_loop3A_230 : i32
          scf.if %parallel_loop3A_231 {
            %parallel_loop3A_302 = arith.constant 16 : i32
            %parallel_loop3A_303 = arith.addi %parallel_loop3A_221, %parallel_loop3A_302 : i32
            %parallel_loop3A_304 = arith.index_cast %parallel_loop3A_303 : i32 to index
            %parallel_loop3A_305 = tpu.vector_load %arg11[%parallel_loop3A_304] {strides = array<i32>} : memref<28672xf32, #tpu.memory_space<vmem>>, vector<16xf32>,
            %parallel_loop3A_306 = arith.constant 16 : i32
            %parallel_loop3A_307 = vector.broadcast %parallel_loop3A_306 : i32 to vector<16xi32>
            %parallel_loop3A_308 = arith.addi %iota3A, %parallel_loop3A_307 : vector<16xi32>
            %parallel_loop3A_309 = arith.cmpi slt, %parallel_loop3A_308, %broadcast_in_dim3A_78 : vector<16xi32>
            %parallel_loop3A_310 = arith.select %parallel_loop3A_309, %parallel_loop3A_305, %broadcast_in_dim3A_80 : vector<16xi1>, vector<16xf32>
            %parallel_loop3A_311 = arith.constant 16 : i32
            %parallel_loop3A_312 = arith.addi %parallel_loop3A_221, %parallel_loop3A_311 : i32
            %parallel_loop3A_313 = arith.index_cast %parallel_loop3A_312 : i32 to index
            %parallel_loop3A_314 = tpu.vector_load %arg11[%parallel_loop3A_313] {strides = array<i32>} : memref<28672xf32, #tpu.memory_space<vmem>>, vector<16xf32>,
            tpu.vector_store %arg11[%parallel_loop3A_313], %parallel_loop3A_310 {strides = array<i32>} : memref<28672xf32, #tpu.memory_space<vmem>>, vector<16xf32>,
          } else {
          }
          %parallel_loop3A_232 = arith.constant 48 : i32
          %parallel_loop3A_233 = arith.cmpi slt, %scan3A_76, %parallel_loop3A_232 : i32
          %parallel_loop3A_234 = arith.extui %parallel_loop3A_233 : i1 to i32
          %parallel_loop3A_235 = arith.constant 0 : i32
          %parallel_loop3A_236 = arith.cmpi ne, %parallel_loop3A_234, %parallel_loop3A_235 : i32
          scf.if %parallel_loop3A_236 {
            %parallel_loop3A_302 = arith.constant 32 : i32
            %parallel_loop3A_303 = arith.addi %parallel_loop3A_221, %parallel_loop3A_302 : i32
            %parallel_loop3A_304 = arith.index_cast %parallel_loop3A_303 : i32 to index
            %parallel_loop3A_305 = tpu.vector_load %arg11[%parallel_loop3A_304] {strides = array<i32>} : memref<28672xf32, #tpu.memory_space<vmem>>, vector<16xf32>,
            %parallel_loop3A_306 = arith.constant 32 : i32
            %parallel_loop3A_307 = vector.broadcast %parallel_loop3A_306 : i32 to vector<16xi32>
            %parallel_loop3A_308 = arith.addi %iota3A, %parallel_loop3A_307 : vector<16xi32>
            %parallel_loop3A_309 = arith.cmpi slt, %parallel_loop3A_308, %broadcast_in_dim3A_78 : vector<16xi32>
            %parallel_loop3A_310 = arith.select %parallel_loop3A_309, %parallel_loop3A_305, %broadcast_in_dim3A_80 : vector<16xi1>, vector<16xf32>
            %parallel_loop3A_311 = arith.constant 32 : i32
            %parallel_loop3A_312 = arith.addi %parallel_loop3A_221, %parallel_loop3A_311 : i32
            %parallel_loop3A_313 = arith.index_cast %parallel_loop3A_312 : i32 to index
            %parallel_loop3A_314 = tpu.vector_load %arg11[%parallel_loop3A_313] {strides = array<i32>} : memref<28672xf32, #tpu.memory_space<vmem>>, vector<16xf32>,
            tpu.vector_store %arg11[%parallel_loop3A_313], %parallel_loop3A_310 {strides = array<i32>} : memref<28672xf32, #tpu.memory_space<vmem>>, vector<16xf32>,
          } else {
          }
          %parallel_loop3A_237 = arith.constant 64 : i32
          %parallel_loop3A_238 = arith.cmpi slt, %scan3A_76, %parallel_loop3A_237 : i32
          %parallel_loop3A_239 = arith.extui %parallel_loop3A_238 : i1 to i32
          %parallel_loop3A_240 = arith.constant 0 : i32
          %parallel_loop3A_241 = arith.cmpi ne, %parallel_loop3A_239, %parallel_loop3A_240 : i32
          scf.if %parallel_loop3A_241 {
            %parallel_loop3A_302 = arith.constant 48 : i32
            %parallel_loop3A_303 = arith.addi %parallel_loop3A_221, %parallel_loop3A_302 : i32
            %parallel_loop3A_304 = arith.index_cast %parallel_loop3A_303 : i32 to index
            %parallel_loop3A_305 = tpu.vector_load %arg11[%parallel_loop3A_304] {strides = array<i32>} : memref<28672xf32, #tpu.memory_space<vmem>>, vector<16xf32>,
            %parallel_loop3A_306 = arith.constant 48 : i32
            %parallel_loop3A_307 = vector.broadcast %parallel_loop3A_306 : i32 to vector<16xi32>
            %parallel_loop3A_308 = arith.addi %iota3A, %parallel_loop3A_307 : vector<16xi32>
            %parallel_loop3A_309 = arith.cmpi slt, %parallel_loop3A_308, %broadcast_in_dim3A_78 : vector<16xi32>
            %parallel_loop3A_310 = arith.select %parallel_loop3A_309, %parallel_loop3A_305, %broadcast_in_dim3A_80 : vector<16xi1>, vector<16xf32>
            %parallel_loop3A_311 = arith.constant 48 : i32
            %parallel_loop3A_312 = arith.addi %parallel_loop3A_221, %parallel_loop3A_311 : i32
            %parallel_loop3A_313 = arith.index_cast %parallel_loop3A_312 : i32 to index
            %parallel_loop3A_314 = tpu.vector_load %arg11[%parallel_loop3A_313] {strides = array<i32>} : memref<28672xf32, #tpu.memory_space<vmem>>, vector<16xf32>,
            tpu.vector_store %arg11[%parallel_loop3A_313], %parallel_loop3A_310 {strides = array<i32>} : memref<28672xf32, #tpu.memory_space<vmem>>, vector<16xf32>,
          } else {
          }
          %parallel_loop3A_242 = arith.constant 80 : i32
          %parallel_loop3A_243 = arith.cmpi slt, %scan3A_76, %parallel_loop3A_242 : i32
          %parallel_loop3A_244 = arith.extui %parallel_loop3A_243 : i1 to i32
          %parallel_loop3A_245 = arith.constant 0 : i32
          %parallel_loop3A_246 = arith.cmpi ne, %parallel_loop3A_244, %parallel_loop3A_245 : i32
          scf.if %parallel_loop3A_246 {
            %parallel_loop3A_302 = arith.constant 64 : i32
            %parallel_loop3A_303 = arith.addi %parallel_loop3A_221, %parallel_loop3A_302 : i32
            %parallel_loop3A_304 = arith.index_cast %parallel_loop3A_303 : i32 to index
            %parallel_loop3A_305 = tpu.vector_load %arg11[%parallel_loop3A_304] {strides = array<i32>} : memref<28672xf32, #tpu.memory_space<vmem>>, vector<16xf32>,
            %parallel_loop3A_306 = arith.constant 64 : i32
            %parallel_loop3A_307 = vector.broadcast %parallel_loop3A_306 : i32 to vector<16xi32>
            %parallel_loop3A_308 = arith.addi %iota3A, %parallel_loop3A_307 : vector<16xi32>
            %parallel_loop3A_309 = arith.cmpi slt, %parallel_loop3A_308, %broadcast_in_dim3A_78 : vector<16xi32>
            %parallel_loop3A_310 = arith.select %parallel_loop3A_309, %parallel_loop3A_305, %broadcast_in_dim3A_80 : vector<16xi1>, vector<16xf32>
            %parallel_loop3A_311 = arith.constant 64 : i32
            %parallel_loop3A_312 = arith.addi %parallel_loop3A_221, %parallel_loop3A_311 : i32
            %parallel_loop3A_313 = arith.index_cast %parallel_loop3A_312 : i32 to index
            %parallel_loop3A_314 = tpu.vector_load %arg11[%parallel_loop3A_313] {strides = array<i32>} : memref<28672xf32, #tpu.memory_space<vmem>>, vector<16xf32>,
            tpu.vector_store %arg11[%parallel_loop3A_313], %parallel_loop3A_310 {strides = array<i32>} : memref<28672xf32, #tpu.memory_space<vmem>>, vector<16xf32>,
          } else {
          }
          %parallel_loop3A_247 = arith.constant 96 : i32
          %parallel_loop3A_248 = arith.cmpi slt, %scan3A_76, %parallel_loop3A_247 : i32
          %parallel_loop3A_249 = arith.extui %parallel_loop3A_248 : i1 to i32
          %parallel_loop3A_250 = arith.constant 0 : i32
          %parallel_loop3A_251 = arith.cmpi ne, %parallel_loop3A_249, %parallel_loop3A_250 : i32
          scf.if %parallel_loop3A_251 {
            %parallel_loop3A_302 = arith.constant 80 : i32
            %parallel_loop3A_303 = arith.addi %parallel_loop3A_221, %parallel_loop3A_302 : i32
            %parallel_loop3A_304 = arith.index_cast %parallel_loop3A_303 : i32 to index
            %parallel_loop3A_305 = tpu.vector_load %arg11[%parallel_loop3A_304] {strides = array<i32>} : memref<28672xf32, #tpu.memory_space<vmem>>, vector<16xf32>,
            %parallel_loop3A_306 = arith.constant 80 : i32
            %parallel_loop3A_307 = vector.broadcast %parallel_loop3A_306 : i32 to vector<16xi32>
            %parallel_loop3A_308 = arith.addi %iota3A, %parallel_loop3A_307 : vector<16xi32>
            %parallel_loop3A_309 = arith.cmpi slt, %parallel_loop3A_308, %broadcast_in_dim3A_78 : vector<16xi32>
            %parallel_loop3A_310 = arith.select %parallel_loop3A_309, %parallel_loop3A_305, %broadcast_in_dim3A_80 : vector<16xi1>, vector<16xf32>
            %parallel_loop3A_311 = arith.constant 80 : i32
            %parallel_loop3A_312 = arith.addi %parallel_loop3A_221, %parallel_loop3A_311 : i32
            %parallel_loop3A_313 = arith.index_cast %parallel_loop3A_312 : i32 to index
            %parallel_loop3A_314 = tpu.vector_load %arg11[%parallel_loop3A_313] {strides = array<i32>} : memref<28672xf32, #tpu.memory_space<vmem>>, vector<16xf32>,
            tpu.vector_store %arg11[%parallel_loop3A_313], %parallel_loop3A_310 {strides = array<i32>} : memref<28672xf32, #tpu.memory_space<vmem>>, vector<16xf32>,
          } else {
          }
          %parallel_loop3A_252 = arith.constant 112 : i32
          %parallel_loop3A_253 = arith.cmpi slt, %scan3A_76, %parallel_loop3A_252 : i32
          %parallel_loop3A_254 = arith.extui %parallel_loop3A_253 : i1 to i32
          %parallel_loop3A_255 = arith.constant 0 : i32
          %parallel_loop3A_256 = arith.cmpi ne, %parallel_loop3A_254, %parallel_loop3A_255 : i32
          scf.if %parallel_loop3A_256 {
            %parallel_loop3A_302 = arith.constant 96 : i32
            %parallel_loop3A_303 = arith.addi %parallel_loop3A_221, %parallel_loop3A_302 : i32
            %parallel_loop3A_304 = arith.index_cast %parallel_loop3A_303 : i32 to index
            %parallel_loop3A_305 = tpu.vector_load %arg11[%parallel_loop3A_304] {strides = array<i32>} : memref<28672xf32, #tpu.memory_space<vmem>>, vector<16xf32>,
            %parallel_loop3A_306 = arith.constant 96 : i32
            %parallel_loop3A_307 = vector.broadcast %parallel_loop3A_306 : i32 to vector<16xi32>
            %parallel_loop3A_308 = arith.addi %iota3A, %parallel_loop3A_307 : vector<16xi32>
            %parallel_loop3A_309 = arith.cmpi slt, %parallel_loop3A_308, %broadcast_in_dim3A_78 : vector<16xi32>
            %parallel_loop3A_310 = arith.select %parallel_loop3A_309, %parallel_loop3A_305, %broadcast_in_dim3A_80 : vector<16xi1>, vector<16xf32>
            %parallel_loop3A_311 = arith.constant 96 : i32
            %parallel_loop3A_312 = arith.addi %parallel_loop3A_221, %parallel_loop3A_311 : i32
            %parallel_loop3A_313 = arith.index_cast %parallel_loop3A_312 : i32 to index
            %parallel_loop3A_314 = tpu.vector_load %arg11[%parallel_loop3A_313] {strides = array<i32>} : memref<28672xf32, #tpu.memory_space<vmem>>, vector<16xf32>,
            tpu.vector_store %arg11[%parallel_loop3A_313], %parallel_loop3A_310 {strides = array<i32>} : memref<28672xf32, #tpu.memory_space<vmem>>, vector<16xf32>,
          } else {
          }
          %parallel_loop3A_257 = arith.constant 128 : i32
          %parallel_loop3A_258 = arith.cmpi slt, %scan3A_76, %parallel_loop3A_257 : i32
          %parallel_loop3A_259 = arith.extui %parallel_loop3A_258 : i1 to i32
          %parallel_loop3A_260 = arith.constant 0 : i32
          %parallel_loop3A_261 = arith.cmpi ne, %parallel_loop3A_259, %parallel_loop3A_260 : i32
          scf.if %parallel_loop3A_261 {
            %parallel_loop3A_302 = arith.constant 112 : i32
            %parallel_loop3A_303 = arith.addi %parallel_loop3A_221, %parallel_loop3A_302 : i32
            %parallel_loop3A_304 = arith.index_cast %parallel_loop3A_303 : i32 to index
            %parallel_loop3A_305 = tpu.vector_load %arg11[%parallel_loop3A_304] {strides = array<i32>} : memref<28672xf32, #tpu.memory_space<vmem>>, vector<16xf32>,
            %parallel_loop3A_306 = arith.constant 112 : i32
            %parallel_loop3A_307 = vector.broadcast %parallel_loop3A_306 : i32 to vector<16xi32>
            %parallel_loop3A_308 = arith.addi %iota3A, %parallel_loop3A_307 : vector<16xi32>
            %parallel_loop3A_309 = arith.cmpi slt, %parallel_loop3A_308, %broadcast_in_dim3A_78 : vector<16xi32>
            %parallel_loop3A_310 = arith.select %parallel_loop3A_309, %parallel_loop3A_305, %broadcast_in_dim3A_80 : vector<16xi1>, vector<16xf32>
            %parallel_loop3A_311 = arith.constant 112 : i32
            %parallel_loop3A_312 = arith.addi %parallel_loop3A_221, %parallel_loop3A_311 : i32
            %parallel_loop3A_313 = arith.index_cast %parallel_loop3A_312 : i32 to index
            %parallel_loop3A_314 = tpu.vector_load %arg11[%parallel_loop3A_313] {strides = array<i32>} : memref<28672xf32, #tpu.memory_space<vmem>>, vector<16xf32>,
            tpu.vector_store %arg11[%parallel_loop3A_313], %parallel_loop3A_310 {strides = array<i32>} : memref<28672xf32, #tpu.memory_space<vmem>>, vector<16xf32>,
          } else {
          }
          %parallel_loop3A_262 = arith.constant 144 : i32
          %parallel_loop3A_263 = arith.cmpi slt, %scan3A_76, %parallel_loop3A_262 : i32
          %parallel_loop3A_264 = arith.extui %parallel_loop3A_263 : i1 to i32
          %parallel_loop3A_265 = arith.constant 0 : i32
          %parallel_loop3A_266 = arith.cmpi ne, %parallel_loop3A_264, %parallel_loop3A_265 : i32
          scf.if %parallel_loop3A_266 {
            %parallel_loop3A_302 = arith.constant 1024 : i32
            %parallel_loop3A_303 = arith.addi %parallel_loop3A_221, %parallel_loop3A_302 : i32
            %parallel_loop3A_304 = arith.index_cast %parallel_loop3A_303 : i32 to index
            %parallel_loop3A_305 = tpu.vector_load %arg11[%parallel_loop3A_304] {strides = array<i32>} : memref<28672xf32, #tpu.memory_space<vmem>>, vector<16xf32>,
            %parallel_loop3A_306 = arith.constant 128 : i32
            %parallel_loop3A_307 = vector.broadcast %parallel_loop3A_306 : i32 to vector<16xi32>
            %parallel_loop3A_308 = arith.addi %iota3A, %parallel_loop3A_307 : vector<16xi32>
            %parallel_loop3A_309 = arith.cmpi slt, %parallel_loop3A_308, %broadcast_in_dim3A_78 : vector<16xi32>
            %parallel_loop3A_310 = arith.select %parallel_loop3A_309, %parallel_loop3A_305, %broadcast_in_dim3A_80 : vector<16xi1>, vector<16xf32>
            %parallel_loop3A_311 = arith.constant 1024 : i32
            %parallel_loop3A_312 = arith.addi %parallel_loop3A_221, %parallel_loop3A_311 : i32
            %parallel_loop3A_313 = arith.index_cast %parallel_loop3A_312 : i32 to index
            %parallel_loop3A_314 = tpu.vector_load %arg11[%parallel_loop3A_313] {strides = array<i32>} : memref<28672xf32, #tpu.memory_space<vmem>>, vector<16xf32>,
            tpu.vector_store %arg11[%parallel_loop3A_313], %parallel_loop3A_310 {strides = array<i32>} : memref<28672xf32, #tpu.memory_space<vmem>>, vector<16xf32>,
          } else {
          }
          %parallel_loop3A_267 = arith.constant 160 : i32
          %parallel_loop3A_268 = arith.cmpi slt, %scan3A_76, %parallel_loop3A_267 : i32
          %parallel_loop3A_269 = arith.extui %parallel_loop3A_268 : i1 to i32
          %parallel_loop3A_270 = arith.constant 0 : i32
          %parallel_loop3A_271 = arith.cmpi ne, %parallel_loop3A_269, %parallel_loop3A_270 : i32
          scf.if %parallel_loop3A_271 {
            %parallel_loop3A_302 = arith.constant 1040 : i32
            %parallel_loop3A_303 = arith.addi %parallel_loop3A_221, %parallel_loop3A_302 : i32
            %parallel_loop3A_304 = arith.index_cast %parallel_loop3A_303 : i32 to index
            %parallel_loop3A_305 = tpu.vector_load %arg11[%parallel_loop3A_304] {strides = array<i32>} : memref<28672xf32, #tpu.memory_space<vmem>>, vector<16xf32>,
            %parallel_loop3A_306 = arith.constant 144 : i32
            %parallel_loop3A_307 = vector.broadcast %parallel_loop3A_306 : i32 to vector<16xi32>
            %parallel_loop3A_308 = arith.addi %iota3A, %parallel_loop3A_307 : vector<16xi32>
            %parallel_loop3A_309 = arith.cmpi slt, %parallel_loop3A_308, %broadcast_in_dim3A_78 : vector<16xi32>
            %parallel_loop3A_310 = arith.select %parallel_loop3A_309, %parallel_loop3A_305, %broadcast_in_dim3A_80 : vector<16xi1>, vector<16xf32>
            %parallel_loop3A_311 = arith.constant 1040 : i32
            %parallel_loop3A_312 = arith.addi %parallel_loop3A_221, %parallel_loop3A_311 : i32
            %parallel_loop3A_313 = arith.index_cast %parallel_loop3A_312 : i32 to index
            %parallel_loop3A_314 = tpu.vector_load %arg11[%parallel_loop3A_313] {strides = array<i32>} : memref<28672xf32, #tpu.memory_space<vmem>>, vector<16xf32>,
            tpu.vector_store %arg11[%parallel_loop3A_313], %parallel_loop3A_310 {strides = array<i32>} : memref<28672xf32, #tpu.memory_space<vmem>>, vector<16xf32>,
          } else {
          }
          %parallel_loop3A_272 = arith.constant 176 : i32
          %parallel_loop3A_273 = arith.cmpi slt, %scan3A_76, %parallel_loop3A_272 : i32
          %parallel_loop3A_274 = arith.extui %parallel_loop3A_273 : i1 to i32
          %parallel_loop3A_275 = arith.constant 0 : i32
          %parallel_loop3A_276 = arith.cmpi ne, %parallel_loop3A_274, %parallel_loop3A_275 : i32
          scf.if %parallel_loop3A_276 {
            %parallel_loop3A_302 = arith.constant 1056 : i32
            %parallel_loop3A_303 = arith.addi %parallel_loop3A_221, %parallel_loop3A_302 : i32
            %parallel_loop3A_304 = arith.index_cast %parallel_loop3A_303 : i32 to index
            %parallel_loop3A_305 = tpu.vector_load %arg11[%parallel_loop3A_304] {strides = array<i32>} : memref<28672xf32, #tpu.memory_space<vmem>>, vector<16xf32>,
            %parallel_loop3A_306 = arith.constant 160 : i32
            %parallel_loop3A_307 = vector.broadcast %parallel_loop3A_306 : i32 to vector<16xi32>
            %parallel_loop3A_308 = arith.addi %iota3A, %parallel_loop3A_307 : vector<16xi32>
            %parallel_loop3A_309 = arith.cmpi slt, %parallel_loop3A_308, %broadcast_in_dim3A_78 : vector<16xi32>
            %parallel_loop3A_310 = arith.select %parallel_loop3A_309, %parallel_loop3A_305, %broadcast_in_dim3A_80 : vector<16xi1>, vector<16xf32>
            %parallel_loop3A_311 = arith.constant 1056 : i32
            %parallel_loop3A_312 = arith.addi %parallel_loop3A_221, %parallel_loop3A_311 : i32
            %parallel_loop3A_313 = arith.index_cast %parallel_loop3A_312 : i32 to index
            %parallel_loop3A_314 = tpu.vector_load %arg11[%parallel_loop3A_313] {strides = array<i32>} : memref<28672xf32, #tpu.memory_space<vmem>>, vector<16xf32>,
            tpu.vector_store %arg11[%parallel_loop3A_313], %parallel_loop3A_310 {strides = array<i32>} : memref<28672xf32, #tpu.memory_space<vmem>>, vector<16xf32>,
          } else {
          }
          %parallel_loop3A_277 = arith.constant 192 : i32
          %parallel_loop3A_278 = arith.cmpi slt, %scan3A_76, %parallel_loop3A_277 : i32
          %parallel_loop3A_279 = arith.extui %parallel_loop3A_278 : i1 to i32
          %parallel_loop3A_280 = arith.constant 0 : i32
          %parallel_loop3A_281 = arith.cmpi ne, %parallel_loop3A_279, %parallel_loop3A_280 : i32
          scf.if %parallel_loop3A_281 {
            %parallel_loop3A_302 = arith.constant 1072 : i32
            %parallel_loop3A_303 = arith.addi %parallel_loop3A_221, %parallel_loop3A_302 : i32
            %parallel_loop3A_304 = arith.index_cast %parallel_loop3A_303 : i32 to index
            %parallel_loop3A_305 = tpu.vector_load %arg11[%parallel_loop3A_304] {strides = array<i32>} : memref<28672xf32, #tpu.memory_space<vmem>>, vector<16xf32>,
            %parallel_loop3A_306 = arith.constant 176 : i32
            %parallel_loop3A_307 = vector.broadcast %parallel_loop3A_306 : i32 to vector<16xi32>
            %parallel_loop3A_308 = arith.addi %iota3A, %parallel_loop3A_307 : vector<16xi32>
            %parallel_loop3A_309 = arith.cmpi slt, %parallel_loop3A_308, %broadcast_in_dim3A_78 : vector<16xi32>
            %parallel_loop3A_310 = arith.select %parallel_loop3A_309, %parallel_loop3A_305, %broadcast_in_dim3A_80 : vector<16xi1>, vector<16xf32>
            %parallel_loop3A_311 = arith.constant 1072 : i32
            %parallel_loop3A_312 = arith.addi %parallel_loop3A_221, %parallel_loop3A_311 : i32
            %parallel_loop3A_313 = arith.index_cast %parallel_loop3A_312 : i32 to index
            %parallel_loop3A_314 = tpu.vector_load %arg11[%parallel_loop3A_313] {strides = array<i32>} : memref<28672xf32, #tpu.memory_space<vmem>>, vector<16xf32>,
            tpu.vector_store %arg11[%parallel_loop3A_313], %parallel_loop3A_310 {strides = array<i32>} : memref<28672xf32, #tpu.memory_space<vmem>>, vector<16xf32>,
          } else {
          }
          %parallel_loop3A_282 = arith.constant 208 : i32
          %parallel_loop3A_283 = arith.cmpi slt, %scan3A_76, %parallel_loop3A_282 : i32
          %parallel_loop3A_284 = arith.extui %parallel_loop3A_283 : i1 to i32
          %parallel_loop3A_285 = arith.constant 0 : i32
          %parallel_loop3A_286 = arith.cmpi ne, %parallel_loop3A_284, %parallel_loop3A_285 : i32
          scf.if %parallel_loop3A_286 {
            %parallel_loop3A_302 = arith.constant 1088 : i32
            %parallel_loop3A_303 = arith.addi %parallel_loop3A_221, %parallel_loop3A_302 : i32
            %parallel_loop3A_304 = arith.index_cast %parallel_loop3A_303 : i32 to index
            %parallel_loop3A_305 = tpu.vector_load %arg11[%parallel_loop3A_304] {strides = array<i32>} : memref<28672xf32, #tpu.memory_space<vmem>>, vector<16xf32>,
            %parallel_loop3A_306 = arith.constant 192 : i32
            %parallel_loop3A_307 = vector.broadcast %parallel_loop3A_306 : i32 to vector<16xi32>
            %parallel_loop3A_308 = arith.addi %iota3A, %parallel_loop3A_307 : vector<16xi32>
            %parallel_loop3A_309 = arith.cmpi slt, %parallel_loop3A_308, %broadcast_in_dim3A_78 : vector<16xi32>
            %parallel_loop3A_310 = arith.select %parallel_loop3A_309, %parallel_loop3A_305, %broadcast_in_dim3A_80 : vector<16xi1>, vector<16xf32>
            %parallel_loop3A_311 = arith.constant 1088 : i32
            %parallel_loop3A_312 = arith.addi %parallel_loop3A_221, %parallel_loop3A_311 : i32
            %parallel_loop3A_313 = arith.index_cast %parallel_loop3A_312 : i32 to index
            %parallel_loop3A_314 = tpu.vector_load %arg11[%parallel_loop3A_313] {strides = array<i32>} : memref<28672xf32, #tpu.memory_space<vmem>>, vector<16xf32>,
            tpu.vector_store %arg11[%parallel_loop3A_313], %parallel_loop3A_310 {strides = array<i32>} : memref<28672xf32, #tpu.memory_space<vmem>>, vector<16xf32>,
          } else {
          }
          %parallel_loop3A_287 = arith.constant 224 : i32
          %parallel_loop3A_288 = arith.cmpi slt, %scan3A_76, %parallel_loop3A_287 : i32
          %parallel_loop3A_289 = arith.extui %parallel_loop3A_288 : i1 to i32
          %parallel_loop3A_290 = arith.constant 0 : i32
          %parallel_loop3A_291 = arith.cmpi ne, %parallel_loop3A_289, %parallel_loop3A_290 : i32
          scf.if %parallel_loop3A_291 {
            %parallel_loop3A_302 = arith.constant 1104 : i32
            %parallel_loop3A_303 = arith.addi %parallel_loop3A_221, %parallel_loop3A_302 : i32
            %parallel_loop3A_304 = arith.index_cast %parallel_loop3A_303 : i32 to index
            %parallel_loop3A_305 = tpu.vector_load %arg11[%parallel_loop3A_304] {strides = array<i32>} : memref<28672xf32, #tpu.memory_space<vmem>>, vector<16xf32>,
            %parallel_loop3A_306 = arith.constant 208 : i32
            %parallel_loop3A_307 = vector.broadcast %parallel_loop3A_306 : i32 to vector<16xi32>
            %parallel_loop3A_308 = arith.addi %iota3A, %parallel_loop3A_307 : vector<16xi32>
            %parallel_loop3A_309 = arith.cmpi slt, %parallel_loop3A_308, %broadcast_in_dim3A_78 : vector<16xi32>
            %parallel_loop3A_310 = arith.select %parallel_loop3A_309, %parallel_loop3A_305, %broadcast_in_dim3A_80 : vector<16xi1>, vector<16xf32>
            %parallel_loop3A_311 = arith.constant 1104 : i32
            %parallel_loop3A_312 = arith.addi %parallel_loop3A_221, %parallel_loop3A_311 : i32
            %parallel_loop3A_313 = arith.index_cast %parallel_loop3A_312 : i32 to index
            %parallel_loop3A_314 = tpu.vector_load %arg11[%parallel_loop3A_313] {strides = array<i32>} : memref<28672xf32, #tpu.memory_space<vmem>>, vector<16xf32>,
            tpu.vector_store %arg11[%parallel_loop3A_313], %parallel_loop3A_310 {strides = array<i32>} : memref<28672xf32, #tpu.memory_space<vmem>>, vector<16xf32>,
          } else {
          }
          %parallel_loop3A_292 = arith.constant 240 : i32
          %parallel_loop3A_293 = arith.cmpi slt, %scan3A_76, %parallel_loop3A_292 : i32
          %parallel_loop3A_294 = arith.extui %parallel_loop3A_293 : i1 to i32
          %parallel_loop3A_295 = arith.constant 0 : i32
          %parallel_loop3A_296 = arith.cmpi ne, %parallel_loop3A_294, %parallel_loop3A_295 : i32
          scf.if %parallel_loop3A_296 {
            %parallel_loop3A_302 = arith.constant 1120 : i32
            %parallel_loop3A_303 = arith.addi %parallel_loop3A_221, %parallel_loop3A_302 : i32
            %parallel_loop3A_304 = arith.index_cast %parallel_loop3A_303 : i32 to index
            %parallel_loop3A_305 = tpu.vector_load %arg11[%parallel_loop3A_304] {strides = array<i32>} : memref<28672xf32, #tpu.memory_space<vmem>>, vector<16xf32>,
            %parallel_loop3A_306 = arith.constant 224 : i32
            %parallel_loop3A_307 = vector.broadcast %parallel_loop3A_306 : i32 to vector<16xi32>
            %parallel_loop3A_308 = arith.addi %iota3A, %parallel_loop3A_307 : vector<16xi32>
            %parallel_loop3A_309 = arith.cmpi slt, %parallel_loop3A_308, %broadcast_in_dim3A_78 : vector<16xi32>
            %parallel_loop3A_310 = arith.select %parallel_loop3A_309, %parallel_loop3A_305, %broadcast_in_dim3A_80 : vector<16xi1>, vector<16xf32>
            %parallel_loop3A_311 = arith.constant 1120 : i32
            %parallel_loop3A_312 = arith.addi %parallel_loop3A_221, %parallel_loop3A_311 : i32
            %parallel_loop3A_313 = arith.index_cast %parallel_loop3A_312 : i32 to index
            %parallel_loop3A_314 = tpu.vector_load %arg11[%parallel_loop3A_313] {strides = array<i32>} : memref<28672xf32, #tpu.memory_space<vmem>>, vector<16xf32>,
            tpu.vector_store %arg11[%parallel_loop3A_313], %parallel_loop3A_310 {strides = array<i32>} : memref<28672xf32, #tpu.memory_space<vmem>>, vector<16xf32>,
          } else {
          }
          %parallel_loop3A_297 = arith.constant 256 : i32
          %parallel_loop3A_298 = arith.cmpi slt, %scan3A_76, %parallel_loop3A_297 : i32
          %parallel_loop3A_299 = arith.extui %parallel_loop3A_298 : i1 to i32
          %parallel_loop3A_300 = arith.constant 0 : i32
          %parallel_loop3A_301 = arith.cmpi ne, %parallel_loop3A_299, %parallel_loop3A_300 : i32
          scf.if %parallel_loop3A_301 {
            %parallel_loop3A_302 = arith.constant 1136 : i32
            %parallel_loop3A_303 = arith.addi %parallel_loop3A_221, %parallel_loop3A_302 : i32
            %parallel_loop3A_304 = arith.index_cast %parallel_loop3A_303 : i32 to index
            %parallel_loop3A_305 = tpu.vector_load %arg11[%parallel_loop3A_304] {strides = array<i32>} : memref<28672xf32, #tpu.memory_space<vmem>>, vector<16xf32>,
            %parallel_loop3A_306 = arith.constant 240 : i32
            %parallel_loop3A_307 = vector.broadcast %parallel_loop3A_306 : i32 to vector<16xi32>
            %parallel_loop3A_308 = arith.addi %iota3A, %parallel_loop3A_307 : vector<16xi32>
            %parallel_loop3A_309 = arith.cmpi slt, %parallel_loop3A_308, %broadcast_in_dim3A_78 : vector<16xi32>
            %parallel_loop3A_310 = arith.select %parallel_loop3A_309, %parallel_loop3A_305, %broadcast_in_dim3A_80 : vector<16xi1>, vector<16xf32>
            %parallel_loop3A_311 = arith.constant 1136 : i32
            %parallel_loop3A_312 = arith.addi %parallel_loop3A_221, %parallel_loop3A_311 : i32
            %parallel_loop3A_313 = arith.index_cast %parallel_loop3A_312 : i32 to index
            %parallel_loop3A_314 = tpu.vector_load %arg11[%parallel_loop3A_313] {strides = array<i32>} : memref<28672xf32, #tpu.memory_space<vmem>>, vector<16xf32>,
            tpu.vector_store %arg11[%parallel_loop3A_313], %parallel_loop3A_310 {strides = array<i32>} : memref<28672xf32, #tpu.memory_space<vmem>>, vector<16xf32>,
          } else {
          }
        } {sc.loop_unroll_factor = 1 : i64, sc.parallel_access}
        %mul3A_200 = arith.constant 28672 : i32
        %mul3A_201 = arith.muli %add3A_177, %mul3A_200 : i32
        %add3A_202 = arith.addi %mul3A_2, %mul3A_201 : i32
        %dma_start3A_203 = tpu.memref_slice %arg4[%add3A_202] : memref<25690112xf32, #tpu.memory_space<hbm>> -> memref<28672xf32, #tpu.memory_space<hbm>>
        %dma_start3A_204 = tpu.memref_slice %arg4[%add3A_202] : memref<25690112xf32, #tpu.memory_space<hbm>> -> memref<28672xf32, #tpu.memory_space<hbm>>
        tpu.enqueue_dma source(%arg11 : memref<28672xf32, #tpu.memory_space<vmem>>) target(%dma_start3A_204 : memref<28672xf32, #tpu.memory_space<hbm>>) target_semaphore(%arg15 : memref<!tpu.dma_semaphore, #tpu.memory_space<semaphore_mem>>)
        %add3A_205 = arith.constant 2 : i32
        %add3A_206 = arith.addi %add3A_177, %add3A_205 : i32
        %lt3A_207 = arith.constant 28 : i32
        %lt3A_208 = arith.cmpi slt, %add3A_206, %lt3A_207 : i32
        %convert_element_type3A_209 = arith.extui %lt3A_208 : i1 to i32
        %cond3A_210 = arith.constant 0 : i32
        %cond3A_211 = arith.cmpi ne, %convert_element_type3A_209, %cond3A_210 : i32
        scf.if %cond3A_211 {
          %add3A_212 = arith.constant 2 : i32
          %add3A_213 = arith.addi %add3A_177, %add3A_212 : i32
          %mul3A_214 = arith.constant 28672 : i32
          %mul3A_215 = arith.muli %add3A_213, %mul3A_214 : i32
          %add3A_216 = arith.addi %mul3A_2, %mul3A_215 : i32
          %dma_start3A_217 = tpu.memref_slice %arg2[%add3A_216] : memref<25690112xf32, #tpu.memory_space<hbm>> -> memref<28672xf32, #tpu.memory_space<hbm>>
          %dma_start3A_218 = tpu.memref_slice %arg2[%add3A_216] : memref<25690112xf32, #tpu.memory_space<hbm>> -> memref<28672xf32, #tpu.memory_space<hbm>>
          tpu.enqueue_dma source(%dma_start3A_218 : memref<28672xf32, #tpu.memory_space<hbm>>) target(%arg9 : memref<28672xf32, #tpu.memory_space<vmem>>) target_semaphore(%arg13 : memref<!tpu.dma_semaphore, #tpu.memory_space<semaphore_mem>>)
        } else {
        }
      }
      %scan3A_129 = arith.constant 14 : i32
      %add3A_130 = arith.constant 0 : i32
      %add3A_131 = arith.addi %mul3A_2, %add3A_130 : i32
      %dma_wait3A = tpu.memref_slice %arg4[%add3A_131] : memref<25690112xf32, #tpu.memory_space<hbm>> -> memref<28672xf32, #tpu.memory_space<hbm>>
      %dma_wait3A_132 = tpu.memref_slice %arg4[%add3A_131] : memref<25690112xf32, #tpu.memory_space<hbm>> -> memref<28672xf32, #tpu.memory_space<hbm>>
      tpu.wait_dma2 semaphore(%arg14 : memref<!tpu.dma_semaphore, #tpu.memory_space<semaphore_mem>>) src(%arg10 : memref<28672xf32, #tpu.memory_space<vmem>>) dst(%dma_wait3A_132 : memref<28672xf32, #tpu.memory_space<hbm>>)
      %add3A_133 = arith.constant 28672 : i32
      %add3A_134 = arith.addi %mul3A_2, %add3A_133 : i32
      %dma_wait3A_135 = tpu.memref_slice %arg4[%add3A_134] : memref<25690112xf32, #tpu.memory_space<hbm>> -> memref<28672xf32, #tpu.memory_space<hbm>>
      %dma_wait3A_136 = tpu.memref_slice %arg4[%add3A_134] : memref<25690112xf32, #tpu.memory_space<hbm>> -> memref<28672xf32, #tpu.memory_space<hbm>>
      tpu.wait_dma2 semaphore(%arg15 : memref<!tpu.dma_semaphore, #tpu.memory_space<semaphore_mem>>) src(%arg11 : memref<28672xf32, #tpu.memory_space<vmem>>) dst(%dma_wait3A_136 : memref<28672xf32, #tpu.memory_space<hbm>>)
    } else {
    }
    return
  }
}

</mosaic_0001>

<sc_bundles>
// kernel: kernel.3.cloned.1.call-start
scs
__scs_entry_jumppad:
0x0: {  	(pc) =	sbr.rel $0x88, $3  }
0x1: {  	(tag) =	ssettag $0x0;
	lr =	simm.s32 $0x1  }
0x2: {  	[smem:$0x3F9F] =	sst lr;
	_ =	strace $0xD0000000  }
0x3: {  	_ = 	snop  }
0x4: {  	_ = 	snop  }
0x5: {  	_ = 	snop  }
0x6: {  	_ = 	snop  }
0x7: {  	_ = 	snop  }
__scs_overlays_trampoline_lowered:
0x8: {  	[smem:$0x3FAE] =	sst s0  }
0x9: {  	[smem:$0x3FAF] =	sst s1  }
0xa: {  	[smem:$0x3FB0] =	sst s2  }
0xb: {  	[smem:$0x3FB1] =	sst s3  }
0xc: {  	[smem:$0x3FB2] =	sst s4  }
0xd: {  	[smem:$0x3FB3] =	sst s5  }
0xe: {  	[smem:$0x3FB4] =	sst s6  }
0xf: {  	[smem:$0x3FB5] =	sst s7  }
0x10: {  	[smem:$0x3FB6] =	sst s8  }
0x11: {  	[smem:$0x3FB7] =	sst s9;
	s0 =	simm.s32 @!p0 $0x0  }
0x12: {  	s1 =	sld [smem:$0x3F9D];
	s0 =	simm.s32 @p0 $0x1  }
0x13: {  	[smem:$0x3FB8] =	sst s0;
	s0 =	simm.s32 @!p1 $0x0  }
0x14: {  	s2 =	sld [smem:$0x3F9C];
	s0 =	simm.s32 @p1 $0x1  }
0x15: {  	[smem:$0x3FB9] =	sst s0;
	s0 =	simm.s32 @!p2 $0x0  }
0x16: {  	s3 =	sld [smem:$0x3FDB];
	s0 =	simm.s32 @p2 $0x1  }
0x17: {  	s4 =	simm.s32 $0x1BF5;
	[smem:$0x3FBB] =	sst s0  }
0x18: {  	s0 =	sld [smem:$0x3F9E];
	_ =	swait.ge [sflag:s4], $0x0  }
0x19: {  	s7 =	sld [smem:$0x3F9F]  }
0x1a: {  	s8 =	sadd.s32 $0xFFFFE003, lr  }
0x1b: {  	s9 =	sadd.s32 $0xFFFFFEF7, lr;
	s5 =	simm.s32 $0xFFFFFFFF;
	p2 =	slt.u32 s8, $0xFFFFF086  }
0x1c: {  	p1 =	slt.u32 s9, $0xF7A;
	s5 =	simm.s32 @!p2 $0x0  }
0x1d: {  	s5 =	simm.s32 @p1 $0x1;
	p0 =	seq.s32 s7, s2  }
0x1e: {  	s7 =	smul.u32 @!p0 $0xF7A, s2;
	p2 =	seq.s32 @!p0 s5, $0x0  }
0x1f: {  	s9 =	smul.u32 $0xF7A, s1;
	s8 =	simm.s32 @!p0 $0x1BF5;
	p2 =	por !p2, p0  }
0x20: {  	[sflag:s8] =	ssyncset.s32 @!p0 $0xFFFFF086;
	s6 =	sadd.s32 @!p0 s3, s7;
	s7 =	simm.s32 @!p0 $0x108  }
0x21: {  	s3 =	sadd.s32 s3, s9;
	s6 =	sadd.s32 @!p0 $0x88, s6;
	s7 =	simm.s32 @p2 $0x1082  }
0x22: {  	[simem:s7], [sflag:s8] =	dma.local @!p0 [hbm:s6], $0xF7A  }
0x23: {  	s9 =	sor.u32 $0xD0000000, s2;
	s6 =	simm.s32 $0x108;
	_ =	swait.ge @!p0 [sflag:s8], $0x0  }
0x24: {  	s3 =	sadd.s32 $0x88, s3;
	s6 =	simm.s32 @!p1 $0x1082;
	[sflag:s4] =	ssyncset.s32 $0xFFFFF086  }
0x25: {  	[simem:s6], [sflag:s4] =	dma.local [hbm:s3], $0xF7A  }
0x26: {  	[smem:$0x3F9F] =	sst s1;
	(tag) =	ssettag s2;
	_ =	strace s9  }
0x27: {  	s1 =	sld [smem:$0x3FAF]  }
0x28: {  	s2 =	sld [smem:$0x3FB0]  }
0x29: {  	s4 =	sld [smem:$0x3FB2]  }
0x2a: {  	p0 =	seq.s32 s5, $0x0;
	s5 =	sld [smem:$0x3FB3]  }
0x2b: {  	s6 =	sld [smem:$0x3FB4]  }
0x2c: {  	s7 =	sld [smem:$0x3FB5]  }
0x2d: {  	s3 =	simm.s32 $0x108;
	s8 =	sld [smem:$0x3FB6]  }
0x2e: {  	s3 =	simm.s32 @!p0 $0x1082;
	s9 =	sld [smem:$0x3FB7]  }
0x2f: {  	lr =	sadd.s32 s0, s3;
	s0 =	sld [smem:$0x3FAE]  }
0x30: {  	s3 =	sld [smem:$0x3FB1]  }
0x31: {  	[smem:$0x3FBA] =	sst s10  }
0x32: {  	s10 =	sld [smem:$0x3FB8];
	_ =	sdelay $0x3  }
0x33: {  	p0 =	seq.s32 s10, $0x1;
	s10 =	sld [smem:$0x3FBA];
	_ =	sdelay $0x3  }
0x34: {  	[smem:$0x3FBA] =	sst s10  }
0x35: {  	s10 =	sld [smem:$0x3FB9];
	_ =	sdelay $0x3  }
0x36: {  	p1 =	seq.s32 s10, $0x1;
	s10 =	sld [smem:$0x3FBA];
	_ =	sdelay $0x3  }
0x37: {  	[smem:$0x3FBA] =	sst s10  }
0x38: {  	s10 =	sld [smem:$0x3FBB]  }
0x39: {  	_ = 	snop;
	(pc) =	sbr.ind lr, $3  }
0x3a: {  	_ = 	snop  }
0x3b: {  	_ = 	snop  }
0x3c: {  	p2 =	seq.s32 s10, $0x1;
	s10 =	sld [smem:$0x3FBA]  }
0x3d: {  	_ =	shalt  }
0x3e: {  	_ =	shalt  }
0x3f: {  	_ =	shalt  }
0x40: {  	_ =	shalt  }
0x41: {  	_ =	shalt  }
0x42: {  	_ =	shalt  }
0x43: {  	_ =	shalt  }
0x44: {  	_ =	shalt  }
0x45: {  	_ =	shalt  }
0x46: {  	_ =	shalt  }
0x47: {  	_ =	shalt  }
0x48: {  	_ =	shalt  }
0x49: {  	_ =	shalt  }
0x4a: {  	_ =	shalt  }
0x4b: {  	_ =	shalt  }
0x4c: {  	_ =	shalt  }
0x4d: {  	_ =	shalt  }
0x4e: {  	_ =	shalt  }
0x4f: {  	_ =	shalt  }
0x50: {  	_ =	shalt  }
0x51: {  	_ =	shalt  }
0x52: {  	_ =	shalt  }
0x53: {  	_ =	shalt  }
0x54: {  	_ =	shalt  }
0x55: {  	_ =	shalt  }
0x56: {  	_ =	shalt  }
0x57: {  	_ =	shalt  }
0x58: {  	_ =	shalt  }
0x59: {  	_ =	shalt  }
0x5a: {  	_ =	shalt  }
0x5b: {  	_ =	shalt  }
0x5c: {  	_ =	shalt  }
0x5d: {  	_ =	shalt  }
0x5e: {  	_ =	shalt  }
0x5f: {  	_ =	shalt  }
0x60: {  	_ =	shalt  }
0x61: {  	_ =	shalt  }
0x62: {  	_ =	shalt  }
0x63: {  	_ =	shalt  }
0x64: {  	_ =	shalt  }
0x65: {  	_ =	shalt  }
0x66: {  	_ =	shalt  }
0x67: {  	_ =	shalt  }
0x68: {  	_ =	shalt  }
0x69: {  	_ =	shalt  }
0x6a: {  	_ =	shalt  }
0x6b: {  	_ =	shalt  }
0x6c: {  	_ =	shalt  }
0x6d: {  	_ =	shalt  }
0x6e: {  	_ =	shalt  }
0x6f: {  	_ =	shalt  }
0x70: {  	_ =	shalt  }
0x71: {  	_ =	shalt  }
0x72: {  	_ =	shalt  }
0x73: {  	_ =	shalt  }
0x74: {  	_ =	shalt  }
0x75: {  	_ =	shalt  }
0x76: {  	_ =	shalt  }
0x77: {  	_ =	shalt  }
0x78: {  	_ =	shalt  }
0x79: {  	_ =	shalt  }
0x7a: {  	_ =	shalt  }
0x7b: {  	_ =	shalt  }
0x7c: {  	_ =	shalt  }
0x7d: {  	_ =	shalt  }
0x7e: {  	_ =	shalt  }
0x7f: {  	_ =	shalt  }
0x80: {  	_ =	shalt  }
0x81: {  	_ =	shalt  }
0x82: {  	_ =	shalt  }
0x83: {  	_ =	shalt  }
0x84: {  	_ =	shalt  }
0x85: {  	_ =	shalt  }
0x86: {  	_ =	shalt  }
0x87: {  	_ =	shalt  }
.Lfunc_end0:
.L_simem_size_0:
called_computation_lowered:
.L_overlay_start_0:
0x88: {  	s2 =	sld [smem:$0x3FD9]  }
0x89: {  	s3 =	sld [smem:$0x3FFE];
	_ =	sdelay $0x1  }
0x8a: {  	s1 =	srdreg.scid  }
0x8b: {  	s0 =	sand.u32 $0x1, s1  }
0x8c: {  	s18 =	sshll.u32 s0, $0xA;
	s2 =	sadd.s32 s3, s2  }
0x8d: {  	s2 =	sadd.s32 s2, s18  }
0x8e: {  	[smem:$0x3FC6] =	sst s2  }
0x8f: {  	_ = 	snop  }
0x90: {  	s2 =	sld [smem:$0x3FC9]  }
0x91: {  	s19 =	sld [smem:$0x3FC8]  }
0x92: {  	s4 =	sld [smem:$0x3FD0];
	(tm) =	ssettm $0x1  }
0x93: {  	s5 =	sld [smem:$0x3FFB];
	_ =	sdelay $0x3  }
0x94: {  	_ =	strace s5  }
0x95: {  	s5 =	sld [smem:$0x3FFC];
	_ =	sdelay $0x3  }
0x96: {  	_ =	strace s5  }
0x97: {  	s5 =	sld [smem:$0x3FFD];
	_ =	sdelay $0x3  }
0x98: {  	_ =	strace s5  }
0x99: {  	_ =	strace $0x8FFFFFFF  }
0x9a: {  	s20 =	sld [smem:$0x3FDB];
	_ =	sdelay $0x1  }
0x9b: {  	s6 =	simm.s32 $_scs_section_size  }
0x9c: {  	s7 =	simm.s32 $_size__tile_overlayer_lowered;
	s8 =	simm.s32 $_tile_overlayer_lowered  }
0x9d: {  	s23 =	simm.s32 $0x1BFF;
	s22 =	sshll.u32 s8, $0x1;
	s5 =	sadd.s32 s6, s20  }
0x9e: {  	s9 =	simm.s32 $0x0;
	s21 =	sshll.u32 s7, $0x1;
	s7 =	sadd.s32 s22, s5  }
0x9f: {  	[timem:s9], [sflag:s23] =	dma.local [hbm:s7], s21  }
0xa0: {  	_ =	swait.ge [sflag:s23], s21  }
0xa1: {  	s6 =	ssub.s32 $0x0, s21;
	[sflag:s23] =	ssyncset.done $0x0  }
0xa2: {  	[sflag:s23] =	ssyncadd.s32 s6;
	_ =	sdelay $0x1  }
0xa3: {  	s24 =	simm.s32 $0x1B8B  }
0xa4: {  	_ =	swait.ge [sflag:s24], $0x1  }
0xa5: {  	[sflag:s24] =	ssyncset.done $0x0  }
0xa6: {  	s25 =	simm.s32 $0x1B8E;
	[sflag:s24] =	ssyncadd.s32 $0xFFFFFFFF  }
0xa7: {  	s26 =	simm.s32 $execute0_lowered;
	[smem:$0x3FD2] =	sst s25  }
0xa8: {  	s6 =	sshll.u32 s26, $0x1;
	_ =	strace $0x80000046;
	[dreg:$0x1] =	wrdreg $0xFFFFFFFF  }
0xa9: {  	s28 =	simm.s32 $_size_execute0_lowered;
	s5 =	sadd.s32 s5, s6;
	[dreg:$0x0] =	wrdreg $0x0  }
0xaa: {  	s6 =	sshll.u32 s28, $0x1;
	[dreg:$0x2] =	wrdreg s5  }
0xab: {  	[dreg:$0x3] =	wrdreg s6  }
0xac: {  	[dreg:$0x4] =	wrdreg $0xC0  }
0xad: {  	_ =	task [dreg:s9], $0x5FFFF  }
0xae: {  	[dreg:$0x1] =	wrdreg $0xFFFFFFFF  }
0xaf: {  	[dreg:$0x0] =	wrdreg $0x60  }
0xb0: {  	[dreg:$0x2] =	wrdreg s2  }
0xb1: {  	[dreg:$0x3] =	wrdreg s19  }
0xb2: {  	[dreg:$0x4] =	wrdreg s4  }
0xb3: {  	[dreg:$0x5] =	wrdreg $0x9  }
0xb4: {  	_ =	task.clear_ibuf [dreg:s9], $0x6FFFF;
	_ =	strace $0x90000046  }
0xb5: {  	s29 =	simm.s32 $0x9;
	_ =	strace $0x80000048  }
0xb6: {  	_ =	swait.ge [sflag:s29], $0x1  }
0xb7: {  	[sflag:s29] =	ssyncadd.s32 $0xFFFFFFFF  }
0xb8: {  	_ =	strace $0x90000048  }
0xb9: {  	_ =	sfence  }
0xba: {  	s30 =	sld [smem:$0x0];
	_ =	sdelay $0x2  }
0xbb: {  	s31 =	sshll.u32 s1, $0xD;
	s1 =	sshrl.u32 s1, $0x2  }
0xbc: {  	s3 =	sand.u32 $0x4000, s31;
	s1 =	sadd.s32 s1, s30  }
0xbd: {  	s0 =	sor.u32 s3, s0;
	s1 =	sshll.u32 s1, $0x11  }
0xbe: {  	s0 =	sor.u32 s1, s0  }
0xbf: {  	s0 =	sadd.s32 $0x8F2B, s0  }
0xc0: {  	[sflag:s0] =	ssyncadd.remote.s32 $0x1  }
0xc1: {  	_ =	sfence.sel $0xFFFF  }
0xc2: {  	[dreg:$0x0] =	wrdreg $0xFFFFFFFF;
	(pc) =	sbr.abs _section_cstart, $3  }
0xc3: {  	[dreg:$0x1] =	wrdreg $0xFFFFFFFF  }
0xc4: {  	_ =	task.clear_ibuf [dreg:s9], $0x2FFFF;
	_ =	strace $0x9FFFFFFF  }
0xc5: {  	(tm) =	ssettm $0x7FFFFFFF  }
tec
execute0_lowered:
.L_overlay_start_1:
0x0: {  	(tag) =	ssettag $0x1  }
0x1: {  	s0 =	srdreg.scid;
	s28 =	rddreg [dreg:$0x0]  }
0x2: {  	s5 =	rddreg [dreg:$0x1];
	s3 =	stileid.u32  }
0x3: {  	s29 =	rddreg [dreg:$0x2];
	s30 =	simm.s32 $0x0;
	s0 =	sand.u32 $0x1, s0  }
0x4: {  	s1 =	sshll.u32 s0, $0x4;
	s15 =	ssub.s32 $0x2, s0;
	s0 =	smul.u32 $0xC40000, s0  }
0x5: {  	s10 =	simm.s32 $0x1;
	s1 =	sor.u32 s3, s1;
	s3 =	smul.u32 $0xC4000, s3  }
0x6: {  	s31 =	simm.s32 $0xE300;
	[smem:$0x7FF] =	sst s30;
	s6 =	smul.u32 $0xC4000, s1  }
0x7: {  	v34 =	vlaneseq.u32;
	s11 =	simm.s32 $0x2;
	_ =	strace $0x80000047;
	s2 =	sshrl.u32 s15, $0x1  }
0x8: {  	v0 =	vor.u32 $0xF0, v34;
	s1 =	ssub.s32 s15, s2;
	s0 =	sadd.s32 s3, s0;
	s4 =	sadd.s32 $0x7000, s6  }
0x9: {  	v18 =	vor.u32 $0x10, v34;
	[tilespmem:$0x1FF10] =	vst v0;
	s16 =	sshrl.u32 s6, $0x3;
	s17 =	sadd.s32 $0x15000, s0;
	[dreg:$0x4] =	wrdreg s6  }
0xa: {  	v4 =	vor.u32 $0x20, v34;
	[tilespmem:$0x1FF20] =	vst v18;
	s18 =	sadd.s32 $0xE000, s6;
	s19 =	sadd.s32 $0x15000, s6;
	[dreg:$0x5] =	wrdreg s4  }
0xb: {  	v5 =	vor.u32 $0x30, v34;
	[tilespmem:$0x1FF30] =	vst v4;
	s6 =	smax.u32 s1, $0x1;
	s20 =	sadd.s32 $0xE000, s0;
	[dreg:$0x8] =	wrdreg s18  }
0xc: {  	v6 =	vor.u32 $0x40, v34;
	[tilespmem:$0x1FF40] =	vst v5;
	s21 =	sadd.s32 $0x23000, s0;
	s26 =	sadd.s32 $0x1C000, s0;
	[dreg:$0x9] =	wrdreg s19  }
0xd: {  	v7 =	vor.u32 $0x50, v34;
	[tilespmem:$0x1FF50] =	vst v6;
	s23 =	sadd.s32 $0x7000, s0;
	s0 =	sshrl.u32 s0, $0x3;
	[dreg:$0x10] =	wrdreg s26  }
0xe: {  	v8 =	vor.u32 $0x60, v34;
	[tilespmem:$0x1FF60] =	vst v7;
	s7 =	sadd.s32 s28, s16;
	s0 =	sadd.s32 s0, s29;
	[dreg:$0xa] =	wrdreg s6  }
0xf: {  	v9 =	vor.u32 $0x70, v34;
	[tilespmem:$0x1FF70] =	vst v8;
	s2 =	sshrl.u32 s17, $0x3;
	s1 =	sshrl.u32 s20, $0x3;
	[dreg:$0x12] =	wrdreg s0  }
0x10: {  	v10 =	vor.u32 $0x80, v34;
	[tilespmem:$0x1FF80] =	vst v9;
	s9 =	sadd.s32 s2, s29;
	s2 =	sadd.s32 s2, s28;
	[dreg:$0x6] =	wrdreg s7  }
0x11: {  	s12 =	simm.s32 $0x15300;
	v11 =	vor.u32 $0x90, v34;
	[tilespmem:$0x1FF90] =	vst v10;
	s22 =	sadd.s32 s1, s29;
	[dreg:$0xc] =	wrdreg s2  }
0x12: {  	v12 =	vor.u32 $0xA0, v34;
	[tilespmem:$0x1FFA0] =	vst v11;
	s4 =	sshrl.u32 s4, $0x3;
	s1 =	sadd.s32 s1, s28;
	[dreg:$0xd] =	wrdreg s22  }
.Ltmp0:
0x13: {  	v13 =	vor.u32 $0xB0, v34;
	[tilespmem:$0x1FFB0] =	vst v12;
	s8 =	sadd.s32 s28, s4;
	[dreg:$0xe] =	wrdreg s1;
	(pc) =	sbr.rel .LBB2_1-.Ltmp0, $4  }
0x14: {  	v14 =	vor.u32 $0xC0, v34;
	[tilespmem:$0x1FFC0] =	vst v13;
	s25 =	sshrl.u32 s23, $0x3;
	s0 =	simm.s32 $0x0;
	[dreg:$0x7] =	wrdreg s8  }
0x15: {  	v15 =	vor.u32 $0xD0, v34;
	[tilespmem:$0x1FFD0] =	vst v14;
	s2 =	sshrl.u32 s21, $0x3;
	s1 =	sadd.s32 s25, s29;
	[dreg:$0xb] =	wrdreg s9  }
0x16: {  	v16 =	vor.u32 $0xE0, v34;
	[tilespmem:$0x1FFE0] =	vst v15;
	s21 =	simm.s32 $0x300;
	s24 =	sadd.s32 s2, s28;
	[dreg:$0x11] =	wrdreg s1  }
0x17: {  	v3 =	vimm.s32 $0x0;
	[tilespmem:$0x1FFF0] =	vst v16;
	s22 =	simm.s32 $0x7300;
	[dreg:$0xf] =	wrdreg s24;
	s24 =	simm.s32 $0x100  }
.LBB2_147:
0x18: {  	s0 =	simm.s32 $0x3  }
0x19: {  	_ =	swait.ge [sflag:s0], $0x7000  }
0x1a: {  	[sflag:s0] =	ssyncset.done $0x0  }
0x1b: {  	s26 =	simm.s32 $0x4;
	[sflag:s0] =	ssyncadd.s32 $0xFFFF9000  }
0x1c: {  	_ =	swait.ge [sflag:s26], $0x7000  }
0x1d: {  	s7 =	rddreg [dreg:$0x6]  }
0x1e: {  	s8 =	rddreg [dreg:$0x7]  }
0x1f: {  	s6 =	rddreg [dreg:$0xa]  }
0x20: {  	[sflag:s26] =	ssyncset.done $0x0;
	s9 =	rddreg [dreg:$0xb]  }
0x21: {  	s1 =	rddreg [dreg:$0x13];
	[sflag:s26] =	ssyncadd.s32 $0xFFFF9000  }
0x22: {  	s5 =	rddreg [dreg:$0x1]  }
.LBB2_148:
0x23: {  	s0 =	sadd.s32 $0x1, s1  }
0x24: {  	p0 =	sne.s32 s0, s6  }
.Ltmp1:
0x25: {  	_ = 	snop;
	(pc) =	sbr.rel @!p0 .LBB2_149-.Ltmp1, $2  }
0x26: {  	_ =	sdelay $0x2  }
0x27: {  	v3 =	vimm.s32 $0x0  }
.LBB2_1:
0x28: {  	[tilespmem:s21], [sflag:$0x1] =	stream.linear.gather [hbm4b:s7+s30], $0x7000, $0x38;
	[tilespmem:$0x1C300] =	vst v63  }
0x29: {  	_ = 	snop  }
0x2a: {  	[tilespmem:s22], [sflag:$0x2] =	stream.linear.gather [hbm4b:s8+s30], $0x7000, $0x38;
	[tilespmem:$0x1C300] =	vst v63  }
0x2b: {  	[dreg:$0x13] =	wrdreg s0;
	s26 =	simm.s32 $0x5  }
0x2c: {  	[tilespmem:s30], [sflag:$0x5] =	stream.linear.gather [hbm4b:s5+s30], $0x100, $0x38;
	[tilespmem:$0x1C300] =	vst v63  }
0x2d: {  	_ =	swait.ge [sflag:s26], $0x100  }
0x2e: {  	[sflag:s26] =	ssyncset.done $0x0  }
0x2f: {  	v0 =	vimm.s32 $0xFF;
	[sflag:s26] =	ssyncadd.s32 $0xFFFFFF00  }
0x30: {  	[tilespmem:$0x100] =	vst v0  }
0x31: {  	[tilespmem:$0x110] =	vst v0  }
0x32: {  	[tilespmem:$0x120] =	vst v0  }
0x33: {  	[tilespmem:$0x130] =	vst v0  }
0x34: {  	[tilespmem:$0x140] =	vst v0  }
0x35: {  	[tilespmem:$0x150] =	vst v0  }
0x36: {  	[tilespmem:$0x160] =	vst v0  }
0x37: {  	[tilespmem:$0x170] =	vst v0  }
0x38: {  	[tilespmem:$0x180] =	vst v0  }
0x39: {  	[tilespmem:$0x190] =	vst v0  }
0x3a: {  	[tilespmem:$0x1A0] =	vst v0  }
0x3b: {  	[tilespmem:$0x1B0] =	vst v0  }
0x3c: {  	[tilespmem:$0x1C0] =	vst v0  }
0x3d: {  	[tilespmem:$0x1D0] =	vst v0  }
0x3e: {  	[tilespmem:$0x1E0] =	vst v0  }
0x3f: {  	[tilespmem:$0x1F0] =	vst v0  }
0x40: {  	v0 =	vld [tilespmem:s30+$0x0];
	_ =	sdelay $0x4  }
0x41: {  	vm0 =	vlt.f32 v0, $0.0e+00;
	vm1 =	vgt.f32 v0, $0.0e+00  }
0x42: {  	vm0 =	vmor vm1, vm0  }
0x43: {  	v0 =	vsel vm0, $0x1, v3  }
0x44: {  	(xrf0) =	vadd.scan.msk.s32 $0xffff, v0;
	_ =	sdelay $0x2  }
0x45: {  	v0 =	vmov s30  }
0x46: {  	v0 =	vadd.s32 $0xFFFFFFFF, v0  }
0x47: {  	v0 =	vbroadcast v0, $0x0  }
0x48: {  	v1, _, _ =	vpop (xrf0)  }
0x49: {  	v0 =	vadd.s32 v0, v1;
	(v2sf) =	vpush v1, $0xF;
	_ =	sdelay $0x3  }
0x4a: {  	v2 =	vor.u32 s30, v34  }
0x4b: {  	s1 =	simm.s32 $0x10;
	[tilespmem:v0+s24+$0x0] =	vst.idx.msk vm0, v2  }
0x4c: {  	s2 =	simm.s32 $0x20;
	s0 =	simm.s32 $0x0;
	s3 =	simm.s32 $0x10;
	v0 =	vld [tilespmem:s1+$0x0]  }
.LBB2_2:
0x4d: {  	p0 =	sne.s32 s2, $0xF0;
	_ =	sdelay $0x3  }
0x4e: {  	vm0 =	vlt.f32 v0, $0.0e+00;
	vm1 =	vgt.f32 v0, $0.0e+00  }
0x4f: {  	vm0 =	vmor vm1, vm0  }
0x50: {  	v0 =	vsel vm0, $0x1, v3  }
0x51: {  	(xrf0) =	vadd.scan.msk.s32 $0xffff, v0  }
0x52: {  	s4 =	spop (v2sf)  }
0x53: {  	s0 =	sadd.s32 s0, s4  }
0x54: {  	v0 =	vmov s0  }
0x55: {  	v0 =	vadd.s32 $0xFFFFFFFF, v0  }
0x56: {  	v0 =	vbroadcast v0, $0x0  }
0x57: {  	v1, _, _ =	vpop (xrf0)  }
0x58: {  	v0 =	vadd.s32 v0, v1;
	(v2sf) =	vpush v1, $0xF;
	_ =	sdelay $0x1  }
.Ltmp2:
0x59: {  	(pc) =	sbr.rel @p0 .LBB2_2-.Ltmp2, $4  }
0x5a: {  	_ = 	snop  }
0x5b: {  	v1 =	vor.u32 s1, v34;
	s1 =	smov.u32 s2  }
0x5c: {  	s3 =	sadd.s32 $0x10, s3;
	[tilespmem:v0+s24+$0x0] =	vst.idx.msk vm0, v1  }
0x5d: {  	s2 =	sadd.s32 $0x10, s2;
	v0 =	vld [tilespmem:s3+$0x0]  }
0x5e: {  	_ =	sdelay $0x3  }
0x5f: {  	vm0 =	vlt.f32 v0, $0.0e+00;
	vm1 =	vgt.f32 v0, $0.0e+00  }
0x60: {  	vm0 =	vmor vm1, vm0  }
0x61: {  	v32 =	vsel vm0, $0x1, v3  }
0x62: {  	(xrf0) =	vadd.scan.msk.s32 $0xffff, v32  }
0x63: {  	s2 =	spop (v2sf)  }
0x64: {  	s0 =	sadd.s32 s0, s2  }
0x65: {  	v33 =	vmov s0  }
0x66: {  	v0 =	vadd.s32 $0xFFFFFFFF, v33  }
0x67: {  	v0 =	vbroadcast v0, $0x0  }
0x68: {  	v1, _, _ =	vpop (xrf0)  }
0x69: {  	v0 =	vadd.s32 v0, v1;
	_ =	sdelay $0x3  }
0x6a: {  	v2 =	vor.u32 s1, v34  }
0x6b: {  	[tilespmem:v0+s24+$0x0] =	vst.idx.msk vm0, v2  }
0x6c: {  	v0 =	vld [tilespmem:$0x100]  }
0x6d: {  	v2 =	vld [tilespmem:$0x110]  }
0x6e: {  	v35 =	vld [tilespmem:$0x120]  }
0x6f: {  	v17 =	vld [tilespmem:$0x130]  }
0x70: {  	(v2sf) =	vpush v1, $0xF  }
0x71: {  	v22 =	vld [tilespmem:$0x140]  }
0x72: {  	v23 =	vld [tilespmem:$0x150];
	v18 =	vshrl.u32 v0, $0x7  }
0x73: {  	v24 =	vld [tilespmem:$0x160];
	v36 =	vmul.u32 $0x380, v18  }
0x74: {  	v25 =	vld [tilespmem:$0x170];
	v20 =	vshrl.u32 v35, $0x7;
	v38 =	vshrl.u32 v17, $0x7;
	v18 =	vshrl.u32 v2, $0x7  }
0x75: {  	v26 =	vld [tilespmem:$0x180];
	v37 =	vmul.u32 $0x380, v20;
	v19 =	vmul.u32 $0x380, v18;
	v18 =	vadd.s32 v0, v36  }
0x76: {  	v27 =	vld [tilespmem:$0x190];
	v39 =	vshrl.u32 v22, $0x7;
	v1 =	vmul.u32 $0x380, v38;
	[tilespmem:$0x1FF00] =	vst v18  }
0x77: {  	v42 =	vld [tilespmem:$0x1A0];
	v41 =	vshrl.u32 v23, $0x7;
	v40 =	vmul.u32 $0x380, v39;
	v20 =	vadd.s32 v35, v37;
	[tilespmem:$0x200] =	vst v18  }
0x78: {  	v30 =	vld [tilespmem:$0x1C0];
	v44 =	vshrl.u32 v24, $0x7;
	v43 =	vmul.u32 $0x380, v41;
	v21 =	vadd.s32 v17, v1;
	[tilespmem:$0x220] =	vst v20  }
0x79: {  	v31 =	vld [tilespmem:$0x1D0];
	v46 =	vshrl.u32 v25, $0x7;
	v45 =	vmul.u32 $0x380, v44;
	v22 =	vadd.s32 v22, v40;
	[tilespmem:$0x230] =	vst v21  }
0x7a: {  	v32 =	vld [tilespmem:$0x1E0];
	v48 =	vshrl.u32 v26, $0x7;
	v47 =	vmul.u32 $0x380, v46;
	v23 =	vadd.s32 v23, v43;
	[tilespmem:$0x240] =	vst v22  }
0x7b: {  	v33 =	vld [tilespmem:$0x1F0];
	v50 =	vshrl.u32 v27, $0x7;
	v49 =	vmul.u32 $0x380, v48;
	v24 =	vadd.s32 v24, v45;
	[tilespmem:$0x250] =	vst v23  }
0x7c: {  	v52 =	vshrl.u32 v42, $0x7;
	v51 =	vmul.u32 $0x380, v50;
	v25 =	vadd.s32 v25, v47;
	[tilespmem:$0x260] =	vst v24  }
0x7d: {  	v56 =	vshrl.u32 v30, $0x7;
	v53 =	vmul.u32 $0x380, v52;
	v17 =	vld [tilespmem:$0x1B0];
	v26 =	vadd.s32 v26, v49;
	[tilespmem:$0x270] =	vst v25  }
0x7e: {  	v58 =	vshrl.u32 v31, $0x7;
	v57 =	vmul.u32 $0x380, v56;
	v27 =	vadd.s32 v27, v51;
	[tilespmem:$0x280] =	vst v26  }
0x7f: {  	v60 =	vshrl.u32 v32, $0x7;
	v59 =	vmul.u32 $0x380, v58;
	v28 =	vadd.s32 v42, v53;
	[tilespmem:$0x290] =	vst v27;
	s26 =	spop (v2sf)  }
0x80: {  	v62 =	vshrl.u32 v33, $0x7;
	v61 =	vmul.u32 $0x380, v60;
	v30 =	vadd.s32 v30, v57;
	[tilespmem:$0x2A0] =	vst v28;
	s0 =	sadd.s32 s0, s26  }
0x81: {  	v63 =	vmul.u32 $0x380, v62;
	v31 =	vadd.s32 v31, v59;
	[tilespmem:$0x2C0] =	vst v30;
	p0 =	sne.s32 s0, $0x100  }
.Ltmp3:
0x82: {  	v32 =	vadd.s32 v32, v61;
	[tilespmem:$0x2D0] =	vst v31;
	v54 =	vshrl.u32 v17, $0x7;
	(pc) =	sbr.rel @p0 .LBB2_7-.Ltmp3, $4  }
0x83: {  	v33 =	vadd.s32 v33, v63;
	[tilespmem:$0x2E0] =	vst v32;
	v55 =	vmul.u32 $0x380, v54  }
0x84: {  	v19 =	vadd.s32 v2, v19;
	[tilespmem:$0x2F0] =	vst v33  }
0x85: {  	[tilespmem:$0x210] =	vst v19;
	v29 =	vadd.s32 v17, v55  }
0x86: {  	s1 =	simm.s32 $0x0;
	s2 =	rddreg [dreg:$0x10];
	[tilespmem:$0x2B0] =	vst v29  }
.LBB2_4:
0x87: {  	_ =	swait.ge [sflag:s10], $0x7000  }
0x88: {  	[sflag:s10] =	ssyncset.done $0x0;
	s3 =	rddreg [dreg:$0x12]  }
0x89: {  	p0 =	seq.s32 s1, $0x0;
	[sflag:s10] =	ssyncadd.s32 $0xFFFF9000;
	s3 =	sadd.s32 s1, s3  }
0x8a: {  	[hbm4b:s3+s30] =	stream.linear.scatter [tilespmem:s21], [sflag:$0x1], $0x7000, $0x38;
	[tilespmem:$0x1C300] =	vst v63  }
0x8b: {  	s3 =	simm.s32 @!p0 $0x3  }
0x8c: {  	_ =	swait.ge @!p0 [sflag:s3], $0x7000  }
0x8d: {  	[sflag:s3] =	ssyncset.done @!p0 $0x0;
	s19 =	rddreg [dreg:$0xe]  }
0x8e: {  	[sflag:s3] =	ssyncadd.s32 @!p0 $0xFFFF9000;
	s3 =	sadd.s32 s1, s19  }
0x8f: {  	[tilespmem:s31], [sflag:$0x3] =	stream.linear.gather [hbm4b:s3+s30], $0x7000, $0x38;
	[tilespmem:$0x1C300] =	vst v63  }
0x90: {  	_ =	swait.ge [sflag:s11], $0x7000  }
0x91: {  	[sflag:s11] =	ssyncset.done $0x0;
	s20 =	rddreg [dreg:$0x11]  }
0x92: {  	[sflag:s11] =	ssyncadd.s32 $0xFFFF9000;
	s3 =	sadd.s32 s1, s20  }
0x93: {  	[hbm4b:s3+s30] =	stream.linear.scatter [tilespmem:s22], [sflag:$0x2], $0x7000, $0x38;
	[tilespmem:$0x1C300] =	vst v63  }
0x94: {  	s3 =	simm.s32 @!p0 $0x4  }
0x95: {  	_ =	swait.ge @!p0 [sflag:s3], $0x7000  }
0x96: {  	s25 =	simm.s32 $0x3;
	[sflag:s3] =	ssyncset.done @!p0 $0x0;
	s23 =	rddreg [dreg:$0xc]  }
0x97: {  	[sflag:s3] =	ssyncadd.s32 @!p0 $0xFFFF9000;
	s3 =	sadd.s32 s1, s23;
	p0 =	seq.s32 s1, $0x15000  }
0x98: {  	[tilespmem:s12], [sflag:$0x4] =	stream.linear.gather [hbm4b:s3+s30], $0x7000, $0x38;
	[tilespmem:$0x1C300] =	vst v63  }
.Ltmp4:
0x99: {  	_ =	swait.ge [sflag:s25], $0x7000;
	(pc) =	sbr.rel @p0 .LBB2_6-.Ltmp4, $4  }
0x9a: {  	[sflag:s25] =	ssyncset.done $0x0;
	s26 =	rddreg [dreg:$0xd]  }
0x9b: {  	[sflag:s25] =	ssyncadd.s32 $0xFFFF9000;
	s3 =	sadd.s32 s1, s26  }
0x9c: {  	[hbm4b:s3+s30] =	stream.linear.scatter [tilespmem:s31], [sflag:$0x3], $0x7000, $0x38;
	[tilespmem:$0x1C300] =	vst v63  }
0x9d: {  	s3 =	sadd.s32 s1, s9  }
0x9e: {  	_ =	swait.ge [sflag:s10], $0x7000  }
0x9f: {  	s4 =	sshrl.u32 s2, $0x3;
	[sflag:s10] =	ssyncset.done $0x0  }
0xa0: {  	s25 =	simm.s32 $0x4;
	s4 =	sadd.s32 s28, s4;
	[sflag:s10] =	ssyncadd.s32 $0xFFFF9000  }
0xa1: {  	[tilespmem:s21], [sflag:$0x1] =	stream.linear.gather [hbm4b:s4+s30], $0x7000, $0x38;
	[tilespmem:$0x1C300] =	vst v63  }
0xa2: {  	_ =	swait.ge [sflag:s25], $0x7000  }
0xa3: {  	[sflag:s25] =	ssyncset.done $0x0  }
0xa4: {  	[sflag:s25] =	ssyncadd.s32 $0xFFFF9000  }
0xa5: {  	[hbm4b:s3+s30] =	stream.linear.scatter [tilespmem:s12], [sflag:$0x4], $0x7000, $0x38;
	[tilespmem:$0x1C300] =	vst v63  }
.Ltmp5:
0xa6: {  	_ = 	snop;
	(pc) =	sbr.rel .LBB2_4-.Ltmp5, $4  }
0xa7: {  	_ =	swait.ge [sflag:s11], $0x7000  }
0xa8: {  	s2 =	sadd.s32 $0x1C000, s2;
	[sflag:s11] =	ssyncset.done $0x0;
	s26 =	rddreg [dreg:$0xf]  }
0xa9: {  	[sflag:s11] =	ssyncadd.s32 $0xFFFF9000;
	s3 =	sadd.s32 s1, s26;
	s1 =	sadd.s32 $0x3800, s1  }
0xaa: {  	[tilespmem:s22], [sflag:$0x2] =	stream.linear.gather [hbm4b:s3+s30], $0x7000, $0x38;
	[tilespmem:$0x1C300] =	vst v63  }
.LBB2_6:
0xab: {  	s2 =	simm.s32 $0x4  }
0xac: {  	_ =	swait.ge [sflag:s2], $0x7000  }
0xad: {  	[sflag:s2] =	ssyncset.done $0x0  }
0xae: {  	[sflag:s2] =	ssyncadd.s32 $0xFFFF9000  }
0xaf: {  	[hbm4b:s3+s30] =	stream.linear.scatter [tilespmem:s12], [sflag:$0x4], $0x7000, $0x38;
	[tilespmem:$0x1C300] =	vst v63  }
0xb0: {  	_ =	swait.ge [sflag:s10], $0x7000  }
0xb1: {  	[sflag:s10] =	ssyncset.done $0x0  }
0xb2: {  	[sflag:s10] =	ssyncadd.s32 $0xFFFF9000  }
0xb3: {  	_ =	swait.ge [sflag:s11], $0x7000  }
0xb4: {  	[sflag:s11] =	ssyncset.done $0x0  }
0xb5: {  	s1 =	simm.s32 $0x3;
	[sflag:s11] =	ssyncadd.s32 $0xFFFF9000  }
0xb6: {  	_ =	swait.ge [sflag:s1], $0x7000  }
0xb7: {  	[sflag:s1] =	ssyncset.done $0x0  }
0xb8: {  	[sflag:s1] =	ssyncadd.s32 $0xFFFF9000  }
0xb9: {  	_ =	swait.ge [sflag:s2], $0x7000  }
0xba: {  	[sflag:s2] =	ssyncset.done $0x0  }
0xbb: {  	[sflag:s2] =	ssyncadd.s32 $0xFFFF9000  }
.LBB2_7:
0xbc: {  	p0 =	sgt.s32 s0, $0xFF  }
.Ltmp6:
0xbd: {  	_ = 	snop;
	(pc) =	sbr.rel @p0 .LBB2_148-.Ltmp6, $2  }
0xbe: {  	_ =	sdelay $0x2  }
0xbf: {  	v18 =	vld [tilespmem:$0x1FF20];
	s1 =	rddreg [dreg:$0x13]  }
0xc0: {  	[tilespmem:$0x1FEE0] =	vst v22  }
0xc1: {  	v0 =	vmov s0;
	[tilespmem:$0x1FEF0] =	vst v21  }
0xc2: {  	s6 =	simm.s32 $0x0;
	[tilespmem:$0x1FED0] =	vst v0  }
.LBB2_9:
0xc3: {  	_ =	swait.ge [sflag:s10], $0x7000  }
0xc4: {  	v16 =	vld [tilespmem:$0x1FF00];
	_ =	sdelay $0x1  }
0xc5: {  	s2 =	simm.s32 $0x0  }
0xc6: {  	s1 =	sand.u32 $0xFFFFFC00, s2  }
0xc7: {  	s5 =	sadd.s32 $0x0, s1  }
0xc8: {  	p1 =	seq.s32 s6, $0x0;
	[sflag:s10] =	ssyncset.done $0x0;
	v0 =	vadd.s32 s5, v16  }
0xc9: {  	[sflag:s10] =	ssyncadd.s32 $0xFFFF9000;
	s1 =	simm.s32 @!p1 $0x3  }
0xca: {  	s4 =	simm.s32 $0x0;
	_ =	swait.ge @!p1 [sflag:s1], $0x7000  }
0xcb: {  	s3 =	sand.u32 $0xFFFFFC00, s4;
	[sflag:s1] =	ssyncset.done @!p1 $0x0  }
0xcc: {  	s3 =	sadd.s32 $0x80, s3;
	[sflag:s1] =	ssyncadd.s32 @!p1 $0xFFFF9000  }
0xcd: {  	v1 =	vadd.s32 s3, v16;
	v0 =	vld.idx.msk [tilespmem:v0+s21+$0x0], $0xffff  }
0xce: {  	v2 =	vadd.s32 s5, v19;
	_ =	sdelay $0x1  }
0xcf: {  	s2 =	sand.u32 $0x3FFFFC00, s2  }
0xd0: {  	s26 =	sadd.s32 $0xE300, s2  }
0xd1: {  	v1 =	vld.idx.msk [tilespmem:v1+s21+$0x0], $0xffff;
	[tilespmem:s26+$0x0] =	vst v0  }
0xd2: {  	v0 =	vadd.s32 s3, v19;
	v2 =	vld.idx.msk [tilespmem:v2+s21+$0x0], $0xffff  }
0xd3: {  	v3 =	vadd.s32 s5, v20  }
0xd4: {  	s16 =	sand.u32 $0x3FFFFC00, s4  }
0xd5: {  	s7 =	sadd.s32 $0xE300, s16  }
0xd6: {  	[tilespmem:s7+$0x80] =	vst v1  }
0xd7: {  	v0 =	vld.idx.msk [tilespmem:v0+s21+$0x0], $0xffff;
	[tilespmem:s26+$0x10] =	vst v2  }
0xd8: {  	v1 =	vadd.s32 s3, v20;
	v2 =	vld.idx.msk [tilespmem:v3+s21+$0x0], $0xffff  }
0xd9: {  	v3 =	vadd.s32 s5, v21;
	_ =	sdelay $0x2  }
0xda: {  	[tilespmem:s7+$0x90] =	vst v0  }
0xdb: {  	v0 =	vld.idx.msk [tilespmem:v1+s21+$0x0], $0xffff;
	[tilespmem:s26+$0x20] =	vst v2  }
0xdc: {  	v1 =	vadd.s32 s3, v21;
	v2 =	vld.idx.msk [tilespmem:v3+s21+$0x0], $0xffff  }
0xdd: {  	s17 =	simm.s32 $0x100;
	v3 =	vadd.s32 s5, v22  }
0xde: {  	s8 =	simm.s32 $0x100;
	s18 =	sand.u32 $0xFFFFFC00, s17  }
0xdf: {  	s9 =	sand.u32 $0xFFFFFC00, s8;
	s2 =	sadd.s32 $0x100, s18  }
0xe0: {  	s9 =	sadd.s32 $0x180, s9;
	[tilespmem:s7+$0xA0] =	vst v0;
	v0 =	vadd.s32 s2, v16  }
0xe1: {  	v1 =	vld.idx.msk [tilespmem:v1+s21+$0x0], $0xffff;
	[tilespmem:s26+$0x30] =	vst v2;
	v2 =	vadd.s32 s9, v16  }
0xe2: {  	v17 =	vadd.s32 s3, v22;
	v3 =	vld.idx.msk [tilespmem:v3+s21+$0x0], $0xffff  }
0xe3: {  	v35 =	vadd.s32 s5, v23;
	_ =	sdelay $0x1  }
0xe4: {  	v0 =	vld.idx.msk [tilespmem:v0+s21+$0x0], $0xffff  }
0xe5: {  	[tilespmem:s7+$0xB0] =	vst v1;
	v1 =	vld.idx.msk [tilespmem:v2+s21+$0x0], $0xffff;
	v2 =	vadd.s32 s2, v19  }
0xe6: {  	v36 =	vadd.s32 s9, v19;
	v17 =	vld.idx.msk [tilespmem:v17+s21+$0x0], $0xffff;
	[tilespmem:s26+$0x40] =	vst v3  }
0xe7: {  	s4 =	sand.u32 $0x3FFFFC00, s17;
	v3 =	vadd.s32 s3, v23;
	v35 =	vld.idx.msk [tilespmem:v35+s21+$0x0], $0xffff  }
0xe8: {  	s8 =	sand.u32 $0x3FFFFC00, s8;
	s11 =	sadd.s32 $0xE400, s4;
	v37 =	vadd.s32 s5, v24  }
0xe9: {  	s4 =	sadd.s32 $0xE400, s8;
	[tilespmem:s11+$0x0] =	vst v0  }
0xea: {  	v0 =	vld.idx.msk [tilespmem:v2+s21+$0x0], $0xffff;
	[tilespmem:s4+$0x80] =	vst v1  }
0xeb: {  	[tilespmem:s7+$0xC0] =	vst v17;
	v2 =	vadd.s32 s2, v20;
	v1 =	vld.idx.msk [tilespmem:v36+s21+$0x0], $0xffff  }
0xec: {  	v17 =	vadd.s32 s9, v20;
	v3 =	vld.idx.msk [tilespmem:v3+s21+$0x0], $0xffff;
	[tilespmem:s26+$0x50] =	vst v35  }
0xed: {  	v59 =	vadd.s32 s3, v24;
	v60 =	vld.idx.msk [tilespmem:v37+s21+$0x0], $0xffff  }
0xee: {  	v61 =	vadd.s32 s5, v25  }
0xef: {  	[tilespmem:s11+$0x10] =	vst v0  }
0xf0: {  	v0 =	vld.idx.msk [tilespmem:v2+s21+$0x0], $0xffff;
	[tilespmem:s4+$0x90] =	vst v1  }
0xf1: {  	[tilespmem:s7+$0xD0] =	vst v3;
	v2 =	vadd.s32 s2, v21;
	v1 =	vld.idx.msk [tilespmem:v17+s21+$0x0], $0xffff  }
0xf2: {  	s19 =	simm.s32 $0x200;
	v3 =	vadd.s32 s9, v21;
	v17 =	vld.idx.msk [tilespmem:v59+s21+$0x0], $0xffff;
	[tilespmem:s26+$0x60] =	vst v60  }
0xf3: {  	s20 =	sand.u32 $0xFFFFFC00, s19;
	s17 =	simm.s32 $0x300;
	v62 =	vadd.s32 s3, v25;
	v36 =	vld.idx.msk [tilespmem:v61+s21+$0x0], $0xffff  }
0xf4: {  	s13 =	sadd.s32 $0x200, s20;
	s16 =	sand.u32 $0xFFFFFC00, s17;
	v63 =	vadd.s32 s5, v26  }
0xf5: {  	s18 =	sadd.s32 $0x380, s16;
	v38 =	vadd.s32 s13, v16;
	[tilespmem:s11+$0x20] =	vst v0  }
0xf6: {  	v53 =	vadd.s32 s18, v16;
	v0 =	vld.idx.msk [tilespmem:v2+s21+$0x0], $0xffff;
	[tilespmem:s4+$0xA0] =	vst v1  }
0xf7: {  	[tilespmem:s7+$0xE0] =	vst v17;
	v2 =	vadd.s32 s2, v22;
	v1 =	vld.idx.msk [tilespmem:v3+s21+$0x0], $0xffff  }
0xf8: {  	v3 =	vadd.s32 s9, v22;
	v17 =	vld.idx.msk [tilespmem:v62+s21+$0x0], $0xffff;
	[tilespmem:s26+$0x70] =	vst v36  }
0xf9: {  	s14 =	simm.s32 $0x200;
	v6 =	vadd.s32 s3, v26;
	v36 =	vld.idx.msk [tilespmem:v63+s21+$0x0], $0xffff  }
0xfa: {  	s12 =	sand.u32 $0xFFFFFC00, s14;
	v7 =	vadd.s32 s5, v27;
	v38 =	vld.idx.msk [tilespmem:v38+s21+$0x0], $0xffff  }
0xfb: {  	s12 =	sadd.s32 $0x280, s12;
	v40 =	vadd.s32 s13, v19;
	v56 =	vld.idx.msk [tilespmem:v53+s21+$0x0], $0xffff;
	[tilespmem:s11+$0x30] =	vst v0  }
0xfc: {  	v0 =	vadd.s32 s12, v16;
	v2 =	vld.idx.msk [tilespmem:v2+s21+$0x0], $0xffff;
	[tilespmem:s4+$0xB0] =	vst v1  }
0xfd: {  	s8 =	sand.u32 $0x3FFFFC00, s19;
	[tilespmem:s7+$0xF0] =	vst v17;
	v1 =	vld.idx.msk [tilespmem:v3+s21+$0x0], $0xffff;
	v3 =	vadd.s32 s2, v23  }
0xfe: {  	s10 =	sadd.s32 $0xE500, s8;
	v17 =	vadd.s32 s9, v23;
	v35 =	vld.idx.msk [tilespmem:v6+s21+$0x0], $0xffff;
	[tilespmem:s26+$0x400] =	vst v36  }
0xff: {  	v8 =	vadd.s32 s3, v27;
	[tilespmem:s10+$0x0] =	vst v38;
	v37 =	vld.idx.msk [tilespmem:v7+s21+$0x0], $0xffff  }
0x100: {  	v39 =	vadd.s32 s5, v28;
	v12 =	vld.idx.msk [tilespmem:v40+s21+$0x0], $0xffff  }
0x101: {  	v13 =	vadd.s32 s13, v20;
	v0 =	vld.idx.msk [tilespmem:v0+s21+$0x0], $0xffff;
	[tilespmem:s11+$0x40] =	vst v2  }
0x102: {  	v2 =	vadd.s32 s12, v19;
	v3 =	vld.idx.msk [tilespmem:v3+s21+$0x0], $0xffff;
	[tilespmem:s4+$0xC0] =	vst v1  }
0x103: {  	[tilespmem:s7+$0x480] =	vst v35;
	v1 =	vld.idx.msk [tilespmem:v17+s21+$0x0], $0xffff;
	v17 =	vadd.s32 s2, v24  }
0x104: {  	s14 =	sand.u32 $0x3FFFFC00, s14;
	v9 =	vadd.s32 s9, v24;
	v36 =	vld.idx.msk [tilespmem:v8+s21+$0x0], $0xffff;
	[tilespmem:s26+$0x410] =	vst v37  }
0x105: {  	s14 =	sadd.s32 $0xE500, s14;
	v10 =	vadd.s32 s3, v28;
	[tilespmem:s10+$0x10] =	vst v12;
	v11 =	vld.idx.msk [tilespmem:v39+s21+$0x0], $0xffff  }
0x106: {  	[tilespmem:s14+$0x80] =	vst v0;
	v0 =	vadd.s32 s5, v29;
	v39 =	vld.idx.msk [tilespmem:v13+s21+$0x0], $0xffff  }
0x107: {  	v46 =	vadd.s32 s13, v21;
	v2 =	vld.idx.msk [tilespmem:v2+s21+$0x0], $0xffff;
	[tilespmem:s11+$0x50] =	vst v3  }
0x108: {  	v3 =	vadd.s32 s12, v20;
	v17 =	vld.idx.msk [tilespmem:v17+s21+$0x0], $0xffff;
	[tilespmem:s4+$0xD0] =	vst v1  }
0x109: {  	v14 =	vadd.s32 s2, v25;
	[tilespmem:s7+$0x490] =	vst v36;
	v1 =	vld.idx.msk [tilespmem:v9+s21+$0x0], $0xffff  }
0x10a: {  	v44 =	vadd.s32 s9, v25;
	v37 =	vld.idx.msk [tilespmem:v10+s21+$0x0], $0xffff;
	[tilespmem:s26+$0x420] =	vst v11  }
0x10b: {  	v45 =	vadd.s32 s3, v29;
	[tilespmem:s10+$0x20] =	vst v39;
	v0 =	vld.idx.msk [tilespmem:v0+s21+$0x0], $0xffff  }
0x10c: {  	[tilespmem:s14+$0x90] =	vst v2;
	v2 =	vadd.s32 s5, v30;
	v39 =	vld.idx.msk [tilespmem:v46+s21+$0x0], $0xffff  }
0x10d: {  	v50 =	vadd.s32 s13, v22;
	v3 =	vld.idx.msk [tilespmem:v3+s21+$0x0], $0xffff;
	[tilespmem:s11+$0x60] =	vst v17  }
0x10e: {  	v17 =	vadd.s32 s12, v21;
	v35 =	vld.idx.msk [tilespmem:v14+s21+$0x0], $0xffff;
	[tilespmem:s4+$0xE0] =	vst v1  }
0x10f: {  	v47 =	vadd.s32 s2, v26;
	[tilespmem:s7+$0x4A0] =	vst v37;
	v1 =	vld.idx.msk [tilespmem:v44+s21+$0x0], $0xffff  }
0x110: {  	v48 =	vadd.s32 s9, v26;
	[tilespmem:s26+$0x430] =	vst v0;
	v0 =	vld.idx.msk [tilespmem:v45+s21+$0x0], $0xffff  }
0x111: {  	v49 =	vadd.s32 s3, v30;
	[tilespmem:s10+$0x30] =	vst v39;
	v2 =	vld.idx.msk [tilespmem:v2+s21+$0x0], $0xffff  }
0x112: {  	[tilespmem:s14+$0xA0] =	vst v3;
	v3 =	vadd.s32 s5, v31;
	v39 =	vld.idx.msk [tilespmem:v50+s21+$0x0], $0xffff  }
0x113: {  	v54 =	vadd.s32 s13, v23;
	v17 =	vld.idx.msk [tilespmem:v17+s21+$0x0], $0xffff;
	[tilespmem:s11+$0x70] =	vst v35  }
0x114: {  	s23 =	simm.s32 $0x300;
	v51 =	vadd.s32 s12, v22;
	v36 =	vld.idx.msk [tilespmem:v47+s21+$0x0], $0xffff;
	[tilespmem:s4+$0xF0] =	vst v1  }
0x115: {  	s15 =	sand.u32 $0xFFFFFC00, s23;
	v58 =	vadd.s32 s18, v19;
	v1 =	vld.idx.msk [tilespmem:v48+s21+$0x0], $0xffff;
	[tilespmem:s7+$0x4B0] =	vst v0  }
0x116: {  	s15 =	sadd.s32 $0x300, s15;
	v0 =	vadd.s32 s2, v27;
	[tilespmem:s26+$0x440] =	vst v2;
	v2 =	vld.idx.msk [tilespmem:v49+s21+$0x0], $0xffff  }
0x117: {  	s25 =	sand.u32 $0x3FFFFC00, s17;
	v52 =	vadd.s32 s15, v16;
	[tilespmem:s10+$0x40] =	vst v39;
	v3 =	vld.idx.msk [tilespmem:v3+s21+$0x0], $0xffff  }
0x118: {  	v59 =	vadd.s32 s5, v33;
	[tilespmem:s14+$0xB0] =	vst v17;
	v17 =	vadd.s32 s5, v32;
	v40 =	vld.idx.msk [tilespmem:v54+s21+$0x0], $0xffff;
	s5 =	sadd.s32 $0xE600, s25  }
0x119: {  	v60 =	vadd.s32 s13, v24;
	v35 =	vld.idx.msk [tilespmem:v51+s21+$0x0], $0xffff;
	[tilespmem:s5+$0x80] =	vst v56  }
0x11a: {  	v55 =	vadd.s32 s12, v23;
	[tilespmem:s11+$0x400] =	vst v36;
	v37 =	vld.idx.msk [tilespmem:v58+s21+$0x0], $0xffff  }
0x11b: {  	v41 =	vadd.s32 s9, v27;
	v0 =	vld.idx.msk [tilespmem:v0+s21+$0x0], $0xffff;
	[tilespmem:s4+$0x480] =	vst v1  }
0x11c: {  	v57 =	vadd.s32 s2, v28;
	v1 =	vld.idx.msk [tilespmem:v52+s21+$0x0], $0xffff;
	[tilespmem:s26+$0x450] =	vst v3  }
0x11d: {  	v3 =	vadd.s32 s15, v19;
	[tilespmem:s10+$0x50] =	vst v40;
	v17 =	vld.idx.msk [tilespmem:v17+s21+$0x0], $0xffff  }
0x11e: {  	v43 =	vadd.s32 s18, v20;
	[tilespmem:s14+$0xC0] =	vst v35;
	v44 =	vld.idx.msk [tilespmem:v60+s21+$0x0], $0xffff  }
0x11f: {  	s8 =	sand.u32 $0x3FFFFC00, s23;
	[tilespmem:s7+$0x4C0] =	vst v2;
	v2 =	vld.idx.msk [tilespmem:v55+s21+$0x0], $0xffff  }
0x120: {  	s16 =	sadd.s32 $0xE600, s8;
	v61 =	vadd.s32 s12, v24;
	[tilespmem:s11+$0x410] =	vst v0;
	v0 =	vld.idx.msk [tilespmem:v41+s21+$0x0], $0xffff  }
0x121: {  	v42 =	vadd.s32 s9, v28;
	[tilespmem:s16+$0x0] =	vst v1;
	v1 =	vld.idx.msk [tilespmem:v57+s21+$0x0], $0xffff  }
0x122: {  	v62 =	vadd.s32 s2, v29;
	[tilespmem:s5+$0x90] =	vst v37;
	v3 =	vld.idx.msk [tilespmem:v3+s21+$0x0], $0xffff  }
0x123: {  	v43 =	vld.idx.msk [tilespmem:v43+s21+$0x0], $0xffff;
	[tilespmem:s26+$0x460] =	vst v17;
	v17 =	vadd.s32 s15, v20  }
0x124: {  	v63 =	vld.idx.msk [tilespmem:v59+s21+$0x0], $0xffff;
	[tilespmem:s14+$0xD0] =	vst v2;
	v2 =	vadd.s32 s3, v31  }
0x125: {  	v4 =	vadd.s32 s18, v21;
	v53 =	vadd.s32 s18, v27;
	v46 =	vld.idx.msk [tilespmem:v61+s21+$0x0], $0xffff;
	[tilespmem:s4+$0x490] =	vst v0;
	v0 =	vadd.s32 s13, v25  }
0x126: {  	v5 =	vadd.s32 s3, v32;
	v38 =	vadd.s32 s3, v33;
	v52 =	vadd.s32 s12, v25;
	[tilespmem:s11+$0x420] =	vst v1;
	v1 =	vld.idx.msk [tilespmem:v42+s21+$0x0], $0xffff  }
0x127: {  	v45 =	vadd.s32 s12, v30;
	v50 =	vadd.s32 s9, v29;
	[tilespmem:s16+$0x10] =	vst v3;
	v3 =	vld.idx.msk [tilespmem:v62+s21+$0x0], $0xffff  }
0x128: {  	v47 =	vadd.s32 s12, v29;
	v48 =	vadd.s32 s12, v28;
	v54 =	vadd.s32 s2, v30;
	[tilespmem:s10+$0x60] =	vst v44;
	v17 =	vld.idx.msk [tilespmem:v17+s21+$0x0], $0xffff  }
0x129: {  	v49 =	vadd.s32 s12, v27;
	v51 =	vadd.s32 s12, v26;
	v56 =	vadd.s32 s18, v24;
	[tilespmem:s26+$0x470] =	vst v63;
	v63 =	vld.idx.msk [tilespmem:v2+s21+$0x0], $0xffff  }
0x12a: {  	v39 =	vadd.s32 s9, v31;
	v36 =	vadd.s32 s9, v32;
	v60 =	vadd.s32 s15, v21;
	v6 =	vld.idx.msk [tilespmem:v0+s21+$0x0], $0xffff;
	[tilespmem:s14+$0xE0] =	vst v46  }
0x12b: {  	v40 =	vadd.s32 s12, v32;
	v35 =	vadd.s32 s9, v33;
	v37 =	vadd.s32 s12, v33;
	v0 =	vld.idx.msk [tilespmem:v52+s21+$0x0], $0xffff;
	[tilespmem:s4+$0x4A0] =	vst v1  }
0x12c: {  	v58 =	vadd.s32 s18, v23;
	v55 =	vadd.s32 s18, v25;
	v1 =	vadd.s32 s13, v26;
	[tilespmem:s11+$0x430] =	vst v3;
	v62 =	vld.idx.msk [tilespmem:v50+s21+$0x0], $0xffff  }
0x12d: {  	v41 =	vadd.s32 s12, v31;
	v57 =	vadd.s32 s18, v22;
	v44 =	vadd.s32 s18, v33;
	[tilespmem:s5+$0xA0] =	vst v43;
	v61 =	vld.idx.msk [tilespmem:v54+s21+$0x0], $0xffff  }
0x12e: {  	v59 =	vadd.s32 s18, v26;
	v43 =	vadd.s32 s18, v32;
	v42 =	vadd.s32 s9, v30;
	s9 =	smul.u32 $0xE000, s6;
	[tilespmem:s16+$0x20] =	vst v17;
	v17 =	vld.idx.msk [tilespmem:v4+s21+$0x0], $0xffff  }
0x12f: {  	s19 =	simm.s32 $0x8;
	s1 =	simm.s32 $0x6;
	v46 =	vadd.s32 s18, v31;
	v52 =	vadd.s32 s18, v28;
	v2 =	vld.idx.msk [tilespmem:v60+s21+$0x0], $0xffff;
	s26 =	rddreg [dreg:$0x4];
	[tilespmem:s7+$0x4D0] =	vst v63;
	v60 =	vadd.s32 s2, v31  }
0x130: {  	s3 =	simm.s32 $0x380;
	v50 =	vadd.s32 s18, v29;
	v3 =	vadd.s32 s15, v22;
	v54 =	vadd.s32 s18, v30;
	s18 =	simm.s32 $0xE600;
	s12 =	sadd.s32 s26, s9;
	[tilespmem:s10+$0x70] =	vst v6;
	v63 =	vld.idx.msk [tilespmem:v5+s21+$0x0], $0xffff  }
.LBB2_10:
0x131: {  	s23 =	sshll.u32 s19, $0x7;
	s1 =	sadd.s32 $0x2, s1;
	s3 =	sadd.s32 $0x100, s3;
	v1 =	vld.idx.msk [tilespmem:v1+s21+$0x0], $0xffff;
	[tilespmem:s14+$0xF0] =	vst v0  }
0x132: {  	s17 =	sadd.s32 $0x100, s17;
	s8 =	sand.u32 $0xFFFFFC00, s23;
	p0 =	slt.u32 s1, $0x36;
	v0 =	vld.idx.msk [tilespmem:v51+s21+$0x0], $0xffff;
	[tilespmem:s4+$0x4B0] =	vst v62;
	v51 =	vmov v59  }
0x133: {  	v4 =	vadd.s32 s13, v27;
	s26 =	sand.u32 $0xFFFFFC00, s17;
	s25 =	sand.u32 $0x3FFFFC00, s17;
	s20 =	sadd.s32 s8, s17;
	[tilespmem:s11+$0x440] =	vst v61;
	v61 =	vld.idx.msk [tilespmem:v42+s21+$0x0], $0xffff;
	v42 =	vmov v45;
	v45 =	vmov v54  }
0x134: {  	s8 =	sadd.s32 s3, s26;
	v54 =	vadd.s32 s20, v16;
	[tilespmem:s16+$0x30] =	vst v2;
	v2 =	vld.idx.msk [tilespmem:v60+s21+$0x0], $0xffff  }
0x135: {  	v62 =	vadd.s32 s8, v16;
	v5 =	vadd.s32 s8, v19;
	v6 =	vadd.s32 s8, v20;
	v3 =	vld.idx.msk [tilespmem:v3+s21+$0x0], $0xffff;
	[tilespmem:s5+$0xB0] =	vst v17  }
0x136: {  	v7 =	vadd.s32 s2, v32;
	v60 =	vadd.s32 s8, v21;
	v17 =	vld.idx.msk [tilespmem:v57+s21+$0x0], $0xffff;
	v57 =	vadd.s32 s8, v22;
	[tilespmem:s7+$0x4E0] =	vst v63  }
0x137: {  	v9 =	vadd.s32 s15, v23;
	v8 =	vadd.s32 s8, v24;
	v63 =	vadd.s32 s8, v23;
	[tilespmem:s10+$0x400] =	vst v1;
	v1 =	vld.idx.msk [tilespmem:v38+s21+$0x0], $0xffff;
	v38 =	vmovc v35;
	v35 =	vmovc v37  }
0x138: {  	v10 =	vadd.s32 s8, v25;
	v59 =	vadd.s32 s8, v26;
	v11 =	vadd.s32 s8, v27;
	v37 =	vmovc v44;
	v4 =	vld.idx.msk [tilespmem:v4+s21+$0x0], $0xffff;
	[tilespmem:s14+$0x480] =	vst v0  }
0x139: {  	v12 =	vadd.s32 s8, v28;
	v13 =	vadd.s32 s8, v29;
	v0 =	vld.idx.msk [tilespmem:v54+s21+$0x0], $0xffff;
	v54 =	vadd.s32 s8, v30;
	[tilespmem:s4+$0x4C0] =	vst v61  }
0x13a: {  	v15 =	vadd.s32 s13, v28;
	v14 =	vadd.s32 s8, v32;
	v61 =	vld.idx.msk [tilespmem:v62+s21+$0x0], $0xffff;
	v62 =	vadd.s32 s8, v31;
	[tilespmem:s11+$0x450] =	vst v2  }
0x13b: {  	v44 =	vadd.s32 s8, v33;
	v2 =	vadd.s32 s20, v19;
	[tilespmem:s16+$0x40] =	vst v3;
	v3 =	vld.idx.msk [tilespmem:v7+s21+$0x0], $0xffff  }
0x13c: {  	v7 =	vld.idx.msk [tilespmem:v9+s21+$0x0], $0xffff;
	[tilespmem:s5+$0xC0] =	vst v17  }
0x13d: {  	s18 =	sadd.s32 $0x100, s18;
	s8 =	sand.u32 $0x3FFFFC00, s23;
	v17 =	vadd.s32 s2, v33;
	s2 =	smov.u32 s13;
	v9 =	vld.idx.msk [tilespmem:v58+s21+$0x0], $0xffff;
	[tilespmem:s7+$0x4F0] =	vst v1;
	v58 =	vmov v63  }
0x13e: {  	s23 =	sadd.s32 s25, s18;
	s8 =	sadd.s32 s8, s18;
	s13 =	smov.u32 s15;
	v1 =	vadd.s32 s15, v24;
	[tilespmem:s10+$0x410] =	vst v4;
	v4 =	vld.idx.msk [tilespmem:v49+s21+$0x0], $0xffff;
	v49 =	vmov v53;
	v53 =	vmov v11  }
0x13f: {  	s15 =	smov.u32 s20;
	s7 =	smov.u32 s4;
	s4 =	smov.u32 s14;
	[tilespmem:s8+$0x0] =	vst v0;
	v0 =	vld.idx.msk [tilespmem:v15+s21+$0x0], $0xffff  }
0x140: {  	s14 =	smov.u32 s5;
	s5 =	smov.u32 s23;
	v2 =	vld.idx.msk [tilespmem:v2+s21+$0x0], $0xffff;
	[tilespmem:s23+$0x80] =	vst v61  }
0x141: {  	v11 =	vadd.s32 s2, v29;
	v5 =	vld.idx.msk [tilespmem:v5+s21+$0x0], $0xffff;
	[tilespmem:s11+$0x460] =	vst v3  }
0x142: {  	v3 =	vadd.s32 s15, v20;
	[tilespmem:s16+$0x50] =	vst v7;
	v7 =	vld.idx.msk [tilespmem:v17+s21+$0x0], $0xffff  }
0x143: {  	v1 =	vld.idx.msk [tilespmem:v1+s21+$0x0], $0xffff;
	[tilespmem:s14+$0xD0] =	vst v9  }
0x144: {  	v9 =	vld.idx.msk [tilespmem:v56+s21+$0x0], $0xffff;
	[tilespmem:s4+$0x490] =	vst v4;
	v56 =	vmov v8  }
0x145: {  	v4 =	vadd.s32 s13, v25;
	[tilespmem:s10+$0x420] =	vst v0;
	v8 =	vld.idx.msk [tilespmem:v48+s21+$0x0], $0xffff;
	v48 =	vmov v52;
	v52 =	vmov v12  }
0x146: {  	[tilespmem:s8+$0x10] =	vst v2;
	v2 =	vld.idx.msk [tilespmem:v11+s21+$0x0], $0xffff  }
0x147: {  	v3 =	vld.idx.msk [tilespmem:v3+s21+$0x0], $0xffff;
	[tilespmem:s5+$0x90] =	vst v5  }
0x148: {  	v5 =	vld.idx.msk [tilespmem:v6+s21+$0x0], $0xffff;
	v6 =	vadd.s32 s2, v30;
	[tilespmem:s11+$0x470] =	vst v7;
	s11 =	smov.u32 s10;
	s10 =	smov.u32 s16  }
0x149: {  	v7 =	vadd.s32 s15, v21;
	s16 =	smov.u32 s8;
	[tilespmem:s10+$0x60] =	vst v1;
	v11 =	vld.idx.msk [tilespmem:v39+s21+$0x0], $0xffff;
	v39 =	vmovc v41;
	v41 =	vmov v46;
	v46 =	vmov v62  }
0x14a: {  	v4 =	vld.idx.msk [tilespmem:v4+s21+$0x0], $0xffff;
	[tilespmem:s14+$0xE0] =	vst v9  }
0x14b: {  	v0 =	vld.idx.msk [tilespmem:v55+s21+$0x0], $0xffff;
	[tilespmem:s4+$0x4A0] =	vst v8;
	v55 =	vmov v10  }
.Ltmp7:
0x14c: {  	v1 =	vadd.s32 s13, v26;
	[tilespmem:s11+$0x430] =	vst v2;
	v62 =	vld.idx.msk [tilespmem:v47+s21+$0x0], $0xffff;
	v47 =	vmov v50;
	v50 =	vmov v13;
	(pc) =	sbr.rel @p0 .LBB2_10-.Ltmp7, $4  }
0x14d: {  	[tilespmem:s16+$0x20] =	vst v3;
	v61 =	vld.idx.msk [tilespmem:v6+s21+$0x0], $0xffff  }
0x14e: {  	v2 =	vld.idx.msk [tilespmem:v7+s21+$0x0], $0xffff;
	[tilespmem:s5+$0xA0] =	vst v5  }
0x14f: {  	v17 =	vld.idx.msk [tilespmem:v60+s21+$0x0], $0xffff;
	v60 =	vadd.s32 s2, v31;
	[tilespmem:s7+$0x4D0] =	vst v11  }
0x150: {  	s19 =	sadd.s32 $0x2, s19;
	v3 =	vadd.s32 s15, v22;
	[tilespmem:s10+$0x70] =	vst v4;
	v63 =	vld.idx.msk [tilespmem:v36+s21+$0x0], $0xffff;
	v36 =	vmovc v40;
	v40 =	vmov v43;
	v43 =	vmov v14  }
0x151: {  	_ =	sdelay $0x2  }
0x152: {  	[tilespmem:s16+$0x30] =	vst v2  }
0x153: {  	v2 =	vld.idx.msk [tilespmem:v3+s21+$0x0], $0xffff;
	[tilespmem:s5+$0xB0] =	vst v17  }
0x154: {  	v4 =	vadd.s32 s15, v23;
	v3 =	vld.idx.msk [tilespmem:v57+s21+$0x0], $0xffff;
	_ =	sdelay $0x3  }
0x155: {  	[tilespmem:s16+$0x40] =	vst v2  }
0x156: {  	v2 =	vld.idx.msk [tilespmem:v4+s21+$0x0], $0xffff;
	[tilespmem:s5+$0xC0] =	vst v3  }
0x157: {  	v4 =	vadd.s32 s15, v24;
	v3 =	vld.idx.msk [tilespmem:v58+s21+$0x0], $0xffff;
	_ =	sdelay $0x3  }
0x158: {  	[tilespmem:s16+$0x50] =	vst v2  }
0x159: {  	v2 =	vld.idx.msk [tilespmem:v4+s21+$0x0], $0xffff;
	[tilespmem:s5+$0xD0] =	vst v3  }
0x15a: {  	v4 =	vadd.s32 s15, v25;
	v3 =	vld.idx.msk [tilespmem:v56+s21+$0x0], $0xffff;
	_ =	sdelay $0x3  }
0x15b: {  	[tilespmem:s16+$0x60] =	vst v2  }
0x15c: {  	v2 =	vld.idx.msk [tilespmem:v4+s21+$0x0], $0xffff;
	[tilespmem:s5+$0xE0] =	vst v3  }
0x15d: {  	v4 =	vadd.s32 s15, v26;
	v3 =	vld.idx.msk [tilespmem:v55+s21+$0x0], $0xffff;
	_ =	sdelay $0x2  }
0x15e: {  	v1 =	vld.idx.msk [tilespmem:v1+s21+$0x0], $0xffff;
	[tilespmem:s14+$0xF0] =	vst v0  }
0x15f: {  	v5 =	vadd.s32 s13, v27;
	v0 =	vld.idx.msk [tilespmem:v51+s21+$0x0], $0xffff;
	[tilespmem:s16+$0x70] =	vst v2  }
0x160: {  	v2 =	vld.idx.msk [tilespmem:v4+s21+$0x0], $0xffff;
	[tilespmem:s5+$0xF0] =	vst v3  }
0x161: {  	v4 =	vadd.s32 s15, v27;
	v3 =	vld.idx.msk [tilespmem:v59+s21+$0x0], $0xffff;
	_ =	sdelay $0x1  }
0x162: {  	[tilespmem:s10+$0x400] =	vst v1  }
0x163: {  	v1 =	vld.idx.msk [tilespmem:v5+s21+$0x0], $0xffff;
	[tilespmem:s14+$0x480] =	vst v0  }
0x164: {  	v0 =	vadd.s32 s13, v28;
	v5 =	vld.idx.msk [tilespmem:v49+s21+$0x0], $0xffff;
	[tilespmem:s16+$0x400] =	vst v2  }
0x165: {  	v2 =	vld.idx.msk [tilespmem:v4+s21+$0x0], $0xffff;
	[tilespmem:s5+$0x480] =	vst v3  }
0x166: {  	v3 =	vadd.s32 s15, v28;
	v4 =	vld.idx.msk [tilespmem:v53+s21+$0x0], $0xffff;
	_ =	sdelay $0x1  }
0x167: {  	[tilespmem:s10+$0x410] =	vst v1  }
0x168: {  	v0 =	vld.idx.msk [tilespmem:v0+s21+$0x0], $0xffff;
	[tilespmem:s14+$0x490] =	vst v5  }
0x169: {  	v1 =	vadd.s32 s13, v29;
	v5 =	vld.idx.msk [tilespmem:v48+s21+$0x0], $0xffff;
	[tilespmem:s16+$0x410] =	vst v2  }
0x16a: {  	v2 =	vld.idx.msk [tilespmem:v3+s21+$0x0], $0xffff;
	[tilespmem:s5+$0x490] =	vst v4  }
0x16b: {  	v3 =	vadd.s32 s15, v29;
	v4 =	vld.idx.msk [tilespmem:v52+s21+$0x0], $0xffff  }
0x16c: {  	[tilespmem:s4+$0x4B0] =	vst v62  }
0x16d: {  	[tilespmem:s10+$0x420] =	vst v0  }
0x16e: {  	v0 =	vld.idx.msk [tilespmem:v1+s21+$0x0], $0xffff;
	[tilespmem:s14+$0x4A0] =	vst v5  }
0x16f: {  	v1 =	vadd.s32 s13, v30;
	v5 =	vld.idx.msk [tilespmem:v47+s21+$0x0], $0xffff;
	[tilespmem:s16+$0x420] =	vst v2  }
0x170: {  	v2 =	vld.idx.msk [tilespmem:v3+s21+$0x0], $0xffff;
	[tilespmem:s5+$0x4A0] =	vst v4  }
0x171: {  	[tilespmem:s11+$0x440] =	vst v61;
	v3 =	vadd.s32 s15, v30;
	v4 =	vld.idx.msk [tilespmem:v50+s21+$0x0], $0xffff  }
0x172: {  	v6 =	vld.idx.msk [tilespmem:v42+s21+$0x0], $0xffff;
	[tilespmem:s7+$0x4E0] =	vst v63  }
0x173: {  	v7 =	vld.idx.msk [tilespmem:v60+s21+$0x0], $0xffff;
	[tilespmem:s10+$0x430] =	vst v0  }
0x174: {  	v0 =	vld.idx.msk [tilespmem:v1+s21+$0x0], $0xffff;
	[tilespmem:s14+$0x4B0] =	vst v5  }
0x175: {  	v1 =	vadd.s32 s13, v31;
	v5 =	vld.idx.msk [tilespmem:v45+s21+$0x0], $0xffff;
	[tilespmem:s16+$0x430] =	vst v2  }
0x176: {  	v2 =	vld.idx.msk [tilespmem:v3+s21+$0x0], $0xffff;
	[tilespmem:s5+$0x4B0] =	vst v4  }
0x177: {  	[tilespmem:s4+$0x4C0] =	vst v6;
	v3 =	vadd.s32 s15, v31;
	v4 =	vld.idx.msk [tilespmem:v54+s21+$0x0], $0xffff  }
0x178: {  	v60 =	vld.idx.msk [tilespmem:v38+s21+$0x0], $0xffff;
	[tilespmem:s11+$0x450] =	vst v7  }
0x179: {  	v61 =	vadd.s32 s2, v32;
	v8 =	vld.idx.msk [tilespmem:v39+s21+$0x0], $0xffff;
	[tilespmem:s10+$0x440] =	vst v0  }
0x17a: {  	v0 =	vld.idx.msk [tilespmem:v1+s21+$0x0], $0xffff;
	[tilespmem:s14+$0x4C0] =	vst v5  }
0x17b: {  	v1 =	vadd.s32 s13, v32;
	v5 =	vld.idx.msk [tilespmem:v41+s21+$0x0], $0xffff;
	[tilespmem:s16+$0x440] =	vst v2  }
0x17c: {  	v2 =	vld.idx.msk [tilespmem:v3+s21+$0x0], $0xffff;
	[tilespmem:s5+$0x4C0] =	vst v4  }
0x17d: {  	[tilespmem:s7+$0x4F0] =	vst v60;
	v3 =	vadd.s32 s15, v32;
	v4 =	vld.idx.msk [tilespmem:v46+s21+$0x0], $0xffff  }
0x17e: {  	v62 =	vld.idx.msk [tilespmem:v61+s21+$0x0], $0xffff;
	[tilespmem:s4+$0x4D0] =	vst v8  }
0x17f: {  	v63 =	vadd.s32 s2, v33;
	v8 =	vld.idx.msk [tilespmem:v36+s21+$0x0], $0xffff;
	[tilespmem:s10+$0x450] =	vst v0  }
0x180: {  	v0 =	vld.idx.msk [tilespmem:v1+s21+$0x0], $0xffff;
	[tilespmem:s14+$0x4D0] =	vst v5  }
0x181: {  	v1 =	vadd.s32 s13, v33;
	v5 =	vld.idx.msk [tilespmem:v40+s21+$0x0], $0xffff;
	[tilespmem:s16+$0x450] =	vst v2  }
0x182: {  	v2 =	vld.idx.msk [tilespmem:v3+s21+$0x0], $0xffff;
	[tilespmem:s5+$0x4D0] =	vst v4  }
0x183: {  	[tilespmem:s11+$0x460] =	vst v62;
	v3 =	vadd.s32 s15, v33;
	v4 =	vld.idx.msk [tilespmem:v43+s21+$0x0], $0xffff  }
0x184: {  	v6 =	vld.idx.msk [tilespmem:v63+s21+$0x0], $0xffff;
	[tilespmem:s4+$0x4E0] =	vst v8  }
0x185: {  	v10 =	vld.idx.msk [tilespmem:v35+s21+$0x0], $0xffff;
	[tilespmem:s10+$0x460] =	vst v0  }
0x186: {  	s2 =	simm.s32 $0x0;
	v0 =	vld.idx.msk [tilespmem:v1+s21+$0x0], $0xffff;
	[tilespmem:s14+$0x4E0] =	vst v5  }
0x187: {  	s1 =	sand.u32 $0xFFFFFC00, s2;
	v1 =	vld.idx.msk [tilespmem:v37+s21+$0x0], $0xffff;
	[tilespmem:s16+$0x460] =	vst v2  }
0x188: {  	s1 =	sadd.s32 $0x0, s1;
	v2 =	vld.idx.msk [tilespmem:v3+s21+$0x0], $0xffff;
	[tilespmem:s5+$0x4E0] =	vst v4  }
0x189: {  	[tilespmem:s11+$0x470] =	vst v6;
	s15 =	sadd.s32 $0x3880, s1;
	v3 =	vld.idx.msk [tilespmem:v44+s21+$0x0], $0xffff  }
0x18a: {  	[tilespmem:s4+$0x4F0] =	vst v10;
	v4 =	vadd.s32 s15, v16  }
0x18b: {  	[tilespmem:s10+$0x470] =	vst v0  }
0x18c: {  	[tilespmem:s14+$0x4F0] =	vst v1  }
0x18d: {  	[tilespmem:s16+$0x470] =	vst v2  }
0x18e: {  	s1 =	sadd.s32 $0x3800, s1;
	[tilespmem:s5+$0x4F0] =	vst v3  }
0x18f: {  	v0 =	vadd.s32 s1, v16;
	v1 =	vld.idx.msk [tilespmem:v4+s21+$0x0], $0xffff  }
0x190: {  	v2 =	vadd.s32 s15, v19;
	_ =	sdelay $0x1  }
0x191: {  	s3 =	sand.u32 $0x3FFFFC00, s2  }
0x192: {  	s7 =	sadd.s32 $0xE300, s3  }
0x193: {  	v0 =	vld.idx.msk [tilespmem:v0+s21+$0x0], $0xffff;
	[tilespmem:s7+$0x3880] =	vst v1  }
0x194: {  	v1 =	vadd.s32 s1, v19;
	v2 =	vld.idx.msk [tilespmem:v2+s21+$0x0], $0xffff  }
0x195: {  	v3 =	vadd.s32 s15, v20;
	_ =	sdelay $0x2  }
0x196: {  	[tilespmem:s7+$0x3800] =	vst v0  }
0x197: {  	v0 =	vld.idx.msk [tilespmem:v1+s21+$0x0], $0xffff;
	[tilespmem:s7+$0x3890] =	vst v2  }
0x198: {  	v1 =	vadd.s32 s1, v20;
	v2 =	vld.idx.msk [tilespmem:v3+s21+$0x0], $0xffff  }
0x199: {  	v3 =	vadd.s32 s15, v21;
	_ =	sdelay $0x2  }
0x19a: {  	[tilespmem:s7+$0x3810] =	vst v0  }
0x19b: {  	v0 =	vld.idx.msk [tilespmem:v1+s21+$0x0], $0xffff;
	[tilespmem:s7+$0x38A0] =	vst v2  }
0x19c: {  	s18 =	simm.s32 $0x100;
	v1 =	vadd.s32 s1, v21;
	v2 =	vld.idx.msk [tilespmem:v3+s21+$0x0], $0xffff  }
0x19d: {  	s19 =	sand.u32 $0xFFFFFC00, s18;
	v3 =	vadd.s32 s15, v22  }
0x19e: {  	s3 =	sadd.s32 $0x100, s19  }
0x19f: {  	s10 =	sadd.s32 $0x3880, s3  }
0x1a0: {  	s3 =	sadd.s32 $0x3800, s3;
	[tilespmem:s7+$0x3820] =	vst v0;
	v0 =	vadd.s32 s10, v16  }
0x1a1: {  	v4 =	vadd.s32 s3, v16;
	v1 =	vld.idx.msk [tilespmem:v1+s21+$0x0], $0xffff;
	[tilespmem:s7+$0x38B0] =	vst v2  }
0x1a2: {  	v2 =	vadd.s32 s1, v22;
	v3 =	vld.idx.msk [tilespmem:v3+s21+$0x0], $0xffff  }
0x1a3: {  	v5 =	vadd.s32 s15, v23;
	_ =	sdelay $0x1  }
0x1a4: {  	v0 =	vld.idx.msk [tilespmem:v0+s21+$0x0], $0xffff  }
0x1a5: {  	[tilespmem:s7+$0x3830] =	vst v1;
	v1 =	vld.idx.msk [tilespmem:v4+s21+$0x0], $0xffff;
	v4 =	vadd.s32 s10, v19  }
0x1a6: {  	v2 =	vld.idx.msk [tilespmem:v2+s21+$0x0], $0xffff;
	[tilespmem:s7+$0x38C0] =	vst v3  }
0x1a7: {  	s4 =	sand.u32 $0x3FFFFC00, s18;
	v11 =	vadd.s32 s3, v19;
	v5 =	vld.idx.msk [tilespmem:v5+s21+$0x0], $0xffff  }
0x1a8: {  	s4 =	sadd.s32 $0xE400, s4;
	v12 =	vadd.s32 s15, v24  }
0x1a9: {  	v3 =	vadd.s32 s1, v23;
	[tilespmem:s4+$0x3880] =	vst v0  }
0x1aa: {  	[tilespmem:s4+$0x3800] =	vst v1;
	v0 =	vld.idx.msk [tilespmem:v4+s21+$0x0], $0xffff  }
0x1ab: {  	[tilespmem:s7+$0x3840] =	vst v2;
	v2 =	vadd.s32 s10, v20  }
0x1ac: {  	v1 =	vld.idx.msk [tilespmem:v11+s21+$0x0], $0xffff;
	[tilespmem:s7+$0x38D0] =	vst v5  }
0x1ad: {  	v4 =	vadd.s32 s3, v20;
	v13 =	vld.idx.msk [tilespmem:v12+s21+$0x0], $0xffff  }
0x1ae: {  	v14 =	vadd.s32 s15, v25;
	v3 =	vld.idx.msk [tilespmem:v3+s21+$0x0], $0xffff  }
0x1af: {  	v5 =	vadd.s32 s1, v24;
	[tilespmem:s4+$0x3890] =	vst v0  }
0x1b0: {  	v0 =	vld.idx.msk [tilespmem:v2+s21+$0x0], $0xffff  }
0x1b1: {  	[tilespmem:s4+$0x3810] =	vst v1;
	v2 =	vadd.s32 s10, v21  }
0x1b2: {  	v1 =	vld.idx.msk [tilespmem:v4+s21+$0x0], $0xffff;
	[tilespmem:s7+$0x38E0] =	vst v13  }
0x1b3: {  	s20 =	simm.s32 $0x200;
	[tilespmem:s7+$0x3850] =	vst v3;
	v3 =	vadd.s32 s3, v21;
	v6 =	vld.idx.msk [tilespmem:v14+s21+$0x0], $0xffff  }
0x1b4: {  	s8 =	sand.u32 $0xFFFFFC00, s20;
	v35 =	vadd.s32 s15, v26;
	v4 =	vld.idx.msk [tilespmem:v5+s21+$0x0], $0xffff  }
0x1b5: {  	s8 =	sadd.s32 $0x200, s8;
	v5 =	vadd.s32 s1, v25;
	[tilespmem:s4+$0x38A0] =	vst v0  }
0x1b6: {  	s13 =	sadd.s32 $0x3880, s8;
	v0 =	vld.idx.msk [tilespmem:v2+s21+$0x0], $0xffff  }
0x1b7: {  	v37 =	vadd.s32 s13, v16;
	[tilespmem:s4+$0x3820] =	vst v1  }
0x1b8: {  	v2 =	vadd.s32 s10, v22;
	v1 =	vld.idx.msk [tilespmem:v3+s21+$0x0], $0xffff;
	[tilespmem:s7+$0x38F0] =	vst v6  }
0x1b9: {  	[tilespmem:s7+$0x3860] =	vst v4;
	v3 =	vadd.s32 s3, v22;
	v6 =	vld.idx.msk [tilespmem:v35+s21+$0x0], $0xffff  }
0x1ba: {  	s23 =	sadd.s32 $0x3800, s8;
	v36 =	vadd.s32 s15, v27;
	v4 =	vld.idx.msk [tilespmem:v5+s21+$0x0], $0xffff  }
0x1bb: {  	[tilespmem:s4+$0x38B0] =	vst v0;
	v0 =	vadd.s32 s23, v16  }
0x1bc: {  	v8 =	vld.idx.msk [tilespmem:v37+s21+$0x0], $0xffff;
	v5 =	vadd.s32 s1, v26  }
0x1bd: {  	[tilespmem:s4+$0x3830] =	vst v1;
	v1 =	vld.idx.msk [tilespmem:v2+s21+$0x0], $0xffff  }
0x1be: {  	v2 =	vld.idx.msk [tilespmem:v3+s21+$0x0], $0xffff;
	v3 =	vadd.s32 s10, v23;
	[tilespmem:s7+$0x3C80] =	vst v6  }
0x1bf: {  	s5 =	sand.u32 $0x3FFFFC00, s20;
	[tilespmem:s7+$0x3870] =	vst v4;
	v4 =	vadd.s32 s3, v23;
	v7 =	vld.idx.msk [tilespmem:v36+s21+$0x0], $0xffff  }
0x1c0: {  	v10 =	vadd.s32 s13, v19;
	s11 =	sadd.s32 $0xE500, s5;
	v0 =	vld.idx.msk [tilespmem:v0+s21+$0x0], $0xffff  }
0x1c1: {  	v9 =	vadd.s32 s15, v28;
	[tilespmem:s11+$0x3880] =	vst v8;
	v5 =	vld.idx.msk [tilespmem:v5+s21+$0x0], $0xffff  }
0x1c2: {  	[tilespmem:s4+$0x38C0] =	vst v1;
	v1 =	vadd.s32 s23, v19  }
0x1c3: {  	[tilespmem:s4+$0x3840] =	vst v2;
	v2 =	vld.idx.msk [tilespmem:v3+s21+$0x0], $0xffff  }
0x1c4: {  	v38 =	vadd.s32 s1, v27;
	v3 =	vld.idx.msk [tilespmem:v4+s21+$0x0], $0xffff;
	[tilespmem:s7+$0x3C90] =	vst v7  }
0x1c5: {  	v4 =	vadd.s32 s10, v24;
	[tilespmem:s11+$0x3800] =	vst v0;
	v0 =	vld.idx.msk [tilespmem:v10+s21+$0x0], $0xffff  }
0x1c6: {  	s25 =	simm.s32 $0x300;
	[tilespmem:s7+$0x3C00] =	vst v5;
	v5 =	vadd.s32 s3, v24;
	v40 =	vld.idx.msk [tilespmem:v9+s21+$0x0], $0xffff  }
0x1c7: {  	s26 =	sand.u32 $0xFFFFFC00, s25;
	v42 =	vadd.s32 s13, v20;
	v1 =	vld.idx.msk [tilespmem:v1+s21+$0x0], $0xffff  }
0x1c8: {  	s8 =	sadd.s32 $0x300, s26;
	v41 =	vadd.s32 s15, v29;
	[tilespmem:s4+$0x38D0] =	vst v2  }
0x1c9: {  	s17 =	sadd.s32 $0x3800, s8;
	v6 =	vld.idx.msk [tilespmem:v38+s21+$0x0], $0xffff;
	v2 =	vadd.s32 s23, v20;
	[tilespmem:s4+$0x3850] =	vst v3  }
0x1ca: {  	v53 =	vadd.s32 s17, v16;
	v3 =	vld.idx.msk [tilespmem:v4+s21+$0x0], $0xffff;
	[tilespmem:s11+$0x3890] =	vst v0  }
0x1cb: {  	v39 =	vadd.s32 s1, v28;
	v4 =	vld.idx.msk [tilespmem:v5+s21+$0x0], $0xffff;
	[tilespmem:s7+$0x3CA0] =	vst v40  }
0x1cc: {  	v5 =	vadd.s32 s10, v25;
	[tilespmem:s11+$0x3810] =	vst v1;
	v1 =	vld.idx.msk [tilespmem:v42+s21+$0x0], $0xffff  }
0x1cd: {  	v43 =	vadd.s32 s3, v25;
	v0 =	vld.idx.msk [tilespmem:v41+s21+$0x0], $0xffff  }
0x1ce: {  	v46 =	vadd.s32 s13, v21;
	[tilespmem:s7+$0x3C10] =	vst v6;
	v2 =	vld.idx.msk [tilespmem:v2+s21+$0x0], $0xffff  }
0x1cf: {  	v45 =	vadd.s32 s15, v30;
	v56 =	vld.idx.msk [tilespmem:v53+s21+$0x0], $0xffff;
	[tilespmem:s4+$0x38E0] =	vst v3  }
0x1d0: {  	v7 =	vld.idx.msk [tilespmem:v39+s21+$0x0], $0xffff;
	v3 =	vadd.s32 s23, v21;
	[tilespmem:s4+$0x3860] =	vst v4  }
0x1d1: {  	v4 =	vld.idx.msk [tilespmem:v5+s21+$0x0], $0xffff;
	[tilespmem:s11+$0x38A0] =	vst v1  }
0x1d2: {  	v58 =	vadd.s32 s17, v19;
	s5 =	sand.u32 $0x3FFFFC00, s25;
	v5 =	vld.idx.msk [tilespmem:v43+s21+$0x0], $0xffff;
	[tilespmem:s7+$0x3CB0] =	vst v0  }
0x1d3: {  	v44 =	vadd.s32 s1, v29;
	s5 =	sadd.s32 $0xE600, s5;
	[tilespmem:s11+$0x3820] =	vst v2;
	v2 =	vld.idx.msk [tilespmem:v46+s21+$0x0], $0xffff  }
0x1d4: {  	v47 =	vadd.s32 s10, v26;
	[tilespmem:s5+$0x3800] =	vst v56;
	v1 =	vld.idx.msk [tilespmem:v45+s21+$0x0], $0xffff  }
0x1d5: {  	v50 =	vadd.s32 s13, v22;
	[tilespmem:s7+$0x3C20] =	vst v7;
	v3 =	vld.idx.msk [tilespmem:v3+s21+$0x0], $0xffff  }
0x1d6: {  	v49 =	vadd.s32 s15, v31;
	[tilespmem:s4+$0x38F0] =	vst v4  }
0x1d7: {  	v6 =	vld.idx.msk [tilespmem:v58+s21+$0x0], $0xffff;
	v4 =	vadd.s32 s23, v22;
	[tilespmem:s4+$0x3870] =	vst v5  }
0x1d8: {  	v48 =	vadd.s32 s3, v26;
	v8 =	vld.idx.msk [tilespmem:v44+s21+$0x0], $0xffff;
	[tilespmem:s11+$0x38B0] =	vst v2  }
0x1d9: {  	v0 =	vadd.s32 s1, v30;
	v5 =	vld.idx.msk [tilespmem:v47+s21+$0x0], $0xffff;
	[tilespmem:s7+$0x3CC0] =	vst v1  }
0x1da: {  	s14 =	sadd.s32 $0x3880, s8;
	v52 =	vadd.s32 s10, v27;
	[tilespmem:s11+$0x3830] =	vst v3;
	v3 =	vld.idx.msk [tilespmem:v50+s21+$0x0], $0xffff  }
0x1db: {  	v1 =	vadd.s32 s14, v16;
	v2 =	vld.idx.msk [tilespmem:v49+s21+$0x0], $0xffff  }
0x1dc: {  	v55 =	vadd.s32 s13, v23;
	[tilespmem:s5+$0x3810] =	vst v6;
	v4 =	vld.idx.msk [tilespmem:v4+s21+$0x0], $0xffff  }
0x1dd: {  	v54 =	vadd.s32 s15, v32;
	v51 =	vld.idx.msk [tilespmem:v48+s21+$0x0], $0xffff;
	[tilespmem:s7+$0x3C30] =	vst v8  }
0x1de: {  	v0 =	vld.idx.msk [tilespmem:v0+s21+$0x0], $0xffff;
	[tilespmem:s4+$0x3C80] =	vst v5;
	v5 =	vadd.s32 s23, v23  }
0x1df: {  	v63 =	vadd.s32 s17, v20;
	v7 =	vld.idx.msk [tilespmem:v52+s21+$0x0], $0xffff;
	[tilespmem:s11+$0x38C0] =	vst v3  }
0x1e0: {  	v11 =	vadd.s32 s3, v27;
	v1 =	vld.idx.msk [tilespmem:v1+s21+$0x0], $0xffff;
	[tilespmem:s7+$0x3CD0] =	vst v2  }
0x1e1: {  	v57 =	vadd.s32 s10, v28;
	[tilespmem:s11+$0x3840] =	vst v4;
	v4 =	vld.idx.msk [tilespmem:v55+s21+$0x0], $0xffff  }
0x1e2: {  	[tilespmem:s4+$0x3C00] =	vst v51;
	v2 =	vadd.s32 s14, v19;
	v3 =	vld.idx.msk [tilespmem:v54+s21+$0x0], $0xffff  }
0x1e3: {  	[tilespmem:s7+$0x3C40] =	vst v0;
	v0 =	vld.idx.msk [tilespmem:v5+s21+$0x0], $0xffff;
	v5 =	vadd.s32 s13, v24  }
0x1e4: {  	v59 =	vadd.s32 s15, v33;
	v6 =	vld.idx.msk [tilespmem:v63+s21+$0x0], $0xffff;
	[tilespmem:s4+$0x3C90] =	vst v7  }
0x1e5: {  	v60 =	vadd.s32 s23, v24;
	v11 =	vld.idx.msk [tilespmem:v11+s21+$0x0], $0xffff;
	[tilespmem:s5+$0x3880] =	vst v1  }
0x1e6: {  	v61 =	vadd.s32 s3, v28;
	v1 =	vld.idx.msk [tilespmem:v57+s21+$0x0], $0xffff;
	[tilespmem:s11+$0x38D0] =	vst v4  }
0x1e7: {  	v62 =	vadd.s32 s10, v29;
	v2 =	vld.idx.msk [tilespmem:v2+s21+$0x0], $0xffff;
	[tilespmem:s7+$0x3CE0] =	vst v3  }
0x1e8: {  	v3 =	vadd.s32 s14, v20;
	[tilespmem:s11+$0x3850] =	vst v0;
	v0 =	vld.idx.msk [tilespmem:v5+s21+$0x0], $0xffff  }
0x1e9: {  	v37 =	vadd.s32 s1, v33;
	v5 =	vadd.s32 s1, v31;
	v4 =	vld.idx.msk [tilespmem:v59+s21+$0x0], $0xffff  }
0x1ea: {  	v53 =	vadd.s32 s17, v27;
	v56 =	vadd.s32 s17, v24;
	v12 =	vadd.s32 s13, v25;
	[tilespmem:s4+$0x3C10] =	vst v11;
	v7 =	vld.idx.msk [tilespmem:v60+s21+$0x0], $0xffff  }
0x1eb: {  	v13 =	vadd.s32 s23, v25;
	v35 =	vadd.s32 s3, v33;
	v8 =	vld.idx.msk [tilespmem:v61+s21+$0x0], $0xffff;
	[tilespmem:s4+$0x3CA0] =	vst v1  }
0x1ec: {  	v36 =	vadd.s32 s3, v32;
	v38 =	vadd.s32 s23, v33;
	v1 =	vadd.s32 s3, v29;
	[tilespmem:s5+$0x3890] =	vst v2;
	v2 =	vld.idx.msk [tilespmem:v62+s21+$0x0], $0xffff  }
0x1ed: {  	v10 =	vadd.s32 s17, v21;
	v9 =	vadd.s32 s10, v30;
	v58 =	vadd.s32 s17, v22;
	v3 =	vld.idx.msk [tilespmem:v3+s21+$0x0], $0xffff;
	[tilespmem:s11+$0x38E0] =	vst v0  }
0x1ee: {  	v40 =	vadd.s32 s23, v32;
	v42 =	vadd.s32 s17, v33;
	v41 =	vadd.s32 s23, v31;
	v5 =	vld.idx.msk [tilespmem:v5+s21+$0x0], $0xffff;
	[tilespmem:s7+$0x3CF0] =	vst v4  }
0x1ef: {  	v39 =	vadd.s32 s3, v31;
	v43 =	vadd.s32 s3, v30;
	v4 =	vadd.s32 s14, v21;
	[tilespmem:s11+$0x3860] =	vst v7;
	v14 =	vld.idx.msk [tilespmem:v12+s21+$0x0], $0xffff  }
0x1f0: {  	v44 =	vadd.s32 s17, v32;
	v46 =	vadd.s32 s17, v31;
	v11 =	vadd.s32 s1, v32;
	[tilespmem:s4+$0x3C20] =	vst v8;
	v0 =	vld.idx.msk [tilespmem:v13+s21+$0x0], $0xffff  }
0x1f1: {  	v45 =	vadd.s32 s23, v30;
	v47 =	vadd.s32 s23, v29;
	[tilespmem:s5+$0x3820] =	vst v6;
	v48 =	vadd.s32 s23, v28;
	v62 =	vld.idx.msk [tilespmem:v1+s21+$0x0], $0xffff  }
0x1f2: {  	v50 =	vadd.s32 s17, v29;
	v49 =	vadd.s32 s23, v27;
	v51 =	vadd.s32 s23, v26;
	[tilespmem:s4+$0x3CB0] =	vst v2;
	v2 =	vld.idx.msk [tilespmem:v10+s21+$0x0], $0xffff  }
0x1f3: {  	v52 =	vadd.s32 s17, v28;
	v55 =	vadd.s32 s17, v25;
	v54 =	vadd.s32 s17, v30;
	[tilespmem:s5+$0x38A0] =	vst v3;
	v61 =	vld.idx.msk [tilespmem:v9+s21+$0x0], $0xffff  }
0x1f4: {  	v57 =	vadd.s32 s17, v23;
	v59 =	vadd.s32 s17, v26;
	v1 =	vadd.s32 s13, v26;
	[tilespmem:s7+$0x3C50] =	vst v5;
	v17 =	vld.idx.msk [tilespmem:v4+s21+$0x0], $0xffff  }
0x1f5: {  	s15 =	simm.s32 $0x400;
	s1 =	simm.s32 $0x6;
	v60 =	vadd.s32 s10, v31;
	s3 =	simm.s32 $0xE600;
	v3 =	vadd.s32 s14, v22;
	[tilespmem:s11+$0x38F0] =	vst v14;
	v63 =	vld.idx.msk [tilespmem:v11+s21+$0x0], $0xffff  }
.LBB2_12:
0x1f6: {  	_ =	sdelay $0x2  }
0x1f7: {  	[tilespmem:s11+$0x3870] =	vst v0;
	v0 =	vld.idx.msk [tilespmem:v1+s21+$0x0], $0xffff  }
0x1f8: {  	s8 =	sand.u32 $0xFFFFFC00, s15;
	v1 =	vld.idx.msk [tilespmem:v51+s21+$0x0], $0xffff;
	[tilespmem:s4+$0x3C30] =	vst v62  }
0x1f9: {  	s8 =	sadd.s32 s8, s15;
	v5 =	vld.idx.msk [tilespmem:v43+s21+$0x0], $0xffff;
	[tilespmem:s5+$0x3830] =	vst v2  }
0x1fa: {  	v4 =	vadd.s32 s13, v27;
	s16 =	sadd.s32 $0x3880, s8;
	[tilespmem:s4+$0x3CC0] =	vst v61  }
0x1fb: {  	s17 =	sadd.s32 $0x3800, s8;
	v8 =	vadd.s32 s16, v16;
	v13 =	vld.idx.msk [tilespmem:v58+s21+$0x0], $0xffff;
	[tilespmem:s5+$0x38B0] =	vst v17  }
0x1fc: {  	v6 =	vadd.s32 s17, v16;
	v9 =	vld.idx.msk [tilespmem:v60+s21+$0x0], $0xffff  }
0x1fd: {  	[tilespmem:s7+$0x3C60] =	vst v63;
	v2 =	vld.idx.msk [tilespmem:v3+s21+$0x0], $0xffff  }
0x1fe: {  	[tilespmem:s11+$0x3C80] =	vst v0;
	v0 =	vld.idx.msk [tilespmem:v37+s21+$0x0], $0xffff  }
0x1ff: {  	v14 =	vadd.s32 s10, v32;
	[tilespmem:s11+$0x3C00] =	vst v1;
	v1 =	vld.idx.msk [tilespmem:v4+s21+$0x0], $0xffff  }
0x200: {  	v15 =	vadd.s32 s14, v23;
	[tilespmem:s4+$0x3C40] =	vst v5;
	v8 =	vld.idx.msk [tilespmem:v8+s21+$0x0], $0xffff  }
0x201: {  	v5 =	vld.idx.msk [tilespmem:v6+s21+$0x0], $0xffff;
	[tilespmem:s5+$0x3840] =	vst v13  }
0x202: {  	v6 =	vadd.s32 s13, v28;
	[tilespmem:s4+$0x3CD0] =	vst v9  }
0x203: {  	v7 =	vadd.s32 s17, v19;
	v62 =	vld.idx.msk [tilespmem:v57+s21+$0x0], $0xffff;
	[tilespmem:s5+$0x38C0] =	vst v2  }
0x204: {  	s26 =	sand.u32 $0x3FFFFC00, s15;
	s3 =	sadd.s32 $0x100, s3;
	v9 =	vadd.s32 s16, v19;
	[tilespmem:s7+$0x3C70] =	vst v0;
	v2 =	vld.idx.msk [tilespmem:v14+s21+$0x0], $0xffff  }
0x205: {  	s8 =	sadd.s32 s26, s3;
	v3 =	vadd.s32 s17, v23;
	v13 =	vld.idx.msk [tilespmem:v15+s21+$0x0], $0xffff;
	[tilespmem:s11+$0x3C90] =	vst v1  }
0x206: {  	v57 =	vmov v3;
	v3 =	vld.idx.msk [tilespmem:v49+s21+$0x0], $0xffff;
	v15 =	vadd.s32 s10, v33;
	[tilespmem:s8+$0x3880] =	vst v8  }
0x207: {  	v0 =	vadd.s32 s14, v24;
	s7 =	smov.u32 s4;
	s4 =	smov.u32 s11;
	s11 =	smov.u32 s5;
	[tilespmem:s8+$0x3800] =	vst v5;
	v1 =	vld.idx.msk [tilespmem:v6+s21+$0x0], $0xffff  }
0x208: {  	v6 =	vld.idx.msk [tilespmem:v7+s21+$0x0], $0xffff;
	[tilespmem:s11+$0x3850] =	vst v62  }
0x209: {  	v10 =	vadd.s32 s17, v20;
	s10 =	smov.u32 s13;
	v5 =	vld.idx.msk [tilespmem:v9+s21+$0x0], $0xffff;
	[tilespmem:s7+$0x3CE0] =	vst v2  }
0x20a: {  	v7 =	vadd.s32 s10, v29;
	v9 =	vld.idx.msk [tilespmem:v56+s21+$0x0], $0xffff;
	[tilespmem:s11+$0x38D0] =	vst v13  }
0x20b: {  	s13 =	smov.u32 s14;
	s14 =	smov.u32 s16;
	[tilespmem:s4+$0x3C10] =	vst v3;
	v8 =	vld.idx.msk [tilespmem:v15+s21+$0x0], $0xffff  }
0x20c: {  	s5 =	smov.u32 s8;
	v2 =	vadd.s32 s14, v20;
	v0 =	vld.idx.msk [tilespmem:v0+s21+$0x0], $0xffff;
	[tilespmem:s4+$0x3CA0] =	vst v1  }
0x20d: {  	v62 =	vld.idx.msk [tilespmem:v48+s21+$0x0], $0xffff;
	[tilespmem:s5+$0x3810] =	vst v6  }
0x20e: {  	[tilespmem:s5+$0x3890] =	vst v5;
	v6 =	vld.idx.msk [tilespmem:v10+s21+$0x0], $0xffff  }
0x20f: {  	v3 =	vadd.s32 s13, v25;
	v5 =	vld.idx.msk [tilespmem:v7+s21+$0x0], $0xffff  }
0x210: {  	v14 =	vld.idx.msk [tilespmem:v39+s21+$0x0], $0xffff;
	[tilespmem:s11+$0x3860] =	vst v9  }
0x211: {  	v60 =	vadd.s32 s17, v21;
	v2 =	vld.idx.msk [tilespmem:v2+s21+$0x0], $0xffff;
	[tilespmem:s7+$0x3CF0] =	vst v8  }
0x212: {  	v7 =	vadd.s32 s10, v30;
	[tilespmem:s11+$0x38E0] =	vst v0  }
0x213: {  	v4 =	vadd.s32 s17, v31;
	v13 =	vadd.s32 s14, v21;
	v0 =	vld.idx.msk [tilespmem:v55+s21+$0x0], $0xffff;
	[tilespmem:s4+$0x3C20] =	vst v62  }
0x214: {  	s1 =	sadd.s32 $0x2, s1;
	v51 =	vmovc v59;
	v11 =	vadd.s32 s17, v22;
	v39 =	vmovc v41;
	v41 =	vmov v46;
	v46 =	vmov v4;
	v4 =	vld.idx.msk [tilespmem:v3+s21+$0x0], $0xffff;
	[tilespmem:s4+$0x3CB0] =	vst v5  }
0x215: {  	p0 =	slt.u32 s1, $0x36;
	v43 =	vmovc v45;
	v45 =	vmovc v54;
	v12 =	vadd.s32 s17, v24;
	v59 =	vadd.s32 s17, v26;
	v54 =	vadd.s32 s17, v30;
	v62 =	vld.idx.msk [tilespmem:v47+s21+$0x0], $0xffff;
	[tilespmem:s5+$0x3820] =	vst v6  }
.Ltmp8:
0x216: {  	v58 =	vmovc v11;
	v11 =	vadd.s32 s17, v25;
	v61 =	vadd.s32 s17, v28;
	v63 =	vadd.s32 s17, v29;
	[tilespmem:s5+$0x38A0] =	vst v2;
	v2 =	vld.idx.msk [tilespmem:v60+s21+$0x0], $0xffff;
	(pc) =	sbr.rel @p0 .LBB2_12-.Ltmp8, $4  }
0x217: {  	v16 =	vadd.s32 s17, v32;
	v17 =	vadd.s32 s17, v27;
	v37 =	vmovc v35;
	v48 =	vmovc v52;
	v52 =	vmov v61;
	v61 =	vld.idx.msk [tilespmem:v7+s21+$0x0], $0xffff  }
0x218: {  	v35 =	vmovc v38;
	v38 =	vmovc v42;
	v42 =	vadd.s32 s17, v33;
	v49 =	vmov v53;
	v53 =	vmov v17;
	[tilespmem:s7+$0x3C50] =	vst v14;
	v17 =	vld.idx.msk [tilespmem:v13+s21+$0x0], $0xffff  }
0x219: {  	v56 =	vmovc v12;
	v1 =	vadd.s32 s13, v26;
	v55 =	vmovc v11;
	v47 =	vmov v50;
	v50 =	vmov v63;
	v63 =	vld.idx.msk [tilespmem:v36+s21+$0x0], $0xffff  }
0x21a: {  	s15 =	sadd.s32 $0x100, s15;
	v3 =	vadd.s32 s14, v22;
	v60 =	vadd.s32 s10, v31;
	v36 =	vmovc v40;
	v40 =	vmovc v44;
	v44 =	vmov v16;
	v16 =	vld [tilespmem:$0x1FF00];
	[tilespmem:s11+$0x38F0] =	vst v4  }
0x21b: {  	_ =	sdelay $0x2  }
0x21c: {  	[tilespmem:s5+$0x38B0] =	vst v17  }
0x21d: {  	[tilespmem:s5+$0x3830] =	vst v2;
	v2 =	vld.idx.msk [tilespmem:v3+s21+$0x0], $0xffff  }
0x21e: {  	v4 =	vadd.s32 s14, v23;
	v3 =	vld.idx.msk [tilespmem:v58+s21+$0x0], $0xffff;
	_ =	sdelay $0x3  }
0x21f: {  	[tilespmem:s5+$0x38C0] =	vst v2  }
0x220: {  	[tilespmem:s5+$0x3840] =	vst v3;
	v2 =	vld.idx.msk [tilespmem:v4+s21+$0x0], $0xffff  }
0x221: {  	v3 =	vld.idx.msk [tilespmem:v57+s21+$0x0], $0xffff;
	v4 =	vadd.s32 s14, v24;
	_ =	sdelay $0x3  }
0x222: {  	[tilespmem:s5+$0x38D0] =	vst v2  }
0x223: {  	[tilespmem:s5+$0x3850] =	vst v3;
	v2 =	vld.idx.msk [tilespmem:v4+s21+$0x0], $0xffff  }
0x224: {  	v3 =	vld.idx.msk [tilespmem:v56+s21+$0x0], $0xffff;
	v4 =	vadd.s32 s14, v25;
	_ =	sdelay $0x3  }
0x225: {  	[tilespmem:s5+$0x38E0] =	vst v2  }
0x226: {  	[tilespmem:s5+$0x3860] =	vst v3;
	v2 =	vld.idx.msk [tilespmem:v4+s21+$0x0], $0xffff  }
0x227: {  	v3 =	vld.idx.msk [tilespmem:v55+s21+$0x0], $0xffff;
	v4 =	vadd.s32 s14, v26;
	_ =	sdelay $0x2  }
0x228: {  	[tilespmem:s11+$0x3870] =	vst v0;
	v0 =	vld.idx.msk [tilespmem:v1+s21+$0x0], $0xffff  }
0x229: {  	v5 =	vadd.s32 s13, v27;
	v1 =	vld.idx.msk [tilespmem:v51+s21+$0x0], $0xffff;
	[tilespmem:s5+$0x38F0] =	vst v2  }
0x22a: {  	[tilespmem:s5+$0x3870] =	vst v3;
	v2 =	vld.idx.msk [tilespmem:v4+s21+$0x0], $0xffff  }
0x22b: {  	v3 =	vld.idx.msk [tilespmem:v59+s21+$0x0], $0xffff;
	v4 =	vadd.s32 s14, v27;
	_ =	sdelay $0x1  }
0x22c: {  	[tilespmem:s11+$0x3C80] =	vst v0  }
0x22d: {  	[tilespmem:s11+$0x3C00] =	vst v1;
	v0 =	vld.idx.msk [tilespmem:v5+s21+$0x0], $0xffff  }
0x22e: {  	v1 =	vadd.s32 s13, v28;
	v5 =	vld.idx.msk [tilespmem:v49+s21+$0x0], $0xffff;
	[tilespmem:s5+$0x3C80] =	vst v2  }
0x22f: {  	[tilespmem:s5+$0x3C00] =	vst v3;
	v2 =	vld.idx.msk [tilespmem:v4+s21+$0x0], $0xffff  }
0x230: {  	v3 =	vadd.s32 s14, v28;
	v4 =	vld.idx.msk [tilespmem:v53+s21+$0x0], $0xffff;
	_ =	sdelay $0x1  }
0x231: {  	[tilespmem:s11+$0x3C90] =	vst v0  }
0x232: {  	v0 =	vld.idx.msk [tilespmem:v1+s21+$0x0], $0xffff;
	[tilespmem:s11+$0x3C10] =	vst v5  }
0x233: {  	v1 =	vadd.s32 s13, v29;
	v5 =	vld.idx.msk [tilespmem:v48+s21+$0x0], $0xffff;
	[tilespmem:s5+$0x3C90] =	vst v2  }
0x234: {  	[tilespmem:s5+$0x3C10] =	vst v4;
	v2 =	vld.idx.msk [tilespmem:v3+s21+$0x0], $0xffff  }
0x235: {  	v3 =	vadd.s32 s14, v29;
	v4 =	vld.idx.msk [tilespmem:v52+s21+$0x0], $0xffff  }
0x236: {  	[tilespmem:s4+$0x3C30] =	vst v62  }
0x237: {  	[tilespmem:s11+$0x3CA0] =	vst v0  }
0x238: {  	v0 =	vld.idx.msk [tilespmem:v1+s21+$0x0], $0xffff;
	[tilespmem:s11+$0x3C20] =	vst v5  }
0x239: {  	v1 =	vadd.s32 s13, v30;
	v5 =	vld.idx.msk [tilespmem:v47+s21+$0x0], $0xffff;
	[tilespmem:s5+$0x3CA0] =	vst v2  }
0x23a: {  	[tilespmem:s5+$0x3C20] =	vst v4;
	v2 =	vld.idx.msk [tilespmem:v3+s21+$0x0], $0xffff  }
0x23b: {  	[tilespmem:s4+$0x3CC0] =	vst v61;
	v3 =	vadd.s32 s14, v30;
	v4 =	vld.idx.msk [tilespmem:v50+s21+$0x0], $0xffff  }
0x23c: {  	v6 =	vld.idx.msk [tilespmem:v43+s21+$0x0], $0xffff;
	[tilespmem:s7+$0x3C60] =	vst v63  }
0x23d: {  	v7 =	vld.idx.msk [tilespmem:v60+s21+$0x0], $0xffff;
	[tilespmem:s11+$0x3CB0] =	vst v0  }
0x23e: {  	v0 =	vld.idx.msk [tilespmem:v1+s21+$0x0], $0xffff;
	[tilespmem:s11+$0x3C30] =	vst v5  }
0x23f: {  	v1 =	vadd.s32 s13, v31;
	v5 =	vld.idx.msk [tilespmem:v45+s21+$0x0], $0xffff;
	[tilespmem:s5+$0x3CB0] =	vst v2  }
0x240: {  	[tilespmem:s5+$0x3C30] =	vst v4;
	v2 =	vld.idx.msk [tilespmem:v3+s21+$0x0], $0xffff  }
0x241: {  	[tilespmem:s4+$0x3C40] =	vst v6;
	v3 =	vadd.s32 s14, v31;
	v4 =	vld.idx.msk [tilespmem:v54+s21+$0x0], $0xffff  }
0x242: {  	v6 =	vld.idx.msk [tilespmem:v37+s21+$0x0], $0xffff;
	[tilespmem:s4+$0x3CD0] =	vst v7  }
0x243: {  	v7 =	vadd.s32 s10, v32;
	v8 =	vld.idx.msk [tilespmem:v39+s21+$0x0], $0xffff;
	[tilespmem:s11+$0x3CC0] =	vst v0  }
0x244: {  	v0 =	vld.idx.msk [tilespmem:v1+s21+$0x0], $0xffff;
	[tilespmem:s11+$0x3C40] =	vst v5  }
0x245: {  	v1 =	vadd.s32 s13, v32;
	v5 =	vld.idx.msk [tilespmem:v41+s21+$0x0], $0xffff;
	[tilespmem:s5+$0x3CC0] =	vst v2  }
0x246: {  	[tilespmem:s5+$0x3C40] =	vst v4;
	v2 =	vld.idx.msk [tilespmem:v3+s21+$0x0], $0xffff  }
0x247: {  	[tilespmem:s7+$0x3C70] =	vst v6;
	v3 =	vadd.s32 s14, v32;
	v4 =	vld.idx.msk [tilespmem:v46+s21+$0x0], $0xffff  }
0x248: {  	v6 =	vld.idx.msk [tilespmem:v7+s21+$0x0], $0xffff;
	[tilespmem:s4+$0x3C50] =	vst v8  }
0x249: {  	v7 =	vadd.s32 s10, v33;
	v8 =	vld.idx.msk [tilespmem:v36+s21+$0x0], $0xffff;
	[tilespmem:s11+$0x3CD0] =	vst v0  }
0x24a: {  	v0 =	vld.idx.msk [tilespmem:v1+s21+$0x0], $0xffff;
	[tilespmem:s11+$0x3C50] =	vst v5  }
0x24b: {  	v1 =	vadd.s32 s13, v33;
	v5 =	vld.idx.msk [tilespmem:v40+s21+$0x0], $0xffff;
	[tilespmem:s5+$0x3CD0] =	vst v2  }
0x24c: {  	[tilespmem:s5+$0x3C50] =	vst v4;
	v2 =	vld.idx.msk [tilespmem:v3+s21+$0x0], $0xffff  }
0x24d: {  	[tilespmem:s4+$0x3CE0] =	vst v6;
	v3 =	vadd.s32 s14, v33;
	v4 =	vld.idx.msk [tilespmem:v44+s21+$0x0], $0xffff  }
0x24e: {  	v6 =	vld.idx.msk [tilespmem:v7+s21+$0x0], $0xffff;
	[tilespmem:s4+$0x3C60] =	vst v8  }
0x24f: {  	v7 =	vld.idx.msk [tilespmem:v35+s21+$0x0], $0xffff;
	[tilespmem:s11+$0x3CE0] =	vst v0  }
0x250: {  	v0 =	vld.idx.msk [tilespmem:v1+s21+$0x0], $0xffff;
	[tilespmem:s11+$0x3C60] =	vst v5  }
0x251: {  	v1 =	vld.idx.msk [tilespmem:v38+s21+$0x0], $0xffff;
	[tilespmem:s5+$0x3CE0] =	vst v2  }
0x252: {  	[tilespmem:s5+$0x3C60] =	vst v4;
	v2 =	vld.idx.msk [tilespmem:v3+s21+$0x0], $0xffff  }
0x253: {  	[tilespmem:s4+$0x3CF0] =	vst v6;
	v3 =	vld.idx.msk [tilespmem:v42+s21+$0x0], $0xffff  }
0x254: {  	[tilespmem:s4+$0x3C70] =	vst v7  }
0x255: {  	[tilespmem:s11+$0x3CF0] =	vst v0  }
0x256: {  	[tilespmem:s11+$0x3C70] =	vst v1  }
0x257: {  	[tilespmem:s5+$0x3CF0] =	vst v2  }
0x258: {  	[tilespmem:s5+$0x3C70] =	vst v3  }
0x259: {  	v1 =	vld [tilespmem:$0x1FF30]  }
0x25a: {  	v2 =	vld [tilespmem:$0x1FF40]  }
0x25b: {  	v3 =	vld [tilespmem:$0x1FF50]  }
0x25c: {  	v4 =	vld [tilespmem:$0x1FF60]  }
0x25d: {  	v5 =	vld [tilespmem:$0x1FF70]  }
0x25e: {  	v6 =	vld [tilespmem:$0x1FF80]  }
0x25f: {  	v7 =	vld [tilespmem:$0x1FF90]  }
0x260: {  	v8 =	vld [tilespmem:$0x1FFA0]  }
0x261: {  	v9 =	vld [tilespmem:$0x1FFB0]  }
0x262: {  	v10 =	vld [tilespmem:$0x1FFC0]  }
0x263: {  	v11 =	vld [tilespmem:$0x1FFD0]  }
0x264: {  	v12 =	vld [tilespmem:$0x1FFE0]  }
0x265: {  	v13 =	vld [tilespmem:$0x1FFF0]  }
0x266: {  	v14 =	vld [tilespmem:$0x1FF10]  }
0x267: {  	s1 =	simm.s32 $0x0;
	s7 =	simm.s32 $0x2;
	v15 =	vld [tilespmem:$0x1FED0]  }
.LBB2_14:
0x268: {  	p0 =	sgt.s32 s0, $0xF  }
.Ltmp9:
0x269: {  	_ = 	snop;
	(pc) =	sbr.rel @p0 .LBB2_16-.Ltmp9, $4  }
0x26a: {  	s3 =	sshll.u32 s1, $0x7  }
0x26b: {  	s3 =	sand.u32 $0x3FFFFC00, s3  }
0x26c: {  	s4 =	sshra.s32 s2, $0x2;
	s3 =	sadd.s32 $0xE300, s3  }
0x26d: {  	s3 =	sadd.s32 s4, s3;
	vm0 =	vgt.s32 v15, v34  }
0x26e: {  	v0 =	vld [tilespmem:s3+$0x0];
	_ =	sdelay $0x1  }
.Ltmp10:
0x26f: {  	_ = 	snop;
	(pc) =	sbr.rel .LBB2_17-.Ltmp10, $3  }
0x270: {  	_ =	sdelay $0x1  }
0x271: {  	v0 =	vnsel vm0, $0x7FC00000, v0  }
0x272: {  	[tilespmem:s3+$0x0] =	vst v0  }
.LBB2_16:
0x273: {  	p2 =	sgt.u32 s0, $0x1F  }
.Ltmp11:
0x274: {  	_ = 	snop;
	(pc) =	sbr.rel @p2 .LBB2_18-.Ltmp11, $1  }
0x275: {  	_ =	sdelay $0x3  }
.LBB2_17:
0x276: {  	v0 =	vld [tilespmem:s3+$0x10];
	_ =	sdelay $0x3  }
0x277: {  	vm1 =	vgt.s32 v15, v18  }
0x278: {  	v0 =	vnsel vm1, $0x7FC00000, v0  }
0x279: {  	[tilespmem:s3+$0x10] =	vst v0  }
.LBB2_19:
0x27a: {  	v0 =	vld [tilespmem:s3+$0x20];
	_ =	sdelay $0x3  }
0x27b: {  	vm1 =	vgt.s32 v15, v1  }
0x27c: {  	v0 =	vnsel vm1, $0x7FC00000, v0  }
0x27d: {  	[tilespmem:s3+$0x20] =	vst v0  }
.LBB2_21:
0x27e: {  	v0 =	vld [tilespmem:s3+$0x30];
	_ =	sdelay $0x3  }
0x27f: {  	vm1 =	vgt.s32 v15, v2  }
0x280: {  	v0 =	vnsel vm1, $0x7FC00000, v0  }
0x281: {  	[tilespmem:s3+$0x30] =	vst v0  }
.LBB2_23:
0x282: {  	v0 =	vld [tilespmem:s3+$0x40];
	_ =	sdelay $0x3  }
0x283: {  	vm1 =	vgt.s32 v15, v3  }
0x284: {  	v0 =	vnsel vm1, $0x7FC00000, v0  }
0x285: {  	[tilespmem:s3+$0x40] =	vst v0  }
.LBB2_25:
0x286: {  	v0 =	vld [tilespmem:s3+$0x50];
	_ =	sdelay $0x3  }
0x287: {  	vm1 =	vgt.s32 v15, v4  }
0x288: {  	v0 =	vnsel vm1, $0x7FC00000, v0  }
0x289: {  	[tilespmem:s3+$0x50] =	vst v0  }
.LBB2_27:
0x28a: {  	v0 =	vld [tilespmem:s3+$0x60];
	_ =	sdelay $0x3  }
0x28b: {  	vm1 =	vgt.s32 v15, v5  }
0x28c: {  	v0 =	vnsel vm1, $0x7FC00000, v0  }
0x28d: {  	[tilespmem:s3+$0x60] =	vst v0  }
.LBB2_29:
0x28e: {  	v0 =	vld [tilespmem:s3+$0x70];
	_ =	sdelay $0x3  }
0x28f: {  	vm1 =	vgt.s32 v15, v6  }
0x290: {  	v0 =	vnsel vm1, $0x7FC00000, v0  }
0x291: {  	[tilespmem:s3+$0x70] =	vst v0  }
.LBB2_31:
0x292: {  	v0 =	vld [tilespmem:s3+$0x400];
	_ =	sdelay $0x3  }
0x293: {  	vm1 =	vgt.s32 v15, v7  }
0x294: {  	v0 =	vnsel vm1, $0x7FC00000, v0  }
0x295: {  	[tilespmem:s3+$0x400] =	vst v0  }
.LBB2_33:
0x296: {  	v0 =	vld [tilespmem:s3+$0x410];
	_ =	sdelay $0x3  }
0x297: {  	vm1 =	vgt.s32 v15, v8  }
0x298: {  	v0 =	vnsel vm1, $0x7FC00000, v0  }
0x299: {  	[tilespmem:s3+$0x410] =	vst v0  }
.LBB2_35:
0x29a: {  	v0 =	vld [tilespmem:s3+$0x420];
	_ =	sdelay $0x3  }
0x29b: {  	vm1 =	vgt.s32 v15, v9  }
0x29c: {  	v0 =	vnsel vm1, $0x7FC00000, v0  }
0x29d: {  	[tilespmem:s3+$0x420] =	vst v0  }
.LBB2_37:
0x29e: {  	v0 =	vld [tilespmem:s3+$0x430];
	_ =	sdelay $0x3  }
0x29f: {  	vm1 =	vgt.s32 v15, v10  }
0x2a0: {  	v0 =	vnsel vm1, $0x7FC00000, v0  }
0x2a1: {  	[tilespmem:s3+$0x430] =	vst v0  }
.LBB2_39:
0x2a2: {  	v0 =	vld [tilespmem:s3+$0x440];
	_ =	sdelay $0x3  }
0x2a3: {  	vm1 =	vgt.s32 v15, v11  }
0x2a4: {  	v0 =	vnsel vm1, $0x7FC00000, v0  }
0x2a5: {  	[tilespmem:s3+$0x440] =	vst v0  }
.LBB2_41:
0x2a6: {  	v0 =	vld [tilespmem:s3+$0x450];
	_ =	sdelay $0x3  }
0x2a7: {  	vm1 =	vgt.s32 v15, v12  }
0x2a8: {  	v0 =	vnsel vm1, $0x7FC00000, v0  }
0x2a9: {  	[tilespmem:s3+$0x450] =	vst v0  }
.LBB2_43:
0x2aa: {  	v0 =	vld [tilespmem:s3+$0x460];
	_ =	sdelay $0x3  }
0x2ab: {  	vm1 =	vgt.s32 v15, v13  }
0x2ac: {  	v0 =	vnsel vm1, $0x7FC00000, v0  }
0x2ad: {  	[tilespmem:s3+$0x460] =	vst v0  }
.LBB2_44:
0x2ae: {  	v0 =	vld [tilespmem:s3+$0x470];
	s2 =	sadd.s32 $0x200, s2  }
0x2af: {  	p2 =	sne.s32 s2, $0x7000  }
.Ltmp12:
0x2b0: {  	_ = 	snop;
	(pc) =	sbr.rel @p2 .LBB2_14-.Ltmp12, $4  }
.Ltmp13:
0x2b1: {  	_ = 	snop;
	(pc) =	sbr.rel @!p2 .LBB2_45-.Ltmp13, $4  }
0x2b2: {  	vm1 =	vgt.s32 v15, v14  }
0x2b3: {  	v0 =	vnsel vm1, $0x7FC00000, v0  }
0x2b4: {  	s1 =	sadd.s32 $0x1, s1;
	[tilespmem:s3+$0x470] =	vst v0  }
0x2b5: {  	_ = 	snop  }
.LBB2_18:
0x2b6: {  	p2 =	sgt.u32 s0, $0x2F  }
.Ltmp14:
0x2b7: {  	_ = 	snop;
	(pc) =	sbr.rel @!p2 .LBB2_19-.Ltmp14, $1  }
0x2b8: {  	_ =	sdelay $0x3  }
0x2b9: {  	p2 =	sgt.u32 s0, $0x3F  }
.Ltmp15:
0x2ba: {  	_ = 	snop;
	(pc) =	sbr.rel @!p2 .LBB2_21-.Ltmp15, $1  }
0x2bb: {  	_ =	sdelay $0x3  }
0x2bc: {  	p2 =	sgt.u32 s0, $0x4F  }
.Ltmp16:
0x2bd: {  	_ = 	snop;
	(pc) =	sbr.rel @!p2 .LBB2_23-.Ltmp16, $1  }
0x2be: {  	_ =	sdelay $0x3  }
0x2bf: {  	p2 =	sgt.u32 s0, $0x5F  }
.Ltmp17:
0x2c0: {  	_ = 	snop;
	(pc) =	sbr.rel @!p2 .LBB2_25-.Ltmp17, $1  }
0x2c1: {  	_ =	sdelay $0x3  }
0x2c2: {  	p2 =	sgt.u32 s0, $0x6F  }
.Ltmp18:
0x2c3: {  	_ = 	snop;
	(pc) =	sbr.rel @!p2 .LBB2_27-.Ltmp18, $1  }
0x2c4: {  	_ =	sdelay $0x3  }
0x2c5: {  	p2 =	sgt.u32 s0, $0x7F  }
.Ltmp19:
0x2c6: {  	_ = 	snop;
	(pc) =	sbr.rel @!p2 .LBB2_29-.Ltmp19, $1  }
0x2c7: {  	_ =	sdelay $0x3  }
0x2c8: {  	p2 =	sgt.u32 s0, $0x8F  }
.Ltmp20:
0x2c9: {  	_ = 	snop;
	(pc) =	sbr.rel @!p2 .LBB2_31-.Ltmp20, $1  }
0x2ca: {  	_ =	sdelay $0x3  }
0x2cb: {  	p2 =	sgt.u32 s0, $0x9F  }
.Ltmp21:
0x2cc: {  	_ = 	snop;
	(pc) =	sbr.rel @!p2 .LBB2_33-.Ltmp21, $1  }
0x2cd: {  	_ =	sdelay $0x3  }
0x2ce: {  	p2 =	sgt.u32 s0, $0xAF  }
.Ltmp22:
0x2cf: {  	_ = 	snop;
	(pc) =	sbr.rel @!p2 .LBB2_35-.Ltmp22, $1  }
0x2d0: {  	_ =	sdelay $0x3  }
0x2d1: {  	p2 =	sgt.u32 s0, $0xBF  }
.Ltmp23:
0x2d2: {  	_ = 	snop;
	(pc) =	sbr.rel @!p2 .LBB2_37-.Ltmp23, $1  }
0x2d3: {  	_ =	sdelay $0x3  }
0x2d4: {  	p2 =	sgt.u32 s0, $0xCF  }
.Ltmp24:
0x2d5: {  	_ = 	snop;
	(pc) =	sbr.rel @!p2 .LBB2_39-.Ltmp24, $1  }
0x2d6: {  	_ =	sdelay $0x3  }
0x2d7: {  	p2 =	sgt.u32 s0, $0xDF  }
.Ltmp25:
0x2d8: {  	_ = 	snop;
	(pc) =	sbr.rel @!p2 .LBB2_41-.Ltmp25, $1  }
0x2d9: {  	_ =	sdelay $0x3  }
0x2da: {  	p2 =	sgt.u32 s0, $0xEF  }
.Ltmp26:
0x2db: {  	_ = 	snop;
	(pc) =	sbr.rel @p2 .LBB2_44-.Ltmp26, $4  }
.Ltmp27:
0x2dc: {  	_ = 	snop;
	(pc) =	sbr.rel @!p2 .LBB2_43-.Ltmp27, $4  }
0x2dd: {  	_ = 	snop  }
0x2de: {  	_ = 	snop  }
0x2df: {  	_ = 	snop  }
0x2e0: {  	_ = 	snop  }
.LBB2_45:
0x2e1: {  	s1 =	simm.s32 $0x0;
	s2 =	simm.s32 $0x0  }
.LBB2_46:
.Ltmp28:
0x2e2: {  	(pc) =	sbr.rel @p0 .LBB2_48-.Ltmp28, $4  }
0x2e3: {  	_ = 	snop  }
0x2e4: {  	s3 =	sand.u32 $0x3FFFFC00, s1  }
0x2e5: {  	s4 =	sshra.s32 s2, $0x2;
	s3 =	sadd.s32 $0xE300, s3  }
0x2e6: {  	s3 =	sadd.s32 s4, s3  }
0x2e7: {  	v0 =	vld [tilespmem:s3+$0x3800];
	_ =	sdelay $0x1  }
.Ltmp29:
0x2e8: {  	_ = 	snop;
	(pc) =	sbr.rel .LBB2_49-.Ltmp29, $3  }
0x2e9: {  	_ =	sdelay $0x1  }
0x2ea: {  	v0 =	vnsel vm0, $0x7FC00000, v0  }
0x2eb: {  	[tilespmem:s3+$0x3800] =	vst v0  }
.LBB2_48:
0x2ec: {  	p2 =	sgt.u32 s0, $0x1F  }
.Ltmp30:
0x2ed: {  	_ = 	snop;
	(pc) =	sbr.rel @p2 .LBB2_50-.Ltmp30, $1  }
0x2ee: {  	_ =	sdelay $0x3  }
.LBB2_49:
0x2ef: {  	v0 =	vld [tilespmem:s3+$0x3810];
	_ =	sdelay $0x3  }
0x2f0: {  	vm2 =	vgt.s32 v15, v18  }
0x2f1: {  	v0 =	vnsel vm2, $0x7FC00000, v0  }
0x2f2: {  	[tilespmem:s3+$0x3810] =	vst v0  }
.LBB2_51:
0x2f3: {  	v0 =	vld [tilespmem:s3+$0x3820];
	_ =	sdelay $0x3  }
0x2f4: {  	vm2 =	vgt.s32 v15, v1  }
0x2f5: {  	v0 =	vnsel vm2, $0x7FC00000, v0  }
0x2f6: {  	[tilespmem:s3+$0x3820] =	vst v0  }
.LBB2_53:
0x2f7: {  	v0 =	vld [tilespmem:s3+$0x3830];
	_ =	sdelay $0x3  }
0x2f8: {  	vm2 =	vgt.s32 v15, v2  }
0x2f9: {  	v0 =	vnsel vm2, $0x7FC00000, v0  }
0x2fa: {  	[tilespmem:s3+$0x3830] =	vst v0  }
.LBB2_55:
0x2fb: {  	v0 =	vld [tilespmem:s3+$0x3840];
	_ =	sdelay $0x3  }
0x2fc: {  	vm2 =	vgt.s32 v15, v3  }
0x2fd: {  	v0 =	vnsel vm2, $0x7FC00000, v0  }
0x2fe: {  	[tilespmem:s3+$0x3840] =	vst v0  }
.LBB2_57:
0x2ff: {  	v0 =	vld [tilespmem:s3+$0x3850];
	_ =	sdelay $0x3  }
0x300: {  	vm2 =	vgt.s32 v15, v4  }
0x301: {  	v0 =	vnsel vm2, $0x7FC00000, v0  }
0x302: {  	[tilespmem:s3+$0x3850] =	vst v0  }
.LBB2_59:
0x303: {  	v0 =	vld [tilespmem:s3+$0x3860];
	_ =	sdelay $0x3  }
0x304: {  	vm2 =	vgt.s32 v15, v5  }
0x305: {  	v0 =	vnsel vm2, $0x7FC00000, v0  }
0x306: {  	[tilespmem:s3+$0x3860] =	vst v0  }
.LBB2_61:
0x307: {  	v0 =	vld [tilespmem:s3+$0x3870];
	_ =	sdelay $0x3  }
0x308: {  	vm2 =	vgt.s32 v15, v6  }
0x309: {  	v0 =	vnsel vm2, $0x7FC00000, v0  }
0x30a: {  	[tilespmem:s3+$0x3870] =	vst v0  }
.LBB2_63:
0x30b: {  	v0 =	vld [tilespmem:s3+$0x3C00];
	_ =	sdelay $0x3  }
0x30c: {  	vm2 =	vgt.s32 v15, v7  }
0x30d: {  	v0 =	vnsel vm2, $0x7FC00000, v0  }
0x30e: {  	[tilespmem:s3+$0x3C00] =	vst v0  }
.LBB2_65:
0x30f: {  	v0 =	vld [tilespmem:s3+$0x3C10];
	_ =	sdelay $0x3  }
0x310: {  	vm2 =	vgt.s32 v15, v8  }
0x311: {  	v0 =	vnsel vm2, $0x7FC00000, v0  }
0x312: {  	[tilespmem:s3+$0x3C10] =	vst v0  }
.LBB2_67:
0x313: {  	v0 =	vld [tilespmem:s3+$0x3C20];
	_ =	sdelay $0x3  }
0x314: {  	vm2 =	vgt.s32 v15, v9  }
0x315: {  	v0 =	vnsel vm2, $0x7FC00000, v0  }
0x316: {  	[tilespmem:s3+$0x3C20] =	vst v0  }
.LBB2_69:
0x317: {  	v0 =	vld [tilespmem:s3+$0x3C30];
	_ =	sdelay $0x3  }
0x318: {  	vm2 =	vgt.s32 v15, v10  }
0x319: {  	v0 =	vnsel vm2, $0x7FC00000, v0  }
0x31a: {  	[tilespmem:s3+$0x3C30] =	vst v0  }
.LBB2_71:
0x31b: {  	v0 =	vld [tilespmem:s3+$0x3C40];
	_ =	sdelay $0x3  }
0x31c: {  	vm2 =	vgt.s32 v15, v11  }
0x31d: {  	v0 =	vnsel vm2, $0x7FC00000, v0  }
0x31e: {  	[tilespmem:s3+$0x3C40] =	vst v0  }
.LBB2_73:
0x31f: {  	v0 =	vld [tilespmem:s3+$0x3C50];
	_ =	sdelay $0x3  }
0x320: {  	vm2 =	vgt.s32 v15, v12  }
0x321: {  	v0 =	vnsel vm2, $0x7FC00000, v0  }
0x322: {  	[tilespmem:s3+$0x3C50] =	vst v0  }
.LBB2_75:
0x323: {  	v0 =	vld [tilespmem:s3+$0x3C60];
	_ =	sdelay $0x3  }
0x324: {  	vm2 =	vgt.s32 v15, v13  }
0x325: {  	v0 =	vnsel vm2, $0x7FC00000, v0  }
0x326: {  	[tilespmem:s3+$0x3C60] =	vst v0  }
.LBB2_76:
0x327: {  	v0 =	vld [tilespmem:s3+$0x3C70];
	s2 =	sadd.s32 $0x200, s2  }
0x328: {  	p2 =	sne.s32 s2, $0x7000  }
.Ltmp31:
0x329: {  	_ = 	snop;
	(pc) =	sbr.rel @p2 .LBB2_46-.Ltmp31, $4  }
.Ltmp32:
0x32a: {  	_ = 	snop;
	(pc) =	sbr.rel @!p2 .LBB2_77-.Ltmp32, $4  }
0x32b: {  	_ = 	snop  }
0x32c: {  	v0 =	vnsel vm1, $0x7FC00000, v0  }
0x32d: {  	s1 =	sadd.s32 $0x80, s1;
	[tilespmem:s3+$0x3C70] =	vst v0  }
0x32e: {  	_ = 	snop  }
.LBB2_50:
0x32f: {  	p2 =	sgt.u32 s0, $0x2F  }
.Ltmp33:
0x330: {  	_ = 	snop;
	(pc) =	sbr.rel @!p2 .LBB2_51-.Ltmp33, $1  }
0x331: {  	_ =	sdelay $0x3  }
0x332: {  	p2 =	sgt.u32 s0, $0x3F  }
.Ltmp34:
0x333: {  	_ = 	snop;
	(pc) =	sbr.rel @!p2 .LBB2_53-.Ltmp34, $1  }
0x334: {  	_ =	sdelay $0x3  }
0x335: {  	p2 =	sgt.u32 s0, $0x4F  }
.Ltmp35:
0x336: {  	_ = 	snop;
	(pc) =	sbr.rel @!p2 .LBB2_55-.Ltmp35, $1  }
0x337: {  	_ =	sdelay $0x3  }
0x338: {  	p2 =	sgt.u32 s0, $0x5F  }
.Ltmp36:
0x339: {  	_ = 	snop;
	(pc) =	sbr.rel @!p2 .LBB2_57-.Ltmp36, $1  }
0x33a: {  	_ =	sdelay $0x3  }
0x33b: {  	p2 =	sgt.u32 s0, $0x6F  }
.Ltmp37:
0x33c: {  	_ = 	snop;
	(pc) =	sbr.rel @!p2 .LBB2_59-.Ltmp37, $1  }
0x33d: {  	_ =	sdelay $0x3  }
0x33e: {  	p2 =	sgt.u32 s0, $0x7F  }
.Ltmp38:
0x33f: {  	_ = 	snop;
	(pc) =	sbr.rel @!p2 .LBB2_61-.Ltmp38, $1  }
0x340: {  	_ =	sdelay $0x3  }
0x341: {  	p2 =	sgt.u32 s0, $0x8F  }
.Ltmp39:
0x342: {  	_ = 	snop;
	(pc) =	sbr.rel @!p2 .LBB2_63-.Ltmp39, $1  }
0x343: {  	_ =	sdelay $0x3  }
0x344: {  	p2 =	sgt.u32 s0, $0x9F  }
.Ltmp40:
0x345: {  	_ = 	snop;
	(pc) =	sbr.rel @!p2 .LBB2_65-.Ltmp40, $1  }
0x346: {  	_ =	sdelay $0x3  }
0x347: {  	p2 =	sgt.u32 s0, $0xAF  }
.Ltmp41:
0x348: {  	_ = 	snop;
	(pc) =	sbr.rel @!p2 .LBB2_67-.Ltmp41, $1  }
0x349: {  	_ =	sdelay $0x3  }
0x34a: {  	p2 =	sgt.u32 s0, $0xBF  }
.Ltmp42:
0x34b: {  	_ = 	snop;
	(pc) =	sbr.rel @!p2 .LBB2_69-.Ltmp42, $1  }
0x34c: {  	_ =	sdelay $0x3  }
0x34d: {  	p2 =	sgt.u32 s0, $0xCF  }
.Ltmp43:
0x34e: {  	_ = 	snop;
	(pc) =	sbr.rel @!p2 .LBB2_71-.Ltmp43, $1  }
0x34f: {  	_ =	sdelay $0x3  }
0x350: {  	p2 =	sgt.u32 s0, $0xDF  }
.Ltmp44:
0x351: {  	_ = 	snop;
	(pc) =	sbr.rel @!p2 .LBB2_73-.Ltmp44, $1  }
0x352: {  	_ =	sdelay $0x3  }
0x353: {  	p2 =	sgt.u32 s0, $0xEF  }
.Ltmp45:
0x354: {  	_ = 	snop;
	(pc) =	sbr.rel @p2 .LBB2_76-.Ltmp45, $4  }
.Ltmp46:
0x355: {  	_ = 	snop;
	(pc) =	sbr.rel @!p2 .LBB2_75-.Ltmp46, $4  }
0x356: {  	_ = 	snop  }
0x357: {  	_ = 	snop  }
0x358: {  	_ = 	snop  }
0x359: {  	_ = 	snop  }
.LBB2_77:
0x35a: {  	s1 =	sshrl.u32 s12, $0x3  }
0x35b: {  	s1 =	sadd.s32 s29, s1  }
0x35c: {  	[hbm4b:s1+s30] =	stream.linear.scatter [tilespmem:s31], [sflag:$0x3], $0x7000, $0x38;
	[tilespmem:$0x1C300] =	vst v63  }
0x35d: {  	p2 =	seq.s32 s6, $0xD;
	s1 =	rddreg [dreg:$0x8]  }
0x35e: {  	s1 =	sadd.s32 @!p2 s9, s1  }
0x35f: {  	s14 =	simm.s32 $0x0;
	s2 =	simm.s32 @!p2 $0x0;
	s1 =	sshrl.u32 @!p2 s1, $0x3  }
0x360: {  	s3 =	simm.s32 @!p2 $0x300;
	s15 =	sand.u32 $0xFFFFFC00, s14;
	s1 =	sadd.s32 @!p2 s28, s1  }
0x361: {  	[tilespmem:s3], [sflag:$0x1] =	stream.linear.gather @!p2 [hbm4b:s1+s2], $0x7000, $0x38;
	[tilespmem:$0x1C300] =	vst v63  }
0x362: {  	s5 =	sadd.s32 $0x0, s15;
	_ =	swait.ge [sflag:s7], $0x7000  }
0x363: {  	v0 =	vadd.s32 s5, v16;
	[sflag:s7] =	ssyncset.done $0x0  }
0x364: {  	s2 =	simm.s32 @!p1 $0x4;
	[sflag:s7] =	ssyncadd.s32 $0xFFFF9000  }
0x365: {  	s16 =	simm.s32 $0x0;
	_ =	swait.ge @!p1 [sflag:s2], $0x7000  }
0x366: {  	s17 =	sand.u32 $0xFFFFFC00, s16;
	[sflag:s2] =	ssyncset.done @!p1 $0x0  }
0x367: {  	s12 =	sadd.s32 $0x80, s17;
	[sflag:s2] =	ssyncadd.s32 @!p1 $0xFFFF9000  }
0x368: {  	v1 =	vadd.s32 s12, v16;
	v0 =	vld.idx.msk [tilespmem:v0+s22+$0x0], $0xffff  }
0x369: {  	v2 =	vadd.s32 s5, v19;
	_ =	sdelay $0x1  }
0x36a: {  	s1 =	sand.u32 $0x3FFFFC00, s14  }
0x36b: {  	s2 =	sadd.s32 $0x15300, s1  }
0x36c: {  	v1 =	vld.idx.msk [tilespmem:v1+s22+$0x0], $0xffff;
	[tilespmem:s2+$0x0] =	vst v0  }
0x36d: {  	v0 =	vadd.s32 s12, v19;
	v2 =	vld.idx.msk [tilespmem:v2+s22+$0x0], $0xffff  }
0x36e: {  	v3 =	vadd.s32 s5, v20  }
0x36f: {  	s18 =	sand.u32 $0x3FFFFC00, s16  }
0x370: {  	s1 =	sadd.s32 $0x15300, s18  }
0x371: {  	[tilespmem:s1+$0x80] =	vst v1  }
0x372: {  	v0 =	vld.idx.msk [tilespmem:v0+s22+$0x0], $0xffff;
	[tilespmem:s2+$0x10] =	vst v2  }
0x373: {  	v1 =	vadd.s32 s12, v20;
	v2 =	vld.idx.msk [tilespmem:v3+s22+$0x0], $0xffff  }
0x374: {  	v3 =	vadd.s32 s5, v21;
	_ =	sdelay $0x2  }
0x375: {  	[tilespmem:s1+$0x90] =	vst v0  }
0x376: {  	v0 =	vld.idx.msk [tilespmem:v1+s22+$0x0], $0xffff;
	[tilespmem:s2+$0x20] =	vst v2  }
0x377: {  	v1 =	vadd.s32 s12, v21;
	v2 =	vld.idx.msk [tilespmem:v3+s22+$0x0], $0xffff  }
0x378: {  	s19 =	simm.s32 $0x100;
	v3 =	vadd.s32 s5, v22  }
0x379: {  	s20 =	simm.s32 $0x100;
	s4 =	sand.u32 $0xFFFFFC00, s19  }
0x37a: {  	s11 =	sand.u32 $0xFFFFFC00, s20;
	s10 =	sadd.s32 $0x100, s4  }
0x37b: {  	s18 =	sadd.s32 $0x180, s11;
	[tilespmem:s1+$0xA0] =	vst v0;
	v0 =	vadd.s32 s10, v16  }
0x37c: {  	v1 =	vld.idx.msk [tilespmem:v1+s22+$0x0], $0xffff;
	[tilespmem:s2+$0x30] =	vst v2;
	v2 =	vadd.s32 s18, v16  }
0x37d: {  	v4 =	vadd.s32 s12, v22;
	v3 =	vld.idx.msk [tilespmem:v3+s22+$0x0], $0xffff  }
0x37e: {  	v5 =	vadd.s32 s5, v23;
	_ =	sdelay $0x1  }
0x37f: {  	v0 =	vld.idx.msk [tilespmem:v0+s22+$0x0], $0xffff  }
0x380: {  	[tilespmem:s1+$0xB0] =	vst v1;
	v1 =	vld.idx.msk [tilespmem:v2+s22+$0x0], $0xffff;
	v2 =	vadd.s32 s10, v19  }
0x381: {  	v6 =	vadd.s32 s18, v19;
	v4 =	vld.idx.msk [tilespmem:v4+s22+$0x0], $0xffff;
	[tilespmem:s2+$0x40] =	vst v3  }
0x382: {  	s3 =	sand.u32 $0x3FFFFC00, s19;
	v3 =	vadd.s32 s12, v23;
	v5 =	vld.idx.msk [tilespmem:v5+s22+$0x0], $0xffff  }
0x383: {  	s23 =	sand.u32 $0x3FFFFC00, s20;
	v7 =	vadd.s32 s5, v24;
	s7 =	sadd.s32 $0x15400, s3  }
0x384: {  	s3 =	sadd.s32 $0x15400, s23;
	[tilespmem:s7+$0x0] =	vst v0  }
0x385: {  	v0 =	vld.idx.msk [tilespmem:v2+s22+$0x0], $0xffff;
	[tilespmem:s3+$0x80] =	vst v1  }
0x386: {  	[tilespmem:s1+$0xC0] =	vst v4;
	v2 =	vadd.s32 s10, v20;
	v1 =	vld.idx.msk [tilespmem:v6+s22+$0x0], $0xffff  }
0x387: {  	v4 =	vadd.s32 s18, v20;
	v3 =	vld.idx.msk [tilespmem:v3+s22+$0x0], $0xffff;
	[tilespmem:s2+$0x50] =	vst v5  }
0x388: {  	v5 =	vadd.s32 s12, v24;
	v35 =	vld.idx.msk [tilespmem:v7+s22+$0x0], $0xffff  }
0x389: {  	v36 =	vadd.s32 s5, v25  }
0x38a: {  	[tilespmem:s7+$0x10] =	vst v0  }
0x38b: {  	v0 =	vld.idx.msk [tilespmem:v2+s22+$0x0], $0xffff;
	[tilespmem:s3+$0x90] =	vst v1  }
0x38c: {  	[tilespmem:s1+$0xD0] =	vst v3;
	v2 =	vadd.s32 s10, v21;
	v1 =	vld.idx.msk [tilespmem:v4+s22+$0x0], $0xffff  }
0x38d: {  	s8 =	simm.s32 $0x200;
	v3 =	vadd.s32 s18, v21;
	v4 =	vld.idx.msk [tilespmem:v5+s22+$0x0], $0xffff;
	[tilespmem:s2+$0x60] =	vst v35  }
0x38e: {  	s13 =	sand.u32 $0xFFFFFC00, s8;
	s19 =	simm.s32 $0x300;
	v5 =	vadd.s32 s12, v25;
	v6 =	vld.idx.msk [tilespmem:v36+s22+$0x0], $0xffff  }
0x38f: {  	v37 =	vadd.s32 s5, v26;
	s14 =	sadd.s32 $0x200, s13;
	s16 =	sand.u32 $0xFFFFFC00, s19  }
0x390: {  	v8 =	vadd.s32 s14, v16;
	s29 =	sadd.s32 $0x380, s16;
	[tilespmem:s7+$0x20] =	vst v0  }
0x391: {  	v52 =	vadd.s32 s29, v16;
	v0 =	vld.idx.msk [tilespmem:v2+s22+$0x0], $0xffff;
	[tilespmem:s3+$0xA0] =	vst v1  }
0x392: {  	[tilespmem:s1+$0xE0] =	vst v4;
	v2 =	vadd.s32 s10, v22;
	v1 =	vld.idx.msk [tilespmem:v3+s22+$0x0], $0xffff  }
0x393: {  	v3 =	vadd.s32 s18, v22;
	v4 =	vld.idx.msk [tilespmem:v5+s22+$0x0], $0xffff;
	[tilespmem:s2+$0x70] =	vst v6  }
0x394: {  	s15 =	simm.s32 $0x200;
	v5 =	vadd.s32 s12, v26;
	v6 =	vld.idx.msk [tilespmem:v37+s22+$0x0], $0xffff  }
0x395: {  	s4 =	sand.u32 $0xFFFFFC00, s15;
	v38 =	vadd.s32 s5, v27;
	v8 =	vld.idx.msk [tilespmem:v8+s22+$0x0], $0xffff  }
0x396: {  	v10 =	vadd.s32 s14, v19;
	s23 =	sadd.s32 $0x280, s4;
	v55 =	vld.idx.msk [tilespmem:v52+s22+$0x0], $0xffff;
	[tilespmem:s7+$0x30] =	vst v0  }
0x397: {  	v0 =	vadd.s32 s23, v16;
	v2 =	vld.idx.msk [tilespmem:v2+s22+$0x0], $0xffff;
	[tilespmem:s3+$0xB0] =	vst v1  }
0x398: {  	s8 =	sand.u32 $0x3FFFFC00, s8;
	[tilespmem:s1+$0xF0] =	vst v4;
	v1 =	vld.idx.msk [tilespmem:v3+s22+$0x0], $0xffff;
	v3 =	vadd.s32 s10, v23  }
0x399: {  	s13 =	sadd.s32 $0x15500, s8;
	s28 =	sand.u32 $0x3FFFFC00, s19;
	v4 =	vadd.s32 s18, v23;
	v5 =	vld.idx.msk [tilespmem:v5+s22+$0x0], $0xffff;
	[tilespmem:s2+$0x400] =	vst v6  }
0x39a: {  	v39 =	vadd.s32 s12, v27;
	s16 =	sadd.s32 $0x15600, s28;
	[tilespmem:s13+$0x0] =	vst v8;
	v7 =	vld.idx.msk [tilespmem:v38+s22+$0x0], $0xffff  }
0x39b: {  	v9 =	vadd.s32 s5, v28;
	v42 =	vld.idx.msk [tilespmem:v10+s22+$0x0], $0xffff;
	[tilespmem:s16+$0x80] =	vst v55  }
0x39c: {  	v43 =	vadd.s32 s14, v20;
	v0 =	vld.idx.msk [tilespmem:v0+s22+$0x0], $0xffff;
	[tilespmem:s7+$0x40] =	vst v2  }
0x39d: {  	v2 =	vadd.s32 s23, v19;
	v3 =	vld.idx.msk [tilespmem:v3+s22+$0x0], $0xffff;
	[tilespmem:s3+$0xC0] =	vst v1  }
0x39e: {  	[tilespmem:s1+$0x480] =	vst v5;
	v1 =	vld.idx.msk [tilespmem:v4+s22+$0x0], $0xffff;
	v4 =	vadd.s32 s10, v24  }
0x39f: {  	s15 =	sand.u32 $0x3FFFFC00, s15;
	v5 =	vadd.s32 s18, v24;
	v6 =	vld.idx.msk [tilespmem:v39+s22+$0x0], $0xffff;
	[tilespmem:s2+$0x410] =	vst v7  }
0x3a0: {  	v40 =	vadd.s32 s12, v28;
	s20 =	sadd.s32 $0x15500, s15;
	[tilespmem:s13+$0x10] =	vst v42;
	v41 =	vld.idx.msk [tilespmem:v9+s22+$0x0], $0xffff  }
0x3a1: {  	[tilespmem:s20+$0x80] =	vst v0;
	v0 =	vadd.s32 s5, v29;
	v9 =	vld.idx.msk [tilespmem:v43+s22+$0x0], $0xffff  }
0x3a2: {  	v46 =	vadd.s32 s14, v21;
	v2 =	vld.idx.msk [tilespmem:v2+s22+$0x0], $0xffff;
	[tilespmem:s7+$0x50] =	vst v3  }
0x3a3: {  	v3 =	vadd.s32 s23, v20;
	v4 =	vld.idx.msk [tilespmem:v4+s22+$0x0], $0xffff;
	[tilespmem:s3+$0xD0] =	vst v1  }
0x3a4: {  	[tilespmem:s1+$0x490] =	vst v6;
	v1 =	vld.idx.msk [tilespmem:v5+s22+$0x0], $0xffff;
	v5 =	vadd.s32 s10, v25  }
0x3a5: {  	v57 =	vadd.s32 s29, v19;
	v7 =	vld.idx.msk [tilespmem:v40+s22+$0x0], $0xffff;
	[tilespmem:s2+$0x420] =	vst v41  }
0x3a6: {  	v44 =	vadd.s32 s18, v25;
	[tilespmem:s13+$0x20] =	vst v9;
	v0 =	vld.idx.msk [tilespmem:v0+s22+$0x0], $0xffff  }
0x3a7: {  	v45 =	vadd.s32 s12, v29;
	[tilespmem:s20+$0x90] =	vst v2;
	v9 =	vld.idx.msk [tilespmem:v46+s22+$0x0], $0xffff  }
0x3a8: {  	v2 =	vadd.s32 s5, v30;
	v3 =	vld.idx.msk [tilespmem:v3+s22+$0x0], $0xffff;
	[tilespmem:s7+$0x60] =	vst v4  }
0x3a9: {  	v4 =	vadd.s32 s23, v21;
	v5 =	vld.idx.msk [tilespmem:v5+s22+$0x0], $0xffff;
	[tilespmem:s3+$0xE0] =	vst v1  }
0x3aa: {  	v50 =	vadd.s32 s14, v22;
	[tilespmem:s1+$0x4A0] =	vst v7;
	v7 =	vld.idx.msk [tilespmem:v57+s22+$0x0], $0xffff  }
0x3ab: {  	v47 =	vadd.s32 s10, v26;
	v1 =	vld.idx.msk [tilespmem:v44+s22+$0x0], $0xffff;
	[tilespmem:s2+$0x430] =	vst v0  }
0x3ac: {  	v62 =	vadd.s32 s29, v20;
	v0 =	vld.idx.msk [tilespmem:v45+s22+$0x0], $0xffff;
	[tilespmem:s13+$0x30] =	vst v9  }
0x3ad: {  	v48 =	vadd.s32 s18, v26;
	v2 =	vld.idx.msk [tilespmem:v2+s22+$0x0], $0xffff;
	[tilespmem:s20+$0xA0] =	vst v3  }
0x3ae: {  	v3 =	vadd.s32 s5, v31;
	v4 =	vld.idx.msk [tilespmem:v4+s22+$0x0], $0xffff;
	[tilespmem:s7+$0x70] =	vst v5  }
0x3af: {  	s25 =	simm.s32 $0x300;
	v9 =	vld.idx.msk [tilespmem:v50+s22+$0x0], $0xffff;
	v5 =	vadd.s32 s23, v22;
	[tilespmem:s16+$0x90] =	vst v7  }
0x3b0: {  	s26 =	sand.u32 $0xFFFFFC00, s25;
	v49 =	vadd.s32 s12, v30;
	v6 =	vld.idx.msk [tilespmem:v47+s22+$0x0], $0xffff;
	[tilespmem:s3+$0xF0] =	vst v1  }
0x3b1: {  	s15 =	sadd.s32 $0x300, s26;
	v7 =	vld.idx.msk [tilespmem:v62+s22+$0x0], $0xffff;
	[tilespmem:s1+$0x4B0] =	vst v0;
	v0 =	vadd.s32 s10, v27  }
0x3b2: {  	v51 =	vadd.s32 s15, v16;
	v1 =	vld.idx.msk [tilespmem:v48+s22+$0x0], $0xffff;
	[tilespmem:s2+$0x440] =	vst v2  }
0x3b3: {  	v53 =	vadd.s32 s14, v23;
	v3 =	vld.idx.msk [tilespmem:v3+s22+$0x0], $0xffff;
	[tilespmem:s20+$0xB0] =	vst v4  }
0x3b4: {  	[tilespmem:s13+$0x40] =	vst v9;
	v4 =	vadd.s32 s5, v32;
	v5 =	vld.idx.msk [tilespmem:v5+s22+$0x0], $0xffff  }
0x3b5: {  	v54 =	vadd.s32 s23, v23;
	v2 =	vld.idx.msk [tilespmem:v49+s22+$0x0], $0xffff;
	[tilespmem:s7+$0x400] =	vst v6  }
0x3b6: {  	v11 =	vadd.s32 s18, v27;
	[tilespmem:s16+$0xA0] =	vst v7;
	v0 =	vld.idx.msk [tilespmem:v0+s22+$0x0], $0xffff  }
0x3b7: {  	v56 =	vadd.s32 s10, v28;
	[tilespmem:s3+$0x480] =	vst v1;
	v1 =	vld.idx.msk [tilespmem:v51+s22+$0x0], $0xffff  }
0x3b8: {  	v10 =	vld.idx.msk [tilespmem:v53+s22+$0x0], $0xffff;
	[tilespmem:s2+$0x450] =	vst v3;
	v3 =	vadd.s32 s15, v19  }
0x3b9: {  	v58 =	vadd.s32 s14, v24;
	v4 =	vld.idx.msk [tilespmem:v4+s22+$0x0], $0xffff;
	[tilespmem:s20+$0xC0] =	vst v5  }
0x3ba: {  	s8 =	sand.u32 $0x3FFFFC00, s25;
	[tilespmem:s1+$0x4C0] =	vst v2;
	v5 =	vadd.s32 s5, v33;
	v2 =	vld.idx.msk [tilespmem:v54+s22+$0x0], $0xffff  }
0x3bb: {  	v59 =	vadd.s32 s23, v24;
	s5 =	sadd.s32 $0x15600, s8;
	[tilespmem:s7+$0x410] =	vst v0;
	v0 =	vld.idx.msk [tilespmem:v11+s22+$0x0], $0xffff  }
0x3bc: {  	v60 =	vadd.s32 s18, v28;
	[tilespmem:s5+$0x0] =	vst v1;
	v1 =	vld.idx.msk [tilespmem:v56+s22+$0x0], $0xffff  }
0x3bd: {  	v61 =	vadd.s32 s10, v29;
	[tilespmem:s13+$0x50] =	vst v10;
	v3 =	vld.idx.msk [tilespmem:v3+s22+$0x0], $0xffff  }
0x3be: {  	v6 =	vld.idx.msk [tilespmem:v58+s22+$0x0], $0xffff;
	[tilespmem:s2+$0x460] =	vst v4;
	v4 =	vadd.s32 s15, v20  }
0x3bf: {  	v5 =	vld.idx.msk [tilespmem:v5+s22+$0x0], $0xffff;
	[tilespmem:s20+$0xD0] =	vst v2  }
0x3c0: {  	v11 =	vld.idx.msk [tilespmem:v59+s22+$0x0], $0xffff;
	[tilespmem:s3+$0x490] =	vst v0  }
0x3c1: {  	v12 =	vadd.s32 s12, v32;
	v2 =	vadd.s32 s12, v31;
	[tilespmem:s7+$0x420] =	vst v1;
	v1 =	vld.idx.msk [tilespmem:v60+s22+$0x0], $0xffff  }
0x3c2: {  	v13 =	vadd.s32 s23, v25;
	v0 =	vadd.s32 s14, v25;
	[tilespmem:s5+$0x10] =	vst v3;
	v3 =	vld.idx.msk [tilespmem:v61+s22+$0x0], $0xffff  }
0x3c3: {  	v63 =	vadd.s32 s18, v29;
	v52 =	vadd.s32 s29, v28;
	v42 =	vadd.s32 s18, v30;
	[tilespmem:s13+$0x60] =	vst v6;
	v4 =	vld.idx.msk [tilespmem:v4+s22+$0x0], $0xffff  }
0x3c4: {  	v35 =	vadd.s32 s18, v33;
	v36 =	vadd.s32 s18, v32;
	v37 =	vadd.s32 s12, v33;
	[tilespmem:s2+$0x470] =	vst v5  }
0x3c5: {  	v38 =	vadd.s32 s23, v33;
	v39 =	vadd.s32 s18, v31;
	v9 =	vadd.s32 s10, v30;
	[tilespmem:s20+$0xE0] =	vst v11  }
0x3c6: {  	v55 =	vadd.s32 s29, v25;
	v43 =	vadd.s32 s29, v32;
	v5 =	vadd.s32 s15, v21;
	v14 =	vld.idx.msk [tilespmem:v2+s22+$0x0], $0xffff;
	[tilespmem:s3+$0x4A0] =	vst v1  }
0x3c7: {  	v40 =	vadd.s32 s23, v32;
	v41 =	vadd.s32 s23, v31;
	v2 =	vadd.s32 s29, v21;
	v34 =	vld.idx.msk [tilespmem:v0+s22+$0x0], $0xffff;
	[tilespmem:s7+$0x430] =	vst v3  }
0x3c8: {  	v46 =	vadd.s32 s29, v31;
	v57 =	vadd.s32 s29, v22;
	v44 =	vadd.s32 s29, v33;
	v0 =	vld.idx.msk [tilespmem:v13+s22+$0x0], $0xffff;
	[tilespmem:s5+$0x20] =	vst v4  }
0x3c9: {  	v45 =	vadd.s32 s23, v30;
	v50 =	vadd.s32 s29, v29;
	v47 =	vadd.s32 s23, v29;
	v62 =	vld.idx.msk [tilespmem:v63+s22+$0x0], $0xffff;
	s2 =	rddreg [dreg:$0x5]  }
0x3ca: {  	v48 =	vadd.s32 s23, v28;
	v49 =	vadd.s32 s23, v27;
	v53 =	vadd.s32 s29, v27;
	v61 =	vld.idx.msk [tilespmem:v9+s22+$0x0], $0xffff;
	s2 =	sadd.s32 s9, s2  }
0x3cb: {  	s30 =	simm.s32 $0x15600;
	v51 =	vadd.s32 s23, v26;
	v58 =	vadd.s32 s29, v23;
	v54 =	vadd.s32 s29, v30;
	v17 =	vld.idx.msk [tilespmem:v5+s22+$0x0], $0xffff;
	[dreg:$0x14] =	wrdreg s2  }
0x3cc: {  	s31 =	simm.s32 $0x8;
	s26 =	simm.s32 $0x6;
	s18 =	smov.u32 s3;
	v56 =	vadd.s32 s29, v24;
	v59 =	vadd.s32 s29, v26;
	v1 =	vadd.s32 s14, v26;
	v2 =	vld.idx.msk [tilespmem:v2+s22+$0x0], $0xffff;
	[tilespmem:s1+$0x4D0] =	vst v14  }
0x3cd: {  	s23 =	smov.u32 s1;
	v60 =	vadd.s32 s10, v31;
	s29 =	simm.s32 $0x380;
	v3 =	vadd.s32 s15, v22;
	s2 =	smov.u32 s20;
	[tilespmem:s13+$0x70] =	vst v34;
	v63 =	vld.idx.msk [tilespmem:v12+s22+$0x0], $0xffff  }
.LBB2_78:
0x3ce: {  	_ =	sdelay $0x2  }
0x3cf: {  	v1 =	vld.idx.msk [tilespmem:v1+s22+$0x0], $0xffff;
	[tilespmem:s2+$0xF0] =	vst v0  }
0x3d0: {  	s19 =	sadd.s32 $0x100, s19;
	v0 =	vld.idx.msk [tilespmem:v51+s22+$0x0], $0xffff;
	[tilespmem:s18+$0x4B0] =	vst v62  }
0x3d1: {  	s28 =	sshll.u32 s31, $0x7;
	s29 =	sadd.s32 $0x100, s29;
	s12 =	sand.u32 $0xFFFFFC00, s19;
	v5 =	vld.idx.msk [tilespmem:v42+s22+$0x0], $0xffff;
	[tilespmem:s16+$0xB0] =	vst v2  }
0x3d2: {  	v4 =	vadd.s32 s14, v27;
	s8 =	sand.u32 $0xFFFFFC00, s28;
	s12 =	sadd.s32 s29, s12;
	[tilespmem:s7+$0x440] =	vst v61  }
0x3d3: {  	s25 =	sadd.s32 s8, s19;
	v8 =	vadd.s32 s12, v16;
	v2 =	vld.idx.msk [tilespmem:v57+s22+$0x0], $0xffff;
	[tilespmem:s5+$0x30] =	vst v17  }
0x3d4: {  	v6 =	vadd.s32 s25, v16;
	[tilespmem:s23+$0x4E0] =	vst v63;
	v7 =	vld.idx.msk [tilespmem:v60+s22+$0x0], $0xffff  }
0x3d5: {  	v3 =	vld.idx.msk [tilespmem:v3+s22+$0x0], $0xffff;
	[tilespmem:s13+$0x400] =	vst v1  }
0x3d6: {  	v11 =	vadd.s32 s10, v32;
	v1 =	vld.idx.msk [tilespmem:v37+s22+$0x0], $0xffff;
	[tilespmem:s2+$0x480] =	vst v0  }
0x3d7: {  	v14 =	vadd.s32 s15, v23;
	v4 =	vld.idx.msk [tilespmem:v4+s22+$0x0], $0xffff;
	[tilespmem:s18+$0x4C0] =	vst v5  }
0x3d8: {  	v9 =	vadd.s32 s12, v19;
	v10 =	vadd.s32 s12, v20;
	v5 =	vld.idx.msk [tilespmem:v8+s22+$0x0], $0xffff;
	[tilespmem:s16+$0xC0] =	vst v2  }
0x3d9: {  	v51 =	vmovc v59;
	v12 =	vadd.s32 s12, v23;
	v13 =	vadd.s32 s12, v24;
	v15 =	vadd.s32 s12, v25;
	v0 =	vld.idx.msk [tilespmem:v6+s22+$0x0], $0xffff;
	[tilespmem:s7+$0x450] =	vst v7  }
0x3da: {  	v42 =	vmovc v45;
	v45 =	vmovc v54;
	v59 =	vadd.s32 s12, v26;
	v54 =	vadd.s32 s12, v30;
	v61 =	vadd.s32 s14, v28;
	v2 =	vld.idx.msk [tilespmem:v58+s22+$0x0], $0xffff;
	[tilespmem:s5+$0x40] =	vst v3  }
0x3db: {  	v34 =	vadd.s32 s12, v32;
	v57 =	vadd.s32 s12, v22;
	v16 =	vadd.s32 s12, v27;
	v3 =	vld.idx.msk [tilespmem:v11+s22+$0x0], $0xffff  }
0x3dc: {  	s30 =	sadd.s32 $0x100, s30;
	s28 =	sand.u32 $0x3FFFFC00, s28;
	v17 =	vadd.s32 s12, v29;
	v60 =	vadd.s32 s12, v21;
	v37 =	vmovc v35;
	v7 =	vadd.s32 s25, v19;
	[tilespmem:s23+$0x4F0] =	vst v1;
	v62 =	vld.idx.msk [tilespmem:v14+s22+$0x0], $0xffff  }
0x3dd: {  	s8 =	sand.u32 $0x3FFFFC00, s19;
	v35 =	vmovc v38;
	v38 =	vmovc v44;
	v44 =	vadd.s32 s12, v33;
	v6 =	vadd.s32 s12, v28;
	v8 =	vadd.s32 s12, v31;
	s12 =	sadd.s32 s28, s30;
	[tilespmem:s13+$0x410] =	vst v4;
	v4 =	vld.idx.msk [tilespmem:v49+s22+$0x0], $0xffff  }
0x3de: {  	s8 =	sadd.s32 s8, s30;
	[tilespmem:s12+$0x0] =	vst v0  }
0x3df: {  	v63 =	vadd.s32 s10, v33;
	s23 =	smov.u32 s18;
	s18 =	smov.u32 s2;
	s2 =	smov.u32 s16;
	[tilespmem:s8+$0x80] =	vst v5;
	v0 =	vld.idx.msk [tilespmem:v61+s22+$0x0], $0xffff  }
0x3e0: {  	v1 =	vadd.s32 s15, v24;
	v5 =	vld.idx.msk [tilespmem:v9+s22+$0x0], $0xffff;
	[tilespmem:s2+$0xD0] =	vst v2  }
0x3e1: {  	v7 =	vld.idx.msk [tilespmem:v7+s22+$0x0], $0xffff;
	[tilespmem:s7+$0x460] =	vst v3  }
0x3e2: {  	s10 =	smov.u32 s14;
	v2 =	vld.idx.msk [tilespmem:v56+s22+$0x0], $0xffff;
	[tilespmem:s18+$0x490] =	vst v4  }
0x3e3: {  	v61 =	vadd.s32 s10, v29;
	[tilespmem:s5+$0x50] =	vst v62;
	v62 =	vld.idx.msk [tilespmem:v48+s22+$0x0], $0xffff  }
0x3e4: {  	s14 =	smov.u32 s15;
	s15 =	smov.u32 s25;
	s16 =	smov.u32 s8;
	v11 =	vld.idx.msk [tilespmem:v63+s22+$0x0], $0xffff  }
0x3e5: {  	v3 =	vadd.s32 s15, v20;
	v1 =	vld.idx.msk [tilespmem:v1+s22+$0x0], $0xffff;
	[tilespmem:s16+$0x90] =	vst v5  }
0x3e6: {  	[tilespmem:s13+$0x420] =	vst v0;
	v5 =	vld.idx.msk [tilespmem:v10+s22+$0x0], $0xffff  }
0x3e7: {  	v4 =	vadd.s32 s14, v25;
	[tilespmem:s12+$0x10] =	vst v7;
	v14 =	vld.idx.msk [tilespmem:v39+s22+$0x0], $0xffff  }
0x3e8: {  	[tilespmem:s2+$0xE0] =	vst v2;
	v63 =	vld.idx.msk [tilespmem:v61+s22+$0x0], $0xffff  }
0x3e9: {  	v0 =	vld.idx.msk [tilespmem:v55+s22+$0x0], $0xffff;
	[tilespmem:s18+$0x4A0] =	vst v62  }
0x3ea: {  	v3 =	vld.idx.msk [tilespmem:v3+s22+$0x0], $0xffff;
	[tilespmem:s7+$0x470] =	vst v11;
	s7 =	smov.u32 s13;
	s13 =	smov.u32 s5  }
0x3eb: {  	s26 =	sadd.s32 $0x2, s26;
	v7 =	vadd.s32 s10, v30;
	v62 =	vld.idx.msk [tilespmem:v47+s22+$0x0], $0xffff;
	[tilespmem:s13+$0x60] =	vst v1  }
0x3ec: {  	p1 =	slt.u32 s26, $0x36;
	v56 =	vmov v13;
	v13 =	vadd.s32 s15, v21;
	[tilespmem:s16+$0xA0] =	vst v5;
	v4 =	vld.idx.msk [tilespmem:v4+s22+$0x0], $0xffff  }
.Ltmp47:
0x3ed: {  	v49 =	vmov v53;
	v53 =	vmov v16;
	v16 =	vld [tilespmem:$0x1FF00];
	[tilespmem:s7+$0x430] =	vst v63;
	(pc) =	sbr.rel @p1 .LBB2_78-.Ltmp47, $4  }
0x3ee: {  	s5 =	smov.u32 s12;
	v2 =	vld.idx.msk [tilespmem:v60+s22+$0x0], $0xffff;
	[tilespmem:s23+$0x4D0] =	vst v14  }
0x3ef: {  	v58 =	vmovc v12;
	v48 =	vmovc v52;
	v52 =	vmov v6;
	v39 =	vmov v41;
	v41 =	vmov v46;
	[tilespmem:s5+$0x20] =	vst v3;
	v63 =	vld.idx.msk [tilespmem:v36+s22+$0x0], $0xffff  }
0x3f0: {  	v46 =	vmovc v8;
	v55 =	vmovc v15;
	v47 =	vmov v50;
	v50 =	vmov v17;
	v1 =	vadd.s32 s14, v26;
	v61 =	vld.idx.msk [tilespmem:v7+s22+$0x0], $0xffff  }
0x3f1: {  	s31 =	sadd.s32 $0x2, s31;
	v60 =	vadd.s32 s10, v31;
	v3 =	vadd.s32 s15, v22;
	v36 =	vmovc v40;
	v40 =	vmovc v43;
	v43 =	vmov v34;
	v17 =	vld.idx.msk [tilespmem:v13+s22+$0x0], $0xffff;
	[tilespmem:s13+$0x70] =	vst v4  }
0x3f2: {  	_ =	sdelay $0x3  }
0x3f3: {  	[tilespmem:s5+$0x30] =	vst v17  }
0x3f4: {  	[tilespmem:s16+$0xB0] =	vst v2;
	v3 =	vld.idx.msk [tilespmem:v3+s22+$0x0], $0xffff  }
0x3f5: {  	v4 =	vadd.s32 s15, v23;
	v2 =	vld.idx.msk [tilespmem:v57+s22+$0x0], $0xffff;
	_ =	sdelay $0x3  }
0x3f6: {  	[tilespmem:s5+$0x40] =	vst v3  }
0x3f7: {  	[tilespmem:s16+$0xC0] =	vst v2;
	v3 =	vld.idx.msk [tilespmem:v4+s22+$0x0], $0xffff  }
0x3f8: {  	v2 =	vld.idx.msk [tilespmem:v58+s22+$0x0], $0xffff;
	v4 =	vadd.s32 s15, v24;
	_ =	sdelay $0x3  }
0x3f9: {  	[tilespmem:s5+$0x50] =	vst v3  }
0x3fa: {  	[tilespmem:s16+$0xD0] =	vst v2;
	v3 =	vld.idx.msk [tilespmem:v4+s22+$0x0], $0xffff  }
0x3fb: {  	v2 =	vld.idx.msk [tilespmem:v56+s22+$0x0], $0xffff;
	v4 =	vadd.s32 s15, v25;
	_ =	sdelay $0x3  }
0x3fc: {  	[tilespmem:s5+$0x60] =	vst v3  }
0x3fd: {  	[tilespmem:s16+$0xE0] =	vst v2;
	v3 =	vld.idx.msk [tilespmem:v4+s22+$0x0], $0xffff  }
0x3fe: {  	v2 =	vld.idx.msk [tilespmem:v55+s22+$0x0], $0xffff;
	v4 =	vadd.s32 s15, v26;
	_ =	sdelay $0x2  }
0x3ff: {  	v1 =	vld.idx.msk [tilespmem:v1+s22+$0x0], $0xffff;
	[tilespmem:s2+$0xF0] =	vst v0  }
0x400: {  	v5 =	vadd.s32 s14, v27;
	v0 =	vld.idx.msk [tilespmem:v51+s22+$0x0], $0xffff;
	[tilespmem:s5+$0x70] =	vst v3  }
0x401: {  	[tilespmem:s16+$0xF0] =	vst v2;
	v3 =	vld.idx.msk [tilespmem:v4+s22+$0x0], $0xffff  }
0x402: {  	v2 =	vld.idx.msk [tilespmem:v59+s22+$0x0], $0xffff;
	v4 =	vadd.s32 s15, v27;
	_ =	sdelay $0x1  }
0x403: {  	[tilespmem:s13+$0x400] =	vst v1  }
0x404: {  	v1 =	vld.idx.msk [tilespmem:v5+s22+$0x0], $0xffff;
	[tilespmem:s2+$0x480] =	vst v0  }
0x405: {  	v0 =	vadd.s32 s14, v28;
	v5 =	vld.idx.msk [tilespmem:v49+s22+$0x0], $0xffff;
	[tilespmem:s5+$0x400] =	vst v3  }
0x406: {  	[tilespmem:s16+$0x480] =	vst v2;
	v3 =	vld.idx.msk [tilespmem:v4+s22+$0x0], $0xffff  }
0x407: {  	v2 =	vadd.s32 s15, v28;
	v4 =	vld.idx.msk [tilespmem:v53+s22+$0x0], $0xffff;
	_ =	sdelay $0x1  }
0x408: {  	[tilespmem:s13+$0x410] =	vst v1  }
0x409: {  	v0 =	vld.idx.msk [tilespmem:v0+s22+$0x0], $0xffff;
	[tilespmem:s2+$0x490] =	vst v5  }
0x40a: {  	v1 =	vadd.s32 s14, v29;
	v5 =	vld.idx.msk [tilespmem:v48+s22+$0x0], $0xffff;
	[tilespmem:s5+$0x410] =	vst v3  }
0x40b: {  	[tilespmem:s16+$0x490] =	vst v4;
	v2 =	vld.idx.msk [tilespmem:v2+s22+$0x0], $0xffff  }
0x40c: {  	v3 =	vadd.s32 s15, v29;
	v4 =	vld.idx.msk [tilespmem:v52+s22+$0x0], $0xffff  }
0x40d: {  	[tilespmem:s18+$0x4B0] =	vst v62  }
0x40e: {  	[tilespmem:s13+$0x420] =	vst v0  }
0x40f: {  	v0 =	vld.idx.msk [tilespmem:v1+s22+$0x0], $0xffff;
	[tilespmem:s2+$0x4A0] =	vst v5  }
0x410: {  	v1 =	vadd.s32 s14, v30;
	v5 =	vld.idx.msk [tilespmem:v47+s22+$0x0], $0xffff;
	[tilespmem:s5+$0x420] =	vst v2  }
0x411: {  	[tilespmem:s16+$0x4A0] =	vst v4;
	v2 =	vld.idx.msk [tilespmem:v3+s22+$0x0], $0xffff  }
0x412: {  	[tilespmem:s23+$0x4E0] =	vst v63;
	v3 =	vadd.s32 s15, v30;
	v4 =	vld.idx.msk [tilespmem:v50+s22+$0x0], $0xffff  }
0x413: {  	v6 =	vld.idx.msk [tilespmem:v42+s22+$0x0], $0xffff;
	[tilespmem:s7+$0x440] =	vst v61  }
0x414: {  	v7 =	vld.idx.msk [tilespmem:v60+s22+$0x0], $0xffff;
	[tilespmem:s13+$0x430] =	vst v0  }
0x415: {  	v0 =	vld.idx.msk [tilespmem:v1+s22+$0x0], $0xffff;
	[tilespmem:s2+$0x4B0] =	vst v5  }
0x416: {  	v1 =	vadd.s32 s14, v31;
	v5 =	vld.idx.msk [tilespmem:v45+s22+$0x0], $0xffff;
	[tilespmem:s5+$0x430] =	vst v2  }
0x417: {  	[tilespmem:s16+$0x4B0] =	vst v4;
	v2 =	vld.idx.msk [tilespmem:v3+s22+$0x0], $0xffff  }
0x418: {  	[tilespmem:s18+$0x4C0] =	vst v6;
	v3 =	vadd.s32 s15, v31;
	v4 =	vld.idx.msk [tilespmem:v54+s22+$0x0], $0xffff  }
0x419: {  	v60 =	vld.idx.msk [tilespmem:v37+s22+$0x0], $0xffff;
	[tilespmem:s7+$0x450] =	vst v7  }
0x41a: {  	v61 =	vadd.s32 s10, v32;
	v8 =	vld.idx.msk [tilespmem:v39+s22+$0x0], $0xffff;
	[tilespmem:s13+$0x440] =	vst v0  }
0x41b: {  	v0 =	vld.idx.msk [tilespmem:v1+s22+$0x0], $0xffff;
	[tilespmem:s2+$0x4C0] =	vst v5  }
0x41c: {  	v1 =	vadd.s32 s14, v32;
	v5 =	vld.idx.msk [tilespmem:v41+s22+$0x0], $0xffff;
	[tilespmem:s5+$0x440] =	vst v2  }
0x41d: {  	[tilespmem:s16+$0x4C0] =	vst v4;
	v2 =	vld.idx.msk [tilespmem:v3+s22+$0x0], $0xffff  }
0x41e: {  	[tilespmem:s23+$0x4F0] =	vst v60;
	v3 =	vadd.s32 s15, v32;
	v4 =	vld.idx.msk [tilespmem:v46+s22+$0x0], $0xffff  }
0x41f: {  	v62 =	vld.idx.msk [tilespmem:v61+s22+$0x0], $0xffff;
	[tilespmem:s18+$0x4D0] =	vst v8  }
0x420: {  	v63 =	vadd.s32 s10, v33;
	v8 =	vld.idx.msk [tilespmem:v36+s22+$0x0], $0xffff;
	[tilespmem:s13+$0x450] =	vst v0  }
0x421: {  	v0 =	vld.idx.msk [tilespmem:v1+s22+$0x0], $0xffff;
	[tilespmem:s2+$0x4D0] =	vst v5  }
0x422: {  	v1 =	vadd.s32 s14, v33;
	v5 =	vld.idx.msk [tilespmem:v40+s22+$0x0], $0xffff;
	[tilespmem:s5+$0x450] =	vst v2  }
0x423: {  	[tilespmem:s16+$0x4D0] =	vst v4;
	v2 =	vld.idx.msk [tilespmem:v3+s22+$0x0], $0xffff  }
0x424: {  	[tilespmem:s7+$0x460] =	vst v62;
	v3 =	vadd.s32 s15, v33;
	v4 =	vld.idx.msk [tilespmem:v43+s22+$0x0], $0xffff  }
0x425: {  	v6 =	vld.idx.msk [tilespmem:v63+s22+$0x0], $0xffff;
	[tilespmem:s18+$0x4E0] =	vst v8  }
0x426: {  	v11 =	vld.idx.msk [tilespmem:v35+s22+$0x0], $0xffff;
	[tilespmem:s13+$0x460] =	vst v0  }
0x427: {  	v0 =	vld.idx.msk [tilespmem:v1+s22+$0x0], $0xffff;
	[tilespmem:s2+$0x4E0] =	vst v5  }
0x428: {  	v1 =	vld.idx.msk [tilespmem:v38+s22+$0x0], $0xffff;
	[tilespmem:s5+$0x460] =	vst v2  }
0x429: {  	s8 =	sadd.s32 $0x0, s17;
	[tilespmem:s16+$0x4E0] =	vst v4;
	v2 =	vld.idx.msk [tilespmem:v3+s22+$0x0], $0xffff  }
0x42a: {  	s19 =	sadd.s32 $0x3880, s8;
	[tilespmem:s7+$0x470] =	vst v6;
	v3 =	vld.idx.msk [tilespmem:v44+s22+$0x0], $0xffff  }
0x42b: {  	[tilespmem:s18+$0x4F0] =	vst v11;
	v4 =	vadd.s32 s19, v16  }
0x42c: {  	[tilespmem:s13+$0x470] =	vst v0  }
0x42d: {  	[tilespmem:s2+$0x4F0] =	vst v1  }
0x42e: {  	[tilespmem:s5+$0x470] =	vst v2  }
0x42f: {  	s23 =	sadd.s32 $0x3800, s8;
	[tilespmem:s16+$0x4F0] =	vst v3  }
0x430: {  	v0 =	vadd.s32 s23, v16;
	v1 =	vld.idx.msk [tilespmem:v4+s22+$0x0], $0xffff  }
0x431: {  	v2 =	vadd.s32 s19, v19;
	_ =	sdelay $0x3  }
0x432: {  	v0 =	vld.idx.msk [tilespmem:v0+s22+$0x0], $0xffff;
	[tilespmem:s1+$0x3880] =	vst v1  }
0x433: {  	v1 =	vadd.s32 s23, v19;
	v2 =	vld.idx.msk [tilespmem:v2+s22+$0x0], $0xffff  }
0x434: {  	v3 =	vadd.s32 s19, v20;
	_ =	sdelay $0x2  }
0x435: {  	[tilespmem:s1+$0x3800] =	vst v0  }
0x436: {  	v0 =	vld.idx.msk [tilespmem:v1+s22+$0x0], $0xffff;
	[tilespmem:s1+$0x3890] =	vst v2  }
0x437: {  	v1 =	vadd.s32 s23, v20;
	v2 =	vld.idx.msk [tilespmem:v3+s22+$0x0], $0xffff  }
0x438: {  	v3 =	vadd.s32 s19, v21;
	_ =	sdelay $0x2  }
0x439: {  	[tilespmem:s1+$0x3810] =	vst v0  }
0x43a: {  	v0 =	vld.idx.msk [tilespmem:v1+s22+$0x0], $0xffff;
	[tilespmem:s1+$0x38A0] =	vst v2  }
0x43b: {  	v1 =	vadd.s32 s23, v21;
	v2 =	vld.idx.msk [tilespmem:v3+s22+$0x0], $0xffff  }
0x43c: {  	v3 =	vadd.s32 s19, v22  }
0x43d: {  	s25 =	sadd.s32 $0x100, s11  }
0x43e: {  	s7 =	sadd.s32 $0x3880, s25  }
0x43f: {  	s11 =	sadd.s32 $0x3800, s25;
	[tilespmem:s1+$0x3820] =	vst v0;
	v0 =	vadd.s32 s7, v16  }
0x440: {  	v4 =	vadd.s32 s11, v16;
	v1 =	vld.idx.msk [tilespmem:v1+s22+$0x0], $0xffff;
	[tilespmem:s1+$0x38B0] =	vst v2  }
0x441: {  	v2 =	vadd.s32 s23, v22;
	v3 =	vld.idx.msk [tilespmem:v3+s22+$0x0], $0xffff  }
0x442: {  	v5 =	vadd.s32 s19, v23;
	_ =	sdelay $0x1  }
0x443: {  	v0 =	vld.idx.msk [tilespmem:v0+s22+$0x0], $0xffff  }
0x444: {  	[tilespmem:s1+$0x3830] =	vst v1;
	v1 =	vld.idx.msk [tilespmem:v4+s22+$0x0], $0xffff;
	v4 =	vadd.s32 s7, v19  }
0x445: {  	v2 =	vld.idx.msk [tilespmem:v2+s22+$0x0], $0xffff;
	[tilespmem:s1+$0x38C0] =	vst v3  }
0x446: {  	v12 =	vadd.s32 s11, v19;
	v5 =	vld.idx.msk [tilespmem:v5+s22+$0x0], $0xffff  }
0x447: {  	v13 =	vadd.s32 s19, v24  }
0x448: {  	v3 =	vadd.s32 s23, v23;
	[tilespmem:s3+$0x3880] =	vst v0  }
0x449: {  	[tilespmem:s3+$0x3800] =	vst v1;
	v0 =	vld.idx.msk [tilespmem:v4+s22+$0x0], $0xffff  }
0x44a: {  	[tilespmem:s1+$0x3840] =	vst v2;
	v2 =	vadd.s32 s7, v20  }
0x44b: {  	v1 =	vld.idx.msk [tilespmem:v12+s22+$0x0], $0xffff;
	[tilespmem:s1+$0x38D0] =	vst v5  }
0x44c: {  	v4 =	vadd.s32 s11, v20;
	v14 =	vld.idx.msk [tilespmem:v13+s22+$0x0], $0xffff  }
0x44d: {  	v34 =	vadd.s32 s19, v25;
	v3 =	vld.idx.msk [tilespmem:v3+s22+$0x0], $0xffff  }
0x44e: {  	v5 =	vadd.s32 s23, v24;
	[tilespmem:s3+$0x3890] =	vst v0  }
0x44f: {  	v0 =	vld.idx.msk [tilespmem:v2+s22+$0x0], $0xffff  }
0x450: {  	[tilespmem:s3+$0x3810] =	vst v1;
	v2 =	vadd.s32 s7, v21  }
0x451: {  	v1 =	vld.idx.msk [tilespmem:v4+s22+$0x0], $0xffff;
	[tilespmem:s1+$0x38E0] =	vst v14  }
0x452: {  	[tilespmem:s1+$0x3850] =	vst v3;
	v3 =	vadd.s32 s11, v21;
	v6 =	vld.idx.msk [tilespmem:v34+s22+$0x0], $0xffff  }
0x453: {  	v35 =	vadd.s32 s19, v26;
	v4 =	vld.idx.msk [tilespmem:v5+s22+$0x0], $0xffff  }
0x454: {  	s26 =	sadd.s32 $0x200, s4;
	v5 =	vadd.s32 s23, v25;
	[tilespmem:s3+$0x38A0] =	vst v0  }
0x455: {  	s4 =	sadd.s32 $0x3880, s26;
	v0 =	vld.idx.msk [tilespmem:v2+s22+$0x0], $0xffff  }
0x456: {  	v37 =	vadd.s32 s4, v16;
	[tilespmem:s3+$0x3820] =	vst v1  }
0x457: {  	v2 =	vadd.s32 s7, v22;
	v1 =	vld.idx.msk [tilespmem:v3+s22+$0x0], $0xffff;
	[tilespmem:s1+$0x38F0] =	vst v6  }
0x458: {  	[tilespmem:s1+$0x3860] =	vst v4;
	v3 =	vadd.s32 s11, v22;
	v6 =	vld.idx.msk [tilespmem:v35+s22+$0x0], $0xffff  }
0x459: {  	s28 =	sadd.s32 $0x3800, s26;
	v36 =	vadd.s32 s19, v27;
	v4 =	vld.idx.msk [tilespmem:v5+s22+$0x0], $0xffff  }
0x45a: {  	[tilespmem:s3+$0x38B0] =	vst v0;
	v0 =	vadd.s32 s28, v16  }
0x45b: {  	v8 =	vld.idx.msk [tilespmem:v37+s22+$0x0], $0xffff;
	v5 =	vadd.s32 s23, v26  }
0x45c: {  	[tilespmem:s3+$0x3830] =	vst v1;
	v1 =	vld.idx.msk [tilespmem:v2+s22+$0x0], $0xffff  }
0x45d: {  	v2 =	vld.idx.msk [tilespmem:v3+s22+$0x0], $0xffff;
	v3 =	vadd.s32 s7, v23;
	[tilespmem:s1+$0x3C80] =	vst v6  }
0x45e: {  	[tilespmem:s1+$0x3870] =	vst v4;
	v4 =	vadd.s32 s11, v23;
	v7 =	vld.idx.msk [tilespmem:v36+s22+$0x0], $0xffff  }
0x45f: {  	v10 =	vadd.s32 s4, v19;
	v0 =	vld.idx.msk [tilespmem:v0+s22+$0x0], $0xffff  }
0x460: {  	v9 =	vadd.s32 s19, v28;
	[tilespmem:s20+$0x3880] =	vst v8;
	v5 =	vld.idx.msk [tilespmem:v5+s22+$0x0], $0xffff  }
0x461: {  	[tilespmem:s3+$0x38C0] =	vst v1;
	v1 =	vadd.s32 s28, v19  }
0x462: {  	[tilespmem:s3+$0x3840] =	vst v2;
	v2 =	vld.idx.msk [tilespmem:v3+s22+$0x0], $0xffff  }
0x463: {  	v38 =	vadd.s32 s23, v27;
	v3 =	vld.idx.msk [tilespmem:v4+s22+$0x0], $0xffff;
	[tilespmem:s1+$0x3C90] =	vst v7  }
0x464: {  	v4 =	vadd.s32 s7, v24;
	[tilespmem:s20+$0x3800] =	vst v0;
	v0 =	vld.idx.msk [tilespmem:v10+s22+$0x0], $0xffff  }
0x465: {  	s29 =	simm.s32 $0x300;
	[tilespmem:s1+$0x3C00] =	vst v5;
	v5 =	vadd.s32 s11, v24;
	v40 =	vld.idx.msk [tilespmem:v9+s22+$0x0], $0xffff  }
0x466: {  	s30 =	sand.u32 $0xFFFFFC00, s29;
	v42 =	vadd.s32 s4, v20;
	v1 =	vld.idx.msk [tilespmem:v1+s22+$0x0], $0xffff  }
0x467: {  	s12 =	sadd.s32 $0x300, s30;
	v41 =	vadd.s32 s19, v29;
	[tilespmem:s3+$0x38D0] =	vst v2  }
0x468: {  	s31 =	sadd.s32 $0x3800, s12;
	v6 =	vld.idx.msk [tilespmem:v38+s22+$0x0], $0xffff;
	v2 =	vadd.s32 s28, v20;
	[tilespmem:s3+$0x3850] =	vst v3  }
0x469: {  	v53 =	vadd.s32 s31, v16;
	v3 =	vld.idx.msk [tilespmem:v4+s22+$0x0], $0xffff;
	[tilespmem:s20+$0x3890] =	vst v0  }
0x46a: {  	v39 =	vadd.s32 s23, v28;
	v4 =	vld.idx.msk [tilespmem:v5+s22+$0x0], $0xffff;
	[tilespmem:s1+$0x3CA0] =	vst v40  }
0x46b: {  	v5 =	vadd.s32 s7, v25;
	[tilespmem:s20+$0x3810] =	vst v1;
	v1 =	vld.idx.msk [tilespmem:v42+s22+$0x0], $0xffff  }
0x46c: {  	v43 =	vadd.s32 s11, v25;
	v0 =	vld.idx.msk [tilespmem:v41+s22+$0x0], $0xffff  }
0x46d: {  	v46 =	vadd.s32 s4, v21;
	[tilespmem:s1+$0x3C10] =	vst v6;
	v2 =	vld.idx.msk [tilespmem:v2+s22+$0x0], $0xffff  }
0x46e: {  	v45 =	vadd.s32 s19, v30;
	v56 =	vld.idx.msk [tilespmem:v53+s22+$0x0], $0xffff;
	[tilespmem:s3+$0x38E0] =	vst v3  }
0x46f: {  	v7 =	vld.idx.msk [tilespmem:v39+s22+$0x0], $0xffff;
	v3 =	vadd.s32 s28, v21;
	[tilespmem:s3+$0x3860] =	vst v4  }
0x470: {  	v58 =	vadd.s32 s31, v19;
	v4 =	vld.idx.msk [tilespmem:v5+s22+$0x0], $0xffff;
	[tilespmem:s20+$0x38A0] =	vst v1  }
0x471: {  	s8 =	sand.u32 $0x3FFFFC00, s29;
	v44 =	vadd.s32 s23, v29;
	v5 =	vld.idx.msk [tilespmem:v43+s22+$0x0], $0xffff;
	[tilespmem:s1+$0x3CB0] =	vst v0  }
0x472: {  	s10 =	sadd.s32 $0x15600, s8;
	v47 =	vadd.s32 s7, v26;
	[tilespmem:s20+$0x3820] =	vst v2;
	v2 =	vld.idx.msk [tilespmem:v46+s22+$0x0], $0xffff  }
0x473: {  	v48 =	vadd.s32 s11, v26;
	[tilespmem:s10+$0x3800] =	vst v56;
	v1 =	vld.idx.msk [tilespmem:v45+s22+$0x0], $0xffff  }
0x474: {  	v50 =	vadd.s32 s4, v22;
	[tilespmem:s1+$0x3C20] =	vst v7;
	v3 =	vld.idx.msk [tilespmem:v3+s22+$0x0], $0xffff  }
0x475: {  	v49 =	vadd.s32 s19, v31;
	v6 =	vld.idx.msk [tilespmem:v58+s22+$0x0], $0xffff;
	[tilespmem:s3+$0x38F0] =	vst v4  }
0x476: {  	v8 =	vld.idx.msk [tilespmem:v44+s22+$0x0], $0xffff;
	v4 =	vadd.s32 s28, v22;
	[tilespmem:s3+$0x3870] =	vst v5  }
0x477: {  	v0 =	vadd.s32 s23, v30;
	v5 =	vld.idx.msk [tilespmem:v47+s22+$0x0], $0xffff;
	[tilespmem:s20+$0x38B0] =	vst v2  }
0x478: {  	v52 =	vadd.s32 s7, v27;
	v51 =	vld.idx.msk [tilespmem:v48+s22+$0x0], $0xffff;
	[tilespmem:s1+$0x3CC0] =	vst v1  }
0x479: {  	v11 =	vadd.s32 s11, v27;
	s5 =	sadd.s32 $0x3880, s12;
	[tilespmem:s20+$0x3830] =	vst v3;
	v3 =	vld.idx.msk [tilespmem:v50+s22+$0x0], $0xffff  }
0x47a: {  	v1 =	vadd.s32 s5, v16;
	v2 =	vld.idx.msk [tilespmem:v49+s22+$0x0], $0xffff  }
0x47b: {  	v55 =	vadd.s32 s4, v23;
	[tilespmem:s1+$0x3C30] =	vst v8;
	v4 =	vld.idx.msk [tilespmem:v4+s22+$0x0], $0xffff  }
0x47c: {  	v54 =	vadd.s32 s19, v32;
	v0 =	vld.idx.msk [tilespmem:v0+s22+$0x0], $0xffff;
	[tilespmem:s3+$0x3C80] =	vst v5  }
0x47d: {  	v5 =	vadd.s32 s28, v23;
	v7 =	vld.idx.msk [tilespmem:v52+s22+$0x0], $0xffff;
	[tilespmem:s3+$0x3C00] =	vst v51  }
0x47e: {  	v63 =	vadd.s32 s23, v31;
	v11 =	vld.idx.msk [tilespmem:v11+s22+$0x0], $0xffff;
	[tilespmem:s20+$0x38C0] =	vst v3  }
0x47f: {  	v57 =	vadd.s32 s7, v28;
	v1 =	vld.idx.msk [tilespmem:v1+s22+$0x0], $0xffff;
	[tilespmem:s1+$0x3CD0] =	vst v2  }
0x480: {  	v61 =	vadd.s32 s11, v28;
	[tilespmem:s20+$0x3840] =	vst v4;
	v4 =	vld.idx.msk [tilespmem:v55+s22+$0x0], $0xffff  }
0x481: {  	[tilespmem:s1+$0x3C40] =	vst v0;
	v2 =	vadd.s32 s5, v19;
	v3 =	vld.idx.msk [tilespmem:v54+s22+$0x0], $0xffff  }
0x482: {  	v59 =	vadd.s32 s4, v24;
	v0 =	vld.idx.msk [tilespmem:v5+s22+$0x0], $0xffff;
	[tilespmem:s3+$0x3C90] =	vst v7  }
0x483: {  	v9 =	vld.idx.msk [tilespmem:v63+s22+$0x0], $0xffff;
	v5 =	vadd.s32 s19, v33;
	[tilespmem:s3+$0x3C10] =	vst v11  }
0x484: {  	v60 =	vadd.s32 s28, v24;
	[tilespmem:s10+$0x3880] =	vst v1;
	v1 =	vld.idx.msk [tilespmem:v57+s22+$0x0], $0xffff  }
0x485: {  	v11 =	vadd.s32 s23, v32;
	v8 =	vld.idx.msk [tilespmem:v61+s22+$0x0], $0xffff;
	[tilespmem:s20+$0x38D0] =	vst v4  }
0x486: {  	v62 =	vadd.s32 s7, v29;
	v2 =	vld.idx.msk [tilespmem:v2+s22+$0x0], $0xffff;
	[tilespmem:s1+$0x3CE0] =	vst v3  }
0x487: {  	v37 =	vadd.s32 s23, v33;
	v3 =	vadd.s32 s5, v20;
	[tilespmem:s20+$0x3850] =	vst v0;
	v0 =	vld.idx.msk [tilespmem:v59+s22+$0x0], $0xffff  }
0x488: {  	v53 =	vadd.s32 s31, v27;
	v56 =	vadd.s32 s31, v24;
	[tilespmem:s10+$0x3810] =	vst v6;
	v4 =	vld.idx.msk [tilespmem:v5+s22+$0x0], $0xffff;
	v5 =	vadd.s32 s31, v20  }
0x489: {  	v12 =	vadd.s32 s4, v25;
	v13 =	vadd.s32 s28, v25;
	[tilespmem:s1+$0x3C50] =	vst v9;
	v7 =	vld.idx.msk [tilespmem:v60+s22+$0x0], $0xffff  }
0x48a: {  	v14 =	vadd.s32 s31, v21;
	v35 =	vadd.s32 s11, v33;
	v36 =	vadd.s32 s11, v32;
	v63 =	vld.idx.msk [tilespmem:v11+s22+$0x0], $0xffff;
	[tilespmem:s3+$0x3CA0] =	vst v1  }
0x48b: {  	v38 =	vadd.s32 s28, v33;
	v39 =	vadd.s32 s11, v31;
	v1 =	vadd.s32 s11, v29;
	[tilespmem:s10+$0x3890] =	vst v2;
	v2 =	vld.idx.msk [tilespmem:v62+s22+$0x0], $0xffff  }
0x48c: {  	v58 =	vadd.s32 s31, v22;
	v42 =	vadd.s32 s31, v33;
	v6 =	vadd.s32 s7, v30;
	v3 =	vld.idx.msk [tilespmem:v3+s22+$0x0], $0xffff;
	[tilespmem:s20+$0x38E0] =	vst v0  }
0x48d: {  	v40 =	vadd.s32 s28, v32;
	v41 =	vadd.s32 s28, v31;
	v5 =	vld.idx.msk [tilespmem:v5+s22+$0x0], $0xffff;
	[tilespmem:s1+$0x3CF0] =	vst v4;
	v4 =	vadd.s32 s5, v21  }
0x48e: {  	v43 =	vadd.s32 s11, v30;
	v44 =	vadd.s32 s31, v32;
	v46 =	vadd.s32 s31, v31;
	[tilespmem:s20+$0x3860] =	vst v7;
	v34 =	vld.idx.msk [tilespmem:v12+s22+$0x0], $0xffff  }
0x48f: {  	v45 =	vadd.s32 s28, v30;
	v47 =	vadd.s32 s28, v29;
	v48 =	vadd.s32 s28, v28;
	[tilespmem:s3+$0x3C20] =	vst v8;
	v0 =	vld.idx.msk [tilespmem:v13+s22+$0x0], $0xffff  }
0x490: {  	v50 =	vadd.s32 s31, v29;
	v49 =	vadd.s32 s28, v27;
	v51 =	vadd.s32 s28, v26;
	v62 =	vld.idx.msk [tilespmem:v1+s22+$0x0], $0xffff;
	[tilespmem:s3+$0x3CB0] =	vst v2  }
0x491: {  	v52 =	vadd.s32 s31, v28;
	v55 =	vadd.s32 s31, v25;
	v54 =	vadd.s32 s31, v30;
	[tilespmem:s10+$0x38A0] =	vst v3;
	v61 =	vld.idx.msk [tilespmem:v6+s22+$0x0], $0xffff  }
0x492: {  	v57 =	vadd.s32 s31, v23;
	v59 =	vadd.s32 s31, v26;
	v1 =	vadd.s32 s4, v26;
	[tilespmem:s10+$0x3820] =	vst v5;
	v17 =	vld.idx.msk [tilespmem:v4+s22+$0x0], $0xffff  }
0x493: {  	s13 =	simm.s32 $0x400;
	s2 =	simm.s32 $0x6;
	v60 =	vadd.s32 s7, v31;
	s11 =	simm.s32 $0x15600;
	v21 =	vmovc v20;
	v20 =	vmovc v19;
	v19 =	vmov v16;
	v3 =	vadd.s32 s5, v22;
	[tilespmem:s20+$0x38F0] =	vst v34;
	v2 =	vld.idx.msk [tilespmem:v14+s22+$0x0], $0xffff  }
.LBB2_80:
0x494: {  	_ =	sdelay $0x2  }
0x495: {  	[tilespmem:s20+$0x3870] =	vst v0;
	v0 =	vld.idx.msk [tilespmem:v1+s22+$0x0], $0xffff  }
0x496: {  	s8 =	sand.u32 $0xFFFFFC00, s13;
	v1 =	vld.idx.msk [tilespmem:v51+s22+$0x0], $0xffff;
	[tilespmem:s3+$0x3C30] =	vst v62  }
0x497: {  	s8 =	sadd.s32 s8, s13;
	v5 =	vld.idx.msk [tilespmem:v43+s22+$0x0], $0xffff;
	[tilespmem:s10+$0x3830] =	vst v2  }
0x498: {  	v4 =	vadd.s32 s4, v27;
	v22 =	vld [tilespmem:$0x1FEE0];
	s14 =	sadd.s32 $0x3880, s8;
	[tilespmem:s3+$0x3CC0] =	vst v61  }
0x499: {  	s12 =	sadd.s32 $0x3800, s8;
	v8 =	vadd.s32 s14, v19;
	v13 =	vld.idx.msk [tilespmem:v58+s22+$0x0], $0xffff;
	[tilespmem:s10+$0x38B0] =	vst v17  }
0x49a: {  	v6 =	vadd.s32 s12, v19;
	v9 =	vld.idx.msk [tilespmem:v60+s22+$0x0], $0xffff  }
0x49b: {  	[tilespmem:s1+$0x3C60] =	vst v63;
	v2 =	vld.idx.msk [tilespmem:v3+s22+$0x0], $0xffff  }
0x49c: {  	[tilespmem:s20+$0x3C80] =	vst v0;
	v0 =	vld.idx.msk [tilespmem:v37+s22+$0x0], $0xffff  }
0x49d: {  	v14 =	vadd.s32 s7, v32;
	[tilespmem:s20+$0x3C00] =	vst v1;
	v1 =	vld.idx.msk [tilespmem:v4+s22+$0x0], $0xffff  }
0x49e: {  	v15 =	vadd.s32 s5, v23;
	v8 =	vld.idx.msk [tilespmem:v8+s22+$0x0], $0xffff;
	[tilespmem:s3+$0x3C40] =	vst v5  }
0x49f: {  	v5 =	vld.idx.msk [tilespmem:v6+s22+$0x0], $0xffff;
	[tilespmem:s10+$0x3840] =	vst v13  }
0x4a0: {  	v61 =	vld [tilespmem:$0x1FEF0];
	v6 =	vadd.s32 s4, v28;
	[tilespmem:s3+$0x3CD0] =	vst v9  }
0x4a1: {  	v7 =	vadd.s32 s12, v20;
	v63 =	vld.idx.msk [tilespmem:v57+s22+$0x0], $0xffff;
	[tilespmem:s10+$0x38C0] =	vst v2  }
0x4a2: {  	s31 =	sand.u32 $0x3FFFFC00, s13;
	s11 =	sadd.s32 $0x100, s11;
	v9 =	vadd.s32 s14, v20;
	[tilespmem:s1+$0x3C70] =	vst v0;
	v2 =	vld.idx.msk [tilespmem:v14+s22+$0x0], $0xffff  }
0x4a3: {  	s8 =	sadd.s32 s31, s11;
	v3 =	vadd.s32 s12, v23;
	v62 =	vld.idx.msk [tilespmem:v15+s22+$0x0], $0xffff;
	[tilespmem:s20+$0x3C90] =	vst v1  }
0x4a4: {  	v57 =	vmov v3;
	v3 =	vld.idx.msk [tilespmem:v49+s22+$0x0], $0xffff;
	v15 =	vadd.s32 s7, v33;
	[tilespmem:s8+$0x3880] =	vst v8  }
0x4a5: {  	v0 =	vadd.s32 s5, v24;
	s1 =	smov.u32 s3;
	s3 =	smov.u32 s20;
	s20 =	smov.u32 s10;
	[tilespmem:s8+$0x3800] =	vst v5;
	v1 =	vld.idx.msk [tilespmem:v6+s22+$0x0], $0xffff  }
0x4a6: {  	v6 =	vld.idx.msk [tilespmem:v7+s22+$0x0], $0xffff;
	[tilespmem:s20+$0x3850] =	vst v63  }
0x4a7: {  	v10 =	vadd.s32 s12, v21;
	s7 =	smov.u32 s4;
	v5 =	vld.idx.msk [tilespmem:v9+s22+$0x0], $0xffff;
	[tilespmem:s1+$0x3CE0] =	vst v2  }
0x4a8: {  	v7 =	vadd.s32 s7, v29;
	[tilespmem:s20+$0x38D0] =	vst v62;
	v62 =	vld.idx.msk [tilespmem:v56+s22+$0x0], $0xffff  }
0x4a9: {  	s4 =	smov.u32 s5;
	s5 =	smov.u32 s14;
	[tilespmem:s3+$0x3C10] =	vst v3;
	v8 =	vld.idx.msk [tilespmem:v15+s22+$0x0], $0xffff  }
0x4aa: {  	s10 =	smov.u32 s8;
	v2 =	vadd.s32 s5, v21;
	v0 =	vld.idx.msk [tilespmem:v0+s22+$0x0], $0xffff;
	[tilespmem:s3+$0x3CA0] =	vst v1  }
0x4ab: {  	v63 =	vld.idx.msk [tilespmem:v48+s22+$0x0], $0xffff;
	[tilespmem:s10+$0x3810] =	vst v6  }
0x4ac: {  	[tilespmem:s10+$0x3890] =	vst v5;
	v6 =	vld.idx.msk [tilespmem:v10+s22+$0x0], $0xffff  }
0x4ad: {  	v3 =	vadd.s32 s4, v25;
	v5 =	vld.idx.msk [tilespmem:v7+s22+$0x0], $0xffff  }
0x4ae: {  	v14 =	vld.idx.msk [tilespmem:v39+s22+$0x0], $0xffff;
	[tilespmem:s20+$0x3860] =	vst v62  }
0x4af: {  	v60 =	vadd.s32 s12, v61;
	v2 =	vld.idx.msk [tilespmem:v2+s22+$0x0], $0xffff;
	[tilespmem:s1+$0x3CF0] =	vst v8  }
0x4b0: {  	v51 =	vmovc v59;
	v12 =	vadd.s32 s12, v24;
	v59 =	vadd.s32 s12, v26;
	v7 =	vadd.s32 s7, v30;
	[tilespmem:s20+$0x38E0] =	vst v0  }
0x4b1: {  	s2 =	sadd.s32 $0x2, s2;
	v43 =	vmovc v45;
	v45 =	vmovc v54;
	v16 =	vadd.s32 s12, v27;
	v4 =	vadd.s32 s12, v31;
	v13 =	vadd.s32 s5, v61;
	v0 =	vld.idx.msk [tilespmem:v55+s22+$0x0], $0xffff;
	[tilespmem:s3+$0x3C20] =	vst v63  }
0x4b2: {  	p1 =	slt.u32 s2, $0x36;
	v34 =	vadd.s32 s12, v29;
	v54 =	vadd.s32 s12, v30;
	v39 =	vmovc v41;
	v41 =	vmovc v46;
	v46 =	vmov v4;
	v4 =	vld.idx.msk [tilespmem:v3+s22+$0x0], $0xffff;
	[tilespmem:s3+$0x3CB0] =	vst v5  }
.Ltmp48:
0x4b3: {  	v18 =	vadd.s32 s12, v32;
	v11 =	vadd.s32 s12, v22;
	v17 =	vadd.s32 s12, v28;
	v62 =	vld.idx.msk [tilespmem:v47+s22+$0x0], $0xffff;
	[tilespmem:s10+$0x3820] =	vst v6;
	(pc) =	sbr.rel @p1 .LBB2_80-.Ltmp48, $4  }
0x4b4: {  	v58 =	vmovc v11;
	v11 =	vadd.s32 s12, v25;
	v37 =	vmovc v35;
	v35 =	vmov v38;
	v38 =	vmov v42;
	[tilespmem:s10+$0x38A0] =	vst v2;
	v2 =	vld.idx.msk [tilespmem:v60+s22+$0x0], $0xffff  }
0x4b5: {  	v42 =	vadd.s32 s12, v33;
	v49 =	vmovc v53;
	v53 =	vmovc v16;
	v56 =	vmov v12;
	v48 =	vmov v52;
	v61 =	vld.idx.msk [tilespmem:v7+s22+$0x0], $0xffff  }
0x4b6: {  	v52 =	vmovc v17;
	v1 =	vadd.s32 s4, v26;
	v55 =	vmovc v11;
	v47 =	vmov v50;
	v50 =	vmov v34;
	[tilespmem:s1+$0x3C50] =	vst v14;
	v17 =	vld.idx.msk [tilespmem:v13+s22+$0x0], $0xffff  }
0x4b7: {  	s13 =	sadd.s32 $0x100, s13;
	v3 =	vadd.s32 s5, v22;
	v60 =	vadd.s32 s7, v31;
	v63 =	vld.idx.msk [tilespmem:v36+s22+$0x0], $0xffff;
	v36 =	vmovc v40;
	v40 =	vmovc v44;
	v44 =	vmov v18;
	[tilespmem:s20+$0x38F0] =	vst v4  }
0x4b8: {  	_ =	sdelay $0x2  }
0x4b9: {  	[tilespmem:s10+$0x38B0] =	vst v17  }
0x4ba: {  	[tilespmem:s10+$0x3830] =	vst v2;
	v2 =	vld.idx.msk [tilespmem:v3+s22+$0x0], $0xffff  }
0x4bb: {  	v4 =	vadd.s32 s5, v23;
	v3 =	vld.idx.msk [tilespmem:v58+s22+$0x0], $0xffff;
	_ =	sdelay $0x3  }
0x4bc: {  	[tilespmem:s10+$0x38C0] =	vst v2  }
0x4bd: {  	[tilespmem:s10+$0x3840] =	vst v3;
	v2 =	vld.idx.msk [tilespmem:v4+s22+$0x0], $0xffff  }
0x4be: {  	v3 =	vld.idx.msk [tilespmem:v57+s22+$0x0], $0xffff;
	v4 =	vadd.s32 s5, v24;
	_ =	sdelay $0x3  }
0x4bf: {  	[tilespmem:s10+$0x38D0] =	vst v2  }
0x4c0: {  	[tilespmem:s10+$0x3850] =	vst v3;
	v2 =	vld.idx.msk [tilespmem:v4+s22+$0x0], $0xffff  }
0x4c1: {  	v3 =	vld.idx.msk [tilespmem:v56+s22+$0x0], $0xffff;
	v4 =	vadd.s32 s5, v25;
	_ =	sdelay $0x3  }
0x4c2: {  	[tilespmem:s10+$0x38E0] =	vst v2  }
0x4c3: {  	[tilespmem:s10+$0x3860] =	vst v3;
	v2 =	vld.idx.msk [tilespmem:v4+s22+$0x0], $0xffff  }
0x4c4: {  	v3 =	vld.idx.msk [tilespmem:v55+s22+$0x0], $0xffff;
	v4 =	vadd.s32 s5, v26;
	_ =	sdelay $0x2  }
0x4c5: {  	[tilespmem:s20+$0x3870] =	vst v0;
	v0 =	vld.idx.msk [tilespmem:v1+s22+$0x0], $0xffff  }
0x4c6: {  	v5 =	vadd.s32 s4, v27;
	v1 =	vld.idx.msk [tilespmem:v51+s22+$0x0], $0xffff;
	[tilespmem:s10+$0x38F0] =	vst v2  }
0x4c7: {  	[tilespmem:s10+$0x3870] =	vst v3;
	v2 =	vld.idx.msk [tilespmem:v4+s22+$0x0], $0xffff  }
0x4c8: {  	v3 =	vld.idx.msk [tilespmem:v59+s22+$0x0], $0xffff;
	v4 =	vadd.s32 s5, v27;
	_ =	sdelay $0x1  }
0x4c9: {  	[tilespmem:s20+$0x3C80] =	vst v0  }
0x4ca: {  	[tilespmem:s20+$0x3C00] =	vst v1;
	v0 =	vld.idx.msk [tilespmem:v5+s22+$0x0], $0xffff  }
0x4cb: {  	v1 =	vadd.s32 s4, v28;
	v5 =	vld.idx.msk [tilespmem:v49+s22+$0x0], $0xffff;
	[tilespmem:s10+$0x3C80] =	vst v2  }
0x4cc: {  	[tilespmem:s10+$0x3C00] =	vst v3;
	v2 =	vld.idx.msk [tilespmem:v4+s22+$0x0], $0xffff  }
0x4cd: {  	v3 =	vadd.s32 s5, v28;
	v4 =	vld.idx.msk [tilespmem:v53+s22+$0x0], $0xffff;
	_ =	sdelay $0x1  }
0x4ce: {  	[tilespmem:s20+$0x3C90] =	vst v0  }
0x4cf: {  	v0 =	vld.idx.msk [tilespmem:v1+s22+$0x0], $0xffff;
	[tilespmem:s20+$0x3C10] =	vst v5  }
0x4d0: {  	v1 =	vadd.s32 s4, v29;
	v5 =	vld.idx.msk [tilespmem:v48+s22+$0x0], $0xffff;
	[tilespmem:s10+$0x3C90] =	vst v2  }
0x4d1: {  	[tilespmem:s10+$0x3C10] =	vst v4;
	v2 =	vld.idx.msk [tilespmem:v3+s22+$0x0], $0xffff  }
0x4d2: {  	v3 =	vadd.s32 s5, v29;
	v4 =	vld.idx.msk [tilespmem:v52+s22+$0x0], $0xffff  }
0x4d3: {  	[tilespmem:s3+$0x3C30] =	vst v62  }
0x4d4: {  	[tilespmem:s20+$0x3CA0] =	vst v0  }
0x4d5: {  	v0 =	vld.idx.msk [tilespmem:v1+s22+$0x0], $0xffff;
	[tilespmem:s20+$0x3C20] =	vst v5  }
0x4d6: {  	v1 =	vadd.s32 s4, v30;
	v5 =	vld.idx.msk [tilespmem:v47+s22+$0x0], $0xffff;
	[tilespmem:s10+$0x3CA0] =	vst v2  }
0x4d7: {  	[tilespmem:s10+$0x3C20] =	vst v4;
	v2 =	vld.idx.msk [tilespmem:v3+s22+$0x0], $0xffff  }
0x4d8: {  	[tilespmem:s3+$0x3CC0] =	vst v61;
	v3 =	vadd.s32 s5, v30;
	v4 =	vld.idx.msk [tilespmem:v50+s22+$0x0], $0xffff  }
0x4d9: {  	v6 =	vld.idx.msk [tilespmem:v43+s22+$0x0], $0xffff;
	[tilespmem:s1+$0x3C60] =	vst v63  }
0x4da: {  	v7 =	vld.idx.msk [tilespmem:v60+s22+$0x0], $0xffff;
	[tilespmem:s20+$0x3CB0] =	vst v0  }
0x4db: {  	v0 =	vld.idx.msk [tilespmem:v1+s22+$0x0], $0xffff;
	[tilespmem:s20+$0x3C30] =	vst v5  }
0x4dc: {  	v1 =	vadd.s32 s4, v31;
	v5 =	vld.idx.msk [tilespmem:v45+s22+$0x0], $0xffff;
	[tilespmem:s10+$0x3CB0] =	vst v2  }
0x4dd: {  	[tilespmem:s10+$0x3C30] =	vst v4;
	v2 =	vld.idx.msk [tilespmem:v3+s22+$0x0], $0xffff  }
0x4de: {  	[tilespmem:s3+$0x3C40] =	vst v6;
	v3 =	vadd.s32 s5, v31;
	v4 =	vld.idx.msk [tilespmem:v54+s22+$0x0], $0xffff  }
0x4df: {  	v6 =	vld.idx.msk [tilespmem:v37+s22+$0x0], $0xffff;
	[tilespmem:s3+$0x3CD0] =	vst v7  }
0x4e0: {  	v8 =	vld.idx.msk [tilespmem:v39+s22+$0x0], $0xffff;
	v7 =	vadd.s32 s7, v32;
	[tilespmem:s20+$0x3CC0] =	vst v0  }
0x4e1: {  	v0 =	vld.idx.msk [tilespmem:v1+s22+$0x0], $0xffff;
	[tilespmem:s20+$0x3C40] =	vst v5  }
0x4e2: {  	v1 =	vadd.s32 s4, v32;
	v5 =	vld.idx.msk [tilespmem:v41+s22+$0x0], $0xffff;
	[tilespmem:s10+$0x3CC0] =	vst v2  }
0x4e3: {  	[tilespmem:s10+$0x3C40] =	vst v4;
	v2 =	vld.idx.msk [tilespmem:v3+s22+$0x0], $0xffff  }
0x4e4: {  	[tilespmem:s1+$0x3C70] =	vst v6;
	v3 =	vadd.s32 s5, v32;
	v4 =	vld.idx.msk [tilespmem:v46+s22+$0x0], $0xffff  }
0x4e5: {  	[tilespmem:s3+$0x3C50] =	vst v8;
	v6 =	vld.idx.msk [tilespmem:v7+s22+$0x0], $0xffff  }
0x4e6: {  	v7 =	vadd.s32 s7, v33;
	v8 =	vld.idx.msk [tilespmem:v36+s22+$0x0], $0xffff;
	[tilespmem:s20+$0x3CD0] =	vst v0  }
0x4e7: {  	v0 =	vld.idx.msk [tilespmem:v1+s22+$0x0], $0xffff;
	[tilespmem:s20+$0x3C50] =	vst v5  }
0x4e8: {  	v1 =	vadd.s32 s4, v33;
	v5 =	vld.idx.msk [tilespmem:v40+s22+$0x0], $0xffff;
	[tilespmem:s10+$0x3CD0] =	vst v2  }
0x4e9: {  	[tilespmem:s10+$0x3C50] =	vst v4;
	v2 =	vld.idx.msk [tilespmem:v3+s22+$0x0], $0xffff  }
0x4ea: {  	[tilespmem:s3+$0x3CE0] =	vst v6;
	v3 =	vadd.s32 s5, v33;
	v4 =	vld.idx.msk [tilespmem:v44+s22+$0x0], $0xffff  }
0x4eb: {  	[tilespmem:s3+$0x3C60] =	vst v8;
	v6 =	vld.idx.msk [tilespmem:v7+s22+$0x0], $0xffff  }
0x4ec: {  	v7 =	vld.idx.msk [tilespmem:v35+s22+$0x0], $0xffff;
	[tilespmem:s20+$0x3CE0] =	vst v0  }
0x4ed: {  	v0 =	vld.idx.msk [tilespmem:v1+s22+$0x0], $0xffff;
	[tilespmem:s20+$0x3C60] =	vst v5  }
0x4ee: {  	v1 =	vld.idx.msk [tilespmem:v38+s22+$0x0], $0xffff;
	[tilespmem:s10+$0x3CE0] =	vst v2  }
0x4ef: {  	[tilespmem:s10+$0x3C60] =	vst v4;
	v2 =	vld.idx.msk [tilespmem:v3+s22+$0x0], $0xffff  }
0x4f0: {  	[tilespmem:s3+$0x3CF0] =	vst v6;
	v3 =	vld.idx.msk [tilespmem:v42+s22+$0x0], $0xffff  }
0x4f1: {  	[tilespmem:s3+$0x3C70] =	vst v7  }
0x4f2: {  	[tilespmem:s20+$0x3CF0] =	vst v0  }
0x4f3: {  	[tilespmem:s20+$0x3C70] =	vst v1  }
0x4f4: {  	[tilespmem:s10+$0x3CF0] =	vst v2  }
0x4f5: {  	[tilespmem:s10+$0x3C70] =	vst v3  }
0x4f6: {  	v18 =	vld [tilespmem:$0x1FF20]  }
0x4f7: {  	v4 =	vld [tilespmem:$0x1FF30]  }
0x4f8: {  	v5 =	vld [tilespmem:$0x1FF40]  }
0x4f9: {  	v6 =	vld [tilespmem:$0x1FF50]  }
0x4fa: {  	v7 =	vld [tilespmem:$0x1FF60]  }
0x4fb: {  	v8 =	vld [tilespmem:$0x1FF70]  }
0x4fc: {  	v9 =	vld [tilespmem:$0x1FF80]  }
0x4fd: {  	v10 =	vld [tilespmem:$0x1FF90]  }
0x4fe: {  	v11 =	vld [tilespmem:$0x1FFA0]  }
0x4ff: {  	v12 =	vld [tilespmem:$0x1FFB0]  }
0x500: {  	v13 =	vld [tilespmem:$0x1FFC0]  }
0x501: {  	v14 =	vld [tilespmem:$0x1FFD0]  }
0x502: {  	v15 =	vld [tilespmem:$0x1FFE0]  }
0x503: {  	v16 =	vld [tilespmem:$0x1FFF0]  }
0x504: {  	s2 =	simm.s32 $0x0;
	s29 =	rddreg [dreg:$0x2];
	v19 =	vmov v20;
	v20 =	vmov v21;
	v51 =	vmov v27;
	v21 =	vld [tilespmem:$0x1FEF0]  }
0x505: {  	s30 =	simm.s32 $0x0;
	s31 =	simm.s32 $0xE300;
	s11 =	simm.s32 $0x2;
	v43 =	vmovc v31;
	v17 =	vmovc v23;
	v37 =	vmov v32;
	v49 =	vmov v28;
	v57 =	vmov v24;
	v22 =	vld [tilespmem:$0x1FEE0]  }
0x506: {  	s12 =	simm.s32 $0x15300;
	s1 =	simm.s32 $0x0;
	v48 =	vmovc v29;
	v36 =	vmovc v33;
	v56 =	vmov v25;
	v47 =	vmov v30;
	v55 =	vmov v26;
	s10 =	simm.s32 $0x1;
	v1 =	vld [tilespmem:$0x1FED0]  }
.LBB2_82:
.Ltmp49:
0x507: {  	(pc) =	sbr.rel @p0 .LBB2_84-.Ltmp49, $4  }
0x508: {  	s3 =	sshll.u32 s2, $0x7  }
0x509: {  	s3 =	sand.u32 $0x3FFFFC00, s3  }
0x50a: {  	s4 =	sshra.s32 s1, $0x2;
	s3 =	sadd.s32 $0x15300, s3  }
0x50b: {  	s3 =	sadd.s32 s4, s3  }
0x50c: {  	v0 =	vld [tilespmem:s3+$0x0];
	_ =	sdelay $0x1  }
.Ltmp50:
0x50d: {  	_ = 	snop;
	(pc) =	sbr.rel .LBB2_85-.Ltmp50, $3  }
0x50e: {  	_ =	sdelay $0x1  }
0x50f: {  	v0 =	vnsel vm0, $0x7FC00000, v0  }
0x510: {  	[tilespmem:s3+$0x0] =	vst v0  }
.LBB2_84:
0x511: {  	p1 =	sgt.u32 s0, $0x1F  }
.Ltmp51:
0x512: {  	_ = 	snop;
	(pc) =	sbr.rel @p1 .LBB2_86-.Ltmp51, $1  }
0x513: {  	_ =	sdelay $0x3  }
.LBB2_85:
0x514: {  	v0 =	vld [tilespmem:s3+$0x10];
	_ =	sdelay $0x3  }
0x515: {  	vm2 =	vgt.s32 v1, v18  }
0x516: {  	v0 =	vnsel vm2, $0x7FC00000, v0  }
0x517: {  	[tilespmem:s3+$0x10] =	vst v0  }
.LBB2_87:
0x518: {  	v0 =	vld [tilespmem:s3+$0x20];
	_ =	sdelay $0x3  }
0x519: {  	vm2 =	vgt.s32 v1, v4  }
0x51a: {  	v0 =	vnsel vm2, $0x7FC00000, v0  }
0x51b: {  	[tilespmem:s3+$0x20] =	vst v0  }
.LBB2_89:
0x51c: {  	v0 =	vld [tilespmem:s3+$0x30];
	_ =	sdelay $0x3  }
0x51d: {  	vm2 =	vgt.s32 v1, v5  }
0x51e: {  	v0 =	vnsel vm2, $0x7FC00000, v0  }
0x51f: {  	[tilespmem:s3+$0x30] =	vst v0  }
.LBB2_91:
0x520: {  	v0 =	vld [tilespmem:s3+$0x40];
	_ =	sdelay $0x3  }
0x521: {  	vm2 =	vgt.s32 v1, v6  }
0x522: {  	v0 =	vnsel vm2, $0x7FC00000, v0  }
0x523: {  	[tilespmem:s3+$0x40] =	vst v0  }
.LBB2_93:
0x524: {  	v0 =	vld [tilespmem:s3+$0x50];
	_ =	sdelay $0x3  }
0x525: {  	vm2 =	vgt.s32 v1, v7  }
0x526: {  	v0 =	vnsel vm2, $0x7FC00000, v0  }
0x527: {  	[tilespmem:s3+$0x50] =	vst v0  }
.LBB2_95:
0x528: {  	v0 =	vld [tilespmem:s3+$0x60];
	_ =	sdelay $0x3  }
0x529: {  	vm2 =	vgt.s32 v1, v8  }
0x52a: {  	v0 =	vnsel vm2, $0x7FC00000, v0  }
0x52b: {  	[tilespmem:s3+$0x60] =	vst v0  }
.LBB2_97:
0x52c: {  	v0 =	vld [tilespmem:s3+$0x70];
	_ =	sdelay $0x3  }
0x52d: {  	vm2 =	vgt.s32 v1, v9  }
0x52e: {  	v0 =	vnsel vm2, $0x7FC00000, v0  }
0x52f: {  	[tilespmem:s3+$0x70] =	vst v0  }
.LBB2_99:
0x530: {  	v0 =	vld [tilespmem:s3+$0x400];
	_ =	sdelay $0x3  }
0x531: {  	vm2 =	vgt.s32 v1, v10  }
0x532: {  	v0 =	vnsel vm2, $0x7FC00000, v0  }
0x533: {  	[tilespmem:s3+$0x400] =	vst v0  }
.LBB2_101:
0x534: {  	v0 =	vld [tilespmem:s3+$0x410];
	_ =	sdelay $0x3  }
0x535: {  	vm2 =	vgt.s32 v1, v11  }
0x536: {  	v0 =	vnsel vm2, $0x7FC00000, v0  }
0x537: {  	[tilespmem:s3+$0x410] =	vst v0  }
.LBB2_103:
0x538: {  	v0 =	vld [tilespmem:s3+$0x420];
	_ =	sdelay $0x3  }
0x539: {  	vm2 =	vgt.s32 v1, v12  }
0x53a: {  	v0 =	vnsel vm2, $0x7FC00000, v0  }
0x53b: {  	[tilespmem:s3+$0x420] =	vst v0  }
.LBB2_105:
0x53c: {  	v0 =	vld [tilespmem:s3+$0x430];
	_ =	sdelay $0x3  }
0x53d: {  	vm2 =	vgt.s32 v1, v13  }
0x53e: {  	v0 =	vnsel vm2, $0x7FC00000, v0  }
0x53f: {  	[tilespmem:s3+$0x430] =	vst v0  }
.LBB2_107:
0x540: {  	v0 =	vld [tilespmem:s3+$0x440];
	_ =	sdelay $0x3  }
0x541: {  	vm2 =	vgt.s32 v1, v14  }
0x542: {  	v0 =	vnsel vm2, $0x7FC00000, v0  }
0x543: {  	[tilespmem:s3+$0x440] =	vst v0  }
.LBB2_109:
0x544: {  	v0 =	vld [tilespmem:s3+$0x450];
	_ =	sdelay $0x3  }
0x545: {  	vm2 =	vgt.s32 v1, v15  }
0x546: {  	v0 =	vnsel vm2, $0x7FC00000, v0  }
0x547: {  	[tilespmem:s3+$0x450] =	vst v0  }
.LBB2_111:
0x548: {  	v0 =	vld [tilespmem:s3+$0x460];
	_ =	sdelay $0x3  }
0x549: {  	vm2 =	vgt.s32 v1, v16  }
0x54a: {  	v0 =	vnsel vm2, $0x7FC00000, v0  }
0x54b: {  	[tilespmem:s3+$0x460] =	vst v0  }
.LBB2_112:
0x54c: {  	v0 =	vld [tilespmem:s3+$0x470];
	s1 =	sadd.s32 $0x200, s1  }
0x54d: {  	p1 =	sne.s32 s1, $0x7000  }
.Ltmp52:
0x54e: {  	_ = 	snop;
	(pc) =	sbr.rel @p1 .LBB2_82-.Ltmp52, $4  }
.Ltmp53:
0x54f: {  	_ = 	snop;
	(pc) =	sbr.rel @!p1 .LBB2_113-.Ltmp53, $4  }
0x550: {  	_ = 	snop  }
0x551: {  	v0 =	vnsel vm1, $0x7FC00000, v0  }
0x552: {  	s2 =	sadd.s32 $0x1, s2;
	[tilespmem:s3+$0x470] =	vst v0  }
0x553: {  	_ = 	snop  }
.LBB2_86:
0x554: {  	p1 =	sgt.u32 s0, $0x2F  }
.Ltmp54:
0x555: {  	_ = 	snop;
	(pc) =	sbr.rel @!p1 .LBB2_87-.Ltmp54, $1  }
0x556: {  	_ =	sdelay $0x3  }
0x557: {  	p1 =	sgt.u32 s0, $0x3F  }
.Ltmp55:
0x558: {  	_ = 	snop;
	(pc) =	sbr.rel @!p1 .LBB2_89-.Ltmp55, $1  }
0x559: {  	_ =	sdelay $0x3  }
0x55a: {  	p1 =	sgt.u32 s0, $0x4F  }
.Ltmp56:
0x55b: {  	_ = 	snop;
	(pc) =	sbr.rel @!p1 .LBB2_91-.Ltmp56, $1  }
0x55c: {  	_ =	sdelay $0x3  }
0x55d: {  	p1 =	sgt.u32 s0, $0x5F  }
.Ltmp57:
0x55e: {  	_ = 	snop;
	(pc) =	sbr.rel @!p1 .LBB2_93-.Ltmp57, $1  }
0x55f: {  	_ =	sdelay $0x3  }
0x560: {  	p1 =	sgt.u32 s0, $0x6F  }
.Ltmp58:
0x561: {  	_ = 	snop;
	(pc) =	sbr.rel @!p1 .LBB2_95-.Ltmp58, $1  }
0x562: {  	_ =	sdelay $0x3  }
0x563: {  	p1 =	sgt.u32 s0, $0x7F  }
.Ltmp59:
0x564: {  	_ = 	snop;
	(pc) =	sbr.rel @!p1 .LBB2_97-.Ltmp59, $1  }
0x565: {  	_ =	sdelay $0x3  }
0x566: {  	p1 =	sgt.u32 s0, $0x8F  }
.Ltmp60:
0x567: {  	_ = 	snop;
	(pc) =	sbr.rel @!p1 .LBB2_99-.Ltmp60, $1  }
0x568: {  	_ =	sdelay $0x3  }
0x569: {  	p1 =	sgt.u32 s0, $0x9F  }
.Ltmp61:
0x56a: {  	_ = 	snop;
	(pc) =	sbr.rel @!p1 .LBB2_101-.Ltmp61, $1  }
0x56b: {  	_ =	sdelay $0x3  }
0x56c: {  	p1 =	sgt.u32 s0, $0xAF  }
.Ltmp62:
0x56d: {  	_ = 	snop;
	(pc) =	sbr.rel @!p1 .LBB2_103-.Ltmp62, $1  }
0x56e: {  	_ =	sdelay $0x3  }
0x56f: {  	p1 =	sgt.u32 s0, $0xBF  }
.Ltmp63:
0x570: {  	_ = 	snop;
	(pc) =	sbr.rel @!p1 .LBB2_105-.Ltmp63, $1  }
0x571: {  	_ =	sdelay $0x3  }
0x572: {  	p1 =	sgt.u32 s0, $0xCF  }
.Ltmp64:
0x573: {  	_ = 	snop;
	(pc) =	sbr.rel @!p1 .LBB2_107-.Ltmp64, $1  }
0x574: {  	_ =	sdelay $0x3  }
0x575: {  	p1 =	sgt.u32 s0, $0xDF  }
.Ltmp65:
0x576: {  	_ = 	snop;
	(pc) =	sbr.rel @!p1 .LBB2_109-.Ltmp65, $1  }
0x577: {  	_ =	sdelay $0x3  }
0x578: {  	p1 =	sgt.u32 s0, $0xEF  }
.Ltmp66:
0x579: {  	_ = 	snop;
	(pc) =	sbr.rel @p1 .LBB2_112-.Ltmp66, $4  }
.Ltmp67:
0x57a: {  	_ = 	snop;
	(pc) =	sbr.rel @!p1 .LBB2_111-.Ltmp67, $4  }
0x57b: {  	_ = 	snop  }
0x57c: {  	_ = 	snop  }
0x57d: {  	_ = 	snop  }
0x57e: {  	_ = 	snop  }
.LBB2_113:
0x57f: {  	v34 =	vlaneseq.u32;
	v23 =	vmov v17  }
0x580: {  	v24 =	vmovc v57;
	v25 =	vmovc v56;
	v26 =	vmov v55;
	v27 =	vmov v51;
	v28 =	vmov v49  }
0x581: {  	s1 =	simm.s32 $0x0;
	s2 =	simm.s32 $0x0;
	s28 =	rddreg [dreg:$0x0];
	v29 =	vmovc v48;
	v30 =	vmovc v47;
	v31 =	vmov v43;
	v32 =	vmov v37;
	v33 =	vmov v36  }
.LBB2_114:
.Ltmp68:
0x582: {  	(pc) =	sbr.rel @p0 .LBB2_116-.Ltmp68, $4  }
0x583: {  	_ = 	snop  }
0x584: {  	s3 =	sand.u32 $0x3FFFFC00, s1  }
0x585: {  	s4 =	sshra.s32 s2, $0x2;
	s3 =	sadd.s32 $0x15300, s3  }
0x586: {  	s3 =	sadd.s32 s4, s3  }
0x587: {  	v0 =	vld [tilespmem:s3+$0x3800];
	_ =	sdelay $0x1  }
.Ltmp69:
0x588: {  	_ = 	snop;
	(pc) =	sbr.rel .LBB2_117-.Ltmp69, $3  }
0x589: {  	_ =	sdelay $0x1  }
0x58a: {  	v0 =	vnsel vm0, $0x7FC00000, v0  }
0x58b: {  	[tilespmem:s3+$0x3800] =	vst v0  }
.LBB2_116:
0x58c: {  	p1 =	sgt.u32 s0, $0x1F  }
.Ltmp70:
0x58d: {  	_ = 	snop;
	(pc) =	sbr.rel @p1 .LBB2_118-.Ltmp70, $1  }
0x58e: {  	_ =	sdelay $0x3  }
.LBB2_117:
0x58f: {  	v0 =	vld [tilespmem:s3+$0x3810];
	_ =	sdelay $0x3  }
0x590: {  	vm2 =	vgt.s32 v1, v18  }
0x591: {  	v0 =	vnsel vm2, $0x7FC00000, v0  }
0x592: {  	[tilespmem:s3+$0x3810] =	vst v0  }
.LBB2_119:
0x593: {  	v0 =	vld [tilespmem:s3+$0x3820];
	_ =	sdelay $0x3  }
0x594: {  	vm2 =	vgt.s32 v1, v4  }
0x595: {  	v0 =	vnsel vm2, $0x7FC00000, v0  }
0x596: {  	[tilespmem:s3+$0x3820] =	vst v0  }
.LBB2_121:
0x597: {  	v0 =	vld [tilespmem:s3+$0x3830];
	_ =	sdelay $0x3  }
0x598: {  	vm2 =	vgt.s32 v1, v5  }
0x599: {  	v0 =	vnsel vm2, $0x7FC00000, v0  }
0x59a: {  	[tilespmem:s3+$0x3830] =	vst v0  }
.LBB2_123:
0x59b: {  	v0 =	vld [tilespmem:s3+$0x3840];
	_ =	sdelay $0x3  }
0x59c: {  	vm2 =	vgt.s32 v1, v6  }
0x59d: {  	v0 =	vnsel vm2, $0x7FC00000, v0  }
0x59e: {  	[tilespmem:s3+$0x3840] =	vst v0  }
.LBB2_125:
0x59f: {  	v0 =	vld [tilespmem:s3+$0x3850];
	_ =	sdelay $0x3  }
0x5a0: {  	vm2 =	vgt.s32 v1, v7  }
0x5a1: {  	v0 =	vnsel vm2, $0x7FC00000, v0  }
0x5a2: {  	[tilespmem:s3+$0x3850] =	vst v0  }
.LBB2_127:
0x5a3: {  	v0 =	vld [tilespmem:s3+$0x3860];
	_ =	sdelay $0x3  }
0x5a4: {  	vm2 =	vgt.s32 v1, v8  }
0x5a5: {  	v0 =	vnsel vm2, $0x7FC00000, v0  }
0x5a6: {  	[tilespmem:s3+$0x3860] =	vst v0  }
.LBB2_129:
0x5a7: {  	v0 =	vld [tilespmem:s3+$0x3870];
	_ =	sdelay $0x3  }
0x5a8: {  	vm2 =	vgt.s32 v1, v9  }
0x5a9: {  	v0 =	vnsel vm2, $0x7FC00000, v0  }
0x5aa: {  	[tilespmem:s3+$0x3870] =	vst v0  }
.LBB2_131:
0x5ab: {  	v0 =	vld [tilespmem:s3+$0x3C00];
	_ =	sdelay $0x3  }
0x5ac: {  	vm2 =	vgt.s32 v1, v10  }
0x5ad: {  	v0 =	vnsel vm2, $0x7FC00000, v0  }
0x5ae: {  	[tilespmem:s3+$0x3C00] =	vst v0  }
.LBB2_133:
0x5af: {  	v0 =	vld [tilespmem:s3+$0x3C10];
	_ =	sdelay $0x3  }
0x5b0: {  	vm2 =	vgt.s32 v1, v11  }
0x5b1: {  	v0 =	vnsel vm2, $0x7FC00000, v0  }
0x5b2: {  	[tilespmem:s3+$0x3C10] =	vst v0  }
.LBB2_135:
0x5b3: {  	v0 =	vld [tilespmem:s3+$0x3C20];
	_ =	sdelay $0x3  }
0x5b4: {  	vm2 =	vgt.s32 v1, v12  }
0x5b5: {  	v0 =	vnsel vm2, $0x7FC00000, v0  }
0x5b6: {  	[tilespmem:s3+$0x3C20] =	vst v0  }
.LBB2_137:
0x5b7: {  	v0 =	vld [tilespmem:s3+$0x3C30];
	_ =	sdelay $0x3  }
0x5b8: {  	vm2 =	vgt.s32 v1, v13  }
0x5b9: {  	v0 =	vnsel vm2, $0x7FC00000, v0  }
0x5ba: {  	[tilespmem:s3+$0x3C30] =	vst v0  }
.LBB2_139:
0x5bb: {  	v0 =	vld [tilespmem:s3+$0x3C40];
	_ =	sdelay $0x3  }
0x5bc: {  	vm2 =	vgt.s32 v1, v14  }
0x5bd: {  	v0 =	vnsel vm2, $0x7FC00000, v0  }
0x5be: {  	[tilespmem:s3+$0x3C40] =	vst v0  }
.LBB2_141:
0x5bf: {  	v0 =	vld [tilespmem:s3+$0x3C50];
	_ =	sdelay $0x3  }
0x5c0: {  	vm2 =	vgt.s32 v1, v15  }
0x5c1: {  	v0 =	vnsel vm2, $0x7FC00000, v0  }
0x5c2: {  	[tilespmem:s3+$0x3C50] =	vst v0  }
.LBB2_143:
0x5c3: {  	v0 =	vld [tilespmem:s3+$0x3C60];
	_ =	sdelay $0x3  }
0x5c4: {  	vm2 =	vgt.s32 v1, v16  }
0x5c5: {  	v0 =	vnsel vm2, $0x7FC00000, v0  }
0x5c6: {  	[tilespmem:s3+$0x3C60] =	vst v0  }
.LBB2_144:
0x5c7: {  	v0 =	vld [tilespmem:s3+$0x3C70];
	s2 =	sadd.s32 $0x200, s2  }
0x5c8: {  	p1 =	sne.s32 s2, $0x7000  }
.Ltmp71:
0x5c9: {  	_ = 	snop;
	(pc) =	sbr.rel @p1 .LBB2_114-.Ltmp71, $4  }
.Ltmp72:
0x5ca: {  	_ = 	snop;
	(pc) =	sbr.rel @!p1 .LBB2_145-.Ltmp72, $4  }
0x5cb: {  	_ = 	snop  }
0x5cc: {  	v0 =	vnsel vm1, $0x7FC00000, v0  }
0x5cd: {  	s1 =	sadd.s32 $0x80, s1;
	[tilespmem:s3+$0x3C70] =	vst v0  }
0x5ce: {  	_ = 	snop  }
.LBB2_118:
0x5cf: {  	p1 =	sgt.u32 s0, $0x2F  }
.Ltmp73:
0x5d0: {  	_ = 	snop;
	(pc) =	sbr.rel @!p1 .LBB2_119-.Ltmp73, $1  }
0x5d1: {  	_ =	sdelay $0x3  }
0x5d2: {  	p1 =	sgt.u32 s0, $0x3F  }
.Ltmp74:
0x5d3: {  	_ = 	snop;
	(pc) =	sbr.rel @!p1 .LBB2_121-.Ltmp74, $1  }
0x5d4: {  	_ =	sdelay $0x3  }
0x5d5: {  	p1 =	sgt.u32 s0, $0x4F  }
.Ltmp75:
0x5d6: {  	_ = 	snop;
	(pc) =	sbr.rel @!p1 .LBB2_123-.Ltmp75, $1  }
0x5d7: {  	_ =	sdelay $0x3  }
0x5d8: {  	p1 =	sgt.u32 s0, $0x5F  }
.Ltmp76:
0x5d9: {  	_ = 	snop;
	(pc) =	sbr.rel @!p1 .LBB2_125-.Ltmp76, $1  }
0x5da: {  	_ =	sdelay $0x3  }
0x5db: {  	p1 =	sgt.u32 s0, $0x6F  }
.Ltmp77:
0x5dc: {  	_ = 	snop;
	(pc) =	sbr.rel @!p1 .LBB2_127-.Ltmp77, $1  }
0x5dd: {  	_ =	sdelay $0x3  }
0x5de: {  	p1 =	sgt.u32 s0, $0x7F  }
.Ltmp78:
0x5df: {  	_ = 	snop;
	(pc) =	sbr.rel @!p1 .LBB2_129-.Ltmp78, $1  }
0x5e0: {  	_ =	sdelay $0x3  }
0x5e1: {  	p1 =	sgt.u32 s0, $0x8F  }
.Ltmp79:
0x5e2: {  	_ = 	snop;
	(pc) =	sbr.rel @!p1 .LBB2_131-.Ltmp79, $1  }
0x5e3: {  	_ =	sdelay $0x3  }
0x5e4: {  	p1 =	sgt.u32 s0, $0x9F  }
.Ltmp80:
0x5e5: {  	_ = 	snop;
	(pc) =	sbr.rel @!p1 .LBB2_133-.Ltmp80, $1  }
0x5e6: {  	_ =	sdelay $0x3  }
0x5e7: {  	p1 =	sgt.u32 s0, $0xAF  }
.Ltmp81:
0x5e8: {  	_ = 	snop;
	(pc) =	sbr.rel @!p1 .LBB2_135-.Ltmp81, $1  }
0x5e9: {  	_ =	sdelay $0x3  }
0x5ea: {  	p1 =	sgt.u32 s0, $0xBF  }
.Ltmp82:
0x5eb: {  	_ = 	snop;
	(pc) =	sbr.rel @!p1 .LBB2_137-.Ltmp82, $1  }
0x5ec: {  	_ =	sdelay $0x3  }
0x5ed: {  	p1 =	sgt.u32 s0, $0xCF  }
.Ltmp83:
0x5ee: {  	_ = 	snop;
	(pc) =	sbr.rel @!p1 .LBB2_139-.Ltmp83, $1  }
0x5ef: {  	_ =	sdelay $0x3  }
0x5f0: {  	p1 =	sgt.u32 s0, $0xDF  }
.Ltmp84:
0x5f1: {  	_ = 	snop;
	(pc) =	sbr.rel @!p1 .LBB2_141-.Ltmp84, $1  }
0x5f2: {  	_ =	sdelay $0x3  }
0x5f3: {  	p1 =	sgt.u32 s0, $0xEF  }
.Ltmp85:
0x5f4: {  	_ = 	snop;
	(pc) =	sbr.rel @p1 .LBB2_144-.Ltmp85, $4  }
.Ltmp86:
0x5f5: {  	_ = 	snop;
	(pc) =	sbr.rel @!p1 .LBB2_143-.Ltmp86, $4  }
0x5f6: {  	_ = 	snop  }
0x5f7: {  	_ = 	snop  }
0x5f8: {  	_ = 	snop  }
0x5f9: {  	_ = 	snop  }
.LBB2_145:
.Ltmp87:
0x5fa: {  	(pc) =	sbr.rel @p2 .LBB2_147-.Ltmp87, $4  }
0x5fb: {  	s1 =	rddreg [dreg:$0x14]  }
0x5fc: {  	s1 =	sshrl.u32 s1, $0x3  }
0x5fd: {  	s1 =	sadd.s32 s29, s1  }
0x5fe: {  	[hbm4b:s1+s30] =	stream.linear.scatter [tilespmem:s12], [sflag:$0x4], $0x7000, $0x38;
	[tilespmem:$0x1C300] =	vst v63  }
.Ltmp88:
0x5ff: {  	s1 =	rddreg [dreg:$0x9];
	(pc) =	sbr.rel .LBB2_9-.Ltmp88, $4  }
0x600: {  	s1 =	sadd.s32 s9, s1  }
0x601: {  	s1 =	sshrl.u32 s1, $0x3  }
0x602: {  	s6 =	sadd.s32 $0x1, s6;
	s1 =	sadd.s32 s28, s1  }
0x603: {  	[tilespmem:s22], [sflag:$0x2] =	stream.linear.gather [hbm4b:s1+s30], $0x7000, $0x38;
	[tilespmem:$0x1C300] =	vst v63  }
.LBB2_149:
0x604: {  	_ =	sfence.sel $0x180000  }
0x605: {  	[bflag:$0x0] =	sbarrier.arrive $0xFFFF  }
0x606: {  	_ =	strace $0x90000047  }
0x607: {  	s0 =	stileid.u32;
	[bflag:$0x2] =	sbarrier.arrive $0xFFFF  }
0x608: {  	p0 =	sne.s32 s0, $0x0;
	s0 =	rddreg [dreg:$0x3]  }
0x609: {  	s0 =	sadd.s32 @!p0 $0x100000, s0  }
0x60a: {  	[sflag:s0] =	ssyncadd.tile.s32 @!p0 $0x1;
	_ =	shalt  }
.Lfunc_end2:
_tile_overlayer_lowered:
.L_overlay_start_2:
0x60b: {  	(tag) =	ssettag $0x2  }
0x60c: {  	s0 =	rddreg [dreg:$0x0];
	s2 =	stileid.u32  }
0x60d: {  	s1 =	rddreg [dreg:$0x1];
	p0 =	sne.s32 s2, $0x0  }
0x60e: {  	s3 =	rddreg [dreg:$0x2];
	[bflag:$0x3] =	sbarrier.arrive $0xFFFF;
	s2 =	simm.s32 @!p0 $0x1C05  }
0x60f: {  	[timem:s3], [sflag:s2] =	dma.local @!p0 [hbm:s0], s1  }
0x610: {  	s0 =	simm.s32 @!p0 $0x5  }
0x611: {  	_ =	swait.ge @!p0 [sflag:s0], s1  }
0x612: {  	s1 =	ssub.s32 @!p0 $0x0, s1;
	[sflag:s0] =	ssyncset.done @!p0 $0x0  }
0x613: {  	[sflag:s0] =	ssyncadd.s32 @!p0 s1  }
0x614: {  	[bflag:$0x3] =	sbarrier.arrive $0xFFFF  }
0x615: {  	_ =	shalt  }

</sc_bundles>
